<compile_context>
chip_gen: v7x
topology: tpu7x:2x2x1
jax: 0.10.2.dev20260603
libtpu: 0.0.44.dev20260713+nightly
codegen_flags: <defaults>
</compile_context>

<pallas_src>
import functools

import jax
import jax.numpy as jnp
from jax import lax
from jax.experimental import pallas as pl
from jax.experimental.pallas import tpu as pltpu
from jax.experimental.pallas import tpu_sc as plsc

N = 10000
E = 320000
NC, NS, L = 2, 16, 16
NW = NC * NS
OFF = 624
ROWS = 640

_MESH = dict(core_axis_name="c", subcore_axis_name="s")



PCHUNK = 64
PCHUNKS = 162
EPAD = NW * PCHUNKS * PCHUNK

_ZOFFS = list(range(0, ROWS - PCHUNK, PCHUNK)) + [ROWS - PCHUNK]


@functools.partial(
    pl.kernel,
    out_type=jax.ShapeDtypeStruct((NC, N, 128), jnp.float32),
    mesh=plsc.VectorSubcoreMesh(**_MESH),
    scratch_types=[
        pltpu.VMEM((PCHUNKS, PCHUNK), jnp.int32),
        pltpu.VMEM((PCHUNK, 128), jnp.float32),
        pltpu.VMEM_SHARED((N + L, 128), jnp.float32),
    ],
)
def _deg_kernel(dstp_hbm, deg_hbm, dst_v, ones_v, deg_sh):
    c = lax.axis_index("c")
    s = lax.axis_index("s")
    w = s * NC + c

    pltpu.sync_copy(dstp_hbm.at[w], dst_v)

    @pl.loop(0, PCHUNK)
    def _fill_zeros(i):
        for k in range(128 // L):
            ones_v[i, pl.ds(k * L, L)] = jnp.zeros((L,), jnp.float32)

    for off in _ZOFFS:
        pltpu.sync_copy(ones_v, deg_sh.at[pl.ds(s * OFF + off, PCHUNK)])

    @pl.loop(0, PCHUNK)
    def _fill_ones(i):
        for k in range(128 // L):
            ones_v[i, pl.ds(k * L, L)] = jnp.full((L,), 1.0, jnp.float32)

    plsc.subcore_barrier()

    @pl.loop(0, PCHUNKS)
    def _scatter(j):
        pltpu.sync_copy(ones_v, deg_sh.at[dst_v.at[j]], add=True)

    plsc.subcore_barrier()
    pltpu.sync_copy(deg_sh.at[pl.ds(s * OFF, ROWS)],
                    deg_hbm.at[c, pl.ds(s * OFF, ROWS)])



def _make_propagate(D):
    @functools.partial(
        pl.kernel,
        out_type=jax.ShapeDtypeStruct((NC, N, D), jnp.float32),
        mesh=plsc.VectorSubcoreMesh(**_MESH),
        scratch_types=[
            pltpu.VMEM((PCHUNKS * PCHUNK,), jnp.int32),
            pltpu.VMEM((PCHUNKS, PCHUNK), jnp.int32),
            pltpu.VMEM((2, PCHUNK, D), jnp.float32),
            pltpu.VMEM_SHARED((N + L, D), jnp.float32),
            pltpu.SemaphoreType.DMA,
            pltpu.SemaphoreType.DMA,
        ],
    )
    def _prop(g_hbm, srcp_hbm, dstp_hbm, acc_hbm,
              src_v, dst_v, bufs, acc_sh, sem0, sem1):
        c = lax.axis_index("c")
        s = lax.axis_index("s")
        w = s * NC + c
        sems = (sem0, sem1)

        @pl.loop(0, PCHUNK)
        def _fill_zeros(i):
            for k in range(D // L):
                bufs[0, i, pl.ds(k * L, L)] = jnp.zeros((L,), jnp.float32)

        for off in _ZOFFS:
            pltpu.sync_copy(bufs.at[0], acc_sh.at[pl.ds(s * OFF + off, PCHUNK)])
        plsc.subcore_barrier()

        pltpu.sync_copy(srcp_hbm.at[w], src_v)
        pltpu.sync_copy(dstp_hbm.at[w], dst_v)

        for b in range(2):
            pltpu.async_copy(g_hbm.at[src_v.at[pl.ds(b * PCHUNK, PCHUNK)]],
                             bufs.at[b], sems[b])

        @pl.loop(0, PCHUNKS, step=2)
        def _edges(j0):
            for b in range(2):
                j = j0 + b
                pltpu.make_async_copy(
                    g_hbm.at[src_v.at[pl.ds(0, PCHUNK)]],
                    bufs.at[b], sems[b]).wait()
                pltpu.sync_copy(bufs.at[b], acc_sh.at[dst_v.at[j]],
                                add=True)

                @pl.when(j + 2 < PCHUNKS)
                def _prefetch():
                    pltpu.async_copy(
                        g_hbm.at[src_v.at[pl.ds((j + 2) * PCHUNK, PCHUNK)]],
                        bufs.at[b], sems[b])

        plsc.subcore_barrier()
        pltpu.sync_copy(acc_sh.at[pl.ds(s * OFF, ROWS)],
                        acc_hbm.at[c, pl.ds(s * OFF, ROWS)])

    return _prop


_prop128 = _make_propagate(128)



BR = 1000


def _row_spec(d):
    return pl.BlockSpec((BR, d), lambda i: (i, 0))


def _full_spec(r, d):
    return pl.BlockSpec((r, d), lambda i: (0, 0))


def _dinv(d0_ref, d1_ref):
    deg = d0_ref[:, 0:1] + d1_ref[:, 0:1] + 1.0
    return lax.rsqrt(deg)


def _mm1_body(x_ref, w_ref, d0_ref, d1_ref, g_ref):
    g_ref[...] = _dinv(d0_ref, d1_ref) * jnp.dot(
        x_ref[...], w_ref[...], preferred_element_type=jnp.float32,
        precision=lax.Precision.HIGHEST)


def _mm1(x, w, d0, d1):
    din, dout = w.shape
    return pl.pallas_call(
        _mm1_body,
        grid=(N // BR,),
        in_specs=[_row_spec(din), _full_spec(din, dout),
                  _row_spec(128), _row_spec(128)],
        out_specs=_row_spec(dout),
        out_shape=jax.ShapeDtypeStruct((N, dout), jnp.float32),
    )(x, w, d0, d1)


def _mid_body(a0_ref, a1_ref, gp_ref, b_ref, w_ref, d0_ref, d1_ref, gn_ref):
    dinv = _dinv(d0_ref, d1_ref)
    h = dinv * (a0_ref[...] + a1_ref[...] + gp_ref[...]) + b_ref[...]
    h = jnp.maximum(h, 0.0)
    gn_ref[...] = dinv * jnp.dot(h, w_ref[...],
                                 preferred_element_type=jnp.float32,
                                 precision=lax.Precision.HIGHEST)


def _mid(a0, a1, gp, b, w, d0, d1):
    din, dout = w.shape
    return pl.pallas_call(
        _mid_body,
        grid=(N // BR,),
        in_specs=[_row_spec(din), _row_spec(din), _row_spec(din),
                  _full_spec(1, din), _full_spec(din, dout),
                  _row_spec(128), _row_spec(128)],
        out_specs=_row_spec(dout),
        out_shape=jax.ShapeDtypeStruct((N, dout), jnp.float32),
    )(a0, a1, gp, b, w, d0, d1)


def _final_body(a0_ref, a1_ref, gp_ref, b_ref, d0_ref, d1_ref, o_ref):
    dinv = _dinv(d0_ref, d1_ref)
    s = a0_ref[:, :64] + a1_ref[:, :64] + gp_ref[:, :64]
    o_ref[...] = dinv * s + b_ref[...]


def _final(a0, a1, gp, b, d0, d1):
    d = gp.shape[1]
    return pl.pallas_call(
        _final_body,
        grid=(N // BR,),
        in_specs=[_row_spec(d), _row_spec(d), _row_spec(d),
                  _full_spec(1, 64), _row_spec(128), _row_spec(128)],
        out_specs=_row_spec(64),
        out_shape=jax.ShapeDtypeStruct((N, 64), jnp.float32),
    )(a0, a1, gp, b, d0, d1)



def kernel(x, edge_index, W1, b1, W2, b2, W3, b3):
    src = edge_index[0].astype(jnp.int32)
    dst = edge_index[1].astype(jnp.int32)
    pad = EPAD - E
    srcp = jnp.concatenate([src, jnp.zeros((pad,), jnp.int32)])
    srcp = srcp.reshape(NW, PCHUNKS * PCHUNK)
    dstp = jnp.concatenate([dst, jnp.full((pad,), N, jnp.int32)])
    dstp2 = dstp.reshape(NW, PCHUNKS, PCHUNK)

    deg2 = _deg_kernel(dstp2)
    d0, d1 = deg2[0], deg2[1]

    b1r = b1.reshape(1, -1)
    b2r = b2.reshape(1, -1)
    b3r = b3.reshape(1, -1)

    g1 = _mm1(x, W1, d0, d1)
    acc = _prop128(g1, srcp, dstp2)
    g2 = _mid(acc[0], acc[1], g1, b1r, W2, d0, d1)
    acc = _prop128(g2, srcp, dstp2)
    W3p = jnp.pad(W3, ((0, 0), (0, 64)))
    g3 = _mid(acc[0], acc[1], g2, b2r, W3p, d0, d1)
    acc3 = _prop128(g3, srcp, dstp2)
    return _final(acc3[0], acc3[1], g3, b3r, d0, d1)

# --- scband reference (transcript-rebuilt; emitter-appended) ---
"""Pipeline reference for scband-task-specific-gcn-1039382085841 (READ-ONLY COPY).

The authoritative reference and input builder live on the scoring server;
editing this copy changes nothing except your own understanding.
"""

import jax, jax.numpy as jnp
import numpy as np

N_NODES = 10000
N_EDGES = 320000
D_IN = 128
D_HID = 128
D_OUT = 64


def gcn_conv(x, src, dst, W, b, n_nodes):
    # linear transform first (PyG GCNConv style)
    h = x @ W
    # add self loops
    loop = jnp.arange(n_nodes, dtype=src.dtype)
    src2 = jnp.concatenate([src, loop])
    dst2 = jnp.concatenate([dst, loop])
    # symmetric normalization D^{-1/2} (A+I) D^{-1/2}
    ones = jnp.ones(src2.shape[0], dtype=h.dtype)
    deg = jax.ops.segment_sum(ones, dst2, num_segments=n_nodes)
    dinv = jnp.where(deg > 0, jax.lax.rsqrt(deg), 0.0)
    norm = dinv[src2] * dinv[dst2]
    msgs = h[src2] * norm[:, None]
    out = jax.ops.segment_sum(msgs, dst2, num_segments=n_nodes)
    return out + b


def setup_inputs(seed: int = 0) -> dict:
    key = jax.random.key(seed)
    k1, k2, k3, k4, k5, k6 = jax.random.split(key, 6)
    x = jax.random.normal(k1, (N_NODES, D_IN), dtype=jnp.float32)
    edge_index = jax.random.randint(k2, (2, N_EDGES), 0, N_NODES, dtype=jnp.int64 if jax.config.jax_enable_x64 else jnp.int32)
    s1 = 1.0 / np.sqrt(D_IN)
    s2 = 1.0 / np.sqrt(D_HID)
    W1 = jax.random.uniform(k3, (D_IN, D_HID), dtype=jnp.float32, minval=-s1, maxval=s1)
    b1 = jnp.zeros((D_HID,), dtype=jnp.float32)
    W2 = jax.random.uniform(k4, (D_HID, D_HID), dtype=jnp.float32, minval=-s2, maxval=s2)
    b2 = jnp.zeros((D_HID,), dtype=jnp.float32)
    W3 = jax.random.uniform(k5, (D_HID, D_OUT), dtype=jnp.float32, minval=-s2, maxval=s2)
    b3 = jnp.zeros((D_OUT,), dtype=jnp.float32)
    return {"x": x, "edge_index": edge_index, "W1": W1, "b1": b1, "W2": W2, "b2": b2, "W3": W3, "b3": b3}


def reference(x, edge_index, W1, b1, W2, b2, W3, b3):
    n = x.shape[0]
    src = edge_index[0]
    dst = edge_index[1]
    h = jax.nn.relu(gcn_conv(x, src, dst, W1, b1, n))
    h = jax.nn.relu(gcn_conv(h, src, dst, W2, b2, n))
    # dropout is identity in eval mode (training=False)
    out = gcn_conv(h, src, dst, W3, b3, n)
    return out

if __name__ == "__main__":
    import jax
    _d = setup_inputs()
    print(jax.jit(kernel)(*tuple(_d.values())))

</pallas_src>

<mosaic_0001>
#map = affine_map<(d0, d1) -> (0, 0)>
#map1 = affine_map<(d0, d1) -> (0, 0, 0)>
module attributes {stable_mosaic.version = 14 : i64} {
  func.func @_prop(%arg0: i32, %arg1: i32, %arg2: memref<10000x128xf32, #tpu.memory_space<hbm>>, %arg3: memref<32x10368xi32, #tpu.memory_space<hbm>>, %arg4: memref<32x162x64xi32, #tpu.memory_space<hbm>>, %arg5: memref<2x10000x128xf32, #tpu.memory_space<hbm>>, %arg6: memref<10368xi32, #tpu.memory_space<vmem>>, %arg7: memref<162x64xi32, #tpu.memory_space<vmem>>, %arg8: memref<2x64x128xf32, #tpu.memory_space<vmem>>, %arg9: memref<10016x128xf32, #tpu.memory_space<vmem_shared>>, %arg10: memref<!tpu.dma_semaphore, #tpu.memory_space<semaphore_mem>>, %arg11: memref<!tpu.dma_semaphore, #tpu.memory_space<semaphore_mem>>) attributes {dimension_semantics = [#tpu.dimension_semantics<core_parallel>, #tpu.dimension_semantics<subcore_parallel>], iteration_bounds = array<i64: 2, 16>, scalar_prefetch = 0 : i64, scratch_operands = 6 : i64, tpu.core_type = #tpu.core_type<sc_vector_subcore>, window_params = [{transform_indices = #map}, {transform_indices = #map}, {transform_indices = #map1}, {transform_indices = #map1}]} {
    %mul3A = arith.constant 2 : i32
    %mul3A_0 = arith.muli %arg1, %mul3A : i32
    %add3A = arith.addi %mul3A_0, %arg0 : i32
    %scan3A = arith.constant 0 : i32
    %scan3A_1 = arith.constant 64 : i32
    %scan3A_2 = arith.addi %scan3A, %scan3A_1 : i32
    %scan3A_3 = arith.constant 1 : i32
    scf.for %scan3A_83 = %scan3A to %scan3A_2 step %scan3A_3  : i32 {
      %mul3A_84 = arith.constant 1 : i32
      %mul3A_85 = arith.muli %scan3A_83, %mul3A_84 : i32
      %add3A_86 = arith.constant 0 : i32
      %add3A_87 = arith.addi %add3A_86, %mul3A_85 : i32
      %broadcast_in_dim3A = arith.constant 0.000000e+00 : f32
      %broadcast_in_dim3A_88 = vector.broadcast %broadcast_in_dim3A : f32 to vector<16xf32>
      %swap3A = arith.constant 0 : i32
      %swap3A_89 = arith.index_cast %swap3A : i32 to index
      %swap3A_90 = arith.index_cast %add3A_87 : i32 to index
      %swap3A_91 = arith.constant 0 : index
      %swap3A_92 = tpu.vector_load %arg8[%swap3A_89, %swap3A_90, %swap3A_91] {strides = array<i32>} : memref<2x64x128xf32, #tpu.memory_space<vmem>>, vector<1x1x16xf32>,
      %swap3A_93 = vector.shape_cast %swap3A_92 : vector<1x1x16xf32> to vector<16xf32>
      %swap3A_94 = vector.shape_cast %broadcast_in_dim3A_88 : vector<16xf32> to vector<1x1x16xf32>
      tpu.vector_store %arg8[%swap3A_89, %swap3A_90, %swap3A_91], %swap3A_94 {strides = array<i32>} : memref<2x64x128xf32, #tpu.memory_space<vmem>>, vector<1x1x16xf32>,
      %broadcast_in_dim3A_95 = arith.constant 0.000000e+00 : f32
      %broadcast_in_dim3A_96 = vector.broadcast %broadcast_in_dim3A_95 : f32 to vector<16xf32>
      %swap3A_97 = arith.constant 0 : i32
      %swap3A_98 = arith.index_cast %swap3A_97 : i32 to index
      %swap3A_99 = arith.index_cast %add3A_87 : i32 to index
      %swap3A_100 = arith.constant 16 : index
      %swap3A_101 = tpu.vector_load %arg8[%swap3A_98, %swap3A_99, %swap3A_100] {strides = array<i32>} : memref<2x64x128xf32, #tpu.memory_space<vmem>>, vector<1x1x16xf32>,
      %swap3A_102 = vector.shape_cast %swap3A_101 : vector<1x1x16xf32> to vector<16xf32>
      %swap3A_103 = vector.shape_cast %broadcast_in_dim3A_96 : vector<16xf32> to vector<1x1x16xf32>
      tpu.vector_store %arg8[%swap3A_98, %swap3A_99, %swap3A_100], %swap3A_103 {strides = array<i32>} : memref<2x64x128xf32, #tpu.memory_space<vmem>>, vector<1x1x16xf32>,
      %broadcast_in_dim3A_104 = arith.constant 0.000000e+00 : f32
      %broadcast_in_dim3A_105 = vector.broadcast %broadcast_in_dim3A_104 : f32 to vector<16xf32>
      %swap3A_106 = arith.constant 0 : i32
      %swap3A_107 = arith.index_cast %swap3A_106 : i32 to index
      %swap3A_108 = arith.index_cast %add3A_87 : i32 to index
      %swap3A_109 = arith.constant 32 : index
      %swap3A_110 = tpu.vector_load %arg8[%swap3A_107, %swap3A_108, %swap3A_109] {strides = array<i32>} : memref<2x64x128xf32, #tpu.memory_space<vmem>>, vector<1x1x16xf32>,
      %swap3A_111 = vector.shape_cast %swap3A_110 : vector<1x1x16xf32> to vector<16xf32>
      %swap3A_112 = vector.shape_cast %broadcast_in_dim3A_105 : vector<16xf32> to vector<1x1x16xf32>
      tpu.vector_store %arg8[%swap3A_107, %swap3A_108, %swap3A_109], %swap3A_112 {strides = array<i32>} : memref<2x64x128xf32, #tpu.memory_space<vmem>>, vector<1x1x16xf32>,
      %broadcast_in_dim3A_113 = arith.constant 0.000000e+00 : f32
      %broadcast_in_dim3A_114 = vector.broadcast %broadcast_in_dim3A_113 : f32 to vector<16xf32>
      %swap3A_115 = arith.constant 0 : i32
      %swap3A_116 = arith.index_cast %swap3A_115 : i32 to index
      %swap3A_117 = arith.index_cast %add3A_87 : i32 to index
      %swap3A_118 = arith.constant 48 : index
      %swap3A_119 = tpu.vector_load %arg8[%swap3A_116, %swap3A_117, %swap3A_118] {strides = array<i32>} : memref<2x64x128xf32, #tpu.memory_space<vmem>>, vector<1x1x16xf32>,
      %swap3A_120 = vector.shape_cast %swap3A_119 : vector<1x1x16xf32> to vector<16xf32>
      %swap3A_121 = vector.shape_cast %broadcast_in_dim3A_114 : vector<16xf32> to vector<1x1x16xf32>
      tpu.vector_store %arg8[%swap3A_116, %swap3A_117, %swap3A_118], %swap3A_121 {strides = array<i32>} : memref<2x64x128xf32, #tpu.memory_space<vmem>>, vector<1x1x16xf32>,
      %broadcast_in_dim3A_122 = arith.constant 0.000000e+00 : f32
      %broadcast_in_dim3A_123 = vector.broadcast %broadcast_in_dim3A_122 : f32 to vector<16xf32>
      %swap3A_124 = arith.constant 0 : i32
      %swap3A_125 = arith.index_cast %swap3A_124 : i32 to index
      %swap3A_126 = arith.index_cast %add3A_87 : i32 to index
      %swap3A_127 = arith.constant 64 : index
      %swap3A_128 = tpu.vector_load %arg8[%swap3A_125, %swap3A_126, %swap3A_127] {strides = array<i32>} : memref<2x64x128xf32, #tpu.memory_space<vmem>>, vector<1x1x16xf32>,
      %swap3A_129 = vector.shape_cast %swap3A_128 : vector<1x1x16xf32> to vector<16xf32>
      %swap3A_130 = vector.shape_cast %broadcast_in_dim3A_123 : vector<16xf32> to vector<1x1x16xf32>
      tpu.vector_store %arg8[%swap3A_125, %swap3A_126, %swap3A_127], %swap3A_130 {strides = array<i32>} : memref<2x64x128xf32, #tpu.memory_space<vmem>>, vector<1x1x16xf32>,
      %broadcast_in_dim3A_131 = arith.constant 0.000000e+00 : f32
      %broadcast_in_dim3A_132 = vector.broadcast %broadcast_in_dim3A_131 : f32 to vector<16xf32>
      %swap3A_133 = arith.constant 0 : i32
      %swap3A_134 = arith.index_cast %swap3A_133 : i32 to index
      %swap3A_135 = arith.index_cast %add3A_87 : i32 to index
      %swap3A_136 = arith.constant 80 : index
      %swap3A_137 = tpu.vector_load %arg8[%swap3A_134, %swap3A_135, %swap3A_136] {strides = array<i32>} : memref<2x64x128xf32, #tpu.memory_space<vmem>>, vector<1x1x16xf32>,
      %swap3A_138 = vector.shape_cast %swap3A_137 : vector<1x1x16xf32> to vector<16xf32>
      %swap3A_139 = vector.shape_cast %broadcast_in_dim3A_132 : vector<16xf32> to vector<1x1x16xf32>
      tpu.vector_store %arg8[%swap3A_134, %swap3A_135, %swap3A_136], %swap3A_139 {strides = array<i32>} : memref<2x64x128xf32, #tpu.memory_space<vmem>>, vector<1x1x16xf32>,
      %broadcast_in_dim3A_140 = arith.constant 0.000000e+00 : f32
      %broadcast_in_dim3A_141 = vector.broadcast %broadcast_in_dim3A_140 : f32 to vector<16xf32>
      %swap3A_142 = arith.constant 0 : i32
      %swap3A_143 = arith.index_cast %swap3A_142 : i32 to index
      %swap3A_144 = arith.index_cast %add3A_87 : i32 to index
      %swap3A_145 = arith.constant 96 : index
      %swap3A_146 = tpu.vector_load %arg8[%swap3A_143, %swap3A_144, %swap3A_145] {strides = array<i32>} : memref<2x64x128xf32, #tpu.memory_space<vmem>>, vector<1x1x16xf32>,
      %swap3A_147 = vector.shape_cast %swap3A_146 : vector<1x1x16xf32> to vector<16xf32>
      %swap3A_148 = vector.shape_cast %broadcast_in_dim3A_141 : vector<16xf32> to vector<1x1x16xf32>
      tpu.vector_store %arg8[%swap3A_143, %swap3A_144, %swap3A_145], %swap3A_148 {strides = array<i32>} : memref<2x64x128xf32, #tpu.memory_space<vmem>>, vector<1x1x16xf32>,
      %broadcast_in_dim3A_149 = arith.constant 0.000000e+00 : f32
      %broadcast_in_dim3A_150 = vector.broadcast %broadcast_in_dim3A_149 : f32 to vector<16xf32>
      %swap3A_151 = arith.constant 0 : i32
      %swap3A_152 = arith.index_cast %swap3A_151 : i32 to index
      %swap3A_153 = arith.index_cast %add3A_87 : i32 to index
      %swap3A_154 = arith.constant 112 : index
      %swap3A_155 = tpu.vector_load %arg8[%swap3A_152, %swap3A_153, %swap3A_154] {strides = array<i32>} : memref<2x64x128xf32, #tpu.memory_space<vmem>>, vector<1x1x16xf32>,
      %swap3A_156 = vector.shape_cast %swap3A_155 : vector<1x1x16xf32> to vector<16xf32>
      %swap3A_157 = vector.shape_cast %broadcast_in_dim3A_150 : vector<16xf32> to vector<1x1x16xf32>
      tpu.vector_store %arg8[%swap3A_152, %swap3A_153, %swap3A_154], %swap3A_157 {strides = array<i32>} : memref<2x64x128xf32, #tpu.memory_space<vmem>>, vector<1x1x16xf32>,
    }
    %scan3A_4 = arith.constant 64 : i32
    %mul3A_5 = arith.constant 624 : i32
    %mul3A_6 = arith.muli %arg1, %mul3A_5 : i32
    %add3A_7 = arith.constant 0 : i32
    %add3A_8 = arith.addi %mul3A_6, %add3A_7 : i32
    %run_scoped3A = arith.constant 0 : i32
    "tpu.region"() ({
      %run_scoped3A_83 = tpu.sem_alloc : memref<!tpu.dma_semaphore, #tpu.memory_space<semaphore_mem>>
      %dma_start3A_84 = arith.constant 0 : i32
      %dma_start3A_85 = arith.constant 0 : i32
      %dma_start3A_86 = tpu.memref_slice %arg8[%run_scoped3A, %dma_start3A_84, %dma_start3A_85] : memref<2x64x128xf32, #tpu.memory_space<vmem>> -> memref<1x64x128xf32, #tpu.memory_space<vmem>>
      %dma_start3A_87 = tpu.memref_squeeze %dma_start3A_86 : memref<1x64x128xf32, #tpu.memory_space<vmem>> -> memref<64x128xf32, #tpu.memory_space<vmem>>
      %dma_start3A_88 = arith.constant 0 : i32
      %dma_start3A_89 = tpu.memref_slice %arg9[%add3A_8, %dma_start3A_88] : memref<10016x128xf32, #tpu.memory_space<vmem_shared>> -> memref<64x128xf32, #tpu.memory_space<vmem_shared>>
      %dma_start3A_90 = arith.constant 0 : i32
      %dma_start3A_91 = tpu.memref_slice %arg9[%add3A_8, %dma_start3A_90] : memref<10016x128xf32, #tpu.memory_space<vmem_shared>> -> memref<64x128xf32, #tpu.memory_space<vmem_shared>>
      %dma_start3A_92 = arith.constant 0 : i32
      %dma_start3A_93 = arith.constant 0 : i32
      %dma_start3A_94 = tpu.memref_slice %arg8[%run_scoped3A, %dma_start3A_92, %dma_start3A_93] : memref<2x64x128xf32, #tpu.memory_space<vmem>> -> memref<1x64x128xf32, #tpu.memory_space<vmem>>
      %dma_start3A_95 = tpu.memref_squeeze %dma_start3A_94 : memref<1x64x128xf32, #tpu.memory_space<vmem>> -> memref<64x128xf32, #tpu.memory_space<vmem>>
      tpu.enqueue_dma source(%dma_start3A_95 : memref<64x128xf32, #tpu.memory_space<vmem>>) target(%dma_start3A_91 : memref<64x128xf32, #tpu.memory_space<vmem_shared>>) target_semaphore(%run_scoped3A_83 : memref<!tpu.dma_semaphore, #tpu.memory_space<semaphore_mem>>)
      %dma_wait3A = arith.constant 0 : i32
      %dma_wait3A_96 = arith.constant 0 : i32
      %dma_wait3A_97 = tpu.memref_slice %arg8[%run_scoped3A, %dma_wait3A, %dma_wait3A_96] : memref<2x64x128xf32, #tpu.memory_space<vmem>> -> memref<1x64x128xf32, #tpu.memory_space<vmem>>
      %dma_wait3A_98 = tpu.memref_squeeze %dma_wait3A_97 : memref<1x64x128xf32, #tpu.memory_space<vmem>> -> memref<64x128xf32, #tpu.memory_space<vmem>>
      %dma_wait3A_99 = arith.constant 0 : i32
      %dma_wait3A_100 = tpu.memref_slice %arg9[%add3A_8, %dma_wait3A_99] : memref<10016x128xf32, #tpu.memory_space<vmem_shared>> -> memref<64x128xf32, #tpu.memory_space<vmem_shared>>
      %dma_wait3A_101 = arith.constant 0 : i32
      %dma_wait3A_102 = tpu.memref_slice %arg9[%add3A_8, %dma_wait3A_101] : memref<10016x128xf32, #tpu.memory_space<vmem_shared>> -> memref<64x128xf32, #tpu.memory_space<vmem_shared>>
      %dma_wait3A_103 = arith.constant 0 : i32
      %dma_wait3A_104 = arith.constant 0 : i32
      %dma_wait3A_105 = tpu.memref_slice %arg8[%run_scoped3A, %dma_wait3A_103, %dma_wait3A_104] : memref<2x64x128xf32, #tpu.memory_space<vmem>> -> memref<1x64x128xf32, #tpu.memory_space<vmem>>
      %dma_wait3A_106 = tpu.memref_squeeze %dma_wait3A_105 : memref<1x64x128xf32, #tpu.memory_space<vmem>> -> memref<64x128xf32, #tpu.memory_space<vmem>>
      tpu.wait_dma2 semaphore(%run_scoped3A_83 : memref<!tpu.dma_semaphore, #tpu.memory_space<semaphore_mem>>) src(%dma_wait3A_106 : memref<64x128xf32, #tpu.memory_space<vmem>>) dst(%dma_wait3A_102 : memref<64x128xf32, #tpu.memory_space<vmem_shared>>)
      tpu.yield
    }) : () -> ()
    %mul3A_9 = arith.constant 624 : i32
    %mul3A_10 = arith.muli %arg1, %mul3A_9 : i32
    %add3A_11 = arith.constant 64 : i32
    %add3A_12 = arith.addi %mul3A_10, %add3A_11 : i32
    %run_scoped3A_13 = arith.constant 0 : i32
    "tpu.region"() ({
      %run_scoped3A_83 = tpu.sem_alloc : memref<!tpu.dma_semaphore, #tpu.memory_space<semaphore_mem>>
      %dma_start3A_84 = arith.constant 0 : i32
      %dma_start3A_85 = arith.constant 0 : i32
      %dma_start3A_86 = tpu.memref_slice %arg8[%run_scoped3A_13, %dma_start3A_84, %dma_start3A_85] : memref<2x64x128xf32, #tpu.memory_space<vmem>> -> memref<1x64x128xf32, #tpu.memory_space<vmem>>
      %dma_start3A_87 = tpu.memref_squeeze %dma_start3A_86 : memref<1x64x128xf32, #tpu.memory_space<vmem>> -> memref<64x128xf32, #tpu.memory_space<vmem>>
      %dma_start3A_88 = arith.constant 0 : i32
      %dma_start3A_89 = tpu.memref_slice %arg9[%add3A_12, %dma_start3A_88] : memref<10016x128xf32, #tpu.memory_space<vmem_shared>> -> memref<64x128xf32, #tpu.memory_space<vmem_shared>>
      %dma_start3A_90 = arith.constant 0 : i32
      %dma_start3A_91 = tpu.memref_slice %arg9[%add3A_12, %dma_start3A_90] : memref<10016x128xf32, #tpu.memory_space<vmem_shared>> -> memref<64x128xf32, #tpu.memory_space<vmem_shared>>
      %dma_start3A_92 = arith.constant 0 : i32
      %dma_start3A_93 = arith.constant 0 : i32
      %dma_start3A_94 = tpu.memref_slice %arg8[%run_scoped3A_13, %dma_start3A_92, %dma_start3A_93] : memref<2x64x128xf32, #tpu.memory_space<vmem>> -> memref<1x64x128xf32, #tpu.memory_space<vmem>>
      %dma_start3A_95 = tpu.memref_squeeze %dma_start3A_94 : memref<1x64x128xf32, #tpu.memory_space<vmem>> -> memref<64x128xf32, #tpu.memory_space<vmem>>
      tpu.enqueue_dma source(%dma_start3A_95 : memref<64x128xf32, #tpu.memory_space<vmem>>) target(%dma_start3A_91 : memref<64x128xf32, #tpu.memory_space<vmem_shared>>) target_semaphore(%run_scoped3A_83 : memref<!tpu.dma_semaphore, #tpu.memory_space<semaphore_mem>>)
      %dma_wait3A = arith.constant 0 : i32
      %dma_wait3A_96 = arith.constant 0 : i32
      %dma_wait3A_97 = tpu.memref_slice %arg8[%run_scoped3A_13, %dma_wait3A, %dma_wait3A_96] : memref<2x64x128xf32, #tpu.memory_space<vmem>> -> memref<1x64x128xf32, #tpu.memory_space<vmem>>
      %dma_wait3A_98 = tpu.memref_squeeze %dma_wait3A_97 : memref<1x64x128xf32, #tpu.memory_space<vmem>> -> memref<64x128xf32, #tpu.memory_space<vmem>>
      %dma_wait3A_99 = arith.constant 0 : i32
      %dma_wait3A_100 = tpu.memref_slice %arg9[%add3A_12, %dma_wait3A_99] : memref<10016x128xf32, #tpu.memory_space<vmem_shared>> -> memref<64x128xf32, #tpu.memory_space<vmem_shared>>
      %dma_wait3A_101 = arith.constant 0 : i32
      %dma_wait3A_102 = tpu.memref_slice %arg9[%add3A_12, %dma_wait3A_101] : memref<10016x128xf32, #tpu.memory_space<vmem_shared>> -> memref<64x128xf32, #tpu.memory_space<vmem_shared>>
      %dma_wait3A_103 = arith.constant 0 : i32
      %dma_wait3A_104 = arith.constant 0 : i32
      %dma_wait3A_105 = tpu.memref_slice %arg8[%run_scoped3A_13, %dma_wait3A_103, %dma_wait3A_104] : memref<2x64x128xf32, #tpu.memory_space<vmem>> -> memref<1x64x128xf32, #tpu.memory_space<vmem>>
      %dma_wait3A_106 = tpu.memref_squeeze %dma_wait3A_105 : memref<1x64x128xf32, #tpu.memory_space<vmem>> -> memref<64x128xf32, #tpu.memory_space<vmem>>
      tpu.wait_dma2 semaphore(%run_scoped3A_83 : memref<!tpu.dma_semaphore, #tpu.memory_space<semaphore_mem>>) src(%dma_wait3A_106 : memref<64x128xf32, #tpu.memory_space<vmem>>) dst(%dma_wait3A_102 : memref<64x128xf32, #tpu.memory_space<vmem_shared>>)
      tpu.yield
    }) : () -> ()
    %mul3A_14 = arith.constant 624 : i32
    %mul3A_15 = arith.muli %arg1, %mul3A_14 : i32
    %add3A_16 = arith.constant 128 : i32
    %add3A_17 = arith.addi %mul3A_15, %add3A_16 : i32
    %run_scoped3A_18 = arith.constant 0 : i32
    "tpu.region"() ({
      %run_scoped3A_83 = tpu.sem_alloc : memref<!tpu.dma_semaphore, #tpu.memory_space<semaphore_mem>>
      %dma_start3A_84 = arith.constant 0 : i32
      %dma_start3A_85 = arith.constant 0 : i32
      %dma_start3A_86 = tpu.memref_slice %arg8[%run_scoped3A_18, %dma_start3A_84, %dma_start3A_85] : memref<2x64x128xf32, #tpu.memory_space<vmem>> -> memref<1x64x128xf32, #tpu.memory_space<vmem>>
      %dma_start3A_87 = tpu.memref_squeeze %dma_start3A_86 : memref<1x64x128xf32, #tpu.memory_space<vmem>> -> memref<64x128xf32, #tpu.memory_space<vmem>>
      %dma_start3A_88 = arith.constant 0 : i32
      %dma_start3A_89 = tpu.memref_slice %arg9[%add3A_17, %dma_start3A_88] : memref<10016x128xf32, #tpu.memory_space<vmem_shared>> -> memref<64x128xf32, #tpu.memory_space<vmem_shared>>
      %dma_start3A_90 = arith.constant 0 : i32
      %dma_start3A_91 = tpu.memref_slice %arg9[%add3A_17, %dma_start3A_90] : memref<10016x128xf32, #tpu.memory_space<vmem_shared>> -> memref<64x128xf32, #tpu.memory_space<vmem_shared>>
      %dma_start3A_92 = arith.constant 0 : i32
      %dma_start3A_93 = arith.constant 0 : i32
      %dma_start3A_94 = tpu.memref_slice %arg8[%run_scoped3A_18, %dma_start3A_92, %dma_start3A_93] : memref<2x64x128xf32, #tpu.memory_space<vmem>> -> memref<1x64x128xf32, #tpu.memory_space<vmem>>
      %dma_start3A_95 = tpu.memref_squeeze %dma_start3A_94 : memref<1x64x128xf32, #tpu.memory_space<vmem>> -> memref<64x128xf32, #tpu.memory_space<vmem>>
      tpu.enqueue_dma source(%dma_start3A_95 : memref<64x128xf32, #tpu.memory_space<vmem>>) target(%dma_start3A_91 : memref<64x128xf32, #tpu.memory_space<vmem_shared>>) target_semaphore(%run_scoped3A_83 : memref<!tpu.dma_semaphore, #tpu.memory_space<semaphore_mem>>)
      %dma_wait3A = arith.constant 0 : i32
      %dma_wait3A_96 = arith.constant 0 : i32
      %dma_wait3A_97 = tpu.memref_slice %arg8[%run_scoped3A_18, %dma_wait3A, %dma_wait3A_96] : memref<2x64x128xf32, #tpu.memory_space<vmem>> -> memref<1x64x128xf32, #tpu.memory_space<vmem>>
      %dma_wait3A_98 = tpu.memref_squeeze %dma_wait3A_97 : memref<1x64x128xf32, #tpu.memory_space<vmem>> -> memref<64x128xf32, #tpu.memory_space<vmem>>
      %dma_wait3A_99 = arith.constant 0 : i32
      %dma_wait3A_100 = tpu.memref_slice %arg9[%add3A_17, %dma_wait3A_99] : memref<10016x128xf32, #tpu.memory_space<vmem_shared>> -> memref<64x128xf32, #tpu.memory_space<vmem_shared>>
      %dma_wait3A_101 = arith.constant 0 : i32
      %dma_wait3A_102 = tpu.memref_slice %arg9[%add3A_17, %dma_wait3A_101] : memref<10016x128xf32, #tpu.memory_space<vmem_shared>> -> memref<64x128xf32, #tpu.memory_space<vmem_shared>>
      %dma_wait3A_103 = arith.constant 0 : i32
      %dma_wait3A_104 = arith.constant 0 : i32
      %dma_wait3A_105 = tpu.memref_slice %arg8[%run_scoped3A_18, %dma_wait3A_103, %dma_wait3A_104] : memref<2x64x128xf32, #tpu.memory_space<vmem>> -> memref<1x64x128xf32, #tpu.memory_space<vmem>>
      %dma_wait3A_106 = tpu.memref_squeeze %dma_wait3A_105 : memref<1x64x128xf32, #tpu.memory_space<vmem>> -> memref<64x128xf32, #tpu.memory_space<vmem>>
      tpu.wait_dma2 semaphore(%run_scoped3A_83 : memref<!tpu.dma_semaphore, #tpu.memory_space<semaphore_mem>>) src(%dma_wait3A_106 : memref<64x128xf32, #tpu.memory_space<vmem>>) dst(%dma_wait3A_102 : memref<64x128xf32, #tpu.memory_space<vmem_shared>>)
      tpu.yield
    }) : () -> ()
    %mul3A_19 = arith.constant 624 : i32
    %mul3A_20 = arith.muli %arg1, %mul3A_19 : i32
    %add3A_21 = arith.constant 192 : i32
    %add3A_22 = arith.addi %mul3A_20, %add3A_21 : i32
    %run_scoped3A_23 = arith.constant 0 : i32
    "tpu.region"() ({
      %run_scoped3A_83 = tpu.sem_alloc : memref<!tpu.dma_semaphore, #tpu.memory_space<semaphore_mem>>
      %dma_start3A_84 = arith.constant 0 : i32
      %dma_start3A_85 = arith.constant 0 : i32
      %dma_start3A_86 = tpu.memref_slice %arg8[%run_scoped3A_23, %dma_start3A_84, %dma_start3A_85] : memref<2x64x128xf32, #tpu.memory_space<vmem>> -> memref<1x64x128xf32, #tpu.memory_space<vmem>>
      %dma_start3A_87 = tpu.memref_squeeze %dma_start3A_86 : memref<1x64x128xf32, #tpu.memory_space<vmem>> -> memref<64x128xf32, #tpu.memory_space<vmem>>
      %dma_start3A_88 = arith.constant 0 : i32
      %dma_start3A_89 = tpu.memref_slice %arg9[%add3A_22, %dma_start3A_88] : memref<10016x128xf32, #tpu.memory_space<vmem_shared>> -> memref<64x128xf32, #tpu.memory_space<vmem_shared>>
      %dma_start3A_90 = arith.constant 0 : i32
      %dma_start3A_91 = tpu.memref_slice %arg9[%add3A_22, %dma_start3A_90] : memref<10016x128xf32, #tpu.memory_space<vmem_shared>> -> memref<64x128xf32, #tpu.memory_space<vmem_shared>>
      %dma_start3A_92 = arith.constant 0 : i32
      %dma_start3A_93 = arith.constant 0 : i32
      %dma_start3A_94 = tpu.memref_slice %arg8[%run_scoped3A_23, %dma_start3A_92, %dma_start3A_93] : memref<2x64x128xf32, #tpu.memory_space<vmem>> -> memref<1x64x128xf32, #tpu.memory_space<vmem>>
      %dma_start3A_95 = tpu.memref_squeeze %dma_start3A_94 : memref<1x64x128xf32, #tpu.memory_space<vmem>> -> memref<64x128xf32, #tpu.memory_space<vmem>>
      tpu.enqueue_dma source(%dma_start3A_95 : memref<64x128xf32, #tpu.memory_space<vmem>>) target(%dma_start3A_91 : memref<64x128xf32, #tpu.memory_space<vmem_shared>>) target_semaphore(%run_scoped3A_83 : memref<!tpu.dma_semaphore, #tpu.memory_space<semaphore_mem>>)
      %dma_wait3A = arith.constant 0 : i32
      %dma_wait3A_96 = arith.constant 0 : i32
      %dma_wait3A_97 = tpu.memref_slice %arg8[%run_scoped3A_23, %dma_wait3A, %dma_wait3A_96] : memref<2x64x128xf32, #tpu.memory_space<vmem>> -> memref<1x64x128xf32, #tpu.memory_space<vmem>>
      %dma_wait3A_98 = tpu.memref_squeeze %dma_wait3A_97 : memref<1x64x128xf32, #tpu.memory_space<vmem>> -> memref<64x128xf32, #tpu.memory_space<vmem>>
      %dma_wait3A_99 = arith.constant 0 : i32
      %dma_wait3A_100 = tpu.memref_slice %arg9[%add3A_22, %dma_wait3A_99] : memref<10016x128xf32, #tpu.memory_space<vmem_shared>> -> memref<64x128xf32, #tpu.memory_space<vmem_shared>>
      %dma_wait3A_101 = arith.constant 0 : i32
      %dma_wait3A_102 = tpu.memref_slice %arg9[%add3A_22, %dma_wait3A_101] : memref<10016x128xf32, #tpu.memory_space<vmem_shared>> -> memref<64x128xf32, #tpu.memory_space<vmem_shared>>
      %dma_wait3A_103 = arith.constant 0 : i32
      %dma_wait3A_104 = arith.constant 0 : i32
      %dma_wait3A_105 = tpu.memref_slice %arg8[%run_scoped3A_23, %dma_wait3A_103, %dma_wait3A_104] : memref<2x64x128xf32, #tpu.memory_space<vmem>> -> memref<1x64x128xf32, #tpu.memory_space<vmem>>
      %dma_wait3A_106 = tpu.memref_squeeze %dma_wait3A_105 : memref<1x64x128xf32, #tpu.memory_space<vmem>> -> memref<64x128xf32, #tpu.memory_space<vmem>>
      tpu.wait_dma2 semaphore(%run_scoped3A_83 : memref<!tpu.dma_semaphore, #tpu.memory_space<semaphore_mem>>) src(%dma_wait3A_106 : memref<64x128xf32, #tpu.memory_space<vmem>>) dst(%dma_wait3A_102 : memref<64x128xf32, #tpu.memory_space<vmem_shared>>)
      tpu.yield
    }) : () -> ()
    %mul3A_24 = arith.constant 624 : i32
    %mul3A_25 = arith.muli %arg1, %mul3A_24 : i32
    %add3A_26 = arith.constant 256 : i32
    %add3A_27 = arith.addi %mul3A_25, %add3A_26 : i32
    %run_scoped3A_28 = arith.constant 0 : i32
    "tpu.region"() ({
      %run_scoped3A_83 = tpu.sem_alloc : memref<!tpu.dma_semaphore, #tpu.memory_space<semaphore_mem>>
      %dma_start3A_84 = arith.constant 0 : i32
      %dma_start3A_85 = arith.constant 0 : i32
      %dma_start3A_86 = tpu.memref_slice %arg8[%run_scoped3A_28, %dma_start3A_84, %dma_start3A_85] : memref<2x64x128xf32, #tpu.memory_space<vmem>> -> memref<1x64x128xf32, #tpu.memory_space<vmem>>
      %dma_start3A_87 = tpu.memref_squeeze %dma_start3A_86 : memref<1x64x128xf32, #tpu.memory_space<vmem>> -> memref<64x128xf32, #tpu.memory_space<vmem>>
      %dma_start3A_88 = arith.constant 0 : i32
      %dma_start3A_89 = tpu.memref_slice %arg9[%add3A_27, %dma_start3A_88] : memref<10016x128xf32, #tpu.memory_space<vmem_shared>> -> memref<64x128xf32, #tpu.memory_space<vmem_shared>>
      %dma_start3A_90 = arith.constant 0 : i32
      %dma_start3A_91 = tpu.memref_slice %arg9[%add3A_27, %dma_start3A_90] : memref<10016x128xf32, #tpu.memory_space<vmem_shared>> -> memref<64x128xf32, #tpu.memory_space<vmem_shared>>
      %dma_start3A_92 = arith.constant 0 : i32
      %dma_start3A_93 = arith.constant 0 : i32
      %dma_start3A_94 = tpu.memref_slice %arg8[%run_scoped3A_28, %dma_start3A_92, %dma_start3A_93] : memref<2x64x128xf32, #tpu.memory_space<vmem>> -> memref<1x64x128xf32, #tpu.memory_space<vmem>>
      %dma_start3A_95 = tpu.memref_squeeze %dma_start3A_94 : memref<1x64x128xf32, #tpu.memory_space<vmem>> -> memref<64x128xf32, #tpu.memory_space<vmem>>
      tpu.enqueue_dma source(%dma_start3A_95 : memref<64x128xf32, #tpu.memory_space<vmem>>) target(%dma_start3A_91 : memref<64x128xf32, #tpu.memory_space<vmem_shared>>) target_semaphore(%run_scoped3A_83 : memref<!tpu.dma_semaphore, #tpu.memory_space<semaphore_mem>>)
      %dma_wait3A = arith.constant 0 : i32
      %dma_wait3A_96 = arith.constant 0 : i32
      %dma_wait3A_97 = tpu.memref_slice %arg8[%run_scoped3A_28, %dma_wait3A, %dma_wait3A_96] : memref<2x64x128xf32, #tpu.memory_space<vmem>> -> memref<1x64x128xf32, #tpu.memory_space<vmem>>
      %dma_wait3A_98 = tpu.memref_squeeze %dma_wait3A_97 : memref<1x64x128xf32, #tpu.memory_space<vmem>> -> memref<64x128xf32, #tpu.memory_space<vmem>>
      %dma_wait3A_99 = arith.constant 0 : i32
      %dma_wait3A_100 = tpu.memref_slice %arg9[%add3A_27, %dma_wait3A_99] : memref<10016x128xf32, #tpu.memory_space<vmem_shared>> -> memref<64x128xf32, #tpu.memory_space<vmem_shared>>
      %dma_wait3A_101 = arith.constant 0 : i32
      %dma_wait3A_102 = tpu.memref_slice %arg9[%add3A_27, %dma_wait3A_101] : memref<10016x128xf32, #tpu.memory_space<vmem_shared>> -> memref<64x128xf32, #tpu.memory_space<vmem_shared>>
      %dma_wait3A_103 = arith.constant 0 : i32
      %dma_wait3A_104 = arith.constant 0 : i32
      %dma_wait3A_105 = tpu.memref_slice %arg8[%run_scoped3A_28, %dma_wait3A_103, %dma_wait3A_104] : memref<2x64x128xf32, #tpu.memory_space<vmem>> -> memref<1x64x128xf32, #tpu.memory_space<vmem>>
      %dma_wait3A_106 = tpu.memref_squeeze %dma_wait3A_105 : memref<1x64x128xf32, #tpu.memory_space<vmem>> -> memref<64x128xf32, #tpu.memory_space<vmem>>
      tpu.wait_dma2 semaphore(%run_scoped3A_83 : memref<!tpu.dma_semaphore, #tpu.memory_space<semaphore_mem>>) src(%dma_wait3A_106 : memref<64x128xf32, #tpu.memory_space<vmem>>) dst(%dma_wait3A_102 : memref<64x128xf32, #tpu.memory_space<vmem_shared>>)
      tpu.yield
    }) : () -> ()
    %mul3A_29 = arith.constant 624 : i32
    %mul3A_30 = arith.muli %arg1, %mul3A_29 : i32
    %add3A_31 = arith.constant 320 : i32
    %add3A_32 = arith.addi %mul3A_30, %add3A_31 : i32
    %run_scoped3A_33 = arith.constant 0 : i32
    "tpu.region"() ({
      %run_scoped3A_83 = tpu.sem_alloc : memref<!tpu.dma_semaphore, #tpu.memory_space<semaphore_mem>>
      %dma_start3A_84 = arith.constant 0 : i32
      %dma_start3A_85 = arith.constant 0 : i32
      %dma_start3A_86 = tpu.memref_slice %arg8[%run_scoped3A_33, %dma_start3A_84, %dma_start3A_85] : memref<2x64x128xf32, #tpu.memory_space<vmem>> -> memref<1x64x128xf32, #tpu.memory_space<vmem>>
      %dma_start3A_87 = tpu.memref_squeeze %dma_start3A_86 : memref<1x64x128xf32, #tpu.memory_space<vmem>> -> memref<64x128xf32, #tpu.memory_space<vmem>>
      %dma_start3A_88 = arith.constant 0 : i32
      %dma_start3A_89 = tpu.memref_slice %arg9[%add3A_32, %dma_start3A_88] : memref<10016x128xf32, #tpu.memory_space<vmem_shared>> -> memref<64x128xf32, #tpu.memory_space<vmem_shared>>
      %dma_start3A_90 = arith.constant 0 : i32
      %dma_start3A_91 = tpu.memref_slice %arg9[%add3A_32, %dma_start3A_90] : memref<10016x128xf32, #tpu.memory_space<vmem_shared>> -> memref<64x128xf32, #tpu.memory_space<vmem_shared>>
      %dma_start3A_92 = arith.constant 0 : i32
      %dma_start3A_93 = arith.constant 0 : i32
      %dma_start3A_94 = tpu.memref_slice %arg8[%run_scoped3A_33, %dma_start3A_92, %dma_start3A_93] : memref<2x64x128xf32, #tpu.memory_space<vmem>> -> memref<1x64x128xf32, #tpu.memory_space<vmem>>
      %dma_start3A_95 = tpu.memref_squeeze %dma_start3A_94 : memref<1x64x128xf32, #tpu.memory_space<vmem>> -> memref<64x128xf32, #tpu.memory_space<vmem>>
      tpu.enqueue_dma source(%dma_start3A_95 : memref<64x128xf32, #tpu.memory_space<vmem>>) target(%dma_start3A_91 : memref<64x128xf32, #tpu.memory_space<vmem_shared>>) target_semaphore(%run_scoped3A_83 : memref<!tpu.dma_semaphore, #tpu.memory_space<semaphore_mem>>)
      %dma_wait3A = arith.constant 0 : i32
      %dma_wait3A_96 = arith.constant 0 : i32
      %dma_wait3A_97 = tpu.memref_slice %arg8[%run_scoped3A_33, %dma_wait3A, %dma_wait3A_96] : memref<2x64x128xf32, #tpu.memory_space<vmem>> -> memref<1x64x128xf32, #tpu.memory_space<vmem>>
      %dma_wait3A_98 = tpu.memref_squeeze %dma_wait3A_97 : memref<1x64x128xf32, #tpu.memory_space<vmem>> -> memref<64x128xf32, #tpu.memory_space<vmem>>
      %dma_wait3A_99 = arith.constant 0 : i32
      %dma_wait3A_100 = tpu.memref_slice %arg9[%add3A_32, %dma_wait3A_99] : memref<10016x128xf32, #tpu.memory_space<vmem_shared>> -> memref<64x128xf32, #tpu.memory_space<vmem_shared>>
      %dma_wait3A_101 = arith.constant 0 : i32
      %dma_wait3A_102 = tpu.memref_slice %arg9[%add3A_32, %dma_wait3A_101] : memref<10016x128xf32, #tpu.memory_space<vmem_shared>> -> memref<64x128xf32, #tpu.memory_space<vmem_shared>>
      %dma_wait3A_103 = arith.constant 0 : i32
      %dma_wait3A_104 = arith.constant 0 : i32
      %dma_wait3A_105 = tpu.memref_slice %arg8[%run_scoped3A_33, %dma_wait3A_103, %dma_wait3A_104] : memref<2x64x128xf32, #tpu.memory_space<vmem>> -> memref<1x64x128xf32, #tpu.memory_space<vmem>>
      %dma_wait3A_106 = tpu.memref_squeeze %dma_wait3A_105 : memref<1x64x128xf32, #tpu.memory_space<vmem>> -> memref<64x128xf32, #tpu.memory_space<vmem>>
      tpu.wait_dma2 semaphore(%run_scoped3A_83 : memref<!tpu.dma_semaphore, #tpu.memory_space<semaphore_mem>>) src(%dma_wait3A_106 : memref<64x128xf32, #tpu.memory_space<vmem>>) dst(%dma_wait3A_102 : memref<64x128xf32, #tpu.memory_space<vmem_shared>>)
      tpu.yield
    }) : () -> ()
    %mul3A_34 = arith.constant 624 : i32
    %mul3A_35 = arith.muli %arg1, %mul3A_34 : i32
    %add3A_36 = arith.constant 384 : i32
    %add3A_37 = arith.addi %mul3A_35, %add3A_36 : i32
    %run_scoped3A_38 = arith.constant 0 : i32
    "tpu.region"() ({
      %run_scoped3A_83 = tpu.sem_alloc : memref<!tpu.dma_semaphore, #tpu.memory_space<semaphore_mem>>
      %dma_start3A_84 = arith.constant 0 : i32
      %dma_start3A_85 = arith.constant 0 : i32
      %dma_start3A_86 = tpu.memref_slice %arg8[%run_scoped3A_38, %dma_start3A_84, %dma_start3A_85] : memref<2x64x128xf32, #tpu.memory_space<vmem>> -> memref<1x64x128xf32, #tpu.memory_space<vmem>>
      %dma_start3A_87 = tpu.memref_squeeze %dma_start3A_86 : memref<1x64x128xf32, #tpu.memory_space<vmem>> -> memref<64x128xf32, #tpu.memory_space<vmem>>
      %dma_start3A_88 = arith.constant 0 : i32
      %dma_start3A_89 = tpu.memref_slice %arg9[%add3A_37, %dma_start3A_88] : memref<10016x128xf32, #tpu.memory_space<vmem_shared>> -> memref<64x128xf32, #tpu.memory_space<vmem_shared>>
      %dma_start3A_90 = arith.constant 0 : i32
      %dma_start3A_91 = tpu.memref_slice %arg9[%add3A_37, %dma_start3A_90] : memref<10016x128xf32, #tpu.memory_space<vmem_shared>> -> memref<64x128xf32, #tpu.memory_space<vmem_shared>>
      %dma_start3A_92 = arith.constant 0 : i32
      %dma_start3A_93 = arith.constant 0 : i32
      %dma_start3A_94 = tpu.memref_slice %arg8[%run_scoped3A_38, %dma_start3A_92, %dma_start3A_93] : memref<2x64x128xf32, #tpu.memory_space<vmem>> -> memref<1x64x128xf32, #tpu.memory_space<vmem>>
      %dma_start3A_95 = tpu.memref_squeeze %dma_start3A_94 : memref<1x64x128xf32, #tpu.memory_space<vmem>> -> memref<64x128xf32, #tpu.memory_space<vmem>>
      tpu.enqueue_dma source(%dma_start3A_95 : memref<64x128xf32, #tpu.memory_space<vmem>>) target(%dma_start3A_91 : memref<64x128xf32, #tpu.memory_space<vmem_shared>>) target_semaphore(%run_scoped3A_83 : memref<!tpu.dma_semaphore, #tpu.memory_space<semaphore_mem>>)
      %dma_wait3A = arith.constant 0 : i32
      %dma_wait3A_96 = arith.constant 0 : i32
      %dma_wait3A_97 = tpu.memref_slice %arg8[%run_scoped3A_38, %dma_wait3A, %dma_wait3A_96] : memref<2x64x128xf32, #tpu.memory_space<vmem>> -> memref<1x64x128xf32, #tpu.memory_space<vmem>>
      %dma_wait3A_98 = tpu.memref_squeeze %dma_wait3A_97 : memref<1x64x128xf32, #tpu.memory_space<vmem>> -> memref<64x128xf32, #tpu.memory_space<vmem>>
      %dma_wait3A_99 = arith.constant 0 : i32
      %dma_wait3A_100 = tpu.memref_slice %arg9[%add3A_37, %dma_wait3A_99] : memref<10016x128xf32, #tpu.memory_space<vmem_shared>> -> memref<64x128xf32, #tpu.memory_space<vmem_shared>>
      %dma_wait3A_101 = arith.constant 0 : i32
      %dma_wait3A_102 = tpu.memref_slice %arg9[%add3A_37, %dma_wait3A_101] : memref<10016x128xf32, #tpu.memory_space<vmem_shared>> -> memref<64x128xf32, #tpu.memory_space<vmem_shared>>
      %dma_wait3A_103 = arith.constant 0 : i32
      %dma_wait3A_104 = arith.constant 0 : i32
      %dma_wait3A_105 = tpu.memref_slice %arg8[%run_scoped3A_38, %dma_wait3A_103, %dma_wait3A_104] : memref<2x64x128xf32, #tpu.memory_space<vmem>> -> memref<1x64x128xf32, #tpu.memory_space<vmem>>
      %dma_wait3A_106 = tpu.memref_squeeze %dma_wait3A_105 : memref<1x64x128xf32, #tpu.memory_space<vmem>> -> memref<64x128xf32, #tpu.memory_space<vmem>>
      tpu.wait_dma2 semaphore(%run_scoped3A_83 : memref<!tpu.dma_semaphore, #tpu.memory_space<semaphore_mem>>) src(%dma_wait3A_106 : memref<64x128xf32, #tpu.memory_space<vmem>>) dst(%dma_wait3A_102 : memref<64x128xf32, #tpu.memory_space<vmem_shared>>)
      tpu.yield
    }) : () -> ()
    %mul3A_39 = arith.constant 624 : i32
    %mul3A_40 = arith.muli %arg1, %mul3A_39 : i32
    %add3A_41 = arith.constant 448 : i32
    %add3A_42 = arith.addi %mul3A_40, %add3A_41 : i32
    %run_scoped3A_43 = arith.constant 0 : i32
    "tpu.region"() ({
      %run_scoped3A_83 = tpu.sem_alloc : memref<!tpu.dma_semaphore, #tpu.memory_space<semaphore_mem>>
      %dma_start3A_84 = arith.constant 0 : i32
      %dma_start3A_85 = arith.constant 0 : i32
      %dma_start3A_86 = tpu.memref_slice %arg8[%run_scoped3A_43, %dma_start3A_84, %dma_start3A_85] : memref<2x64x128xf32, #tpu.memory_space<vmem>> -> memref<1x64x128xf32, #tpu.memory_space<vmem>>
      %dma_start3A_87 = tpu.memref_squeeze %dma_start3A_86 : memref<1x64x128xf32, #tpu.memory_space<vmem>> -> memref<64x128xf32, #tpu.memory_space<vmem>>
      %dma_start3A_88 = arith.constant 0 : i32
      %dma_start3A_89 = tpu.memref_slice %arg9[%add3A_42, %dma_start3A_88] : memref<10016x128xf32, #tpu.memory_space<vmem_shared>> -> memref<64x128xf32, #tpu.memory_space<vmem_shared>>
      %dma_start3A_90 = arith.constant 0 : i32
      %dma_start3A_91 = tpu.memref_slice %arg9[%add3A_42, %dma_start3A_90] : memref<10016x128xf32, #tpu.memory_space<vmem_shared>> -> memref<64x128xf32, #tpu.memory_space<vmem_shared>>
      %dma_start3A_92 = arith.constant 0 : i32
      %dma_start3A_93 = arith.constant 0 : i32
      %dma_start3A_94 = tpu.memref_slice %arg8[%run_scoped3A_43, %dma_start3A_92, %dma_start3A_93] : memref<2x64x128xf32, #tpu.memory_space<vmem>> -> memref<1x64x128xf32, #tpu.memory_space<vmem>>
      %dma_start3A_95 = tpu.memref_squeeze %dma_start3A_94 : memref<1x64x128xf32, #tpu.memory_space<vmem>> -> memref<64x128xf32, #tpu.memory_space<vmem>>
      tpu.enqueue_dma source(%dma_start3A_95 : memref<64x128xf32, #tpu.memory_space<vmem>>) target(%dma_start3A_91 : memref<64x128xf32, #tpu.memory_space<vmem_shared>>) target_semaphore(%run_scoped3A_83 : memref<!tpu.dma_semaphore, #tpu.memory_space<semaphore_mem>>)
      %dma_wait3A = arith.constant 0 : i32
      %dma_wait3A_96 = arith.constant 0 : i32
      %dma_wait3A_97 = tpu.memref_slice %arg8[%run_scoped3A_43, %dma_wait3A, %dma_wait3A_96] : memref<2x64x128xf32, #tpu.memory_space<vmem>> -> memref<1x64x128xf32, #tpu.memory_space<vmem>>
      %dma_wait3A_98 = tpu.memref_squeeze %dma_wait3A_97 : memref<1x64x128xf32, #tpu.memory_space<vmem>> -> memref<64x128xf32, #tpu.memory_space<vmem>>
      %dma_wait3A_99 = arith.constant 0 : i32
      %dma_wait3A_100 = tpu.memref_slice %arg9[%add3A_42, %dma_wait3A_99] : memref<10016x128xf32, #tpu.memory_space<vmem_shared>> -> memref<64x128xf32, #tpu.memory_space<vmem_shared>>
      %dma_wait3A_101 = arith.constant 0 : i32
      %dma_wait3A_102 = tpu.memref_slice %arg9[%add3A_42, %dma_wait3A_101] : memref<10016x128xf32, #tpu.memory_space<vmem_shared>> -> memref<64x128xf32, #tpu.memory_space<vmem_shared>>
      %dma_wait3A_103 = arith.constant 0 : i32
      %dma_wait3A_104 = arith.constant 0 : i32
      %dma_wait3A_105 = tpu.memref_slice %arg8[%run_scoped3A_43, %dma_wait3A_103, %dma_wait3A_104] : memref<2x64x128xf32, #tpu.memory_space<vmem>> -> memref<1x64x128xf32, #tpu.memory_space<vmem>>
      %dma_wait3A_106 = tpu.memref_squeeze %dma_wait3A_105 : memref<1x64x128xf32, #tpu.memory_space<vmem>> -> memref<64x128xf32, #tpu.memory_space<vmem>>
      tpu.wait_dma2 semaphore(%run_scoped3A_83 : memref<!tpu.dma_semaphore, #tpu.memory_space<semaphore_mem>>) src(%dma_wait3A_106 : memref<64x128xf32, #tpu.memory_space<vmem>>) dst(%dma_wait3A_102 : memref<64x128xf32, #tpu.memory_space<vmem_shared>>)
      tpu.yield
    }) : () -> ()
    %mul3A_44 = arith.constant 624 : i32
    %mul3A_45 = arith.muli %arg1, %mul3A_44 : i32
    %add3A_46 = arith.constant 512 : i32
    %add3A_47 = arith.addi %mul3A_45, %add3A_46 : i32
    %run_scoped3A_48 = arith.constant 0 : i32
    "tpu.region"() ({
      %run_scoped3A_83 = tpu.sem_alloc : memref<!tpu.dma_semaphore, #tpu.memory_space<semaphore_mem>>
      %dma_start3A_84 = arith.constant 0 : i32
      %dma_start3A_85 = arith.constant 0 : i32
      %dma_start3A_86 = tpu.memref_slice %arg8[%run_scoped3A_48, %dma_start3A_84, %dma_start3A_85] : memref<2x64x128xf32, #tpu.memory_space<vmem>> -> memref<1x64x128xf32, #tpu.memory_space<vmem>>
      %dma_start3A_87 = tpu.memref_squeeze %dma_start3A_86 : memref<1x64x128xf32, #tpu.memory_space<vmem>> -> memref<64x128xf32, #tpu.memory_space<vmem>>
      %dma_start3A_88 = arith.constant 0 : i32
      %dma_start3A_89 = tpu.memref_slice %arg9[%add3A_47, %dma_start3A_88] : memref<10016x128xf32, #tpu.memory_space<vmem_shared>> -> memref<64x128xf32, #tpu.memory_space<vmem_shared>>
      %dma_start3A_90 = arith.constant 0 : i32
      %dma_start3A_91 = tpu.memref_slice %arg9[%add3A_47, %dma_start3A_90] : memref<10016x128xf32, #tpu.memory_space<vmem_shared>> -> memref<64x128xf32, #tpu.memory_space<vmem_shared>>
      %dma_start3A_92 = arith.constant 0 : i32
      %dma_start3A_93 = arith.constant 0 : i32
      %dma_start3A_94 = tpu.memref_slice %arg8[%run_scoped3A_48, %dma_start3A_92, %dma_start3A_93] : memref<2x64x128xf32, #tpu.memory_space<vmem>> -> memref<1x64x128xf32, #tpu.memory_space<vmem>>
      %dma_start3A_95 = tpu.memref_squeeze %dma_start3A_94 : memref<1x64x128xf32, #tpu.memory_space<vmem>> -> memref<64x128xf32, #tpu.memory_space<vmem>>
      tpu.enqueue_dma source(%dma_start3A_95 : memref<64x128xf32, #tpu.memory_space<vmem>>) target(%dma_start3A_91 : memref<64x128xf32, #tpu.memory_space<vmem_shared>>) target_semaphore(%run_scoped3A_83 : memref<!tpu.dma_semaphore, #tpu.memory_space<semaphore_mem>>)
      %dma_wait3A = arith.constant 0 : i32
      %dma_wait3A_96 = arith.constant 0 : i32
      %dma_wait3A_97 = tpu.memref_slice %arg8[%run_scoped3A_48, %dma_wait3A, %dma_wait3A_96] : memref<2x64x128xf32, #tpu.memory_space<vmem>> -> memref<1x64x128xf32, #tpu.memory_space<vmem>>
      %dma_wait3A_98 = tpu.memref_squeeze %dma_wait3A_97 : memref<1x64x128xf32, #tpu.memory_space<vmem>> -> memref<64x128xf32, #tpu.memory_space<vmem>>
      %dma_wait3A_99 = arith.constant 0 : i32
      %dma_wait3A_100 = tpu.memref_slice %arg9[%add3A_47, %dma_wait3A_99] : memref<10016x128xf32, #tpu.memory_space<vmem_shared>> -> memref<64x128xf32, #tpu.memory_space<vmem_shared>>
      %dma_wait3A_101 = arith.constant 0 : i32
      %dma_wait3A_102 = tpu.memref_slice %arg9[%add3A_47, %dma_wait3A_101] : memref<10016x128xf32, #tpu.memory_space<vmem_shared>> -> memref<64x128xf32, #tpu.memory_space<vmem_shared>>
      %dma_wait3A_103 = arith.constant 0 : i32
      %dma_wait3A_104 = arith.constant 0 : i32
      %dma_wait3A_105 = tpu.memref_slice %arg8[%run_scoped3A_48, %dma_wait3A_103, %dma_wait3A_104] : memref<2x64x128xf32, #tpu.memory_space<vmem>> -> memref<1x64x128xf32, #tpu.memory_space<vmem>>
      %dma_wait3A_106 = tpu.memref_squeeze %dma_wait3A_105 : memref<1x64x128xf32, #tpu.memory_space<vmem>> -> memref<64x128xf32, #tpu.memory_space<vmem>>
      tpu.wait_dma2 semaphore(%run_scoped3A_83 : memref<!tpu.dma_semaphore, #tpu.memory_space<semaphore_mem>>) src(%dma_wait3A_106 : memref<64x128xf32, #tpu.memory_space<vmem>>) dst(%dma_wait3A_102 : memref<64x128xf32, #tpu.memory_space<vmem_shared>>)
      tpu.yield
    }) : () -> ()
    %mul3A_49 = arith.constant 624 : i32
    %mul3A_50 = arith.muli %arg1, %mul3A_49 : i32
    %add3A_51 = arith.constant 576 : i32
    %add3A_52 = arith.addi %mul3A_50, %add3A_51 : i32
    %run_scoped3A_53 = arith.constant 0 : i32
    "tpu.region"() ({
      %run_scoped3A_83 = tpu.sem_alloc : memref<!tpu.dma_semaphore, #tpu.memory_space<semaphore_mem>>
      %dma_start3A_84 = arith.constant 0 : i32
      %dma_start3A_85 = arith.constant 0 : i32
      %dma_start3A_86 = tpu.memref_slice %arg8[%run_scoped3A_53, %dma_start3A_84, %dma_start3A_85] : memref<2x64x128xf32, #tpu.memory_space<vmem>> -> memref<1x64x128xf32, #tpu.memory_space<vmem>>
      %dma_start3A_87 = tpu.memref_squeeze %dma_start3A_86 : memref<1x64x128xf32, #tpu.memory_space<vmem>> -> memref<64x128xf32, #tpu.memory_space<vmem>>
      %dma_start3A_88 = arith.constant 0 : i32
      %dma_start3A_89 = tpu.memref_slice %arg9[%add3A_52, %dma_start3A_88] : memref<10016x128xf32, #tpu.memory_space<vmem_shared>> -> memref<64x128xf32, #tpu.memory_space<vmem_shared>>
      %dma_start3A_90 = arith.constant 0 : i32
      %dma_start3A_91 = tpu.memref_slice %arg9[%add3A_52, %dma_start3A_90] : memref<10016x128xf32, #tpu.memory_space<vmem_shared>> -> memref<64x128xf32, #tpu.memory_space<vmem_shared>>
      %dma_start3A_92 = arith.constant 0 : i32
      %dma_start3A_93 = arith.constant 0 : i32
      %dma_start3A_94 = tpu.memref_slice %arg8[%run_scoped3A_53, %dma_start3A_92, %dma_start3A_93] : memref<2x64x128xf32, #tpu.memory_space<vmem>> -> memref<1x64x128xf32, #tpu.memory_space<vmem>>
      %dma_start3A_95 = tpu.memref_squeeze %dma_start3A_94 : memref<1x64x128xf32, #tpu.memory_space<vmem>> -> memref<64x128xf32, #tpu.memory_space<vmem>>
      tpu.enqueue_dma source(%dma_start3A_95 : memref<64x128xf32, #tpu.memory_space<vmem>>) target(%dma_start3A_91 : memref<64x128xf32, #tpu.memory_space<vmem_shared>>) target_semaphore(%run_scoped3A_83 : memref<!tpu.dma_semaphore, #tpu.memory_space<semaphore_mem>>)
      %dma_wait3A = arith.constant 0 : i32
      %dma_wait3A_96 = arith.constant 0 : i32
      %dma_wait3A_97 = tpu.memref_slice %arg8[%run_scoped3A_53, %dma_wait3A, %dma_wait3A_96] : memref<2x64x128xf32, #tpu.memory_space<vmem>> -> memref<1x64x128xf32, #tpu.memory_space<vmem>>
      %dma_wait3A_98 = tpu.memref_squeeze %dma_wait3A_97 : memref<1x64x128xf32, #tpu.memory_space<vmem>> -> memref<64x128xf32, #tpu.memory_space<vmem>>
      %dma_wait3A_99 = arith.constant 0 : i32
      %dma_wait3A_100 = tpu.memref_slice %arg9[%add3A_52, %dma_wait3A_99] : memref<10016x128xf32, #tpu.memory_space<vmem_shared>> -> memref<64x128xf32, #tpu.memory_space<vmem_shared>>
      %dma_wait3A_101 = arith.constant 0 : i32
      %dma_wait3A_102 = tpu.memref_slice %arg9[%add3A_52, %dma_wait3A_101] : memref<10016x128xf32, #tpu.memory_space<vmem_shared>> -> memref<64x128xf32, #tpu.memory_space<vmem_shared>>
      %dma_wait3A_103 = arith.constant 0 : i32
      %dma_wait3A_104 = arith.constant 0 : i32
      %dma_wait3A_105 = tpu.memref_slice %arg8[%run_scoped3A_53, %dma_wait3A_103, %dma_wait3A_104] : memref<2x64x128xf32, #tpu.memory_space<vmem>> -> memref<1x64x128xf32, #tpu.memory_space<vmem>>
      %dma_wait3A_106 = tpu.memref_squeeze %dma_wait3A_105 : memref<1x64x128xf32, #tpu.memory_space<vmem>> -> memref<64x128xf32, #tpu.memory_space<vmem>>
      tpu.wait_dma2 semaphore(%run_scoped3A_83 : memref<!tpu.dma_semaphore, #tpu.memory_space<semaphore_mem>>) src(%dma_wait3A_106 : memref<64x128xf32, #tpu.memory_space<vmem>>) dst(%dma_wait3A_102 : memref<64x128xf32, #tpu.memory_space<vmem_shared>>)
      tpu.yield
    }) : () -> ()
    %barrier3A = arith.constant 0 : index
    tpu.barrier barrier_id(%barrier3A)
    "tpu.region"() ({
      %run_scoped3A_83 = tpu.sem_alloc : memref<!tpu.dma_semaphore, #tpu.memory_space<semaphore_mem>>
      %dma_start3A_84 = arith.constant 0 : i32
      %dma_start3A_85 = tpu.memref_slice %arg3[%add3A, %dma_start3A_84] : memref<32x10368xi32, #tpu.memory_space<hbm>> -> memref<1x10368xi32, #tpu.memory_space<hbm>>
      %dma_start3A_86 = tpu.memref_squeeze %dma_start3A_85 : memref<1x10368xi32, #tpu.memory_space<hbm>> -> memref<10368xi32, #tpu.memory_space<hbm>>
      %dma_start3A_87 = arith.constant 0 : i32
      %dma_start3A_88 = tpu.memref_slice %arg3[%add3A, %dma_start3A_87] : memref<32x10368xi32, #tpu.memory_space<hbm>> -> memref<1x10368xi32, #tpu.memory_space<hbm>>
      %dma_start3A_89 = tpu.memref_squeeze %dma_start3A_88 : memref<1x10368xi32, #tpu.memory_space<hbm>> -> memref<10368xi32, #tpu.memory_space<hbm>>
      tpu.enqueue_dma source(%dma_start3A_89 : memref<10368xi32, #tpu.memory_space<hbm>>) target(%arg6 : memref<10368xi32, #tpu.memory_space<vmem>>) target_semaphore(%run_scoped3A_83 : memref<!tpu.dma_semaphore, #tpu.memory_space<semaphore_mem>>)
      %dma_wait3A = arith.constant 0 : i32
      %dma_wait3A_90 = tpu.memref_slice %arg3[%add3A, %dma_wait3A] : memref<32x10368xi32, #tpu.memory_space<hbm>> -> memref<1x10368xi32, #tpu.memory_space<hbm>>
      %dma_wait3A_91 = tpu.memref_squeeze %dma_wait3A_90 : memref<1x10368xi32, #tpu.memory_space<hbm>> -> memref<10368xi32, #tpu.memory_space<hbm>>
      %dma_wait3A_92 = arith.constant 0 : i32
      %dma_wait3A_93 = tpu.memref_slice %arg3[%add3A, %dma_wait3A_92] : memref<32x10368xi32, #tpu.memory_space<hbm>> -> memref<1x10368xi32, #tpu.memory_space<hbm>>
      %dma_wait3A_94 = tpu.memref_squeeze %dma_wait3A_93 : memref<1x10368xi32, #tpu.memory_space<hbm>> -> memref<10368xi32, #tpu.memory_space<hbm>>
      tpu.wait_dma2 semaphore(%run_scoped3A_83 : memref<!tpu.dma_semaphore, #tpu.memory_space<semaphore_mem>>) src(%dma_wait3A_94 : memref<10368xi32, #tpu.memory_space<hbm>>) dst(%arg6 : memref<10368xi32, #tpu.memory_space<vmem>>)
      tpu.yield
    }) : () -> ()
    "tpu.region"() ({
      %run_scoped3A_83 = tpu.sem_alloc : memref<!tpu.dma_semaphore, #tpu.memory_space<semaphore_mem>>
      %dma_start3A_84 = arith.constant 0 : i32
      %dma_start3A_85 = arith.constant 0 : i32
      %dma_start3A_86 = tpu.memref_slice %arg4[%add3A, %dma_start3A_84, %dma_start3A_85] : memref<32x162x64xi32, #tpu.memory_space<hbm>> -> memref<1x162x64xi32, #tpu.memory_space<hbm>>
      %dma_start3A_87 = tpu.memref_squeeze %dma_start3A_86 : memref<1x162x64xi32, #tpu.memory_space<hbm>> -> memref<162x64xi32, #tpu.memory_space<hbm>>
      %dma_start3A_88 = arith.constant 0 : i32
      %dma_start3A_89 = arith.constant 0 : i32
      %dma_start3A_90 = tpu.memref_slice %arg4[%add3A, %dma_start3A_88, %dma_start3A_89] : memref<32x162x64xi32, #tpu.memory_space<hbm>> -> memref<1x162x64xi32, #tpu.memory_space<hbm>>
      %dma_start3A_91 = tpu.memref_squeeze %dma_start3A_90 : memref<1x162x64xi32, #tpu.memory_space<hbm>> -> memref<162x64xi32, #tpu.memory_space<hbm>>
      tpu.enqueue_dma source(%dma_start3A_91 : memref<162x64xi32, #tpu.memory_space<hbm>>) target(%arg7 : memref<162x64xi32, #tpu.memory_space<vmem>>) target_semaphore(%run_scoped3A_83 : memref<!tpu.dma_semaphore, #tpu.memory_space<semaphore_mem>>)
      %dma_wait3A = arith.constant 0 : i32
      %dma_wait3A_92 = arith.constant 0 : i32
      %dma_wait3A_93 = tpu.memref_slice %arg4[%add3A, %dma_wait3A, %dma_wait3A_92] : memref<32x162x64xi32, #tpu.memory_space<hbm>> -> memref<1x162x64xi32, #tpu.memory_space<hbm>>
      %dma_wait3A_94 = tpu.memref_squeeze %dma_wait3A_93 : memref<1x162x64xi32, #tpu.memory_space<hbm>> -> memref<162x64xi32, #tpu.memory_space<hbm>>
      %dma_wait3A_95 = arith.constant 0 : i32
      %dma_wait3A_96 = arith.constant 0 : i32
      %dma_wait3A_97 = tpu.memref_slice %arg4[%add3A, %dma_wait3A_95, %dma_wait3A_96] : memref<32x162x64xi32, #tpu.memory_space<hbm>> -> memref<1x162x64xi32, #tpu.memory_space<hbm>>
      %dma_wait3A_98 = tpu.memref_squeeze %dma_wait3A_97 : memref<1x162x64xi32, #tpu.memory_space<hbm>> -> memref<162x64xi32, #tpu.memory_space<hbm>>
      tpu.wait_dma2 semaphore(%run_scoped3A_83 : memref<!tpu.dma_semaphore, #tpu.memory_space<semaphore_mem>>) src(%dma_wait3A_98 : memref<162x64xi32, #tpu.memory_space<hbm>>) dst(%arg7 : memref<162x64xi32, #tpu.memory_space<vmem>>)
      tpu.yield
    }) : () -> ()
    %dma_start3A = arith.constant 0 : i32
    %dma_start3A_54 = arith.constant 0 : i32
    %dma_start3A_55 = arith.constant 0 : i32
    %dma_start3A_56 = tpu.memref_slice %arg8[%dma_start3A, %dma_start3A_54, %dma_start3A_55] : memref<2x64x128xf32, #tpu.memory_space<vmem>> -> memref<1x64x128xf32, #tpu.memory_space<vmem>>
    %dma_start3A_57 = tpu.memref_squeeze %dma_start3A_56 : memref<1x64x128xf32, #tpu.memory_space<vmem>> -> memref<64x128xf32, #tpu.memory_space<vmem>>
    %dma_start3A_58 = arith.constant 0 : i32
    %dma_start3A_59 = tpu.memref_slice %arg6[%dma_start3A_58] : memref<10368xi32, #tpu.memory_space<vmem>> -> memref<64xi32, #tpu.memory_space<vmem>>
    %dma_start3A_60 = arith.constant 0 : i32
    %dma_start3A_61 = arith.constant 0 : i32
    %dma_start3A_62 = tpu.memref_slice %arg2[%dma_start3A_60, %dma_start3A_61] : memref<10000x128xf32, #tpu.memory_space<hbm>> -> memref<10000x128xf32, #tpu.memory_space<hbm>>
    tpu.enqueue_indirect_dma source(%dma_start3A_62 : memref<10000x128xf32, #tpu.memory_space<hbm>>) target(%dma_start3A_57 : memref<64x128xf32, #tpu.memory_space<vmem>>) offsets(%dma_start3A_59 : memref<64xi32, #tpu.memory_space<vmem>>) semaphore(%arg10 : memref<!tpu.dma_semaphore, #tpu.memory_space<semaphore_mem>>)
    %dma_start3A_63 = arith.constant 1 : i32
    %dma_start3A_64 = arith.constant 0 : i32
    %dma_start3A_65 = arith.constant 0 : i32
    %dma_start3A_66 = tpu.memref_slice %arg8[%dma_start3A_63, %dma_start3A_64, %dma_start3A_65] : memref<2x64x128xf32, #tpu.memory_space<vmem>> -> memref<1x64x128xf32, #tpu.memory_space<vmem>>
    %dma_start3A_67 = tpu.memref_squeeze %dma_start3A_66 : memref<1x64x128xf32, #tpu.memory_space<vmem>> -> memref<64x128xf32, #tpu.memory_space<vmem>>
    %dma_start3A_68 = arith.constant 64 : i32
    %dma_start3A_69 = tpu.memref_slice %arg6[%dma_start3A_68] : memref<10368xi32, #tpu.memory_space<vmem>> -> memref<64xi32, #tpu.memory_space<vmem>>
    %dma_start3A_70 = arith.constant 0 : i32
    %dma_start3A_71 = arith.constant 0 : i32
    %dma_start3A_72 = tpu.memref_slice %arg2[%dma_start3A_70, %dma_start3A_71] : memref<10000x128xf32, #tpu.memory_space<hbm>> -> memref<10000x128xf32, #tpu.memory_space<hbm>>
    tpu.enqueue_indirect_dma source(%dma_start3A_72 : memref<10000x128xf32, #tpu.memory_space<hbm>>) target(%dma_start3A_67 : memref<64x128xf32, #tpu.memory_space<vmem>>) offsets(%dma_start3A_69 : memref<64xi32, #tpu.memory_space<vmem>>) semaphore(%arg11 : memref<!tpu.dma_semaphore, #tpu.memory_space<semaphore_mem>>)
    %scan3A_73 = arith.constant 0 : i32
    %scan3A_74 = arith.constant 81 : i32
    %scan3A_75 = arith.addi %scan3A_73, %scan3A_74 : i32
    %scan3A_76 = arith.constant 1 : i32
    scf.for %scan3A_83 = %scan3A_73 to %scan3A_75 step %scan3A_76  : i32 {
      %mul3A_84 = arith.constant 2 : i32
      %mul3A_85 = arith.muli %scan3A_83, %mul3A_84 : i32
      %add3A_86 = arith.constant 0 : i32
      %add3A_87 = arith.addi %add3A_86, %mul3A_85 : i32
      %add3A_88 = arith.constant 0 : i32
      %add3A_89 = arith.addi %add3A_87, %add3A_88 : i32
      %dma_wait3A = arith.constant 0 : i32
      %dma_wait3A_90 = arith.constant 0 : i32
      %dma_wait3A_91 = arith.constant 0 : i32
      %dma_wait3A_92 = tpu.memref_slice %arg8[%dma_wait3A, %dma_wait3A_90, %dma_wait3A_91] : memref<2x64x128xf32, #tpu.memory_space<vmem>> -> memref<1x64x128xf32, #tpu.memory_space<vmem>>
      %dma_wait3A_93 = tpu.memref_squeeze %dma_wait3A_92 : memref<1x64x128xf32, #tpu.memory_space<vmem>> -> memref<64x128xf32, #tpu.memory_space<vmem>>
      %dma_wait3A_94 = arith.constant 0 : i32
      %dma_wait3A_95 = tpu.memref_slice %arg6[%dma_wait3A_94] : memref<10368xi32, #tpu.memory_space<vmem>> -> memref<64xi32, #tpu.memory_space<vmem>>
      %dma_wait3A_96 = arith.constant 0 : i32
      %dma_wait3A_97 = arith.constant 0 : i32
      %dma_wait3A_98 = tpu.memref_slice %arg2[%dma_wait3A_96, %dma_wait3A_97] : memref<10000x128xf32, #tpu.memory_space<hbm>> -> memref<10000x128xf32, #tpu.memory_space<hbm>>
      tpu.wait_indirect_dma semaphore(%arg10 : memref<!tpu.dma_semaphore, #tpu.memory_space<semaphore_mem>>) src(%dma_wait3A_98 : memref<10000x128xf32, #tpu.memory_space<hbm>>) dst(%dma_wait3A_93 : memref<64x128xf32, #tpu.memory_space<vmem>>)
      %run_scoped3A_99 = arith.constant 0 : i32
      "tpu.region"() ({
        %run_scoped3A_124 = tpu.sem_alloc : memref<!tpu.dma_semaphore, #tpu.memory_space<semaphore_mem>>
        %dma_start3A_125 = arith.constant 0 : i32
        %dma_start3A_126 = arith.constant 0 : i32
        %dma_start3A_127 = tpu.memref_slice %arg8[%run_scoped3A_99, %dma_start3A_125, %dma_start3A_126] : memref<2x64x128xf32, #tpu.memory_space<vmem>> -> memref<1x64x128xf32, #tpu.memory_space<vmem>>
        %dma_start3A_128 = tpu.memref_squeeze %dma_start3A_127 : memref<1x64x128xf32, #tpu.memory_space<vmem>> -> memref<64x128xf32, #tpu.memory_space<vmem>>
        %dma_start3A_129 = arith.constant 0 : i32
        %dma_start3A_130 = tpu.memref_slice %arg7[%add3A_89, %dma_start3A_129] : memref<162x64xi32, #tpu.memory_space<vmem>> -> memref<1x64xi32, #tpu.memory_space<vmem>>
        %dma_start3A_131 = tpu.memref_squeeze %dma_start3A_130 : memref<1x64xi32, #tpu.memory_space<vmem>> -> memref<64xi32, #tpu.memory_space<vmem>>
        %dma_start3A_132 = arith.constant 0 : i32
        %dma_start3A_133 = arith.constant 0 : i32
        %dma_start3A_134 = tpu.memref_slice %arg9[%dma_start3A_132, %dma_start3A_133] : memref<10016x128xf32, #tpu.memory_space<vmem_shared>> -> memref<10016x128xf32, #tpu.memory_space<vmem_shared>>
        tpu.enqueue_indirect_dma source(%dma_start3A_128 : memref<64x128xf32, #tpu.memory_space<vmem>>) target(%dma_start3A_134 : memref<10016x128xf32, #tpu.memory_space<vmem_shared>>) offsets(%dma_start3A_131 : memref<64xi32, #tpu.memory_space<vmem>>) semaphore(%run_scoped3A_124 : memref<!tpu.dma_semaphore, #tpu.memory_space<semaphore_mem>>) {add = true}
        %dma_wait3A_135 = arith.constant 0 : i32
        %dma_wait3A_136 = arith.constant 0 : i32
        %dma_wait3A_137 = tpu.memref_slice %arg8[%run_scoped3A_99, %dma_wait3A_135, %dma_wait3A_136] : memref<2x64x128xf32, #tpu.memory_space<vmem>> -> memref<1x64x128xf32, #tpu.memory_space<vmem>>
        %dma_wait3A_138 = tpu.memref_squeeze %dma_wait3A_137 : memref<1x64x128xf32, #tpu.memory_space<vmem>> -> memref<64x128xf32, #tpu.memory_space<vmem>>
        %dma_wait3A_139 = arith.constant 0 : i32
        %dma_wait3A_140 = tpu.memref_slice %arg7[%add3A_89, %dma_wait3A_139] : memref<162x64xi32, #tpu.memory_space<vmem>> -> memref<1x64xi32, #tpu.memory_space<vmem>>
        %dma_wait3A_141 = tpu.memref_squeeze %dma_wait3A_140 : memref<1x64xi32, #tpu.memory_space<vmem>> -> memref<64xi32, #tpu.memory_space<vmem>>
        %dma_wait3A_142 = arith.constant 0 : i32
        %dma_wait3A_143 = arith.constant 0 : i32
        %dma_wait3A_144 = tpu.memref_slice %arg9[%dma_wait3A_142, %dma_wait3A_143] : memref<10016x128xf32, #tpu.memory_space<vmem_shared>> -> memref<10016x128xf32, #tpu.memory_space<vmem_shared>>
        tpu.wait_indirect_dma semaphore(%run_scoped3A_124 : memref<!tpu.dma_semaphore, #tpu.memory_space<semaphore_mem>>) src(%dma_wait3A_138 : memref<64x128xf32, #tpu.memory_space<vmem>>) dst(%dma_wait3A_144 : memref<10016x128xf32, #tpu.memory_space<vmem_shared>>)
        tpu.yield
      }) : () -> ()
      %add3A_100 = arith.constant 2 : i32
      %add3A_101 = arith.addi %add3A_89, %add3A_100 : i32
      %lt3A = arith.constant 162 : i32
      %lt3A_102 = arith.cmpi slt, %add3A_101, %lt3A : i32
      %convert_element_type3A = arith.extui %lt3A_102 : i1 to i32
      %cond3A = arith.constant 0 : i32
      %cond3A_103 = arith.cmpi ne, %convert_element_type3A, %cond3A : i32
      scf.if %cond3A_103 {
        %add3A_124 = arith.constant 2 : i32
        %add3A_125 = arith.addi %add3A_89, %add3A_124 : i32
        %mul3A_126 = arith.constant 64 : i32
        %mul3A_127 = arith.muli %add3A_125, %mul3A_126 : i32
        %dma_start3A_128 = arith.constant 0 : i32
        %dma_start3A_129 = arith.constant 0 : i32
        %dma_start3A_130 = arith.constant 0 : i32
        %dma_start3A_131 = tpu.memref_slice %arg8[%dma_start3A_128, %dma_start3A_129, %dma_start3A_130] : memref<2x64x128xf32, #tpu.memory_space<vmem>> -> memref<1x64x128xf32, #tpu.memory_space<vmem>>
        %dma_start3A_132 = tpu.memref_squeeze %dma_start3A_131 : memref<1x64x128xf32, #tpu.memory_space<vmem>> -> memref<64x128xf32, #tpu.memory_space<vmem>>
        %dma_start3A_133 = tpu.memref_slice %arg6[%mul3A_127] : memref<10368xi32, #tpu.memory_space<vmem>> -> memref<64xi32, #tpu.memory_space<vmem>>
        %dma_start3A_134 = arith.constant 0 : i32
        %dma_start3A_135 = arith.constant 0 : i32
        %dma_start3A_136 = tpu.memref_slice %arg2[%dma_start3A_134, %dma_start3A_135] : memref<10000x128xf32, #tpu.memory_space<hbm>> -> memref<10000x128xf32, #tpu.memory_space<hbm>>
        tpu.enqueue_indirect_dma source(%dma_start3A_136 : memref<10000x128xf32, #tpu.memory_space<hbm>>) target(%dma_start3A_132 : memref<64x128xf32, #tpu.memory_space<vmem>>) offsets(%dma_start3A_133 : memref<64xi32, #tpu.memory_space<vmem>>) semaphore(%arg10 : memref<!tpu.dma_semaphore, #tpu.memory_space<semaphore_mem>>)
      } else {
      }
      %add3A_104 = arith.constant 1 : i32
      %add3A_105 = arith.addi %add3A_87, %add3A_104 : i32
      %dma_wait3A_106 = arith.constant 1 : i32
      %dma_wait3A_107 = arith.constant 0 : i32
      %dma_wait3A_108 = arith.constant 0 : i32
      %dma_wait3A_109 = tpu.memref_slice %arg8[%dma_wait3A_106, %dma_wait3A_107, %dma_wait3A_108] : memref<2x64x128xf32, #tpu.memory_space<vmem>> -> memref<1x64x128xf32, #tpu.memory_space<vmem>>
      %dma_wait3A_110 = tpu.memref_squeeze %dma_wait3A_109 : memref<1x64x128xf32, #tpu.memory_space<vmem>> -> memref<64x128xf32, #tpu.memory_space<vmem>>
      %dma_wait3A_111 = arith.constant 0 : i32
      %dma_wait3A_112 = tpu.memref_slice %arg6[%dma_wait3A_111] : memref<10368xi32, #tpu.memory_space<vmem>> -> memref<64xi32, #tpu.memory_space<vmem>>
      %dma_wait3A_113 = arith.constant 0 : i32
      %dma_wait3A_114 = arith.constant 0 : i32
      %dma_wait3A_115 = tpu.memref_slice %arg2[%dma_wait3A_113, %dma_wait3A_114] : memref<10000x128xf32, #tpu.memory_space<hbm>> -> memref<10000x128xf32, #tpu.memory_space<hbm>>
      tpu.wait_indirect_dma semaphore(%arg11 : memref<!tpu.dma_semaphore, #tpu.memory_space<semaphore_mem>>) src(%dma_wait3A_115 : memref<10000x128xf32, #tpu.memory_space<hbm>>) dst(%dma_wait3A_110 : memref<64x128xf32, #tpu.memory_space<vmem>>)
      %run_scoped3A_116 = arith.constant 1 : i32
      "tpu.region"() ({
        %run_scoped3A_124 = tpu.sem_alloc : memref<!tpu.dma_semaphore, #tpu.memory_space<semaphore_mem>>
        %dma_start3A_125 = arith.constant 0 : i32
        %dma_start3A_126 = arith.constant 0 : i32
        %dma_start3A_127 = tpu.memref_slice %arg8[%run_scoped3A_116, %dma_start3A_125, %dma_start3A_126] : memref<2x64x128xf32, #tpu.memory_space<vmem>> -> memref<1x64x128xf32, #tpu.memory_space<vmem>>
        %dma_start3A_128 = tpu.memref_squeeze %dma_start3A_127 : memref<1x64x128xf32, #tpu.memory_space<vmem>> -> memref<64x128xf32, #tpu.memory_space<vmem>>
        %dma_start3A_129 = arith.constant 0 : i32
        %dma_start3A_130 = tpu.memref_slice %arg7[%add3A_105, %dma_start3A_129] : memref<162x64xi32, #tpu.memory_space<vmem>> -> memref<1x64xi32, #tpu.memory_space<vmem>>
        %dma_start3A_131 = tpu.memref_squeeze %dma_start3A_130 : memref<1x64xi32, #tpu.memory_space<vmem>> -> memref<64xi32, #tpu.memory_space<vmem>>
        %dma_start3A_132 = arith.constant 0 : i32
        %dma_start3A_133 = arith.constant 0 : i32
        %dma_start3A_134 = tpu.memref_slice %arg9[%dma_start3A_132, %dma_start3A_133] : memref<10016x128xf32, #tpu.memory_space<vmem_shared>> -> memref<10016x128xf32, #tpu.memory_space<vmem_shared>>
        tpu.enqueue_indirect_dma source(%dma_start3A_128 : memref<64x128xf32, #tpu.memory_space<vmem>>) target(%dma_start3A_134 : memref<10016x128xf32, #tpu.memory_space<vmem_shared>>) offsets(%dma_start3A_131 : memref<64xi32, #tpu.memory_space<vmem>>) semaphore(%run_scoped3A_124 : memref<!tpu.dma_semaphore, #tpu.memory_space<semaphore_mem>>) {add = true}
        %dma_wait3A_135 = arith.constant 0 : i32
        %dma_wait3A_136 = arith.constant 0 : i32
        %dma_wait3A_137 = tpu.memref_slice %arg8[%run_scoped3A_116, %dma_wait3A_135, %dma_wait3A_136] : memref<2x64x128xf32, #tpu.memory_space<vmem>> -> memref<1x64x128xf32, #tpu.memory_space<vmem>>
        %dma_wait3A_138 = tpu.memref_squeeze %dma_wait3A_137 : memref<1x64x128xf32, #tpu.memory_space<vmem>> -> memref<64x128xf32, #tpu.memory_space<vmem>>
        %dma_wait3A_139 = arith.constant 0 : i32
        %dma_wait3A_140 = tpu.memref_slice %arg7[%add3A_105, %dma_wait3A_139] : memref<162x64xi32, #tpu.memory_space<vmem>> -> memref<1x64xi32, #tpu.memory_space<vmem>>
        %dma_wait3A_141 = tpu.memref_squeeze %dma_wait3A_140 : memref<1x64xi32, #tpu.memory_space<vmem>> -> memref<64xi32, #tpu.memory_space<vmem>>
        %dma_wait3A_142 = arith.constant 0 : i32
        %dma_wait3A_143 = arith.constant 0 : i32
        %dma_wait3A_144 = tpu.memref_slice %arg9[%dma_wait3A_142, %dma_wait3A_143] : memref<10016x128xf32, #tpu.memory_space<vmem_shared>> -> memref<10016x128xf32, #tpu.memory_space<vmem_shared>>
        tpu.wait_indirect_dma semaphore(%run_scoped3A_124 : memref<!tpu.dma_semaphore, #tpu.memory_space<semaphore_mem>>) src(%dma_wait3A_138 : memref<64x128xf32, #tpu.memory_space<vmem>>) dst(%dma_wait3A_144 : memref<10016x128xf32, #tpu.memory_space<vmem_shared>>)
        tpu.yield
      }) : () -> ()
      %add3A_117 = arith.constant 2 : i32
      %add3A_118 = arith.addi %add3A_105, %add3A_117 : i32
      %lt3A_119 = arith.constant 162 : i32
      %lt3A_120 = arith.cmpi slt, %add3A_118, %lt3A_119 : i32
      %convert_element_type3A_121 = arith.extui %lt3A_120 : i1 to i32
      %cond3A_122 = arith.constant 0 : i32
      %cond3A_123 = arith.cmpi ne, %convert_element_type3A_121, %cond3A_122 : i32
      scf.if %cond3A_123 {
        %add3A_124 = arith.constant 2 : i32
        %add3A_125 = arith.addi %add3A_105, %add3A_124 : i32
        %mul3A_126 = arith.constant 64 : i32
        %mul3A_127 = arith.muli %add3A_125, %mul3A_126 : i32
        %dma_start3A_128 = arith.constant 1 : i32
        %dma_start3A_129 = arith.constant 0 : i32
        %dma_start3A_130 = arith.constant 0 : i32
        %dma_start3A_131 = tpu.memref_slice %arg8[%dma_start3A_128, %dma_start3A_129, %dma_start3A_130] : memref<2x64x128xf32, #tpu.memory_space<vmem>> -> memref<1x64x128xf32, #tpu.memory_space<vmem>>
        %dma_start3A_132 = tpu.memref_squeeze %dma_start3A_131 : memref<1x64x128xf32, #tpu.memory_space<vmem>> -> memref<64x128xf32, #tpu.memory_space<vmem>>
        %dma_start3A_133 = tpu.memref_slice %arg6[%mul3A_127] : memref<10368xi32, #tpu.memory_space<vmem>> -> memref<64xi32, #tpu.memory_space<vmem>>
        %dma_start3A_134 = arith.constant 0 : i32
        %dma_start3A_135 = arith.constant 0 : i32
        %dma_start3A_136 = tpu.memref_slice %arg2[%dma_start3A_134, %dma_start3A_135] : memref<10000x128xf32, #tpu.memory_space<hbm>> -> memref<10000x128xf32, #tpu.memory_space<hbm>>
        tpu.enqueue_indirect_dma source(%dma_start3A_136 : memref<10000x128xf32, #tpu.memory_space<hbm>>) target(%dma_start3A_132 : memref<64x128xf32, #tpu.memory_space<vmem>>) offsets(%dma_start3A_133 : memref<64xi32, #tpu.memory_space<vmem>>) semaphore(%arg11 : memref<!tpu.dma_semaphore, #tpu.memory_space<semaphore_mem>>)
      } else {
      }
    }
    %scan3A_77 = arith.constant 81 : i32
    %barrier3A_78 = arith.constant 0 : index
    tpu.barrier barrier_id(%barrier3A_78)
    %mul3A_79 = arith.constant 624 : i32
    %mul3A_80 = arith.muli %arg1, %mul3A_79 : i32
    %mul3A_81 = arith.constant 624 : i32
    %mul3A_82 = arith.muli %arg1, %mul3A_81 : i32
    "tpu.region"() ({
      %run_scoped3A_83 = tpu.sem_alloc : memref<!tpu.dma_semaphore, #tpu.memory_space<semaphore_mem>>
      %dma_start3A_84 = arith.constant 0 : i32
      %dma_start3A_85 = tpu.memref_slice %arg5[%arg0, %mul3A_82, %dma_start3A_84] : memref<2x10000x128xf32, #tpu.memory_space<hbm>> -> memref<1x640x128xf32, #tpu.memory_space<hbm>>
      %dma_start3A_86 = tpu.memref_squeeze %dma_start3A_85 : memref<1x640x128xf32, #tpu.memory_space<hbm>> -> memref<640x128xf32, #tpu.memory_space<hbm>>
      %dma_start3A_87 = arith.constant 0 : i32
      %dma_start3A_88 = tpu.memref_slice %arg9[%mul3A_80, %dma_start3A_87] : memref<10016x128xf32, #tpu.memory_space<vmem_shared>> -> memref<640x128xf32, #tpu.memory_space<vmem_shared>>
      tpu.enqueue_dma source(%dma_start3A_88 : memref<640x128xf32, #tpu.memory_space<vmem_shared>>) target(%dma_start3A_86 : memref<640x128xf32, #tpu.memory_space<hbm>>) target_semaphore(%run_scoped3A_83 : memref<!tpu.dma_semaphore, #tpu.memory_space<semaphore_mem>>)
      %dma_wait3A = arith.constant 0 : i32
      %dma_wait3A_89 = tpu.memref_slice %arg5[%arg0, %mul3A_82, %dma_wait3A] : memref<2x10000x128xf32, #tpu.memory_space<hbm>> -> memref<1x640x128xf32, #tpu.memory_space<hbm>>
      %dma_wait3A_90 = tpu.memref_squeeze %dma_wait3A_89 : memref<1x640x128xf32, #tpu.memory_space<hbm>> -> memref<640x128xf32, #tpu.memory_space<hbm>>
      %dma_wait3A_91 = arith.constant 0 : i32
      %dma_wait3A_92 = tpu.memref_slice %arg9[%mul3A_80, %dma_wait3A_91] : memref<10016x128xf32, #tpu.memory_space<vmem_shared>> -> memref<640x128xf32, #tpu.memory_space<vmem_shared>>
      tpu.wait_dma2 semaphore(%run_scoped3A_83 : memref<!tpu.dma_semaphore, #tpu.memory_space<semaphore_mem>>) src(%dma_wait3A_92 : memref<640x128xf32, #tpu.memory_space<vmem_shared>>) dst(%dma_wait3A_90 : memref<640x128xf32, #tpu.memory_space<hbm>>)
      tpu.yield
    }) : () -> ()
    return
  }
}

#map = affine_map<(d0, d1) -> (0, 0)>
#map1 = affine_map<(d0, d1) -> (0, 0, 0)>
module attributes {stable_mosaic.version = 14 : i64} {
  func.func @_prop(%arg0: i32, %arg1: i32, %arg2: memref<10000x128xf32, #tpu.memory_space<hbm>>, %arg3: memref<32x10368xi32, #tpu.memory_space<hbm>>, %arg4: memref<32x162x64xi32, #tpu.memory_space<hbm>>, %arg5: memref<2x10000x128xf32, #tpu.memory_space<hbm>>, %arg6: memref<10368xi32, #tpu.memory_space<vmem>>, %arg7: memref<162x64xi32, #tpu.memory_space<vmem>>, %arg8: memref<2x64x128xf32, #tpu.memory_space<vmem>>, %arg9: memref<10016x128xf32, #tpu.memory_space<vmem_shared>>, %arg10: memref<!tpu.dma_semaphore, #tpu.memory_space<semaphore_mem>>, %arg11: memref<!tpu.dma_semaphore, #tpu.memory_space<semaphore_mem>>) attributes {dimension_semantics = [#tpu.dimension_semantics<core_parallel>, #tpu.dimension_semantics<subcore_parallel>], iteration_bounds = array<i64: 2, 16>, scalar_prefetch = 0 : i64, scratch_operands = 6 : i64, tpu.core_type = #tpu.core_type<sc_vector_subcore>, window_params = [{transform_indices = #map}, {transform_indices = #map}, {transform_indices = #map1}, {transform_indices = #map1}]} {
    %mul3A = arith.constant 2 : i32
    %mul3A_0 = arith.muli %arg1, %mul3A : i32
    %add3A = arith.addi %mul3A_0, %arg0 : i32
    %scan3A = arith.constant 0 : i32
    %scan3A_1 = arith.constant 64 : i32
    %scan3A_2 = arith.addi %scan3A, %scan3A_1 : i32
    %scan3A_3 = arith.constant 1 : i32
    scf.for %scan3A_83 = %scan3A to %scan3A_2 step %scan3A_3  : i32 {
      %mul3A_84 = arith.constant 1 : i32
      %mul3A_85 = arith.muli %scan3A_83, %mul3A_84 : i32
      %add3A_86 = arith.constant 0 : i32
      %add3A_87 = arith.addi %add3A_86, %mul3A_85 : i32
      %broadcast_in_dim3A = arith.constant 0.000000e+00 : f32
      %broadcast_in_dim3A_88 = vector.broadcast %broadcast_in_dim3A : f32 to vector<16xf32>
      %swap3A = arith.constant 0 : i32
      %swap3A_89 = arith.index_cast %swap3A : i32 to index
      %swap3A_90 = arith.index_cast %add3A_87 : i32 to index
      %swap3A_91 = arith.constant 0 : index
      %swap3A_92 = tpu.vector_load %arg8[%swap3A_89, %swap3A_90, %swap3A_91] {strides = array<i32>} : memref<2x64x128xf32, #tpu.memory_space<vmem>>, vector<1x1x16xf32>,
      %swap3A_93 = vector.shape_cast %swap3A_92 : vector<1x1x16xf32> to vector<16xf32>
      %swap3A_94 = vector.shape_cast %broadcast_in_dim3A_88 : vector<16xf32> to vector<1x1x16xf32>
      tpu.vector_store %arg8[%swap3A_89, %swap3A_90, %swap3A_91], %swap3A_94 {strides = array<i32>} : memref<2x64x128xf32, #tpu.memory_space<vmem>>, vector<1x1x16xf32>,
      %broadcast_in_dim3A_95 = arith.constant 0.000000e+00 : f32
      %broadcast_in_dim3A_96 = vector.broadcast %broadcast_in_dim3A_95 : f32 to vector<16xf32>
      %swap3A_97 = arith.constant 0 : i32
      %swap3A_98 = arith.index_cast %swap3A_97 : i32 to index
      %swap3A_99 = arith.index_cast %add3A_87 : i32 to index
      %swap3A_100 = arith.constant 16 : index
      %swap3A_101 = tpu.vector_load %arg8[%swap3A_98, %swap3A_99, %swap3A_100] {strides = array<i32>} : memref<2x64x128xf32, #tpu.memory_space<vmem>>, vector<1x1x16xf32>,
      %swap3A_102 = vector.shape_cast %swap3A_101 : vector<1x1x16xf32> to vector<16xf32>
      %swap3A_103 = vector.shape_cast %broadcast_in_dim3A_96 : vector<16xf32> to vector<1x1x16xf32>
      tpu.vector_store %arg8[%swap3A_98, %swap3A_99, %swap3A_100], %swap3A_103 {strides = array<i32>} : memref<2x64x128xf32, #tpu.memory_space<vmem>>, vector<1x1x16xf32>,
      %broadcast_in_dim3A_104 = arith.constant 0.000000e+00 : f32
      %broadcast_in_dim3A_105 = vector.broadcast %broadcast_in_dim3A_104 : f32 to vector<16xf32>
      %swap3A_106 = arith.constant 0 : i32
      %swap3A_107 = arith.index_cast %swap3A_106 : i32 to index
      %swap3A_108 = arith.index_cast %add3A_87 : i32 to index
      %swap3A_109 = arith.constant 32 : index
      %swap3A_110 = tpu.vector_load %arg8[%swap3A_107, %swap3A_108, %swap3A_109] {strides = array<i32>} : memref<2x64x128xf32, #tpu.memory_space<vmem>>, vector<1x1x16xf32>,
      %swap3A_111 = vector.shape_cast %swap3A_110 : vector<1x1x16xf32> to vector<16xf32>
      %swap3A_112 = vector.shape_cast %broadcast_in_dim3A_105 : vector<16xf32> to vector<1x1x16xf32>
      tpu.vector_store %arg8[%swap3A_107, %swap3A_108, %swap3A_109], %swap3A_112 {strides = array<i32>} : memref<2x64x128xf32, #tpu.memory_space<vmem>>, vector<1x1x16xf32>,
      %broadcast_in_dim3A_113 = arith.constant 0.000000e+00 : f32
      %broadcast_in_dim3A_114 = vector.broadcast %broadcast_in_dim3A_113 : f32 to vector<16xf32>
      %swap3A_115 = arith.constant 0 : i32
      %swap3A_116 = arith.index_cast %swap3A_115 : i32 to index
      %swap3A_117 = arith.index_cast %add3A_87 : i32 to index
      %swap3A_118 = arith.constant 48 : index
      %swap3A_119 = tpu.vector_load %arg8[%swap3A_116, %swap3A_117, %swap3A_118] {strides = array<i32>} : memref<2x64x128xf32, #tpu.memory_space<vmem>>, vector<1x1x16xf32>,
      %swap3A_120 = vector.shape_cast %swap3A_119 : vector<1x1x16xf32> to vector<16xf32>
      %swap3A_121 = vector.shape_cast %broadcast_in_dim3A_114 : vector<16xf32> to vector<1x1x16xf32>
      tpu.vector_store %arg8[%swap3A_116, %swap3A_117, %swap3A_118], %swap3A_121 {strides = array<i32>} : memref<2x64x128xf32, #tpu.memory_space<vmem>>, vector<1x1x16xf32>,
      %broadcast_in_dim3A_122 = arith.constant 0.000000e+00 : f32
      %broadcast_in_dim3A_123 = vector.broadcast %broadcast_in_dim3A_122 : f32 to vector<16xf32>
      %swap3A_124 = arith.constant 0 : i32
      %swap3A_125 = arith.index_cast %swap3A_124 : i32 to index
      %swap3A_126 = arith.index_cast %add3A_87 : i32 to index
      %swap3A_127 = arith.constant 64 : index
      %swap3A_128 = tpu.vector_load %arg8[%swap3A_125, %swap3A_126, %swap3A_127] {strides = array<i32>} : memref<2x64x128xf32, #tpu.memory_space<vmem>>, vector<1x1x16xf32>,
      %swap3A_129 = vector.shape_cast %swap3A_128 : vector<1x1x16xf32> to vector<16xf32>
      %swap3A_130 = vector.shape_cast %broadcast_in_dim3A_123 : vector<16xf32> to vector<1x1x16xf32>
      tpu.vector_store %arg8[%swap3A_125, %swap3A_126, %swap3A_127], %swap3A_130 {strides = array<i32>} : memref<2x64x128xf32, #tpu.memory_space<vmem>>, vector<1x1x16xf32>,
      %broadcast_in_dim3A_131 = arith.constant 0.000000e+00 : f32
      %broadcast_in_dim3A_132 = vector.broadcast %broadcast_in_dim3A_131 : f32 to vector<16xf32>
      %swap3A_133 = arith.constant 0 : i32
      %swap3A_134 = arith.index_cast %swap3A_133 : i32 to index
      %swap3A_135 = arith.index_cast %add3A_87 : i32 to index
      %swap3A_136 = arith.constant 80 : index
      %swap3A_137 = tpu.vector_load %arg8[%swap3A_134, %swap3A_135, %swap3A_136] {strides = array<i32>} : memref<2x64x128xf32, #tpu.memory_space<vmem>>, vector<1x1x16xf32>,
      %swap3A_138 = vector.shape_cast %swap3A_137 : vector<1x1x16xf32> to vector<16xf32>
      %swap3A_139 = vector.shape_cast %broadcast_in_dim3A_132 : vector<16xf32> to vector<1x1x16xf32>
      tpu.vector_store %arg8[%swap3A_134, %swap3A_135, %swap3A_136], %swap3A_139 {strides = array<i32>} : memref<2x64x128xf32, #tpu.memory_space<vmem>>, vector<1x1x16xf32>,
      %broadcast_in_dim3A_140 = arith.constant 0.000000e+00 : f32
      %broadcast_in_dim3A_141 = vector.broadcast %broadcast_in_dim3A_140 : f32 to vector<16xf32>
      %swap3A_142 = arith.constant 0 : i32
      %swap3A_143 = arith.index_cast %swap3A_142 : i32 to index
      %swap3A_144 = arith.index_cast %add3A_87 : i32 to index
      %swap3A_145 = arith.constant 96 : index
      %swap3A_146 = tpu.vector_load %arg8[%swap3A_143, %swap3A_144, %swap3A_145] {strides = array<i32>} : memref<2x64x128xf32, #tpu.memory_space<vmem>>, vector<1x1x16xf32>,
      %swap3A_147 = vector.shape_cast %swap3A_146 : vector<1x1x16xf32> to vector<16xf32>
      %swap3A_148 = vector.shape_cast %broadcast_in_dim3A_141 : vector<16xf32> to vector<1x1x16xf32>
      tpu.vector_store %arg8[%swap3A_143, %swap3A_144, %swap3A_145], %swap3A_148 {strides = array<i32>} : memref<2x64x128xf32, #tpu.memory_space<vmem>>, vector<1x1x16xf32>,
      %broadcast_in_dim3A_149 = arith.constant 0.000000e+00 : f32
      %broadcast_in_dim3A_150 = vector.broadcast %broadcast_in_dim3A_149 : f32 to vector<16xf32>
      %swap3A_151 = arith.constant 0 : i32
      %swap3A_152 = arith.index_cast %swap3A_151 : i32 to index
      %swap3A_153 = arith.index_cast %add3A_87 : i32 to index
      %swap3A_154 = arith.constant 112 : index
      %swap3A_155 = tpu.vector_load %arg8[%swap3A_152, %swap3A_153, %swap3A_154] {strides = array<i32>} : memref<2x64x128xf32, #tpu.memory_space<vmem>>, vector<1x1x16xf32>,
      %swap3A_156 = vector.shape_cast %swap3A_155 : vector<1x1x16xf32> to vector<16xf32>
      %swap3A_157 = vector.shape_cast %broadcast_in_dim3A_150 : vector<16xf32> to vector<1x1x16xf32>
      tpu.vector_store %arg8[%swap3A_152, %swap3A_153, %swap3A_154], %swap3A_157 {strides = array<i32>} : memref<2x64x128xf32, #tpu.memory_space<vmem>>, vector<1x1x16xf32>,
    }
    %scan3A_4 = arith.constant 64 : i32
    %mul3A_5 = arith.constant 624 : i32
    %mul3A_6 = arith.muli %arg1, %mul3A_5 : i32
    %add3A_7 = arith.constant 0 : i32
    %add3A_8 = arith.addi %mul3A_6, %add3A_7 : i32
    %run_scoped3A = arith.constant 0 : i32
    "tpu.region"() ({
      %run_scoped3A_83 = tpu.sem_alloc : memref<!tpu.dma_semaphore, #tpu.memory_space<semaphore_mem>>
      %dma_start3A_84 = arith.constant 0 : i32
      %dma_start3A_85 = arith.constant 0 : i32
      %dma_start3A_86 = tpu.memref_slice %arg8[%run_scoped3A, %dma_start3A_84, %dma_start3A_85] : memref<2x64x128xf32, #tpu.memory_space<vmem>> -> memref<1x64x128xf32, #tpu.memory_space<vmem>>
      %dma_start3A_87 = tpu.memref_squeeze %dma_start3A_86 : memref<1x64x128xf32, #tpu.memory_space<vmem>> -> memref<64x128xf32, #tpu.memory_space<vmem>>
      %dma_start3A_88 = arith.constant 0 : i32
      %dma_start3A_89 = tpu.memref_slice %arg9[%add3A_8, %dma_start3A_88] : memref<10016x128xf32, #tpu.memory_space<vmem_shared>> -> memref<64x128xf32, #tpu.memory_space<vmem_shared>>
      %dma_start3A_90 = arith.constant 0 : i32
      %dma_start3A_91 = tpu.memref_slice %arg9[%add3A_8, %dma_start3A_90] : memref<10016x128xf32, #tpu.memory_space<vmem_shared>> -> memref<64x128xf32, #tpu.memory_space<vmem_shared>>
      %dma_start3A_92 = arith.constant 0 : i32
      %dma_start3A_93 = arith.constant 0 : i32
      %dma_start3A_94 = tpu.memref_slice %arg8[%run_scoped3A, %dma_start3A_92, %dma_start3A_93] : memref<2x64x128xf32, #tpu.memory_space<vmem>> -> memref<1x64x128xf32, #tpu.memory_space<vmem>>
      %dma_start3A_95 = tpu.memref_squeeze %dma_start3A_94 : memref<1x64x128xf32, #tpu.memory_space<vmem>> -> memref<64x128xf32, #tpu.memory_space<vmem>>
      tpu.enqueue_dma source(%dma_start3A_95 : memref<64x128xf32, #tpu.memory_space<vmem>>) target(%dma_start3A_91 : memref<64x128xf32, #tpu.memory_space<vmem_shared>>) target_semaphore(%run_scoped3A_83 : memref<!tpu.dma_semaphore, #tpu.memory_space<semaphore_mem>>)
      %dma_wait3A = arith.constant 0 : i32
      %dma_wait3A_96 = arith.constant 0 : i32
      %dma_wait3A_97 = tpu.memref_slice %arg8[%run_scoped3A, %dma_wait3A, %dma_wait3A_96] : memref<2x64x128xf32, #tpu.memory_space<vmem>> -> memref<1x64x128xf32, #tpu.memory_space<vmem>>
      %dma_wait3A_98 = tpu.memref_squeeze %dma_wait3A_97 : memref<1x64x128xf32, #tpu.memory_space<vmem>> -> memref<64x128xf32, #tpu.memory_space<vmem>>
      %dma_wait3A_99 = arith.constant 0 : i32
      %dma_wait3A_100 = tpu.memref_slice %arg9[%add3A_8, %dma_wait3A_99] : memref<10016x128xf32, #tpu.memory_space<vmem_shared>> -> memref<64x128xf32, #tpu.memory_space<vmem_shared>>
      %dma_wait3A_101 = arith.constant 0 : i32
      %dma_wait3A_102 = tpu.memref_slice %arg9[%add3A_8, %dma_wait3A_101] : memref<10016x128xf32, #tpu.memory_space<vmem_shared>> -> memref<64x128xf32, #tpu.memory_space<vmem_shared>>
      %dma_wait3A_103 = arith.constant 0 : i32
      %dma_wait3A_104 = arith.constant 0 : i32
      %dma_wait3A_105 = tpu.memref_slice %arg8[%run_scoped3A, %dma_wait3A_103, %dma_wait3A_104] : memref<2x64x128xf32, #tpu.memory_space<vmem>> -> memref<1x64x128xf32, #tpu.memory_space<vmem>>
      %dma_wait3A_106 = tpu.memref_squeeze %dma_wait3A_105 : memref<1x64x128xf32, #tpu.memory_space<vmem>> -> memref<64x128xf32, #tpu.memory_space<vmem>>
      tpu.wait_dma2 semaphore(%run_scoped3A_83 : memref<!tpu.dma_semaphore, #tpu.memory_space<semaphore_mem>>) src(%dma_wait3A_106 : memref<64x128xf32, #tpu.memory_space<vmem>>) dst(%dma_wait3A_102 : memref<64x128xf32, #tpu.memory_space<vmem_shared>>)
      tpu.yield
    }) : () -> ()
    %mul3A_9 = arith.constant 624 : i32
    %mul3A_10 = arith.muli %arg1, %mul3A_9 : i32
    %add3A_11 = arith.constant 64 : i32
    %add3A_12 = arith.addi %mul3A_10, %add3A_11 : i32
    %run_scoped3A_13 = arith.constant 0 : i32
    "tpu.region"() ({
      %run_scoped3A_83 = tpu.sem_alloc : memref<!tpu.dma_semaphore, #tpu.memory_space<semaphore_mem>>
      %dma_start3A_84 = arith.constant 0 : i32
      %dma_start3A_85 = arith.constant 0 : i32
      %dma_start3A_86 = tpu.memref_slice %arg8[%run_scoped3A_13, %dma_start3A_84, %dma_start3A_85] : memref<2x64x128xf32, #tpu.memory_space<vmem>> -> memref<1x64x128xf32, #tpu.memory_space<vmem>>
      %dma_start3A_87 = tpu.memref_squeeze %dma_start3A_86 : memref<1x64x128xf32, #tpu.memory_space<vmem>> -> memref<64x128xf32, #tpu.memory_space<vmem>>
      %dma_start3A_88 = arith.constant 0 : i32
      %dma_start3A_89 = tpu.memref_slice %arg9[%add3A_12, %dma_start3A_88] : memref<10016x128xf32, #tpu.memory_space<vmem_shared>> -> memref<64x128xf32, #tpu.memory_space<vmem_shared>>
      %dma_start3A_90 = arith.constant 0 : i32
      %dma_start3A_91 = tpu.memref_slice %arg9[%add3A_12, %dma_start3A_90] : memref<10016x128xf32, #tpu.memory_space<vmem_shared>> -> memref<64x128xf32, #tpu.memory_space<vmem_shared>>
      %dma_start3A_92 = arith.constant 0 : i32
      %dma_start3A_93 = arith.constant 0 : i32
      %dma_start3A_94 = tpu.memref_slice %arg8[%run_scoped3A_13, %dma_start3A_92, %dma_start3A_93] : memref<2x64x128xf32, #tpu.memory_space<vmem>> -> memref<1x64x128xf32, #tpu.memory_space<vmem>>
      %dma_start3A_95 = tpu.memref_squeeze %dma_start3A_94 : memref<1x64x128xf32, #tpu.memory_space<vmem>> -> memref<64x128xf32, #tpu.memory_space<vmem>>
      tpu.enqueue_dma source(%dma_start3A_95 : memref<64x128xf32, #tpu.memory_space<vmem>>) target(%dma_start3A_91 : memref<64x128xf32, #tpu.memory_space<vmem_shared>>) target_semaphore(%run_scoped3A_83 : memref<!tpu.dma_semaphore, #tpu.memory_space<semaphore_mem>>)
      %dma_wait3A = arith.constant 0 : i32
      %dma_wait3A_96 = arith.constant 0 : i32
      %dma_wait3A_97 = tpu.memref_slice %arg8[%run_scoped3A_13, %dma_wait3A, %dma_wait3A_96] : memref<2x64x128xf32, #tpu.memory_space<vmem>> -> memref<1x64x128xf32, #tpu.memory_space<vmem>>
      %dma_wait3A_98 = tpu.memref_squeeze %dma_wait3A_97 : memref<1x64x128xf32, #tpu.memory_space<vmem>> -> memref<64x128xf32, #tpu.memory_space<vmem>>
      %dma_wait3A_99 = arith.constant 0 : i32
      %dma_wait3A_100 = tpu.memref_slice %arg9[%add3A_12, %dma_wait3A_99] : memref<10016x128xf32, #tpu.memory_space<vmem_shared>> -> memref<64x128xf32, #tpu.memory_space<vmem_shared>>
      %dma_wait3A_101 = arith.constant 0 : i32
      %dma_wait3A_102 = tpu.memref_slice %arg9[%add3A_12, %dma_wait3A_101] : memref<10016x128xf32, #tpu.memory_space<vmem_shared>> -> memref<64x128xf32, #tpu.memory_space<vmem_shared>>
      %dma_wait3A_103 = arith.constant 0 : i32
      %dma_wait3A_104 = arith.constant 0 : i32
      %dma_wait3A_105 = tpu.memref_slice %arg8[%run_scoped3A_13, %dma_wait3A_103, %dma_wait3A_104] : memref<2x64x128xf32, #tpu.memory_space<vmem>> -> memref<1x64x128xf32, #tpu.memory_space<vmem>>
      %dma_wait3A_106 = tpu.memref_squeeze %dma_wait3A_105 : memref<1x64x128xf32, #tpu.memory_space<vmem>> -> memref<64x128xf32, #tpu.memory_space<vmem>>
      tpu.wait_dma2 semaphore(%run_scoped3A_83 : memref<!tpu.dma_semaphore, #tpu.memory_space<semaphore_mem>>) src(%dma_wait3A_106 : memref<64x128xf32, #tpu.memory_space<vmem>>) dst(%dma_wait3A_102 : memref<64x128xf32, #tpu.memory_space<vmem_shared>>)
      tpu.yield
    }) : () -> ()
    %mul3A_14 = arith.constant 624 : i32
    %mul3A_15 = arith.muli %arg1, %mul3A_14 : i32
    %add3A_16 = arith.constant 128 : i32
    %add3A_17 = arith.addi %mul3A_15, %add3A_16 : i32
    %run_scoped3A_18 = arith.constant 0 : i32
    "tpu.region"() ({
      %run_scoped3A_83 = tpu.sem_alloc : memref<!tpu.dma_semaphore, #tpu.memory_space<semaphore_mem>>
      %dma_start3A_84 = arith.constant 0 : i32
      %dma_start3A_85 = arith.constant 0 : i32
      %dma_start3A_86 = tpu.memref_slice %arg8[%run_scoped3A_18, %dma_start3A_84, %dma_start3A_85] : memref<2x64x128xf32, #tpu.memory_space<vmem>> -> memref<1x64x128xf32, #tpu.memory_space<vmem>>
      %dma_start3A_87 = tpu.memref_squeeze %dma_start3A_86 : memref<1x64x128xf32, #tpu.memory_space<vmem>> -> memref<64x128xf32, #tpu.memory_space<vmem>>
      %dma_start3A_88 = arith.constant 0 : i32
      %dma_start3A_89 = tpu.memref_slice %arg9[%add3A_17, %dma_start3A_88] : memref<10016x128xf32, #tpu.memory_space<vmem_shared>> -> memref<64x128xf32, #tpu.memory_space<vmem_shared>>
      %dma_start3A_90 = arith.constant 0 : i32
      %dma_start3A_91 = tpu.memref_slice %arg9[%add3A_17, %dma_start3A_90] : memref<10016x128xf32, #tpu.memory_space<vmem_shared>> -> memref<64x128xf32, #tpu.memory_space<vmem_shared>>
      %dma_start3A_92 = arith.constant 0 : i32
      %dma_start3A_93 = arith.constant 0 : i32
      %dma_start3A_94 = tpu.memref_slice %arg8[%run_scoped3A_18, %dma_start3A_92, %dma_start3A_93] : memref<2x64x128xf32, #tpu.memory_space<vmem>> -> memref<1x64x128xf32, #tpu.memory_space<vmem>>
      %dma_start3A_95 = tpu.memref_squeeze %dma_start3A_94 : memref<1x64x128xf32, #tpu.memory_space<vmem>> -> memref<64x128xf32, #tpu.memory_space<vmem>>
      tpu.enqueue_dma source(%dma_start3A_95 : memref<64x128xf32, #tpu.memory_space<vmem>>) target(%dma_start3A_91 : memref<64x128xf32, #tpu.memory_space<vmem_shared>>) target_semaphore(%run_scoped3A_83 : memref<!tpu.dma_semaphore, #tpu.memory_space<semaphore_mem>>)
      %dma_wait3A = arith.constant 0 : i32
      %dma_wait3A_96 = arith.constant 0 : i32
      %dma_wait3A_97 = tpu.memref_slice %arg8[%run_scoped3A_18, %dma_wait3A, %dma_wait3A_96] : memref<2x64x128xf32, #tpu.memory_space<vmem>> -> memref<1x64x128xf32, #tpu.memory_space<vmem>>
      %dma_wait3A_98 = tpu.memref_squeeze %dma_wait3A_97 : memref<1x64x128xf32, #tpu.memory_space<vmem>> -> memref<64x128xf32, #tpu.memory_space<vmem>>
      %dma_wait3A_99 = arith.constant 0 : i32
      %dma_wait3A_100 = tpu.memref_slice %arg9[%add3A_17, %dma_wait3A_99] : memref<10016x128xf32, #tpu.memory_space<vmem_shared>> -> memref<64x128xf32, #tpu.memory_space<vmem_shared>>
      %dma_wait3A_101 = arith.constant 0 : i32
      %dma_wait3A_102 = tpu.memref_slice %arg9[%add3A_17, %dma_wait3A_101] : memref<10016x128xf32, #tpu.memory_space<vmem_shared>> -> memref<64x128xf32, #tpu.memory_space<vmem_shared>>
      %dma_wait3A_103 = arith.constant 0 : i32
      %dma_wait3A_104 = arith.constant 0 : i32
      %dma_wait3A_105 = tpu.memref_slice %arg8[%run_scoped3A_18, %dma_wait3A_103, %dma_wait3A_104] : memref<2x64x128xf32, #tpu.memory_space<vmem>> -> memref<1x64x128xf32, #tpu.memory_space<vmem>>
      %dma_wait3A_106 = tpu.memref_squeeze %dma_wait3A_105 : memref<1x64x128xf32, #tpu.memory_space<vmem>> -> memref<64x128xf32, #tpu.memory_space<vmem>>
      tpu.wait_dma2 semaphore(%run_scoped3A_83 : memref<!tpu.dma_semaphore, #tpu.memory_space<semaphore_mem>>) src(%dma_wait3A_106 : memref<64x128xf32, #tpu.memory_space<vmem>>) dst(%dma_wait3A_102 : memref<64x128xf32, #tpu.memory_space<vmem_shared>>)
      tpu.yield
    }) : () -> ()
    %mul3A_19 = arith.constant 624 : i32
    %mul3A_20 = arith.muli %arg1, %mul3A_19 : i32
    %add3A_21 = arith.constant 192 : i32
    %add3A_22 = arith.addi %mul3A_20, %add3A_21 : i32
    %run_scoped3A_23 = arith.constant 0 : i32
    "tpu.region"() ({
      %run_scoped3A_83 = tpu.sem_alloc : memref<!tpu.dma_semaphore, #tpu.memory_space<semaphore_mem>>
      %dma_start3A_84 = arith.constant 0 : i32
      %dma_start3A_85 = arith.constant 0 : i32
      %dma_start3A_86 = tpu.memref_slice %arg8[%run_scoped3A_23, %dma_start3A_84, %dma_start3A_85] : memref<2x64x128xf32, #tpu.memory_space<vmem>> -> memref<1x64x128xf32, #tpu.memory_space<vmem>>
      %dma_start3A_87 = tpu.memref_squeeze %dma_start3A_86 : memref<1x64x128xf32, #tpu.memory_space<vmem>> -> memref<64x128xf32, #tpu.memory_space<vmem>>
      %dma_start3A_88 = arith.constant 0 : i32
      %dma_start3A_89 = tpu.memref_slice %arg9[%add3A_22, %dma_start3A_88] : memref<10016x128xf32, #tpu.memory_space<vmem_shared>> -> memref<64x128xf32, #tpu.memory_space<vmem_shared>>
      %dma_start3A_90 = arith.constant 0 : i32
      %dma_start3A_91 = tpu.memref_slice %arg9[%add3A_22, %dma_start3A_90] : memref<10016x128xf32, #tpu.memory_space<vmem_shared>> -> memref<64x128xf32, #tpu.memory_space<vmem_shared>>
      %dma_start3A_92 = arith.constant 0 : i32
      %dma_start3A_93 = arith.constant 0 : i32
      %dma_start3A_94 = tpu.memref_slice %arg8[%run_scoped3A_23, %dma_start3A_92, %dma_start3A_93] : memref<2x64x128xf32, #tpu.memory_space<vmem>> -> memref<1x64x128xf32, #tpu.memory_space<vmem>>
      %dma_start3A_95 = tpu.memref_squeeze %dma_start3A_94 : memref<1x64x128xf32, #tpu.memory_space<vmem>> -> memref<64x128xf32, #tpu.memory_space<vmem>>
      tpu.enqueue_dma source(%dma_start3A_95 : memref<64x128xf32, #tpu.memory_space<vmem>>) target(%dma_start3A_91 : memref<64x128xf32, #tpu.memory_space<vmem_shared>>) target_semaphore(%run_scoped3A_83 : memref<!tpu.dma_semaphore, #tpu.memory_space<semaphore_mem>>)
      %dma_wait3A = arith.constant 0 : i32
      %dma_wait3A_96 = arith.constant 0 : i32
      %dma_wait3A_97 = tpu.memref_slice %arg8[%run_scoped3A_23, %dma_wait3A, %dma_wait3A_96] : memref<2x64x128xf32, #tpu.memory_space<vmem>> -> memref<1x64x128xf32, #tpu.memory_space<vmem>>
      %dma_wait3A_98 = tpu.memref_squeeze %dma_wait3A_97 : memref<1x64x128xf32, #tpu.memory_space<vmem>> -> memref<64x128xf32, #tpu.memory_space<vmem>>
      %dma_wait3A_99 = arith.constant 0 : i32
      %dma_wait3A_100 = tpu.memref_slice %arg9[%add3A_22, %dma_wait3A_99] : memref<10016x128xf32, #tpu.memory_space<vmem_shared>> -> memref<64x128xf32, #tpu.memory_space<vmem_shared>>
      %dma_wait3A_101 = arith.constant 0 : i32
      %dma_wait3A_102 = tpu.memref_slice %arg9[%add3A_22, %dma_wait3A_101] : memref<10016x128xf32, #tpu.memory_space<vmem_shared>> -> memref<64x128xf32, #tpu.memory_space<vmem_shared>>
      %dma_wait3A_103 = arith.constant 0 : i32
      %dma_wait3A_104 = arith.constant 0 : i32
      %dma_wait3A_105 = tpu.memref_slice %arg8[%run_scoped3A_23, %dma_wait3A_103, %dma_wait3A_104] : memref<2x64x128xf32, #tpu.memory_space<vmem>> -> memref<1x64x128xf32, #tpu.memory_space<vmem>>
      %dma_wait3A_106 = tpu.memref_squeeze %dma_wait3A_105 : memref<1x64x128xf32, #tpu.memory_space<vmem>> -> memref<64x128xf32, #tpu.memory_space<vmem>>
      tpu.wait_dma2 semaphore(%run_scoped3A_83 : memref<!tpu.dma_semaphore, #tpu.memory_space<semaphore_mem>>) src(%dma_wait3A_106 : memref<64x128xf32, #tpu.memory_space<vmem>>) dst(%dma_wait3A_102 : memref<64x128xf32, #tpu.memory_space<vmem_shared>>)
      tpu.yield
    }) : () -> ()
    %mul3A_24 = arith.constant 624 : i32
    %mul3A_25 = arith.muli %arg1, %mul3A_24 : i32
    %add3A_26 = arith.constant 256 : i32
    %add3A_27 = arith.addi %mul3A_25, %add3A_26 : i32
    %run_scoped3A_28 = arith.constant 0 : i32
    "tpu.region"() ({
      %run_scoped3A_83 = tpu.sem_alloc : memref<!tpu.dma_semaphore, #tpu.memory_space<semaphore_mem>>
      %dma_start3A_84 = arith.constant 0 : i32
      %dma_start3A_85 = arith.constant 0 : i32
      %dma_start3A_86 = tpu.memref_slice %arg8[%run_scoped3A_28, %dma_start3A_84, %dma_start3A_85] : memref<2x64x128xf32, #tpu.memory_space<vmem>> -> memref<1x64x128xf32, #tpu.memory_space<vmem>>
      %dma_start3A_87 = tpu.memref_squeeze %dma_start3A_86 : memref<1x64x128xf32, #tpu.memory_space<vmem>> -> memref<64x128xf32, #tpu.memory_space<vmem>>
      %dma_start3A_88 = arith.constant 0 : i32
      %dma_start3A_89 = tpu.memref_slice %arg9[%add3A_27, %dma_start3A_88] : memref<10016x128xf32, #tpu.memory_space<vmem_shared>> -> memref<64x128xf32, #tpu.memory_space<vmem_shared>>
      %dma_start3A_90 = arith.constant 0 : i32
      %dma_start3A_91 = tpu.memref_slice %arg9[%add3A_27, %dma_start3A_90] : memref<10016x128xf32, #tpu.memory_space<vmem_shared>> -> memref<64x128xf32, #tpu.memory_space<vmem_shared>>
      %dma_start3A_92 = arith.constant 0 : i32
      %dma_start3A_93 = arith.constant 0 : i32
      %dma_start3A_94 = tpu.memref_slice %arg8[%run_scoped3A_28, %dma_start3A_92, %dma_start3A_93] : memref<2x64x128xf32, #tpu.memory_space<vmem>> -> memref<1x64x128xf32, #tpu.memory_space<vmem>>
      %dma_start3A_95 = tpu.memref_squeeze %dma_start3A_94 : memref<1x64x128xf32, #tpu.memory_space<vmem>> -> memref<64x128xf32, #tpu.memory_space<vmem>>
      tpu.enqueue_dma source(%dma_start3A_95 : memref<64x128xf32, #tpu.memory_space<vmem>>) target(%dma_start3A_91 : memref<64x128xf32, #tpu.memory_space<vmem_shared>>) target_semaphore(%run_scoped3A_83 : memref<!tpu.dma_semaphore, #tpu.memory_space<semaphore_mem>>)
      %dma_wait3A = arith.constant 0 : i32
      %dma_wait3A_96 = arith.constant 0 : i32
      %dma_wait3A_97 = tpu.memref_slice %arg8[%run_scoped3A_28, %dma_wait3A, %dma_wait3A_96] : memref<2x64x128xf32, #tpu.memory_space<vmem>> -> memref<1x64x128xf32, #tpu.memory_space<vmem>>
      %dma_wait3A_98 = tpu.memref_squeeze %dma_wait3A_97 : memref<1x64x128xf32, #tpu.memory_space<vmem>> -> memref<64x128xf32, #tpu.memory_space<vmem>>
      %dma_wait3A_99 = arith.constant 0 : i32
      %dma_wait3A_100 = tpu.memref_slice %arg9[%add3A_27, %dma_wait3A_99] : memref<10016x128xf32, #tpu.memory_space<vmem_shared>> -> memref<64x128xf32, #tpu.memory_space<vmem_shared>>
      %dma_wait3A_101 = arith.constant 0 : i32
      %dma_wait3A_102 = tpu.memref_slice %arg9[%add3A_27, %dma_wait3A_101] : memref<10016x128xf32, #tpu.memory_space<vmem_shared>> -> memref<64x128xf32, #tpu.memory_space<vmem_shared>>
      %dma_wait3A_103 = arith.constant 0 : i32
      %dma_wait3A_104 = arith.constant 0 : i32
      %dma_wait3A_105 = tpu.memref_slice %arg8[%run_scoped3A_28, %dma_wait3A_103, %dma_wait3A_104] : memref<2x64x128xf32, #tpu.memory_space<vmem>> -> memref<1x64x128xf32, #tpu.memory_space<vmem>>
      %dma_wait3A_106 = tpu.memref_squeeze %dma_wait3A_105 : memref<1x64x128xf32, #tpu.memory_space<vmem>> -> memref<64x128xf32, #tpu.memory_space<vmem>>
      tpu.wait_dma2 semaphore(%run_scoped3A_83 : memref<!tpu.dma_semaphore, #tpu.memory_space<semaphore_mem>>) src(%dma_wait3A_106 : memref<64x128xf32, #tpu.memory_space<vmem>>) dst(%dma_wait3A_102 : memref<64x128xf32, #tpu.memory_space<vmem_shared>>)
      tpu.yield
    }) : () -> ()
    %mul3A_29 = arith.constant 624 : i32
    %mul3A_30 = arith.muli %arg1, %mul3A_29 : i32
    %add3A_31 = arith.constant 320 : i32
    %add3A_32 = arith.addi %mul3A_30, %add3A_31 : i32
    %run_scoped3A_33 = arith.constant 0 : i32
    "tpu.region"() ({
      %run_scoped3A_83 = tpu.sem_alloc : memref<!tpu.dma_semaphore, #tpu.memory_space<semaphore_mem>>
      %dma_start3A_84 = arith.constant 0 : i32
      %dma_start3A_85 = arith.constant 0 : i32
      %dma_start3A_86 = tpu.memref_slice %arg8[%run_scoped3A_33, %dma_start3A_84, %dma_start3A_85] : memref<2x64x128xf32, #tpu.memory_space<vmem>> -> memref<1x64x128xf32, #tpu.memory_space<vmem>>
      %dma_start3A_87 = tpu.memref_squeeze %dma_start3A_86 : memref<1x64x128xf32, #tpu.memory_space<vmem>> -> memref<64x128xf32, #tpu.memory_space<vmem>>
      %dma_start3A_88 = arith.constant 0 : i32
      %dma_start3A_89 = tpu.memref_slice %arg9[%add3A_32, %dma_start3A_88] : memref<10016x128xf32, #tpu.memory_space<vmem_shared>> -> memref<64x128xf32, #tpu.memory_space<vmem_shared>>
      %dma_start3A_90 = arith.constant 0 : i32
      %dma_start3A_91 = tpu.memref_slice %arg9[%add3A_32, %dma_start3A_90] : memref<10016x128xf32, #tpu.memory_space<vmem_shared>> -> memref<64x128xf32, #tpu.memory_space<vmem_shared>>
      %dma_start3A_92 = arith.constant 0 : i32
      %dma_start3A_93 = arith.constant 0 : i32
      %dma_start3A_94 = tpu.memref_slice %arg8[%run_scoped3A_33, %dma_start3A_92, %dma_start3A_93] : memref<2x64x128xf32, #tpu.memory_space<vmem>> -> memref<1x64x128xf32, #tpu.memory_space<vmem>>
      %dma_start3A_95 = tpu.memref_squeeze %dma_start3A_94 : memref<1x64x128xf32, #tpu.memory_space<vmem>> -> memref<64x128xf32, #tpu.memory_space<vmem>>
      tpu.enqueue_dma source(%dma_start3A_95 : memref<64x128xf32, #tpu.memory_space<vmem>>) target(%dma_start3A_91 : memref<64x128xf32, #tpu.memory_space<vmem_shared>>) target_semaphore(%run_scoped3A_83 : memref<!tpu.dma_semaphore, #tpu.memory_space<semaphore_mem>>)
      %dma_wait3A = arith.constant 0 : i32
      %dma_wait3A_96 = arith.constant 0 : i32
      %dma_wait3A_97 = tpu.memref_slice %arg8[%run_scoped3A_33, %dma_wait3A, %dma_wait3A_96] : memref<2x64x128xf32, #tpu.memory_space<vmem>> -> memref<1x64x128xf32, #tpu.memory_space<vmem>>
      %dma_wait3A_98 = tpu.memref_squeeze %dma_wait3A_97 : memref<1x64x128xf32, #tpu.memory_space<vmem>> -> memref<64x128xf32, #tpu.memory_space<vmem>>
      %dma_wait3A_99 = arith.constant 0 : i32
      %dma_wait3A_100 = tpu.memref_slice %arg9[%add3A_32, %dma_wait3A_99] : memref<10016x128xf32, #tpu.memory_space<vmem_shared>> -> memref<64x128xf32, #tpu.memory_space<vmem_shared>>
      %dma_wait3A_101 = arith.constant 0 : i32
      %dma_wait3A_102 = tpu.memref_slice %arg9[%add3A_32, %dma_wait3A_101] : memref<10016x128xf32, #tpu.memory_space<vmem_shared>> -> memref<64x128xf32, #tpu.memory_space<vmem_shared>>
      %dma_wait3A_103 = arith.constant 0 : i32
      %dma_wait3A_104 = arith.constant 0 : i32
      %dma_wait3A_105 = tpu.memref_slice %arg8[%run_scoped3A_33, %dma_wait3A_103, %dma_wait3A_104] : memref<2x64x128xf32, #tpu.memory_space<vmem>> -> memref<1x64x128xf32, #tpu.memory_space<vmem>>
      %dma_wait3A_106 = tpu.memref_squeeze %dma_wait3A_105 : memref<1x64x128xf32, #tpu.memory_space<vmem>> -> memref<64x128xf32, #tpu.memory_space<vmem>>
      tpu.wait_dma2 semaphore(%run_scoped3A_83 : memref<!tpu.dma_semaphore, #tpu.memory_space<semaphore_mem>>) src(%dma_wait3A_106 : memref<64x128xf32, #tpu.memory_space<vmem>>) dst(%dma_wait3A_102 : memref<64x128xf32, #tpu.memory_space<vmem_shared>>)
      tpu.yield
    }) : () -> ()
    %mul3A_34 = arith.constant 624 : i32
    %mul3A_35 = arith.muli %arg1, %mul3A_34 : i32
    %add3A_36 = arith.constant 384 : i32
    %add3A_37 = arith.addi %mul3A_35, %add3A_36 : i32
    %run_scoped3A_38 = arith.constant 0 : i32
    "tpu.region"() ({
      %run_scoped3A_83 = tpu.sem_alloc : memref<!tpu.dma_semaphore, #tpu.memory_space<semaphore_mem>>
      %dma_start3A_84 = arith.constant 0 : i32
      %dma_start3A_85 = arith.constant 0 : i32
      %dma_start3A_86 = tpu.memref_slice %arg8[%run_scoped3A_38, %dma_start3A_84, %dma_start3A_85] : memref<2x64x128xf32, #tpu.memory_space<vmem>> -> memref<1x64x128xf32, #tpu.memory_space<vmem>>
      %dma_start3A_87 = tpu.memref_squeeze %dma_start3A_86 : memref<1x64x128xf32, #tpu.memory_space<vmem>> -> memref<64x128xf32, #tpu.memory_space<vmem>>
      %dma_start3A_88 = arith.constant 0 : i32
      %dma_start3A_89 = tpu.memref_slice %arg9[%add3A_37, %dma_start3A_88] : memref<10016x128xf32, #tpu.memory_space<vmem_shared>> -> memref<64x128xf32, #tpu.memory_space<vmem_shared>>
      %dma_start3A_90 = arith.constant 0 : i32
      %dma_start3A_91 = tpu.memref_slice %arg9[%add3A_37, %dma_start3A_90] : memref<10016x128xf32, #tpu.memory_space<vmem_shared>> -> memref<64x128xf32, #tpu.memory_space<vmem_shared>>
      %dma_start3A_92 = arith.constant 0 : i32
      %dma_start3A_93 = arith.constant 0 : i32
      %dma_start3A_94 = tpu.memref_slice %arg8[%run_scoped3A_38, %dma_start3A_92, %dma_start3A_93] : memref<2x64x128xf32, #tpu.memory_space<vmem>> -> memref<1x64x128xf32, #tpu.memory_space<vmem>>
      %dma_start3A_95 = tpu.memref_squeeze %dma_start3A_94 : memref<1x64x128xf32, #tpu.memory_space<vmem>> -> memref<64x128xf32, #tpu.memory_space<vmem>>
      tpu.enqueue_dma source(%dma_start3A_95 : memref<64x128xf32, #tpu.memory_space<vmem>>) target(%dma_start3A_91 : memref<64x128xf32, #tpu.memory_space<vmem_shared>>) target_semaphore(%run_scoped3A_83 : memref<!tpu.dma_semaphore, #tpu.memory_space<semaphore_mem>>)
      %dma_wait3A = arith.constant 0 : i32
      %dma_wait3A_96 = arith.constant 0 : i32
      %dma_wait3A_97 = tpu.memref_slice %arg8[%run_scoped3A_38, %dma_wait3A, %dma_wait3A_96] : memref<2x64x128xf32, #tpu.memory_space<vmem>> -> memref<1x64x128xf32, #tpu.memory_space<vmem>>
      %dma_wait3A_98 = tpu.memref_squeeze %dma_wait3A_97 : memref<1x64x128xf32, #tpu.memory_space<vmem>> -> memref<64x128xf32, #tpu.memory_space<vmem>>
      %dma_wait3A_99 = arith.constant 0 : i32
      %dma_wait3A_100 = tpu.memref_slice %arg9[%add3A_37, %dma_wait3A_99] : memref<10016x128xf32, #tpu.memory_space<vmem_shared>> -> memref<64x128xf32, #tpu.memory_space<vmem_shared>>
      %dma_wait3A_101 = arith.constant 0 : i32
      %dma_wait3A_102 = tpu.memref_slice %arg9[%add3A_37, %dma_wait3A_101] : memref<10016x128xf32, #tpu.memory_space<vmem_shared>> -> memref<64x128xf32, #tpu.memory_space<vmem_shared>>
      %dma_wait3A_103 = arith.constant 0 : i32
      %dma_wait3A_104 = arith.constant 0 : i32
      %dma_wait3A_105 = tpu.memref_slice %arg8[%run_scoped3A_38, %dma_wait3A_103, %dma_wait3A_104] : memref<2x64x128xf32, #tpu.memory_space<vmem>> -> memref<1x64x128xf32, #tpu.memory_space<vmem>>
      %dma_wait3A_106 = tpu.memref_squeeze %dma_wait3A_105 : memref<1x64x128xf32, #tpu.memory_space<vmem>> -> memref<64x128xf32, #tpu.memory_space<vmem>>
      tpu.wait_dma2 semaphore(%run_scoped3A_83 : memref<!tpu.dma_semaphore, #tpu.memory_space<semaphore_mem>>) src(%dma_wait3A_106 : memref<64x128xf32, #tpu.memory_space<vmem>>) dst(%dma_wait3A_102 : memref<64x128xf32, #tpu.memory_space<vmem_shared>>)
      tpu.yield
    }) : () -> ()
    %mul3A_39 = arith.constant 624 : i32
    %mul3A_40 = arith.muli %arg1, %mul3A_39 : i32
    %add3A_41 = arith.constant 448 : i32
    %add3A_42 = arith.addi %mul3A_40, %add3A_41 : i32
    %run_scoped3A_43 = arith.constant 0 : i32
    "tpu.region"() ({
      %run_scoped3A_83 = tpu.sem_alloc : memref<!tpu.dma_semaphore, #tpu.memory_space<semaphore_mem>>
      %dma_start3A_84 = arith.constant 0 : i32
      %dma_start3A_85 = arith.constant 0 : i32
      %dma_start3A_86 = tpu.memref_slice %arg8[%run_scoped3A_43, %dma_start3A_84, %dma_start3A_85] : memref<2x64x128xf32, #tpu.memory_space<vmem>> -> memref<1x64x128xf32, #tpu.memory_space<vmem>>
      %dma_start3A_87 = tpu.memref_squeeze %dma_start3A_86 : memref<1x64x128xf32, #tpu.memory_space<vmem>> -> memref<64x128xf32, #tpu.memory_space<vmem>>
      %dma_start3A_88 = arith.constant 0 : i32
      %dma_start3A_89 = tpu.memref_slice %arg9[%add3A_42, %dma_start3A_88] : memref<10016x128xf32, #tpu.memory_space<vmem_shared>> -> memref<64x128xf32, #tpu.memory_space<vmem_shared>>
      %dma_start3A_90 = arith.constant 0 : i32
      %dma_start3A_91 = tpu.memref_slice %arg9[%add3A_42, %dma_start3A_90] : memref<10016x128xf32, #tpu.memory_space<vmem_shared>> -> memref<64x128xf32, #tpu.memory_space<vmem_shared>>
      %dma_start3A_92 = arith.constant 0 : i32
      %dma_start3A_93 = arith.constant 0 : i32
      %dma_start3A_94 = tpu.memref_slice %arg8[%run_scoped3A_43, %dma_start3A_92, %dma_start3A_93] : memref<2x64x128xf32, #tpu.memory_space<vmem>> -> memref<1x64x128xf32, #tpu.memory_space<vmem>>
      %dma_start3A_95 = tpu.memref_squeeze %dma_start3A_94 : memref<1x64x128xf32, #tpu.memory_space<vmem>> -> memref<64x128xf32, #tpu.memory_space<vmem>>
      tpu.enqueue_dma source(%dma_start3A_95 : memref<64x128xf32, #tpu.memory_space<vmem>>) target(%dma_start3A_91 : memref<64x128xf32, #tpu.memory_space<vmem_shared>>) target_semaphore(%run_scoped3A_83 : memref<!tpu.dma_semaphore, #tpu.memory_space<semaphore_mem>>)
      %dma_wait3A = arith.constant 0 : i32
      %dma_wait3A_96 = arith.constant 0 : i32
      %dma_wait3A_97 = tpu.memref_slice %arg8[%run_scoped3A_43, %dma_wait3A, %dma_wait3A_96] : memref<2x64x128xf32, #tpu.memory_space<vmem>> -> memref<1x64x128xf32, #tpu.memory_space<vmem>>
      %dma_wait3A_98 = tpu.memref_squeeze %dma_wait3A_97 : memref<1x64x128xf32, #tpu.memory_space<vmem>> -> memref<64x128xf32, #tpu.memory_space<vmem>>
      %dma_wait3A_99 = arith.constant 0 : i32
      %dma_wait3A_100 = tpu.memref_slice %arg9[%add3A_42, %dma_wait3A_99] : memref<10016x128xf32, #tpu.memory_space<vmem_shared>> -> memref<64x128xf32, #tpu.memory_space<vmem_shared>>
      %dma_wait3A_101 = arith.constant 0 : i32
      %dma_wait3A_102 = tpu.memref_slice %arg9[%add3A_42, %dma_wait3A_101] : memref<10016x128xf32, #tpu.memory_space<vmem_shared>> -> memref<64x128xf32, #tpu.memory_space<vmem_shared>>
      %dma_wait3A_103 = arith.constant 0 : i32
      %dma_wait3A_104 = arith.constant 0 : i32
      %dma_wait3A_105 = tpu.memref_slice %arg8[%run_scoped3A_43, %dma_wait3A_103, %dma_wait3A_104] : memref<2x64x128xf32, #tpu.memory_space<vmem>> -> memref<1x64x128xf32, #tpu.memory_space<vmem>>
      %dma_wait3A_106 = tpu.memref_squeeze %dma_wait3A_105 : memref<1x64x128xf32, #tpu.memory_space<vmem>> -> memref<64x128xf32, #tpu.memory_space<vmem>>
      tpu.wait_dma2 semaphore(%run_scoped3A_83 : memref<!tpu.dma_semaphore, #tpu.memory_space<semaphore_mem>>) src(%dma_wait3A_106 : memref<64x128xf32, #tpu.memory_space<vmem>>) dst(%dma_wait3A_102 : memref<64x128xf32, #tpu.memory_space<vmem_shared>>)
      tpu.yield
    }) : () -> ()
    %mul3A_44 = arith.constant 624 : i32
    %mul3A_45 = arith.muli %arg1, %mul3A_44 : i32
    %add3A_46 = arith.constant 512 : i32
    %add3A_47 = arith.addi %mul3A_45, %add3A_46 : i32
    %run_scoped3A_48 = arith.constant 0 : i32
    "tpu.region"() ({
      %run_scoped3A_83 = tpu.sem_alloc : memref<!tpu.dma_semaphore, #tpu.memory_space<semaphore_mem>>
      %dma_start3A_84 = arith.constant 0 : i32
      %dma_start3A_85 = arith.constant 0 : i32
      %dma_start3A_86 = tpu.memref_slice %arg8[%run_scoped3A_48, %dma_start3A_84, %dma_start3A_85] : memref<2x64x128xf32, #tpu.memory_space<vmem>> -> memref<1x64x128xf32, #tpu.memory_space<vmem>>
      %dma_start3A_87 = tpu.memref_squeeze %dma_start3A_86 : memref<1x64x128xf32, #tpu.memory_space<vmem>> -> memref<64x128xf32, #tpu.memory_space<vmem>>
      %dma_start3A_88 = arith.constant 0 : i32
      %dma_start3A_89 = tpu.memref_slice %arg9[%add3A_47, %dma_start3A_88] : memref<10016x128xf32, #tpu.memory_space<vmem_shared>> -> memref<64x128xf32, #tpu.memory_space<vmem_shared>>
      %dma_start3A_90 = arith.constant 0 : i32
      %dma_start3A_91 = tpu.memref_slice %arg9[%add3A_47, %dma_start3A_90] : memref<10016x128xf32, #tpu.memory_space<vmem_shared>> -> memref<64x128xf32, #tpu.memory_space<vmem_shared>>
      %dma_start3A_92 = arith.constant 0 : i32
      %dma_start3A_93 = arith.constant 0 : i32
      %dma_start3A_94 = tpu.memref_slice %arg8[%run_scoped3A_48, %dma_start3A_92, %dma_start3A_93] : memref<2x64x128xf32, #tpu.memory_space<vmem>> -> memref<1x64x128xf32, #tpu.memory_space<vmem>>
      %dma_start3A_95 = tpu.memref_squeeze %dma_start3A_94 : memref<1x64x128xf32, #tpu.memory_space<vmem>> -> memref<64x128xf32, #tpu.memory_space<vmem>>
      tpu.enqueue_dma source(%dma_start3A_95 : memref<64x128xf32, #tpu.memory_space<vmem>>) target(%dma_start3A_91 : memref<64x128xf32, #tpu.memory_space<vmem_shared>>) target_semaphore(%run_scoped3A_83 : memref<!tpu.dma_semaphore, #tpu.memory_space<semaphore_mem>>)
      %dma_wait3A = arith.constant 0 : i32
      %dma_wait3A_96 = arith.constant 0 : i32
      %dma_wait3A_97 = tpu.memref_slice %arg8[%run_scoped3A_48, %dma_wait3A, %dma_wait3A_96] : memref<2x64x128xf32, #tpu.memory_space<vmem>> -> memref<1x64x128xf32, #tpu.memory_space<vmem>>
      %dma_wait3A_98 = tpu.memref_squeeze %dma_wait3A_97 : memref<1x64x128xf32, #tpu.memory_space<vmem>> -> memref<64x128xf32, #tpu.memory_space<vmem>>
      %dma_wait3A_99 = arith.constant 0 : i32
      %dma_wait3A_100 = tpu.memref_slice %arg9[%add3A_47, %dma_wait3A_99] : memref<10016x128xf32, #tpu.memory_space<vmem_shared>> -> memref<64x128xf32, #tpu.memory_space<vmem_shared>>
      %dma_wait3A_101 = arith.constant 0 : i32
      %dma_wait3A_102 = tpu.memref_slice %arg9[%add3A_47, %dma_wait3A_101] : memref<10016x128xf32, #tpu.memory_space<vmem_shared>> -> memref<64x128xf32, #tpu.memory_space<vmem_shared>>
      %dma_wait3A_103 = arith.constant 0 : i32
      %dma_wait3A_104 = arith.constant 0 : i32
      %dma_wait3A_105 = tpu.memref_slice %arg8[%run_scoped3A_48, %dma_wait3A_103, %dma_wait3A_104] : memref<2x64x128xf32, #tpu.memory_space<vmem>> -> memref<1x64x128xf32, #tpu.memory_space<vmem>>
      %dma_wait3A_106 = tpu.memref_squeeze %dma_wait3A_105 : memref<1x64x128xf32, #tpu.memory_space<vmem>> -> memref<64x128xf32, #tpu.memory_space<vmem>>
      tpu.wait_dma2 semaphore(%run_scoped3A_83 : memref<!tpu.dma_semaphore, #tpu.memory_space<semaphore_mem>>) src(%dma_wait3A_106 : memref<64x128xf32, #tpu.memory_space<vmem>>) dst(%dma_wait3A_102 : memref<64x128xf32, #tpu.memory_space<vmem_shared>>)
      tpu.yield
    }) : () -> ()
    %mul3A_49 = arith.constant 624 : i32
    %mul3A_50 = arith.muli %arg1, %mul3A_49 : i32
    %add3A_51 = arith.constant 576 : i32
    %add3A_52 = arith.addi %mul3A_50, %add3A_51 : i32
    %run_scoped3A_53 = arith.constant 0 : i32
    "tpu.region"() ({
      %run_scoped3A_83 = tpu.sem_alloc : memref<!tpu.dma_semaphore, #tpu.memory_space<semaphore_mem>>
      %dma_start3A_84 = arith.constant 0 : i32
      %dma_start3A_85 = arith.constant 0 : i32
      %dma_start3A_86 = tpu.memref_slice %arg8[%run_scoped3A_53, %dma_start3A_84, %dma_start3A_85] : memref<2x64x128xf32, #tpu.memory_space<vmem>> -> memref<1x64x128xf32, #tpu.memory_space<vmem>>
      %dma_start3A_87 = tpu.memref_squeeze %dma_start3A_86 : memref<1x64x128xf32, #tpu.memory_space<vmem>> -> memref<64x128xf32, #tpu.memory_space<vmem>>
      %dma_start3A_88 = arith.constant 0 : i32
      %dma_start3A_89 = tpu.memref_slice %arg9[%add3A_52, %dma_start3A_88] : memref<10016x128xf32, #tpu.memory_space<vmem_shared>> -> memref<64x128xf32, #tpu.memory_space<vmem_shared>>
      %dma_start3A_90 = arith.constant 0 : i32
      %dma_start3A_91 = tpu.memref_slice %arg9[%add3A_52, %dma_start3A_90] : memref<10016x128xf32, #tpu.memory_space<vmem_shared>> -> memref<64x128xf32, #tpu.memory_space<vmem_shared>>
      %dma_start3A_92 = arith.constant 0 : i32
      %dma_start3A_93 = arith.constant 0 : i32
      %dma_start3A_94 = tpu.memref_slice %arg8[%run_scoped3A_53, %dma_start3A_92, %dma_start3A_93] : memref<2x64x128xf32, #tpu.memory_space<vmem>> -> memref<1x64x128xf32, #tpu.memory_space<vmem>>
      %dma_start3A_95 = tpu.memref_squeeze %dma_start3A_94 : memref<1x64x128xf32, #tpu.memory_space<vmem>> -> memref<64x128xf32, #tpu.memory_space<vmem>>
      tpu.enqueue_dma source(%dma_start3A_95 : memref<64x128xf32, #tpu.memory_space<vmem>>) target(%dma_start3A_91 : memref<64x128xf32, #tpu.memory_space<vmem_shared>>) target_semaphore(%run_scoped3A_83 : memref<!tpu.dma_semaphore, #tpu.memory_space<semaphore_mem>>)
      %dma_wait3A = arith.constant 0 : i32
      %dma_wait3A_96 = arith.constant 0 : i32
      %dma_wait3A_97 = tpu.memref_slice %arg8[%run_scoped3A_53, %dma_wait3A, %dma_wait3A_96] : memref<2x64x128xf32, #tpu.memory_space<vmem>> -> memref<1x64x128xf32, #tpu.memory_space<vmem>>
      %dma_wait3A_98 = tpu.memref_squeeze %dma_wait3A_97 : memref<1x64x128xf32, #tpu.memory_space<vmem>> -> memref<64x128xf32, #tpu.memory_space<vmem>>
      %dma_wait3A_99 = arith.constant 0 : i32
      %dma_wait3A_100 = tpu.memref_slice %arg9[%add3A_52, %dma_wait3A_99] : memref<10016x128xf32, #tpu.memory_space<vmem_shared>> -> memref<64x128xf32, #tpu.memory_space<vmem_shared>>
      %dma_wait3A_101 = arith.constant 0 : i32
      %dma_wait3A_102 = tpu.memref_slice %arg9[%add3A_52, %dma_wait3A_101] : memref<10016x128xf32, #tpu.memory_space<vmem_shared>> -> memref<64x128xf32, #tpu.memory_space<vmem_shared>>
      %dma_wait3A_103 = arith.constant 0 : i32
      %dma_wait3A_104 = arith.constant 0 : i32
      %dma_wait3A_105 = tpu.memref_slice %arg8[%run_scoped3A_53, %dma_wait3A_103, %dma_wait3A_104] : memref<2x64x128xf32, #tpu.memory_space<vmem>> -> memref<1x64x128xf32, #tpu.memory_space<vmem>>
      %dma_wait3A_106 = tpu.memref_squeeze %dma_wait3A_105 : memref<1x64x128xf32, #tpu.memory_space<vmem>> -> memref<64x128xf32, #tpu.memory_space<vmem>>
      tpu.wait_dma2 semaphore(%run_scoped3A_83 : memref<!tpu.dma_semaphore, #tpu.memory_space<semaphore_mem>>) src(%dma_wait3A_106 : memref<64x128xf32, #tpu.memory_space<vmem>>) dst(%dma_wait3A_102 : memref<64x128xf32, #tpu.memory_space<vmem_shared>>)
      tpu.yield
    }) : () -> ()
    %barrier3A = arith.constant 0 : index
    tpu.barrier barrier_id(%barrier3A)
    "tpu.region"() ({
      %run_scoped3A_83 = tpu.sem_alloc : memref<!tpu.dma_semaphore, #tpu.memory_space<semaphore_mem>>
      %dma_start3A_84 = arith.constant 0 : i32
      %dma_start3A_85 = tpu.memref_slice %arg3[%add3A, %dma_start3A_84] : memref<32x10368xi32, #tpu.memory_space<hbm>> -> memref<1x10368xi32, #tpu.memory_space<hbm>>
      %dma_start3A_86 = tpu.memref_squeeze %dma_start3A_85 : memref<1x10368xi32, #tpu.memory_space<hbm>> -> memref<10368xi32, #tpu.memory_space<hbm>>
      %dma_start3A_87 = arith.constant 0 : i32
      %dma_start3A_88 = tpu.memref_slice %arg3[%add3A, %dma_start3A_87] : memref<32x10368xi32, #tpu.memory_space<hbm>> -> memref<1x10368xi32, #tpu.memory_space<hbm>>
      %dma_start3A_89 = tpu.memref_squeeze %dma_start3A_88 : memref<1x10368xi32, #tpu.memory_space<hbm>> -> memref<10368xi32, #tpu.memory_space<hbm>>
      tpu.enqueue_dma source(%dma_start3A_89 : memref<10368xi32, #tpu.memory_space<hbm>>) target(%arg6 : memref<10368xi32, #tpu.memory_space<vmem>>) target_semaphore(%run_scoped3A_83 : memref<!tpu.dma_semaphore, #tpu.memory_space<semaphore_mem>>)
      %dma_wait3A = arith.constant 0 : i32
      %dma_wait3A_90 = tpu.memref_slice %arg3[%add3A, %dma_wait3A] : memref<32x10368xi32, #tpu.memory_space<hbm>> -> memref<1x10368xi32, #tpu.memory_space<hbm>>
      %dma_wait3A_91 = tpu.memref_squeeze %dma_wait3A_90 : memref<1x10368xi32, #tpu.memory_space<hbm>> -> memref<10368xi32, #tpu.memory_space<hbm>>
      %dma_wait3A_92 = arith.constant 0 : i32
      %dma_wait3A_93 = tpu.memref_slice %arg3[%add3A, %dma_wait3A_92] : memref<32x10368xi32, #tpu.memory_space<hbm>> -> memref<1x10368xi32, #tpu.memory_space<hbm>>
      %dma_wait3A_94 = tpu.memref_squeeze %dma_wait3A_93 : memref<1x10368xi32, #tpu.memory_space<hbm>> -> memref<10368xi32, #tpu.memory_space<hbm>>
      tpu.wait_dma2 semaphore(%run_scoped3A_83 : memref<!tpu.dma_semaphore, #tpu.memory_space<semaphore_mem>>) src(%dma_wait3A_94 : memref<10368xi32, #tpu.memory_space<hbm>>) dst(%arg6 : memref<10368xi32, #tpu.memory_space<vmem>>)
      tpu.yield
    }) : () -> ()
    "tpu.region"() ({
      %run_scoped3A_83 = tpu.sem_alloc : memref<!tpu.dma_semaphore, #tpu.memory_space<semaphore_mem>>
      %dma_start3A_84 = arith.constant 0 : i32
      %dma_start3A_85 = arith.constant 0 : i32
      %dma_start3A_86 = tpu.memref_slice %arg4[%add3A, %dma_start3A_84, %dma_start3A_85] : memref<32x162x64xi32, #tpu.memory_space<hbm>> -> memref<1x162x64xi32, #tpu.memory_space<hbm>>
      %dma_start3A_87 = tpu.memref_squeeze %dma_start3A_86 : memref<1x162x64xi32, #tpu.memory_space<hbm>> -> memref<162x64xi32, #tpu.memory_space<hbm>>
      %dma_start3A_88 = arith.constant 0 : i32
      %dma_start3A_89 = arith.constant 0 : i32
      %dma_start3A_90 = tpu.memref_slice %arg4[%add3A, %dma_start3A_88, %dma_start3A_89] : memref<32x162x64xi32, #tpu.memory_space<hbm>> -> memref<1x162x64xi32, #tpu.memory_space<hbm>>
      %dma_start3A_91 = tpu.memref_squeeze %dma_start3A_90 : memref<1x162x64xi32, #tpu.memory_space<hbm>> -> memref<162x64xi32, #tpu.memory_space<hbm>>
      tpu.enqueue_dma source(%dma_start3A_91 : memref<162x64xi32, #tpu.memory_space<hbm>>) target(%arg7 : memref<162x64xi32, #tpu.memory_space<vmem>>) target_semaphore(%run_scoped3A_83 : memref<!tpu.dma_semaphore, #tpu.memory_space<semaphore_mem>>)
      %dma_wait3A = arith.constant 0 : i32
      %dma_wait3A_92 = arith.constant 0 : i32
      %dma_wait3A_93 = tpu.memref_slice %arg4[%add3A, %dma_wait3A, %dma_wait3A_92] : memref<32x162x64xi32, #tpu.memory_space<hbm>> -> memref<1x162x64xi32, #tpu.memory_space<hbm>>
      %dma_wait3A_94 = tpu.memref_squeeze %dma_wait3A_93 : memref<1x162x64xi32, #tpu.memory_space<hbm>> -> memref<162x64xi32, #tpu.memory_space<hbm>>
      %dma_wait3A_95 = arith.constant 0 : i32
      %dma_wait3A_96 = arith.constant 0 : i32
      %dma_wait3A_97 = tpu.memref_slice %arg4[%add3A, %dma_wait3A_95, %dma_wait3A_96] : memref<32x162x64xi32, #tpu.memory_space<hbm>> -> memref<1x162x64xi32, #tpu.memory_space<hbm>>
      %dma_wait3A_98 = tpu.memref_squeeze %dma_wait3A_97 : memref<1x162x64xi32, #tpu.memory_space<hbm>> -> memref<162x64xi32, #tpu.memory_space<hbm>>
      tpu.wait_dma2 semaphore(%run_scoped3A_83 : memref<!tpu.dma_semaphore, #tpu.memory_space<semaphore_mem>>) src(%dma_wait3A_98 : memref<162x64xi32, #tpu.memory_space<hbm>>) dst(%arg7 : memref<162x64xi32, #tpu.memory_space<vmem>>)
      tpu.yield
    }) : () -> ()
    %dma_start3A = arith.constant 0 : i32
    %dma_start3A_54 = arith.constant 0 : i32
    %dma_start3A_55 = arith.constant 0 : i32
    %dma_start3A_56 = tpu.memref_slice %arg8[%dma_start3A, %dma_start3A_54, %dma_start3A_55] : memref<2x64x128xf32, #tpu.memory_space<vmem>> -> memref<1x64x128xf32, #tpu.memory_space<vmem>>
    %dma_start3A_57 = tpu.memref_squeeze %dma_start3A_56 : memref<1x64x128xf32, #tpu.memory_space<vmem>> -> memref<64x128xf32, #tpu.memory_space<vmem>>
    %dma_start3A_58 = arith.constant 0 : i32
    %dma_start3A_59 = tpu.memref_slice %arg6[%dma_start3A_58] : memref<10368xi32, #tpu.memory_space<vmem>> -> memref<64xi32, #tpu.memory_space<vmem>>
    %dma_start3A_60 = arith.constant 0 : i32
    %dma_start3A_61 = arith.constant 0 : i32
    %dma_start3A_62 = tpu.memref_slice %arg2[%dma_start3A_60, %dma_start3A_61] : memref<10000x128xf32, #tpu.memory_space<hbm>> -> memref<10000x128xf32, #tpu.memory_space<hbm>>
    tpu.enqueue_indirect_dma source(%dma_start3A_62 : memref<10000x128xf32, #tpu.memory_space<hbm>>) target(%dma_start3A_57 : memref<64x128xf32, #tpu.memory_space<vmem>>) offsets(%dma_start3A_59 : memref<64xi32, #tpu.memory_space<vmem>>) semaphore(%arg10 : memref<!tpu.dma_semaphore, #tpu.memory_space<semaphore_mem>>)
    %dma_start3A_63 = arith.constant 1 : i32
    %dma_start3A_64 = arith.constant 0 : i32
    %dma_start3A_65 = arith.constant 0 : i32
    %dma_start3A_66 = tpu.memref_slice %arg8[%dma_start3A_63, %dma_start3A_64, %dma_start3A_65] : memref<2x64x128xf32, #tpu.memory_space<vmem>> -> memref<1x64x128xf32, #tpu.memory_space<vmem>>
    %dma_start3A_67 = tpu.memref_squeeze %dma_start3A_66 : memref<1x64x128xf32, #tpu.memory_space<vmem>> -> memref<64x128xf32, #tpu.memory_space<vmem>>
    %dma_start3A_68 = arith.constant 64 : i32
    %dma_start3A_69 = tpu.memref_slice %arg6[%dma_start3A_68] : memref<10368xi32, #tpu.memory_space<vmem>> -> memref<64xi32, #tpu.memory_space<vmem>>
    %dma_start3A_70 = arith.constant 0 : i32
    %dma_start3A_71 = arith.constant 0 : i32
    %dma_start3A_72 = tpu.memref_slice %arg2[%dma_start3A_70, %dma_start3A_71] : memref<10000x128xf32, #tpu.memory_space<hbm>> -> memref<10000x128xf32, #tpu.memory_space<hbm>>
    tpu.enqueue_indirect_dma source(%dma_start3A_72 : memref<10000x128xf32, #tpu.memory_space<hbm>>) target(%dma_start3A_67 : memref<64x128xf32, #tpu.memory_space<vmem>>) offsets(%dma_start3A_69 : memref<64xi32, #tpu.memory_space<vmem>>) semaphore(%arg11 : memref<!tpu.dma_semaphore, #tpu.memory_space<semaphore_mem>>)
    %scan3A_73 = arith.constant 0 : i32
    %scan3A_74 = arith.constant 81 : i32
    %scan3A_75 = arith.addi %scan3A_73, %scan3A_74 : i32
    %scan3A_76 = arith.constant 1 : i32
    scf.for %scan3A_83 = %scan3A_73 to %scan3A_75 step %scan3A_76  : i32 {
      %mul3A_84 = arith.constant 2 : i32
      %mul3A_85 = arith.muli %scan3A_83, %mul3A_84 : i32
      %add3A_86 = arith.constant 0 : i32
      %add3A_87 = arith.addi %add3A_86, %mul3A_85 : i32
      %add3A_88 = arith.constant 0 : i32
      %add3A_89 = arith.addi %add3A_87, %add3A_88 : i32
      %dma_wait3A = arith.constant 0 : i32
      %dma_wait3A_90 = arith.constant 0 : i32
      %dma_wait3A_91 = arith.constant 0 : i32
      %dma_wait3A_92 = tpu.memref_slice %arg8[%dma_wait3A, %dma_wait3A_90, %dma_wait3A_91] : memref<2x64x128xf32, #tpu.memory_space<vmem>> -> memref<1x64x128xf32, #tpu.memory_space<vmem>>
      %dma_wait3A_93 = tpu.memref_squeeze %dma_wait3A_92 : memref<1x64x128xf32, #tpu.memory_space<vmem>> -> memref<64x128xf32, #tpu.memory_space<vmem>>
      %dma_wait3A_94 = arith.constant 0 : i32
      %dma_wait3A_95 = tpu.memref_slice %arg6[%dma_wait3A_94] : memref<10368xi32, #tpu.memory_space<vmem>> -> memref<64xi32, #tpu.memory_space<vmem>>
      %dma_wait3A_96 = arith.constant 0 : i32
      %dma_wait3A_97 = arith.constant 0 : i32
      %dma_wait3A_98 = tpu.memref_slice %arg2[%dma_wait3A_96, %dma_wait3A_97] : memref<10000x128xf32, #tpu.memory_space<hbm>> -> memref<10000x128xf32, #tpu.memory_space<hbm>>
      tpu.wait_indirect_dma semaphore(%arg10 : memref<!tpu.dma_semaphore, #tpu.memory_space<semaphore_mem>>) src(%dma_wait3A_98 : memref<10000x128xf32, #tpu.memory_space<hbm>>) dst(%dma_wait3A_93 : memref<64x128xf32, #tpu.memory_space<vmem>>)
      %run_scoped3A_99 = arith.constant 0 : i32
      "tpu.region"() ({
        %run_scoped3A_124 = tpu.sem_alloc : memref<!tpu.dma_semaphore, #tpu.memory_space<semaphore_mem>>
        %dma_start3A_125 = arith.constant 0 : i32
        %dma_start3A_126 = arith.constant 0 : i32
        %dma_start3A_127 = tpu.memref_slice %arg8[%run_scoped3A_99, %dma_start3A_125, %dma_start3A_126] : memref<2x64x128xf32, #tpu.memory_space<vmem>> -> memref<1x64x128xf32, #tpu.memory_space<vmem>>
        %dma_start3A_128 = tpu.memref_squeeze %dma_start3A_127 : memref<1x64x128xf32, #tpu.memory_space<vmem>> -> memref<64x128xf32, #tpu.memory_space<vmem>>
        %dma_start3A_129 = arith.constant 0 : i32
        %dma_start3A_130 = tpu.memref_slice %arg7[%add3A_89, %dma_start3A_129] : memref<162x64xi32, #tpu.memory_space<vmem>> -> memref<1x64xi32, #tpu.memory_space<vmem>>
        %dma_start3A_131 = tpu.memref_squeeze %dma_start3A_130 : memref<1x64xi32, #tpu.memory_space<vmem>> -> memref<64xi32, #tpu.memory_space<vmem>>
        %dma_start3A_132 = arith.constant 0 : i32
        %dma_start3A_133 = arith.constant 0 : i32
        %dma_start3A_134 = tpu.memref_slice %arg9[%dma_start3A_132, %dma_start3A_133] : memref<10016x128xf32, #tpu.memory_space<vmem_shared>> -> memref<10016x128xf32, #tpu.memory_space<vmem_shared>>
        tpu.enqueue_indirect_dma source(%dma_start3A_128 : memref<64x128xf32, #tpu.memory_space<vmem>>) target(%dma_start3A_134 : memref<10016x128xf32, #tpu.memory_space<vmem_shared>>) offsets(%dma_start3A_131 : memref<64xi32, #tpu.memory_space<vmem>>) semaphore(%run_scoped3A_124 : memref<!tpu.dma_semaphore, #tpu.memory_space<semaphore_mem>>) {add = true}
        %dma_wait3A_135 = arith.constant 0 : i32
        %dma_wait3A_136 = arith.constant 0 : i32
        %dma_wait3A_137 = tpu.memref_slice %arg8[%run_scoped3A_99, %dma_wait3A_135, %dma_wait3A_136] : memref<2x64x128xf32, #tpu.memory_space<vmem>> -> memref<1x64x128xf32, #tpu.memory_space<vmem>>
        %dma_wait3A_138 = tpu.memref_squeeze %dma_wait3A_137 : memref<1x64x128xf32, #tpu.memory_space<vmem>> -> memref<64x128xf32, #tpu.memory_space<vmem>>
        %dma_wait3A_139 = arith.constant 0 : i32
        %dma_wait3A_140 = tpu.memref_slice %arg7[%add3A_89, %dma_wait3A_139] : memref<162x64xi32, #tpu.memory_space<vmem>> -> memref<1x64xi32, #tpu.memory_space<vmem>>
        %dma_wait3A_141 = tpu.memref_squeeze %dma_wait3A_140 : memref<1x64xi32, #tpu.memory_space<vmem>> -> memref<64xi32, #tpu.memory_space<vmem>>
        %dma_wait3A_142 = arith.constant 0 : i32
        %dma_wait3A_143 = arith.constant 0 : i32
        %dma_wait3A_144 = tpu.memref_slice %arg9[%dma_wait3A_142, %dma_wait3A_143] : memref<10016x128xf32, #tpu.memory_space<vmem_shared>> -> memref<10016x128xf32, #tpu.memory_space<vmem_shared>>
        tpu.wait_indirect_dma semaphore(%run_scoped3A_124 : memref<!tpu.dma_semaphore, #tpu.memory_space<semaphore_mem>>) src(%dma_wait3A_138 : memref<64x128xf32, #tpu.memory_space<vmem>>) dst(%dma_wait3A_144 : memref<10016x128xf32, #tpu.memory_space<vmem_shared>>)
        tpu.yield
      }) : () -> ()
      %add3A_100 = arith.constant 2 : i32
      %add3A_101 = arith.addi %add3A_89, %add3A_100 : i32
      %lt3A = arith.constant 162 : i32
      %lt3A_102 = arith.cmpi slt, %add3A_101, %lt3A : i32
      %convert_element_type3A = arith.extui %lt3A_102 : i1 to i32
      %cond3A = arith.constant 0 : i32
      %cond3A_103 = arith.cmpi ne, %convert_element_type3A, %cond3A : i32
      scf.if %cond3A_103 {
        %add3A_124 = arith.constant 2 : i32
        %add3A_125 = arith.addi %add3A_89, %add3A_124 : i32
        %mul3A_126 = arith.constant 64 : i32
        %mul3A_127 = arith.muli %add3A_125, %mul3A_126 : i32
        %dma_start3A_128 = arith.constant 0 : i32
        %dma_start3A_129 = arith.constant 0 : i32
        %dma_start3A_130 = arith.constant 0 : i32
        %dma_start3A_131 = tpu.memref_slice %arg8[%dma_start3A_128, %dma_start3A_129, %dma_start3A_130] : memref<2x64x128xf32, #tpu.memory_space<vmem>> -> memref<1x64x128xf32, #tpu.memory_space<vmem>>
        %dma_start3A_132 = tpu.memref_squeeze %dma_start3A_131 : memref<1x64x128xf32, #tpu.memory_space<vmem>> -> memref<64x128xf32, #tpu.memory_space<vmem>>
        %dma_start3A_133 = tpu.memref_slice %arg6[%mul3A_127] : memref<10368xi32, #tpu.memory_space<vmem>> -> memref<64xi32, #tpu.memory_space<vmem>>
        %dma_start3A_134 = arith.constant 0 : i32
        %dma_start3A_135 = arith.constant 0 : i32
        %dma_start3A_136 = tpu.memref_slice %arg2[%dma_start3A_134, %dma_start3A_135] : memref<10000x128xf32, #tpu.memory_space<hbm>> -> memref<10000x128xf32, #tpu.memory_space<hbm>>
        tpu.enqueue_indirect_dma source(%dma_start3A_136 : memref<10000x128xf32, #tpu.memory_space<hbm>>) target(%dma_start3A_132 : memref<64x128xf32, #tpu.memory_space<vmem>>) offsets(%dma_start3A_133 : memref<64xi32, #tpu.memory_space<vmem>>) semaphore(%arg10 : memref<!tpu.dma_semaphore, #tpu.memory_space<semaphore_mem>>)
      } else {
      }
      %add3A_104 = arith.constant 1 : i32
      %add3A_105 = arith.addi %add3A_87, %add3A_104 : i32
      %dma_wait3A_106 = arith.constant 1 : i32
      %dma_wait3A_107 = arith.constant 0 : i32
      %dma_wait3A_108 = arith.constant 0 : i32
      %dma_wait3A_109 = tpu.memref_slice %arg8[%dma_wait3A_106, %dma_wait3A_107, %dma_wait3A_108] : memref<2x64x128xf32, #tpu.memory_space<vmem>> -> memref<1x64x128xf32, #tpu.memory_space<vmem>>
      %dma_wait3A_110 = tpu.memref_squeeze %dma_wait3A_109 : memref<1x64x128xf32, #tpu.memory_space<vmem>> -> memref<64x128xf32, #tpu.memory_space<vmem>>
      %dma_wait3A_111 = arith.constant 0 : i32
      %dma_wait3A_112 = tpu.memref_slice %arg6[%dma_wait3A_111] : memref<10368xi32, #tpu.memory_space<vmem>> -> memref<64xi32, #tpu.memory_space<vmem>>
      %dma_wait3A_113 = arith.constant 0 : i32
      %dma_wait3A_114 = arith.constant 0 : i32
      %dma_wait3A_115 = tpu.memref_slice %arg2[%dma_wait3A_113, %dma_wait3A_114] : memref<10000x128xf32, #tpu.memory_space<hbm>> -> memref<10000x128xf32, #tpu.memory_space<hbm>>
      tpu.wait_indirect_dma semaphore(%arg11 : memref<!tpu.dma_semaphore, #tpu.memory_space<semaphore_mem>>) src(%dma_wait3A_115 : memref<10000x128xf32, #tpu.memory_space<hbm>>) dst(%dma_wait3A_110 : memref<64x128xf32, #tpu.memory_space<vmem>>)
      %run_scoped3A_116 = arith.constant 1 : i32
      "tpu.region"() ({
        %run_scoped3A_124 = tpu.sem_alloc : memref<!tpu.dma_semaphore, #tpu.memory_space<semaphore_mem>>
        %dma_start3A_125 = arith.constant 0 : i32
        %dma_start3A_126 = arith.constant 0 : i32
        %dma_start3A_127 = tpu.memref_slice %arg8[%run_scoped3A_116, %dma_start3A_125, %dma_start3A_126] : memref<2x64x128xf32, #tpu.memory_space<vmem>> -> memref<1x64x128xf32, #tpu.memory_space<vmem>>
        %dma_start3A_128 = tpu.memref_squeeze %dma_start3A_127 : memref<1x64x128xf32, #tpu.memory_space<vmem>> -> memref<64x128xf32, #tpu.memory_space<vmem>>
        %dma_start3A_129 = arith.constant 0 : i32
        %dma_start3A_130 = tpu.memref_slice %arg7[%add3A_105, %dma_start3A_129] : memref<162x64xi32, #tpu.memory_space<vmem>> -> memref<1x64xi32, #tpu.memory_space<vmem>>
        %dma_start3A_131 = tpu.memref_squeeze %dma_start3A_130 : memref<1x64xi32, #tpu.memory_space<vmem>> -> memref<64xi32, #tpu.memory_space<vmem>>
        %dma_start3A_132 = arith.constant 0 : i32
        %dma_start3A_133 = arith.constant 0 : i32
        %dma_start3A_134 = tpu.memref_slice %arg9[%dma_start3A_132, %dma_start3A_133] : memref<10016x128xf32, #tpu.memory_space<vmem_shared>> -> memref<10016x128xf32, #tpu.memory_space<vmem_shared>>
        tpu.enqueue_indirect_dma source(%dma_start3A_128 : memref<64x128xf32, #tpu.memory_space<vmem>>) target(%dma_start3A_134 : memref<10016x128xf32, #tpu.memory_space<vmem_shared>>) offsets(%dma_start3A_131 : memref<64xi32, #tpu.memory_space<vmem>>) semaphore(%run_scoped3A_124 : memref<!tpu.dma_semaphore, #tpu.memory_space<semaphore_mem>>) {add = true}
        %dma_wait3A_135 = arith.constant 0 : i32
        %dma_wait3A_136 = arith.constant 0 : i32
        %dma_wait3A_137 = tpu.memref_slice %arg8[%run_scoped3A_116, %dma_wait3A_135, %dma_wait3A_136] : memref<2x64x128xf32, #tpu.memory_space<vmem>> -> memref<1x64x128xf32, #tpu.memory_space<vmem>>
        %dma_wait3A_138 = tpu.memref_squeeze %dma_wait3A_137 : memref<1x64x128xf32, #tpu.memory_space<vmem>> -> memref<64x128xf32, #tpu.memory_space<vmem>>
        %dma_wait3A_139 = arith.constant 0 : i32
        %dma_wait3A_140 = tpu.memref_slice %arg7[%add3A_105, %dma_wait3A_139] : memref<162x64xi32, #tpu.memory_space<vmem>> -> memref<1x64xi32, #tpu.memory_space<vmem>>
        %dma_wait3A_141 = tpu.memref_squeeze %dma_wait3A_140 : memref<1x64xi32, #tpu.memory_space<vmem>> -> memref<64xi32, #tpu.memory_space<vmem>>
        %dma_wait3A_142 = arith.constant 0 : i32
        %dma_wait3A_143 = arith.constant 0 : i32
        %dma_wait3A_144 = tpu.memref_slice %arg9[%dma_wait3A_142, %dma_wait3A_143] : memref<10016x128xf32, #tpu.memory_space<vmem_shared>> -> memref<10016x128xf32, #tpu.memory_space<vmem_shared>>
        tpu.wait_indirect_dma semaphore(%run_scoped3A_124 : memref<!tpu.dma_semaphore, #tpu.memory_space<semaphore_mem>>) src(%dma_wait3A_138 : memref<64x128xf32, #tpu.memory_space<vmem>>) dst(%dma_wait3A_144 : memref<10016x128xf32, #tpu.memory_space<vmem_shared>>)
        tpu.yield
      }) : () -> ()
      %add3A_117 = arith.constant 2 : i32
      %add3A_118 = arith.addi %add3A_105, %add3A_117 : i32
      %lt3A_119 = arith.constant 162 : i32
      %lt3A_120 = arith.cmpi slt, %add3A_118, %lt3A_119 : i32
      %convert_element_type3A_121 = arith.extui %lt3A_120 : i1 to i32
      %cond3A_122 = arith.constant 0 : i32
      %cond3A_123 = arith.cmpi ne, %convert_element_type3A_121, %cond3A_122 : i32
      scf.if %cond3A_123 {
        %add3A_124 = arith.constant 2 : i32
        %add3A_125 = arith.addi %add3A_105, %add3A_124 : i32
        %mul3A_126 = arith.constant 64 : i32
        %mul3A_127 = arith.muli %add3A_125, %mul3A_126 : i32
        %dma_start3A_128 = arith.constant 1 : i32
        %dma_start3A_129 = arith.constant 0 : i32
        %dma_start3A_130 = arith.constant 0 : i32
        %dma_start3A_131 = tpu.memref_slice %arg8[%dma_start3A_128, %dma_start3A_129, %dma_start3A_130] : memref<2x64x128xf32, #tpu.memory_space<vmem>> -> memref<1x64x128xf32, #tpu.memory_space<vmem>>
        %dma_start3A_132 = tpu.memref_squeeze %dma_start3A_131 : memref<1x64x128xf32, #tpu.memory_space<vmem>> -> memref<64x128xf32, #tpu.memory_space<vmem>>
        %dma_start3A_133 = tpu.memref_slice %arg6[%mul3A_127] : memref<10368xi32, #tpu.memory_space<vmem>> -> memref<64xi32, #tpu.memory_space<vmem>>
        %dma_start3A_134 = arith.constant 0 : i32
        %dma_start3A_135 = arith.constant 0 : i32
        %dma_start3A_136 = tpu.memref_slice %arg2[%dma_start3A_134, %dma_start3A_135] : memref<10000x128xf32, #tpu.memory_space<hbm>> -> memref<10000x128xf32, #tpu.memory_space<hbm>>
        tpu.enqueue_indirect_dma source(%dma_start3A_136 : memref<10000x128xf32, #tpu.memory_space<hbm>>) target(%dma_start3A_132 : memref<64x128xf32, #tpu.memory_space<vmem>>) offsets(%dma_start3A_133 : memref<64xi32, #tpu.memory_space<vmem>>) semaphore(%arg11 : memref<!tpu.dma_semaphore, #tpu.memory_space<semaphore_mem>>)
      } else {
      }
    }
    %scan3A_77 = arith.constant 81 : i32
    %barrier3A_78 = arith.constant 0 : index
    tpu.barrier barrier_id(%barrier3A_78)
    %mul3A_79 = arith.constant 624 : i32
    %mul3A_80 = arith.muli %arg1, %mul3A_79 : i32
    %mul3A_81 = arith.constant 624 : i32
    %mul3A_82 = arith.muli %arg1, %mul3A_81 : i32
    "tpu.region"() ({
      %run_scoped3A_83 = tpu.sem_alloc : memref<!tpu.dma_semaphore, #tpu.memory_space<semaphore_mem>>
      %dma_start3A_84 = arith.constant 0 : i32
      %dma_start3A_85 = tpu.memref_slice %arg5[%arg0, %mul3A_82, %dma_start3A_84] : memref<2x10000x128xf32, #tpu.memory_space<hbm>> -> memref<1x640x128xf32, #tpu.memory_space<hbm>>
      %dma_start3A_86 = tpu.memref_squeeze %dma_start3A_85 : memref<1x640x128xf32, #tpu.memory_space<hbm>> -> memref<640x128xf32, #tpu.memory_space<hbm>>
      %dma_start3A_87 = arith.constant 0 : i32
      %dma_start3A_88 = tpu.memref_slice %arg9[%mul3A_80, %dma_start3A_87] : memref<10016x128xf32, #tpu.memory_space<vmem_shared>> -> memref<640x128xf32, #tpu.memory_space<vmem_shared>>
      tpu.enqueue_dma source(%dma_start3A_88 : memref<640x128xf32, #tpu.memory_space<vmem_shared>>) target(%dma_start3A_86 : memref<640x128xf32, #tpu.memory_space<hbm>>) target_semaphore(%run_scoped3A_83 : memref<!tpu.dma_semaphore, #tpu.memory_space<semaphore_mem>>)
      %dma_wait3A = arith.constant 0 : i32
      %dma_wait3A_89 = tpu.memref_slice %arg5[%arg0, %mul3A_82, %dma_wait3A] : memref<2x10000x128xf32, #tpu.memory_space<hbm>> -> memref<1x640x128xf32, #tpu.memory_space<hbm>>
      %dma_wait3A_90 = tpu.memref_squeeze %dma_wait3A_89 : memref<1x640x128xf32, #tpu.memory_space<hbm>> -> memref<640x128xf32, #tpu.memory_space<hbm>>
      %dma_wait3A_91 = arith.constant 0 : i32
      %dma_wait3A_92 = tpu.memref_slice %arg9[%mul3A_80, %dma_wait3A_91] : memref<10016x128xf32, #tpu.memory_space<vmem_shared>> -> memref<640x128xf32, #tpu.memory_space<vmem_shared>>
      tpu.wait_dma2 semaphore(%run_scoped3A_83 : memref<!tpu.dma_semaphore, #tpu.memory_space<semaphore_mem>>) src(%dma_wait3A_92 : memref<640x128xf32, #tpu.memory_space<vmem_shared>>) dst(%dma_wait3A_90 : memref<640x128xf32, #tpu.memory_space<hbm>>)
      tpu.yield
    }) : () -> ()
    return
  }
}

#map = affine_map<(d0, d1) -> (0, 0, 0)>
module attributes {stable_mosaic.version = 14 : i64} {
  func.func @_deg_kernel(%arg0: i32, %arg1: i32, %arg2: memref<32x162x64xi32, #tpu.memory_space<hbm>>, %arg3: memref<2x10000x128xf32, #tpu.memory_space<hbm>>, %arg4: memref<162x64xi32, #tpu.memory_space<vmem>>, %arg5: memref<64x128xf32, #tpu.memory_space<vmem>>, %arg6: memref<10016x128xf32, #tpu.memory_space<vmem_shared>>) attributes {dimension_semantics = [#tpu.dimension_semantics<core_parallel>, #tpu.dimension_semantics<subcore_parallel>], iteration_bounds = array<i64: 2, 16>, scalar_prefetch = 0 : i64, scratch_operands = 3 : i64, tpu.core_type = #tpu.core_type<sc_vector_subcore>, window_params = [{transform_indices = #map}, {transform_indices = #map}]} {
    %mul3A = arith.constant 2 : i32
    %mul3A_0 = arith.muli %arg1, %mul3A : i32
    %add3A = arith.addi %mul3A_0, %arg0 : i32
    "tpu.region"() ({
      %run_scoped3A = tpu.sem_alloc : memref<!tpu.dma_semaphore, #tpu.memory_space<semaphore_mem>>
      %dma_start3A = arith.constant 0 : i32
      %dma_start3A_60 = arith.constant 0 : i32
      %dma_start3A_61 = tpu.memref_slice %arg2[%add3A, %dma_start3A, %dma_start3A_60] : memref<32x162x64xi32, #tpu.memory_space<hbm>> -> memref<1x162x64xi32, #tpu.memory_space<hbm>>
      %dma_start3A_62 = tpu.memref_squeeze %dma_start3A_61 : memref<1x162x64xi32, #tpu.memory_space<hbm>> -> memref<162x64xi32, #tpu.memory_space<hbm>>
      %dma_start3A_63 = arith.constant 0 : i32
      %dma_start3A_64 = arith.constant 0 : i32
      %dma_start3A_65 = tpu.memref_slice %arg2[%add3A, %dma_start3A_63, %dma_start3A_64] : memref<32x162x64xi32, #tpu.memory_space<hbm>> -> memref<1x162x64xi32, #tpu.memory_space<hbm>>
      %dma_start3A_66 = tpu.memref_squeeze %dma_start3A_65 : memref<1x162x64xi32, #tpu.memory_space<hbm>> -> memref<162x64xi32, #tpu.memory_space<hbm>>
      tpu.enqueue_dma source(%dma_start3A_66 : memref<162x64xi32, #tpu.memory_space<hbm>>) target(%arg4 : memref<162x64xi32, #tpu.memory_space<vmem>>) target_semaphore(%run_scoped3A : memref<!tpu.dma_semaphore, #tpu.memory_space<semaphore_mem>>)
      %dma_wait3A = arith.constant 0 : i32
      %dma_wait3A_67 = arith.constant 0 : i32
      %dma_wait3A_68 = tpu.memref_slice %arg2[%add3A, %dma_wait3A, %dma_wait3A_67] : memref<32x162x64xi32, #tpu.memory_space<hbm>> -> memref<1x162x64xi32, #tpu.memory_space<hbm>>
      %dma_wait3A_69 = tpu.memref_squeeze %dma_wait3A_68 : memref<1x162x64xi32, #tpu.memory_space<hbm>> -> memref<162x64xi32, #tpu.memory_space<hbm>>
      %dma_wait3A_70 = arith.constant 0 : i32
      %dma_wait3A_71 = arith.constant 0 : i32
      %dma_wait3A_72 = tpu.memref_slice %arg2[%add3A, %dma_wait3A_70, %dma_wait3A_71] : memref<32x162x64xi32, #tpu.memory_space<hbm>> -> memref<1x162x64xi32, #tpu.memory_space<hbm>>
      %dma_wait3A_73 = tpu.memref_squeeze %dma_wait3A_72 : memref<1x162x64xi32, #tpu.memory_space<hbm>> -> memref<162x64xi32, #tpu.memory_space<hbm>>
      tpu.wait_dma2 semaphore(%run_scoped3A : memref<!tpu.dma_semaphore, #tpu.memory_space<semaphore_mem>>) src(%dma_wait3A_73 : memref<162x64xi32, #tpu.memory_space<hbm>>) dst(%arg4 : memref<162x64xi32, #tpu.memory_space<vmem>>)
      tpu.yield
    }) : () -> ()
    %scan3A = arith.constant 0 : i32
    %scan3A_1 = arith.constant 64 : i32
    %scan3A_2 = arith.addi %scan3A, %scan3A_1 : i32
    %scan3A_3 = arith.constant 1 : i32
    scf.for %scan3A_60 = %scan3A to %scan3A_2 step %scan3A_3  : i32 {
      %mul3A_61 = arith.constant 1 : i32
      %mul3A_62 = arith.muli %scan3A_60, %mul3A_61 : i32
      %add3A_63 = arith.constant 0 : i32
      %add3A_64 = arith.addi %add3A_63, %mul3A_62 : i32
      %broadcast_in_dim3A = arith.constant 0.000000e+00 : f32
      %broadcast_in_dim3A_65 = vector.broadcast %broadcast_in_dim3A : f32 to vector<16xf32>
      %swap3A = arith.index_cast %add3A_64 : i32 to index
      %swap3A_66 = arith.constant 0 : index
      %swap3A_67 = tpu.vector_load %arg5[%swap3A, %swap3A_66] {strides = array<i32>} : memref<64x128xf32, #tpu.memory_space<vmem>>, vector<1x16xf32>,
      %swap3A_68 = vector.shape_cast %swap3A_67 : vector<1x16xf32> to vector<16xf32>
      %swap3A_69 = vector.shape_cast %broadcast_in_dim3A_65 : vector<16xf32> to vector<1x16xf32>
      tpu.vector_store %arg5[%swap3A, %swap3A_66], %swap3A_69 {strides = array<i32>} : memref<64x128xf32, #tpu.memory_space<vmem>>, vector<1x16xf32>,
      %broadcast_in_dim3A_70 = arith.constant 0.000000e+00 : f32
      %broadcast_in_dim3A_71 = vector.broadcast %broadcast_in_dim3A_70 : f32 to vector<16xf32>
      %swap3A_72 = arith.index_cast %add3A_64 : i32 to index
      %swap3A_73 = arith.constant 16 : index
      %swap3A_74 = tpu.vector_load %arg5[%swap3A_72, %swap3A_73] {strides = array<i32>} : memref<64x128xf32, #tpu.memory_space<vmem>>, vector<1x16xf32>,
      %swap3A_75 = vector.shape_cast %swap3A_74 : vector<1x16xf32> to vector<16xf32>
      %swap3A_76 = vector.shape_cast %broadcast_in_dim3A_71 : vector<16xf32> to vector<1x16xf32>
      tpu.vector_store %arg5[%swap3A_72, %swap3A_73], %swap3A_76 {strides = array<i32>} : memref<64x128xf32, #tpu.memory_space<vmem>>, vector<1x16xf32>,
      %broadcast_in_dim3A_77 = arith.constant 0.000000e+00 : f32
      %broadcast_in_dim3A_78 = vector.broadcast %broadcast_in_dim3A_77 : f32 to vector<16xf32>
      %swap3A_79 = arith.index_cast %add3A_64 : i32 to index
      %swap3A_80 = arith.constant 32 : index
      %swap3A_81 = tpu.vector_load %arg5[%swap3A_79, %swap3A_80] {strides = array<i32>} : memref<64x128xf32, #tpu.memory_space<vmem>>, vector<1x16xf32>,
      %swap3A_82 = vector.shape_cast %swap3A_81 : vector<1x16xf32> to vector<16xf32>
      %swap3A_83 = vector.shape_cast %broadcast_in_dim3A_78 : vector<16xf32> to vector<1x16xf32>
      tpu.vector_store %arg5[%swap3A_79, %swap3A_80], %swap3A_83 {strides = array<i32>} : memref<64x128xf32, #tpu.memory_space<vmem>>, vector<1x16xf32>,
      %broadcast_in_dim3A_84 = arith.constant 0.000000e+00 : f32
      %broadcast_in_dim3A_85 = vector.broadcast %broadcast_in_dim3A_84 : f32 to vector<16xf32>
      %swap3A_86 = arith.index_cast %add3A_64 : i32 to index
      %swap3A_87 = arith.constant 48 : index
      %swap3A_88 = tpu.vector_load %arg5[%swap3A_86, %swap3A_87] {strides = array<i32>} : memref<64x128xf32, #tpu.memory_space<vmem>>, vector<1x16xf32>,
      %swap3A_89 = vector.shape_cast %swap3A_88 : vector<1x16xf32> to vector<16xf32>
      %swap3A_90 = vector.shape_cast %broadcast_in_dim3A_85 : vector<16xf32> to vector<1x16xf32>
      tpu.vector_store %arg5[%swap3A_86, %swap3A_87], %swap3A_90 {strides = array<i32>} : memref<64x128xf32, #tpu.memory_space<vmem>>, vector<1x16xf32>,
      %broadcast_in_dim3A_91 = arith.constant 0.000000e+00 : f32
      %broadcast_in_dim3A_92 = vector.broadcast %broadcast_in_dim3A_91 : f32 to vector<16xf32>
      %swap3A_93 = arith.index_cast %add3A_64 : i32 to index
      %swap3A_94 = arith.constant 64 : index
      %swap3A_95 = tpu.vector_load %arg5[%swap3A_93, %swap3A_94] {strides = array<i32>} : memref<64x128xf32, #tpu.memory_space<vmem>>, vector<1x16xf32>,
      %swap3A_96 = vector.shape_cast %swap3A_95 : vector<1x16xf32> to vector<16xf32>
      %swap3A_97 = vector.shape_cast %broadcast_in_dim3A_92 : vector<16xf32> to vector<1x16xf32>
      tpu.vector_store %arg5[%swap3A_93, %swap3A_94], %swap3A_97 {strides = array<i32>} : memref<64x128xf32, #tpu.memory_space<vmem>>, vector<1x16xf32>,
      %broadcast_in_dim3A_98 = arith.constant 0.000000e+00 : f32
      %broadcast_in_dim3A_99 = vector.broadcast %broadcast_in_dim3A_98 : f32 to vector<16xf32>
      %swap3A_100 = arith.index_cast %add3A_64 : i32 to index
      %swap3A_101 = arith.constant 80 : index
      %swap3A_102 = tpu.vector_load %arg5[%swap3A_100, %swap3A_101] {strides = array<i32>} : memref<64x128xf32, #tpu.memory_space<vmem>>, vector<1x16xf32>,
      %swap3A_103 = vector.shape_cast %swap3A_102 : vector<1x16xf32> to vector<16xf32>
      %swap3A_104 = vector.shape_cast %broadcast_in_dim3A_99 : vector<16xf32> to vector<1x16xf32>
      tpu.vector_store %arg5[%swap3A_100, %swap3A_101], %swap3A_104 {strides = array<i32>} : memref<64x128xf32, #tpu.memory_space<vmem>>, vector<1x16xf32>,
      %broadcast_in_dim3A_105 = arith.constant 0.000000e+00 : f32
      %broadcast_in_dim3A_106 = vector.broadcast %broadcast_in_dim3A_105 : f32 to vector<16xf32>
      %swap3A_107 = arith.index_cast %add3A_64 : i32 to index
      %swap3A_108 = arith.constant 96 : index
      %swap3A_109 = tpu.vector_load %arg5[%swap3A_107, %swap3A_108] {strides = array<i32>} : memref<64x128xf32, #tpu.memory_space<vmem>>, vector<1x16xf32>,
      %swap3A_110 = vector.shape_cast %swap3A_109 : vector<1x16xf32> to vector<16xf32>
      %swap3A_111 = vector.shape_cast %broadcast_in_dim3A_106 : vector<16xf32> to vector<1x16xf32>
      tpu.vector_store %arg5[%swap3A_107, %swap3A_108], %swap3A_111 {strides = array<i32>} : memref<64x128xf32, #tpu.memory_space<vmem>>, vector<1x16xf32>,
      %broadcast_in_dim3A_112 = arith.constant 0.000000e+00 : f32
      %broadcast_in_dim3A_113 = vector.broadcast %broadcast_in_dim3A_112 : f32 to vector<16xf32>
      %swap3A_114 = arith.index_cast %add3A_64 : i32 to index
      %swap3A_115 = arith.constant 112 : index
      %swap3A_116 = tpu.vector_load %arg5[%swap3A_114, %swap3A_115] {strides = array<i32>} : memref<64x128xf32, #tpu.memory_space<vmem>>, vector<1x16xf32>,
      %swap3A_117 = vector.shape_cast %swap3A_116 : vector<1x16xf32> to vector<16xf32>
      %swap3A_118 = vector.shape_cast %broadcast_in_dim3A_113 : vector<16xf32> to vector<1x16xf32>
      tpu.vector_store %arg5[%swap3A_114, %swap3A_115], %swap3A_118 {strides = array<i32>} : memref<64x128xf32, #tpu.memory_space<vmem>>, vector<1x16xf32>,
    }
    %scan3A_4 = arith.constant 64 : i32
    %mul3A_5 = arith.constant 624 : i32
    %mul3A_6 = arith.muli %arg1, %mul3A_5 : i32
    %add3A_7 = arith.constant 0 : i32
    %add3A_8 = arith.addi %mul3A_6, %add3A_7 : i32
    "tpu.region"() ({
      %run_scoped3A = tpu.sem_alloc : memref<!tpu.dma_semaphore, #tpu.memory_space<semaphore_mem>>
      %dma_start3A = arith.constant 0 : i32
      %dma_start3A_60 = tpu.memref_slice %arg6[%add3A_8, %dma_start3A] : memref<10016x128xf32, #tpu.memory_space<vmem_shared>> -> memref<64x128xf32, #tpu.memory_space<vmem_shared>>
      %dma_start3A_61 = arith.constant 0 : i32
      %dma_start3A_62 = tpu.memref_slice %arg6[%add3A_8, %dma_start3A_61] : memref<10016x128xf32, #tpu.memory_space<vmem_shared>> -> memref<64x128xf32, #tpu.memory_space<vmem_shared>>
      tpu.enqueue_dma source(%arg5 : memref<64x128xf32, #tpu.memory_space<vmem>>) target(%dma_start3A_62 : memref<64x128xf32, #tpu.memory_space<vmem_shared>>) target_semaphore(%run_scoped3A : memref<!tpu.dma_semaphore, #tpu.memory_space<semaphore_mem>>)
      %dma_wait3A = arith.constant 0 : i32
      %dma_wait3A_63 = tpu.memref_slice %arg6[%add3A_8, %dma_wait3A] : memref<10016x128xf32, #tpu.memory_space<vmem_shared>> -> memref<64x128xf32, #tpu.memory_space<vmem_shared>>
      %dma_wait3A_64 = arith.constant 0 : i32
      %dma_wait3A_65 = tpu.memref_slice %arg6[%add3A_8, %dma_wait3A_64] : memref<10016x128xf32, #tpu.memory_space<vmem_shared>> -> memref<64x128xf32, #tpu.memory_space<vmem_shared>>
      tpu.wait_dma2 semaphore(%run_scoped3A : memref<!tpu.dma_semaphore, #tpu.memory_space<semaphore_mem>>) src(%arg5 : memref<64x128xf32, #tpu.memory_space<vmem>>) dst(%dma_wait3A_65 : memref<64x128xf32, #tpu.memory_space<vmem_shared>>)
      tpu.yield
    }) : () -> ()
    %mul3A_9 = arith.constant 624 : i32
    %mul3A_10 = arith.muli %arg1, %mul3A_9 : i32
    %add3A_11 = arith.constant 64 : i32
    %add3A_12 = arith.addi %mul3A_10, %add3A_11 : i32
    "tpu.region"() ({
      %run_scoped3A = tpu.sem_alloc : memref<!tpu.dma_semaphore, #tpu.memory_space<semaphore_mem>>
      %dma_start3A = arith.constant 0 : i32
      %dma_start3A_60 = tpu.memref_slice %arg6[%add3A_12, %dma_start3A] : memref<10016x128xf32, #tpu.memory_space<vmem_shared>> -> memref<64x128xf32, #tpu.memory_space<vmem_shared>>
      %dma_start3A_61 = arith.constant 0 : i32
      %dma_start3A_62 = tpu.memref_slice %arg6[%add3A_12, %dma_start3A_61] : memref<10016x128xf32, #tpu.memory_space<vmem_shared>> -> memref<64x128xf32, #tpu.memory_space<vmem_shared>>
      tpu.enqueue_dma source(%arg5 : memref<64x128xf32, #tpu.memory_space<vmem>>) target(%dma_start3A_62 : memref<64x128xf32, #tpu.memory_space<vmem_shared>>) target_semaphore(%run_scoped3A : memref<!tpu.dma_semaphore, #tpu.memory_space<semaphore_mem>>)
      %dma_wait3A = arith.constant 0 : i32
      %dma_wait3A_63 = tpu.memref_slice %arg6[%add3A_12, %dma_wait3A] : memref<10016x128xf32, #tpu.memory_space<vmem_shared>> -> memref<64x128xf32, #tpu.memory_space<vmem_shared>>
      %dma_wait3A_64 = arith.constant 0 : i32
      %dma_wait3A_65 = tpu.memref_slice %arg6[%add3A_12, %dma_wait3A_64] : memref<10016x128xf32, #tpu.memory_space<vmem_shared>> -> memref<64x128xf32, #tpu.memory_space<vmem_shared>>
      tpu.wait_dma2 semaphore(%run_scoped3A : memref<!tpu.dma_semaphore, #tpu.memory_space<semaphore_mem>>) src(%arg5 : memref<64x128xf32, #tpu.memory_space<vmem>>) dst(%dma_wait3A_65 : memref<64x128xf32, #tpu.memory_space<vmem_shared>>)
      tpu.yield
    }) : () -> ()
    %mul3A_13 = arith.constant 624 : i32
    %mul3A_14 = arith.muli %arg1, %mul3A_13 : i32
    %add3A_15 = arith.constant 128 : i32
    %add3A_16 = arith.addi %mul3A_14, %add3A_15 : i32
    "tpu.region"() ({
      %run_scoped3A = tpu.sem_alloc : memref<!tpu.dma_semaphore, #tpu.memory_space<semaphore_mem>>
      %dma_start3A = arith.constant 0 : i32
      %dma_start3A_60 = tpu.memref_slice %arg6[%add3A_16, %dma_start3A] : memref<10016x128xf32, #tpu.memory_space<vmem_shared>> -> memref<64x128xf32, #tpu.memory_space<vmem_shared>>
      %dma_start3A_61 = arith.constant 0 : i32
      %dma_start3A_62 = tpu.memref_slice %arg6[%add3A_16, %dma_start3A_61] : memref<10016x128xf32, #tpu.memory_space<vmem_shared>> -> memref<64x128xf32, #tpu.memory_space<vmem_shared>>
      tpu.enqueue_dma source(%arg5 : memref<64x128xf32, #tpu.memory_space<vmem>>) target(%dma_start3A_62 : memref<64x128xf32, #tpu.memory_space<vmem_shared>>) target_semaphore(%run_scoped3A : memref<!tpu.dma_semaphore, #tpu.memory_space<semaphore_mem>>)
      %dma_wait3A = arith.constant 0 : i32
      %dma_wait3A_63 = tpu.memref_slice %arg6[%add3A_16, %dma_wait3A] : memref<10016x128xf32, #tpu.memory_space<vmem_shared>> -> memref<64x128xf32, #tpu.memory_space<vmem_shared>>
      %dma_wait3A_64 = arith.constant 0 : i32
      %dma_wait3A_65 = tpu.memref_slice %arg6[%add3A_16, %dma_wait3A_64] : memref<10016x128xf32, #tpu.memory_space<vmem_shared>> -> memref<64x128xf32, #tpu.memory_space<vmem_shared>>
      tpu.wait_dma2 semaphore(%run_scoped3A : memref<!tpu.dma_semaphore, #tpu.memory_space<semaphore_mem>>) src(%arg5 : memref<64x128xf32, #tpu.memory_space<vmem>>) dst(%dma_wait3A_65 : memref<64x128xf32, #tpu.memory_space<vmem_shared>>)
      tpu.yield
    }) : () -> ()
    %mul3A_17 = arith.constant 624 : i32
    %mul3A_18 = arith.muli %arg1, %mul3A_17 : i32
    %add3A_19 = arith.constant 192 : i32
    %add3A_20 = arith.addi %mul3A_18, %add3A_19 : i32
    "tpu.region"() ({
      %run_scoped3A = tpu.sem_alloc : memref<!tpu.dma_semaphore, #tpu.memory_space<semaphore_mem>>
      %dma_start3A = arith.constant 0 : i32
      %dma_start3A_60 = tpu.memref_slice %arg6[%add3A_20, %dma_start3A] : memref<10016x128xf32, #tpu.memory_space<vmem_shared>> -> memref<64x128xf32, #tpu.memory_space<vmem_shared>>
      %dma_start3A_61 = arith.constant 0 : i32
      %dma_start3A_62 = tpu.memref_slice %arg6[%add3A_20, %dma_start3A_61] : memref<10016x128xf32, #tpu.memory_space<vmem_shared>> -> memref<64x128xf32, #tpu.memory_space<vmem_shared>>
      tpu.enqueue_dma source(%arg5 : memref<64x128xf32, #tpu.memory_space<vmem>>) target(%dma_start3A_62 : memref<64x128xf32, #tpu.memory_space<vmem_shared>>) target_semaphore(%run_scoped3A : memref<!tpu.dma_semaphore, #tpu.memory_space<semaphore_mem>>)
      %dma_wait3A = arith.constant 0 : i32
      %dma_wait3A_63 = tpu.memref_slice %arg6[%add3A_20, %dma_wait3A] : memref<10016x128xf32, #tpu.memory_space<vmem_shared>> -> memref<64x128xf32, #tpu.memory_space<vmem_shared>>
      %dma_wait3A_64 = arith.constant 0 : i32
      %dma_wait3A_65 = tpu.memref_slice %arg6[%add3A_20, %dma_wait3A_64] : memref<10016x128xf32, #tpu.memory_space<vmem_shared>> -> memref<64x128xf32, #tpu.memory_space<vmem_shared>>
      tpu.wait_dma2 semaphore(%run_scoped3A : memref<!tpu.dma_semaphore, #tpu.memory_space<semaphore_mem>>) src(%arg5 : memref<64x128xf32, #tpu.memory_space<vmem>>) dst(%dma_wait3A_65 : memref<64x128xf32, #tpu.memory_space<vmem_shared>>)
      tpu.yield
    }) : () -> ()
    %mul3A_21 = arith.constant 624 : i32
    %mul3A_22 = arith.muli %arg1, %mul3A_21 : i32
    %add3A_23 = arith.constant 256 : i32
    %add3A_24 = arith.addi %mul3A_22, %add3A_23 : i32
    "tpu.region"() ({
      %run_scoped3A = tpu.sem_alloc : memref<!tpu.dma_semaphore, #tpu.memory_space<semaphore_mem>>
      %dma_start3A = arith.constant 0 : i32
      %dma_start3A_60 = tpu.memref_slice %arg6[%add3A_24, %dma_start3A] : memref<10016x128xf32, #tpu.memory_space<vmem_shared>> -> memref<64x128xf32, #tpu.memory_space<vmem_shared>>
      %dma_start3A_61 = arith.constant 0 : i32
      %dma_start3A_62 = tpu.memref_slice %arg6[%add3A_24, %dma_start3A_61] : memref<10016x128xf32, #tpu.memory_space<vmem_shared>> -> memref<64x128xf32, #tpu.memory_space<vmem_shared>>
      tpu.enqueue_dma source(%arg5 : memref<64x128xf32, #tpu.memory_space<vmem>>) target(%dma_start3A_62 : memref<64x128xf32, #tpu.memory_space<vmem_shared>>) target_semaphore(%run_scoped3A : memref<!tpu.dma_semaphore, #tpu.memory_space<semaphore_mem>>)
      %dma_wait3A = arith.constant 0 : i32
      %dma_wait3A_63 = tpu.memref_slice %arg6[%add3A_24, %dma_wait3A] : memref<10016x128xf32, #tpu.memory_space<vmem_shared>> -> memref<64x128xf32, #tpu.memory_space<vmem_shared>>
      %dma_wait3A_64 = arith.constant 0 : i32
      %dma_wait3A_65 = tpu.memref_slice %arg6[%add3A_24, %dma_wait3A_64] : memref<10016x128xf32, #tpu.memory_space<vmem_shared>> -> memref<64x128xf32, #tpu.memory_space<vmem_shared>>
      tpu.wait_dma2 semaphore(%run_scoped3A : memref<!tpu.dma_semaphore, #tpu.memory_space<semaphore_mem>>) src(%arg5 : memref<64x128xf32, #tpu.memory_space<vmem>>) dst(%dma_wait3A_65 : memref<64x128xf32, #tpu.memory_space<vmem_shared>>)
      tpu.yield
    }) : () -> ()
    %mul3A_25 = arith.constant 624 : i32
    %mul3A_26 = arith.muli %arg1, %mul3A_25 : i32
    %add3A_27 = arith.constant 320 : i32
    %add3A_28 = arith.addi %mul3A_26, %add3A_27 : i32
    "tpu.region"() ({
      %run_scoped3A = tpu.sem_alloc : memref<!tpu.dma_semaphore, #tpu.memory_space<semaphore_mem>>
      %dma_start3A = arith.constant 0 : i32
      %dma_start3A_60 = tpu.memref_slice %arg6[%add3A_28, %dma_start3A] : memref<10016x128xf32, #tpu.memory_space<vmem_shared>> -> memref<64x128xf32, #tpu.memory_space<vmem_shared>>
      %dma_start3A_61 = arith.constant 0 : i32
      %dma_start3A_62 = tpu.memref_slice %arg6[%add3A_28, %dma_start3A_61] : memref<10016x128xf32, #tpu.memory_space<vmem_shared>> -> memref<64x128xf32, #tpu.memory_space<vmem_shared>>
      tpu.enqueue_dma source(%arg5 : memref<64x128xf32, #tpu.memory_space<vmem>>) target(%dma_start3A_62 : memref<64x128xf32, #tpu.memory_space<vmem_shared>>) target_semaphore(%run_scoped3A : memref<!tpu.dma_semaphore, #tpu.memory_space<semaphore_mem>>)
      %dma_wait3A = arith.constant 0 : i32
      %dma_wait3A_63 = tpu.memref_slice %arg6[%add3A_28, %dma_wait3A] : memref<10016x128xf32, #tpu.memory_space<vmem_shared>> -> memref<64x128xf32, #tpu.memory_space<vmem_shared>>
      %dma_wait3A_64 = arith.constant 0 : i32
      %dma_wait3A_65 = tpu.memref_slice %arg6[%add3A_28, %dma_wait3A_64] : memref<10016x128xf32, #tpu.memory_space<vmem_shared>> -> memref<64x128xf32, #tpu.memory_space<vmem_shared>>
      tpu.wait_dma2 semaphore(%run_scoped3A : memref<!tpu.dma_semaphore, #tpu.memory_space<semaphore_mem>>) src(%arg5 : memref<64x128xf32, #tpu.memory_space<vmem>>) dst(%dma_wait3A_65 : memref<64x128xf32, #tpu.memory_space<vmem_shared>>)
      tpu.yield
    }) : () -> ()
    %mul3A_29 = arith.constant 624 : i32
    %mul3A_30 = arith.muli %arg1, %mul3A_29 : i32
    %add3A_31 = arith.constant 384 : i32
    %add3A_32 = arith.addi %mul3A_30, %add3A_31 : i32
    "tpu.region"() ({
      %run_scoped3A = tpu.sem_alloc : memref<!tpu.dma_semaphore, #tpu.memory_space<semaphore_mem>>
      %dma_start3A = arith.constant 0 : i32
      %dma_start3A_60 = tpu.memref_slice %arg6[%add3A_32, %dma_start3A] : memref<10016x128xf32, #tpu.memory_space<vmem_shared>> -> memref<64x128xf32, #tpu.memory_space<vmem_shared>>
      %dma_start3A_61 = arith.constant 0 : i32
      %dma_start3A_62 = tpu.memref_slice %arg6[%add3A_32, %dma_start3A_61] : memref<10016x128xf32, #tpu.memory_space<vmem_shared>> -> memref<64x128xf32, #tpu.memory_space<vmem_shared>>
      tpu.enqueue_dma source(%arg5 : memref<64x128xf32, #tpu.memory_space<vmem>>) target(%dma_start3A_62 : memref<64x128xf32, #tpu.memory_space<vmem_shared>>) target_semaphore(%run_scoped3A : memref<!tpu.dma_semaphore, #tpu.memory_space<semaphore_mem>>)
      %dma_wait3A = arith.constant 0 : i32
      %dma_wait3A_63 = tpu.memref_slice %arg6[%add3A_32, %dma_wait3A] : memref<10016x128xf32, #tpu.memory_space<vmem_shared>> -> memref<64x128xf32, #tpu.memory_space<vmem_shared>>
      %dma_wait3A_64 = arith.constant 0 : i32
      %dma_wait3A_65 = tpu.memref_slice %arg6[%add3A_32, %dma_wait3A_64] : memref<10016x128xf32, #tpu.memory_space<vmem_shared>> -> memref<64x128xf32, #tpu.memory_space<vmem_shared>>
      tpu.wait_dma2 semaphore(%run_scoped3A : memref<!tpu.dma_semaphore, #tpu.memory_space<semaphore_mem>>) src(%arg5 : memref<64x128xf32, #tpu.memory_space<vmem>>) dst(%dma_wait3A_65 : memref<64x128xf32, #tpu.memory_space<vmem_shared>>)
      tpu.yield
    }) : () -> ()
    %mul3A_33 = arith.constant 624 : i32
    %mul3A_34 = arith.muli %arg1, %mul3A_33 : i32
    %add3A_35 = arith.constant 448 : i32
    %add3A_36 = arith.addi %mul3A_34, %add3A_35 : i32
    "tpu.region"() ({
      %run_scoped3A = tpu.sem_alloc : memref<!tpu.dma_semaphore, #tpu.memory_space<semaphore_mem>>
      %dma_start3A = arith.constant 0 : i32
      %dma_start3A_60 = tpu.memref_slice %arg6[%add3A_36, %dma_start3A] : memref<10016x128xf32, #tpu.memory_space<vmem_shared>> -> memref<64x128xf32, #tpu.memory_space<vmem_shared>>
      %dma_start3A_61 = arith.constant 0 : i32
      %dma_start3A_62 = tpu.memref_slice %arg6[%add3A_36, %dma_start3A_61] : memref<10016x128xf32, #tpu.memory_space<vmem_shared>> -> memref<64x128xf32, #tpu.memory_space<vmem_shared>>
      tpu.enqueue_dma source(%arg5 : memref<64x128xf32, #tpu.memory_space<vmem>>) target(%dma_start3A_62 : memref<64x128xf32, #tpu.memory_space<vmem_shared>>) target_semaphore(%run_scoped3A : memref<!tpu.dma_semaphore, #tpu.memory_space<semaphore_mem>>)
      %dma_wait3A = arith.constant 0 : i32
      %dma_wait3A_63 = tpu.memref_slice %arg6[%add3A_36, %dma_wait3A] : memref<10016x128xf32, #tpu.memory_space<vmem_shared>> -> memref<64x128xf32, #tpu.memory_space<vmem_shared>>
      %dma_wait3A_64 = arith.constant 0 : i32
      %dma_wait3A_65 = tpu.memref_slice %arg6[%add3A_36, %dma_wait3A_64] : memref<10016x128xf32, #tpu.memory_space<vmem_shared>> -> memref<64x128xf32, #tpu.memory_space<vmem_shared>>
      tpu.wait_dma2 semaphore(%run_scoped3A : memref<!tpu.dma_semaphore, #tpu.memory_space<semaphore_mem>>) src(%arg5 : memref<64x128xf32, #tpu.memory_space<vmem>>) dst(%dma_wait3A_65 : memref<64x128xf32, #tpu.memory_space<vmem_shared>>)
      tpu.yield
    }) : () -> ()
    %mul3A_37 = arith.constant 624 : i32
    %mul3A_38 = arith.muli %arg1, %mul3A_37 : i32
    %add3A_39 = arith.constant 512 : i32
    %add3A_40 = arith.addi %mul3A_38, %add3A_39 : i32
    "tpu.region"() ({
      %run_scoped3A = tpu.sem_alloc : memref<!tpu.dma_semaphore, #tpu.memory_space<semaphore_mem>>
      %dma_start3A = arith.constant 0 : i32
      %dma_start3A_60 = tpu.memref_slice %arg6[%add3A_40, %dma_start3A] : memref<10016x128xf32, #tpu.memory_space<vmem_shared>> -> memref<64x128xf32, #tpu.memory_space<vmem_shared>>
      %dma_start3A_61 = arith.constant 0 : i32
      %dma_start3A_62 = tpu.memref_slice %arg6[%add3A_40, %dma_start3A_61] : memref<10016x128xf32, #tpu.memory_space<vmem_shared>> -> memref<64x128xf32, #tpu.memory_space<vmem_shared>>
      tpu.enqueue_dma source(%arg5 : memref<64x128xf32, #tpu.memory_space<vmem>>) target(%dma_start3A_62 : memref<64x128xf32, #tpu.memory_space<vmem_shared>>) target_semaphore(%run_scoped3A : memref<!tpu.dma_semaphore, #tpu.memory_space<semaphore_mem>>)
      %dma_wait3A = arith.constant 0 : i32
      %dma_wait3A_63 = tpu.memref_slice %arg6[%add3A_40, %dma_wait3A] : memref<10016x128xf32, #tpu.memory_space<vmem_shared>> -> memref<64x128xf32, #tpu.memory_space<vmem_shared>>
      %dma_wait3A_64 = arith.constant 0 : i32
      %dma_wait3A_65 = tpu.memref_slice %arg6[%add3A_40, %dma_wait3A_64] : memref<10016x128xf32, #tpu.memory_space<vmem_shared>> -> memref<64x128xf32, #tpu.memory_space<vmem_shared>>
      tpu.wait_dma2 semaphore(%run_scoped3A : memref<!tpu.dma_semaphore, #tpu.memory_space<semaphore_mem>>) src(%arg5 : memref<64x128xf32, #tpu.memory_space<vmem>>) dst(%dma_wait3A_65 : memref<64x128xf32, #tpu.memory_space<vmem_shared>>)
      tpu.yield
    }) : () -> ()
    %mul3A_41 = arith.constant 624 : i32
    %mul3A_42 = arith.muli %arg1, %mul3A_41 : i32
    %add3A_43 = arith.constant 576 : i32
    %add3A_44 = arith.addi %mul3A_42, %add3A_43 : i32
    "tpu.region"() ({
      %run_scoped3A = tpu.sem_alloc : memref<!tpu.dma_semaphore, #tpu.memory_space<semaphore_mem>>
      %dma_start3A = arith.constant 0 : i32
      %dma_start3A_60 = tpu.memref_slice %arg6[%add3A_44, %dma_start3A] : memref<10016x128xf32, #tpu.memory_space<vmem_shared>> -> memref<64x128xf32, #tpu.memory_space<vmem_shared>>
      %dma_start3A_61 = arith.constant 0 : i32
      %dma_start3A_62 = tpu.memref_slice %arg6[%add3A_44, %dma_start3A_61] : memref<10016x128xf32, #tpu.memory_space<vmem_shared>> -> memref<64x128xf32, #tpu.memory_space<vmem_shared>>
      tpu.enqueue_dma source(%arg5 : memref<64x128xf32, #tpu.memory_space<vmem>>) target(%dma_start3A_62 : memref<64x128xf32, #tpu.memory_space<vmem_shared>>) target_semaphore(%run_scoped3A : memref<!tpu.dma_semaphore, #tpu.memory_space<semaphore_mem>>)
      %dma_wait3A = arith.constant 0 : i32
      %dma_wait3A_63 = tpu.memref_slice %arg6[%add3A_44, %dma_wait3A] : memref<10016x128xf32, #tpu.memory_space<vmem_shared>> -> memref<64x128xf32, #tpu.memory_space<vmem_shared>>
      %dma_wait3A_64 = arith.constant 0 : i32
      %dma_wait3A_65 = tpu.memref_slice %arg6[%add3A_44, %dma_wait3A_64] : memref<10016x128xf32, #tpu.memory_space<vmem_shared>> -> memref<64x128xf32, #tpu.memory_space<vmem_shared>>
      tpu.wait_dma2 semaphore(%run_scoped3A : memref<!tpu.dma_semaphore, #tpu.memory_space<semaphore_mem>>) src(%arg5 : memref<64x128xf32, #tpu.memory_space<vmem>>) dst(%dma_wait3A_65 : memref<64x128xf32, #tpu.memory_space<vmem_shared>>)
      tpu.yield
    }) : () -> ()
    %scan3A_45 = arith.constant 0 : i32
    %scan3A_46 = arith.constant 64 : i32
    %scan3A_47 = arith.addi %scan3A_45, %scan3A_46 : i32
    %scan3A_48 = arith.constant 1 : i32
    scf.for %scan3A_60 = %scan3A_45 to %scan3A_47 step %scan3A_48  : i32 {
      %mul3A_61 = arith.constant 1 : i32
      %mul3A_62 = arith.muli %scan3A_60, %mul3A_61 : i32
      %add3A_63 = arith.constant 0 : i32
      %add3A_64 = arith.addi %add3A_63, %mul3A_62 : i32
      %broadcast_in_dim3A = arith.constant 1.000000e+00 : f32
      %broadcast_in_dim3A_65 = vector.broadcast %broadcast_in_dim3A : f32 to vector<16xf32>
      %swap3A = arith.index_cast %add3A_64 : i32 to index
      %swap3A_66 = arith.constant 0 : index
      %swap3A_67 = tpu.vector_load %arg5[%swap3A, %swap3A_66] {strides = array<i32>} : memref<64x128xf32, #tpu.memory_space<vmem>>, vector<1x16xf32>,
      %swap3A_68 = vector.shape_cast %swap3A_67 : vector<1x16xf32> to vector<16xf32>
      %swap3A_69 = vector.shape_cast %broadcast_in_dim3A_65 : vector<16xf32> to vector<1x16xf32>
      tpu.vector_store %arg5[%swap3A, %swap3A_66], %swap3A_69 {strides = array<i32>} : memref<64x128xf32, #tpu.memory_space<vmem>>, vector<1x16xf32>,
      %broadcast_in_dim3A_70 = arith.constant 1.000000e+00 : f32
      %broadcast_in_dim3A_71 = vector.broadcast %broadcast_in_dim3A_70 : f32 to vector<16xf32>
      %swap3A_72 = arith.index_cast %add3A_64 : i32 to index
      %swap3A_73 = arith.constant 16 : index
      %swap3A_74 = tpu.vector_load %arg5[%swap3A_72, %swap3A_73] {strides = array<i32>} : memref<64x128xf32, #tpu.memory_space<vmem>>, vector<1x16xf32>,
      %swap3A_75 = vector.shape_cast %swap3A_74 : vector<1x16xf32> to vector<16xf32>
      %swap3A_76 = vector.shape_cast %broadcast_in_dim3A_71 : vector<16xf32> to vector<1x16xf32>
      tpu.vector_store %arg5[%swap3A_72, %swap3A_73], %swap3A_76 {strides = array<i32>} : memref<64x128xf32, #tpu.memory_space<vmem>>, vector<1x16xf32>,
      %broadcast_in_dim3A_77 = arith.constant 1.000000e+00 : f32
      %broadcast_in_dim3A_78 = vector.broadcast %broadcast_in_dim3A_77 : f32 to vector<16xf32>
      %swap3A_79 = arith.index_cast %add3A_64 : i32 to index
      %swap3A_80 = arith.constant 32 : index
      %swap3A_81 = tpu.vector_load %arg5[%swap3A_79, %swap3A_80] {strides = array<i32>} : memref<64x128xf32, #tpu.memory_space<vmem>>, vector<1x16xf32>,
      %swap3A_82 = vector.shape_cast %swap3A_81 : vector<1x16xf32> to vector<16xf32>
      %swap3A_83 = vector.shape_cast %broadcast_in_dim3A_78 : vector<16xf32> to vector<1x16xf32>
      tpu.vector_store %arg5[%swap3A_79, %swap3A_80], %swap3A_83 {strides = array<i32>} : memref<64x128xf32, #tpu.memory_space<vmem>>, vector<1x16xf32>,
      %broadcast_in_dim3A_84 = arith.constant 1.000000e+00 : f32
      %broadcast_in_dim3A_85 = vector.broadcast %broadcast_in_dim3A_84 : f32 to vector<16xf32>
      %swap3A_86 = arith.index_cast %add3A_64 : i32 to index
      %swap3A_87 = arith.constant 48 : index
      %swap3A_88 = tpu.vector_load %arg5[%swap3A_86, %swap3A_87] {strides = array<i32>} : memref<64x128xf32, #tpu.memory_space<vmem>>, vector<1x16xf32>,
      %swap3A_89 = vector.shape_cast %swap3A_88 : vector<1x16xf32> to vector<16xf32>
      %swap3A_90 = vector.shape_cast %broadcast_in_dim3A_85 : vector<16xf32> to vector<1x16xf32>
      tpu.vector_store %arg5[%swap3A_86, %swap3A_87], %swap3A_90 {strides = array<i32>} : memref<64x128xf32, #tpu.memory_space<vmem>>, vector<1x16xf32>,
      %broadcast_in_dim3A_91 = arith.constant 1.000000e+00 : f32
      %broadcast_in_dim3A_92 = vector.broadcast %broadcast_in_dim3A_91 : f32 to vector<16xf32>
      %swap3A_93 = arith.index_cast %add3A_64 : i32 to index
      %swap3A_94 = arith.constant 64 : index
      %swap3A_95 = tpu.vector_load %arg5[%swap3A_93, %swap3A_94] {strides = array<i32>} : memref<64x128xf32, #tpu.memory_space<vmem>>, vector<1x16xf32>,
      %swap3A_96 = vector.shape_cast %swap3A_95 : vector<1x16xf32> to vector<16xf32>
      %swap3A_97 = vector.shape_cast %broadcast_in_dim3A_92 : vector<16xf32> to vector<1x16xf32>
      tpu.vector_store %arg5[%swap3A_93, %swap3A_94], %swap3A_97 {strides = array<i32>} : memref<64x128xf32, #tpu.memory_space<vmem>>, vector<1x16xf32>,
      %broadcast_in_dim3A_98 = arith.constant 1.000000e+00 : f32
      %broadcast_in_dim3A_99 = vector.broadcast %broadcast_in_dim3A_98 : f32 to vector<16xf32>
      %swap3A_100 = arith.index_cast %add3A_64 : i32 to index
      %swap3A_101 = arith.constant 80 : index
      %swap3A_102 = tpu.vector_load %arg5[%swap3A_100, %swap3A_101] {strides = array<i32>} : memref<64x128xf32, #tpu.memory_space<vmem>>, vector<1x16xf32>,
      %swap3A_103 = vector.shape_cast %swap3A_102 : vector<1x16xf32> to vector<16xf32>
      %swap3A_104 = vector.shape_cast %broadcast_in_dim3A_99 : vector<16xf32> to vector<1x16xf32>
      tpu.vector_store %arg5[%swap3A_100, %swap3A_101], %swap3A_104 {strides = array<i32>} : memref<64x128xf32, #tpu.memory_space<vmem>>, vector<1x16xf32>,
      %broadcast_in_dim3A_105 = arith.constant 1.000000e+00 : f32
      %broadcast_in_dim3A_106 = vector.broadcast %broadcast_in_dim3A_105 : f32 to vector<16xf32>
      %swap3A_107 = arith.index_cast %add3A_64 : i32 to index
      %swap3A_108 = arith.constant 96 : index
      %swap3A_109 = tpu.vector_load %arg5[%swap3A_107, %swap3A_108] {strides = array<i32>} : memref<64x128xf32, #tpu.memory_space<vmem>>, vector<1x16xf32>,
      %swap3A_110 = vector.shape_cast %swap3A_109 : vector<1x16xf32> to vector<16xf32>
      %swap3A_111 = vector.shape_cast %broadcast_in_dim3A_106 : vector<16xf32> to vector<1x16xf32>
      tpu.vector_store %arg5[%swap3A_107, %swap3A_108], %swap3A_111 {strides = array<i32>} : memref<64x128xf32, #tpu.memory_space<vmem>>, vector<1x16xf32>,
      %broadcast_in_dim3A_112 = arith.constant 1.000000e+00 : f32
      %broadcast_in_dim3A_113 = vector.broadcast %broadcast_in_dim3A_112 : f32 to vector<16xf32>
      %swap3A_114 = arith.index_cast %add3A_64 : i32 to index
      %swap3A_115 = arith.constant 112 : index
      %swap3A_116 = tpu.vector_load %arg5[%swap3A_114, %swap3A_115] {strides = array<i32>} : memref<64x128xf32, #tpu.memory_space<vmem>>, vector<1x16xf32>,
      %swap3A_117 = vector.shape_cast %swap3A_116 : vector<1x16xf32> to vector<16xf32>
      %swap3A_118 = vector.shape_cast %broadcast_in_dim3A_113 : vector<16xf32> to vector<1x16xf32>
      tpu.vector_store %arg5[%swap3A_114, %swap3A_115], %swap3A_118 {strides = array<i32>} : memref<64x128xf32, #tpu.memory_space<vmem>>, vector<1x16xf32>,
    }
    %scan3A_49 = arith.constant 64 : i32
    %barrier3A = arith.constant 0 : index
    tpu.barrier barrier_id(%barrier3A)
    %scan3A_50 = arith.constant 0 : i32
    %scan3A_51 = arith.constant 162 : i32
    %scan3A_52 = arith.addi %scan3A_50, %scan3A_51 : i32
    %scan3A_53 = arith.constant 1 : i32
    scf.for %scan3A_60 = %scan3A_50 to %scan3A_52 step %scan3A_53  : i32 {
      %mul3A_61 = arith.constant 1 : i32
      %mul3A_62 = arith.muli %scan3A_60, %mul3A_61 : i32
      %add3A_63 = arith.constant 0 : i32
      %add3A_64 = arith.addi %add3A_63, %mul3A_62 : i32
      "tpu.region"() ({
        %run_scoped3A = tpu.sem_alloc : memref<!tpu.dma_semaphore, #tpu.memory_space<semaphore_mem>>
        %dma_start3A = arith.constant 0 : i32
        %dma_start3A_65 = tpu.memref_slice %arg4[%add3A_64, %dma_start3A] : memref<162x64xi32, #tpu.memory_space<vmem>> -> memref<1x64xi32, #tpu.memory_space<vmem>>
        %dma_start3A_66 = tpu.memref_squeeze %dma_start3A_65 : memref<1x64xi32, #tpu.memory_space<vmem>> -> memref<64xi32, #tpu.memory_space<vmem>>
        %dma_start3A_67 = arith.constant 0 : i32
        %dma_start3A_68 = arith.constant 0 : i32
        %dma_start3A_69 = tpu.memref_slice %arg6[%dma_start3A_67, %dma_start3A_68] : memref<10016x128xf32, #tpu.memory_space<vmem_shared>> -> memref<10016x128xf32, #tpu.memory_space<vmem_shared>>
        tpu.enqueue_indirect_dma source(%arg5 : memref<64x128xf32, #tpu.memory_space<vmem>>) target(%dma_start3A_69 : memref<10016x128xf32, #tpu.memory_space<vmem_shared>>) offsets(%dma_start3A_66 : memref<64xi32, #tpu.memory_space<vmem>>) semaphore(%run_scoped3A : memref<!tpu.dma_semaphore, #tpu.memory_space<semaphore_mem>>) {add = true}
        %dma_wait3A = arith.constant 0 : i32
        %dma_wait3A_70 = tpu.memref_slice %arg4[%add3A_64, %dma_wait3A] : memref<162x64xi32, #tpu.memory_space<vmem>> -> memref<1x64xi32, #tpu.memory_space<vmem>>
        %dma_wait3A_71 = tpu.memref_squeeze %dma_wait3A_70 : memref<1x64xi32, #tpu.memory_space<vmem>> -> memref<64xi32, #tpu.memory_space<vmem>>
        %dma_wait3A_72 = arith.constant 0 : i32
        %dma_wait3A_73 = arith.constant 0 : i32
        %dma_wait3A_74 = tpu.memref_slice %arg6[%dma_wait3A_72, %dma_wait3A_73] : memref<10016x128xf32, #tpu.memory_space<vmem_shared>> -> memref<10016x128xf32, #tpu.memory_space<vmem_shared>>
        tpu.wait_indirect_dma semaphore(%run_scoped3A : memref<!tpu.dma_semaphore, #tpu.memory_space<semaphore_mem>>) src(%arg5 : memref<64x128xf32, #tpu.memory_space<vmem>>) dst(%dma_wait3A_74 : memref<10016x128xf32, #tpu.memory_space<vmem_shared>>)
        tpu.yield
      }) : () -> ()
    }
    %scan3A_54 = arith.constant 162 : i32
    %barrier3A_55 = arith.constant 0 : index
    tpu.barrier barrier_id(%barrier3A_55)
    %mul3A_56 = arith.constant 624 : i32
    %mul3A_57 = arith.muli %arg1, %mul3A_56 : i32
    %mul3A_58 = arith.constant 624 : i32
    %mul3A_59 = arith.muli %arg1, %mul3A_58 : i32
    "tpu.region"() ({
      %run_scoped3A = tpu.sem_alloc : memref<!tpu.dma_semaphore, #tpu.memory_space<semaphore_mem>>
      %dma_start3A = arith.constant 0 : i32
      %dma_start3A_60 = tpu.memref_slice %arg3[%arg0, %mul3A_59, %dma_start3A] : memref<2x10000x128xf32, #tpu.memory_space<hbm>> -> memref<1x640x128xf32, #tpu.memory_space<hbm>>
      %dma_start3A_61 = tpu.memref_squeeze %dma_start3A_60 : memref<1x640x128xf32, #tpu.memory_space<hbm>> -> memref<640x128xf32, #tpu.memory_space<hbm>>
      %dma_start3A_62 = arith.constant 0 : i32
      %dma_start3A_63 = tpu.memref_slice %arg6[%mul3A_57, %dma_start3A_62] : memref<10016x128xf32, #tpu.memory_space<vmem_shared>> -> memref<640x128xf32, #tpu.memory_space<vmem_shared>>
      tpu.enqueue_dma source(%dma_start3A_63 : memref<640x128xf32, #tpu.memory_space<vmem_shared>>) target(%dma_start3A_61 : memref<640x128xf32, #tpu.memory_space<hbm>>) target_semaphore(%run_scoped3A : memref<!tpu.dma_semaphore, #tpu.memory_space<semaphore_mem>>)
      %dma_wait3A = arith.constant 0 : i32
      %dma_wait3A_64 = tpu.memref_slice %arg3[%arg0, %mul3A_59, %dma_wait3A] : memref<2x10000x128xf32, #tpu.memory_space<hbm>> -> memref<1x640x128xf32, #tpu.memory_space<hbm>>
      %dma_wait3A_65 = tpu.memref_squeeze %dma_wait3A_64 : memref<1x640x128xf32, #tpu.memory_space<hbm>> -> memref<640x128xf32, #tpu.memory_space<hbm>>
      %dma_wait3A_66 = arith.constant 0 : i32
      %dma_wait3A_67 = tpu.memref_slice %arg6[%mul3A_57, %dma_wait3A_66] : memref<10016x128xf32, #tpu.memory_space<vmem_shared>> -> memref<640x128xf32, #tpu.memory_space<vmem_shared>>
      tpu.wait_dma2 semaphore(%run_scoped3A : memref<!tpu.dma_semaphore, #tpu.memory_space<semaphore_mem>>) src(%dma_wait3A_67 : memref<640x128xf32, #tpu.memory_space<vmem_shared>>) dst(%dma_wait3A_65 : memref<640x128xf32, #tpu.memory_space<hbm>>)
      tpu.yield
    }) : () -> ()
    return
  }
}

#map = affine_map<(d0, d1) -> (0, 0)>
#map1 = affine_map<(d0, d1) -> (0, 0, 0)>
module attributes {stable_mosaic.version = 14 : i64} {
  func.func @_prop(%arg0: i32, %arg1: i32, %arg2: memref<10000x128xf32, #tpu.memory_space<hbm>>, %arg3: memref<32x10368xi32, #tpu.memory_space<hbm>>, %arg4: memref<32x162x64xi32, #tpu.memory_space<hbm>>, %arg5: memref<2x10000x128xf32, #tpu.memory_space<hbm>>, %arg6: memref<10368xi32, #tpu.memory_space<vmem>>, %arg7: memref<162x64xi32, #tpu.memory_space<vmem>>, %arg8: memref<2x64x128xf32, #tpu.memory_space<vmem>>, %arg9: memref<10016x128xf32, #tpu.memory_space<vmem_shared>>, %arg10: memref<!tpu.dma_semaphore, #tpu.memory_space<semaphore_mem>>, %arg11: memref<!tpu.dma_semaphore, #tpu.memory_space<semaphore_mem>>) attributes {dimension_semantics = [#tpu.dimension_semantics<core_parallel>, #tpu.dimension_semantics<subcore_parallel>], iteration_bounds = array<i64: 2, 16>, scalar_prefetch = 0 : i64, scratch_operands = 6 : i64, tpu.core_type = #tpu.core_type<sc_vector_subcore>, window_params = [{transform_indices = #map}, {transform_indices = #map}, {transform_indices = #map1}, {transform_indices = #map1}]} {
    %mul3A = arith.constant 2 : i32
    %mul3A_0 = arith.muli %arg1, %mul3A : i32
    %add3A = arith.addi %mul3A_0, %arg0 : i32
    %scan3A = arith.constant 0 : i32
    %scan3A_1 = arith.constant 64 : i32
    %scan3A_2 = arith.addi %scan3A, %scan3A_1 : i32
    %scan3A_3 = arith.constant 1 : i32
    scf.for %scan3A_83 = %scan3A to %scan3A_2 step %scan3A_3  : i32 {
      %mul3A_84 = arith.constant 1 : i32
      %mul3A_85 = arith.muli %scan3A_83, %mul3A_84 : i32
      %add3A_86 = arith.constant 0 : i32
      %add3A_87 = arith.addi %add3A_86, %mul3A_85 : i32
      %broadcast_in_dim3A = arith.constant 0.000000e+00 : f32
      %broadcast_in_dim3A_88 = vector.broadcast %broadcast_in_dim3A : f32 to vector<16xf32>
      %swap3A = arith.constant 0 : i32
      %swap3A_89 = arith.index_cast %swap3A : i32 to index
      %swap3A_90 = arith.index_cast %add3A_87 : i32 to index
      %swap3A_91 = arith.constant 0 : index
      %swap3A_92 = tpu.vector_load %arg8[%swap3A_89, %swap3A_90, %swap3A_91] {strides = array<i32>} : memref<2x64x128xf32, #tpu.memory_space<vmem>>, vector<1x1x16xf32>,
      %swap3A_93 = vector.shape_cast %swap3A_92 : vector<1x1x16xf32> to vector<16xf32>
      %swap3A_94 = vector.shape_cast %broadcast_in_dim3A_88 : vector<16xf32> to vector<1x1x16xf32>
      tpu.vector_store %arg8[%swap3A_89, %swap3A_90, %swap3A_91], %swap3A_94 {strides = array<i32>} : memref<2x64x128xf32, #tpu.memory_space<vmem>>, vector<1x1x16xf32>,
      %broadcast_in_dim3A_95 = arith.constant 0.000000e+00 : f32
      %broadcast_in_dim3A_96 = vector.broadcast %broadcast_in_dim3A_95 : f32 to vector<16xf32>
      %swap3A_97 = arith.constant 0 : i32
      %swap3A_98 = arith.index_cast %swap3A_97 : i32 to index
      %swap3A_99 = arith.index_cast %add3A_87 : i32 to index
      %swap3A_100 = arith.constant 16 : index
      %swap3A_101 = tpu.vector_load %arg8[%swap3A_98, %swap3A_99, %swap3A_100] {strides = array<i32>} : memref<2x64x128xf32, #tpu.memory_space<vmem>>, vector<1x1x16xf32>,
      %swap3A_102 = vector.shape_cast %swap3A_101 : vector<1x1x16xf32> to vector<16xf32>
      %swap3A_103 = vector.shape_cast %broadcast_in_dim3A_96 : vector<16xf32> to vector<1x1x16xf32>
      tpu.vector_store %arg8[%swap3A_98, %swap3A_99, %swap3A_100], %swap3A_103 {strides = array<i32>} : memref<2x64x128xf32, #tpu.memory_space<vmem>>, vector<1x1x16xf32>,
      %broadcast_in_dim3A_104 = arith.constant 0.000000e+00 : f32
      %broadcast_in_dim3A_105 = vector.broadcast %broadcast_in_dim3A_104 : f32 to vector<16xf32>
      %swap3A_106 = arith.constant 0 : i32
      %swap3A_107 = arith.index_cast %swap3A_106 : i32 to index
      %swap3A_108 = arith.index_cast %add3A_87 : i32 to index
      %swap3A_109 = arith.constant 32 : index
      %swap3A_110 = tpu.vector_load %arg8[%swap3A_107, %swap3A_108, %swap3A_109] {strides = array<i32>} : memref<2x64x128xf32, #tpu.memory_space<vmem>>, vector<1x1x16xf32>,
      %swap3A_111 = vector.shape_cast %swap3A_110 : vector<1x1x16xf32> to vector<16xf32>
      %swap3A_112 = vector.shape_cast %broadcast_in_dim3A_105 : vector<16xf32> to vector<1x1x16xf32>
      tpu.vector_store %arg8[%swap3A_107, %swap3A_108, %swap3A_109], %swap3A_112 {strides = array<i32>} : memref<2x64x128xf32, #tpu.memory_space<vmem>>, vector<1x1x16xf32>,
      %broadcast_in_dim3A_113 = arith.constant 0.000000e+00 : f32
      %broadcast_in_dim3A_114 = vector.broadcast %broadcast_in_dim3A_113 : f32 to vector<16xf32>
      %swap3A_115 = arith.constant 0 : i32
      %swap3A_116 = arith.index_cast %swap3A_115 : i32 to index
      %swap3A_117 = arith.index_cast %add3A_87 : i32 to index
      %swap3A_118 = arith.constant 48 : index
      %swap3A_119 = tpu.vector_load %arg8[%swap3A_116, %swap3A_117, %swap3A_118] {strides = array<i32>} : memref<2x64x128xf32, #tpu.memory_space<vmem>>, vector<1x1x16xf32>,
      %swap3A_120 = vector.shape_cast %swap3A_119 : vector<1x1x16xf32> to vector<16xf32>
      %swap3A_121 = vector.shape_cast %broadcast_in_dim3A_114 : vector<16xf32> to vector<1x1x16xf32>
      tpu.vector_store %arg8[%swap3A_116, %swap3A_117, %swap3A_118], %swap3A_121 {strides = array<i32>} : memref<2x64x128xf32, #tpu.memory_space<vmem>>, vector<1x1x16xf32>,
      %broadcast_in_dim3A_122 = arith.constant 0.000000e+00 : f32
      %broadcast_in_dim3A_123 = vector.broadcast %broadcast_in_dim3A_122 : f32 to vector<16xf32>
      %swap3A_124 = arith.constant 0 : i32
      %swap3A_125 = arith.index_cast %swap3A_124 : i32 to index
      %swap3A_126 = arith.index_cast %add3A_87 : i32 to index
      %swap3A_127 = arith.constant 64 : index
      %swap3A_128 = tpu.vector_load %arg8[%swap3A_125, %swap3A_126, %swap3A_127] {strides = array<i32>} : memref<2x64x128xf32, #tpu.memory_space<vmem>>, vector<1x1x16xf32>,
      %swap3A_129 = vector.shape_cast %swap3A_128 : vector<1x1x16xf32> to vector<16xf32>
      %swap3A_130 = vector.shape_cast %broadcast_in_dim3A_123 : vector<16xf32> to vector<1x1x16xf32>
      tpu.vector_store %arg8[%swap3A_125, %swap3A_126, %swap3A_127], %swap3A_130 {strides = array<i32>} : memref<2x64x128xf32, #tpu.memory_space<vmem>>, vector<1x1x16xf32>,
      %broadcast_in_dim3A_131 = arith.constant 0.000000e+00 : f32
      %broadcast_in_dim3A_132 = vector.broadcast %broadcast_in_dim3A_131 : f32 to vector<16xf32>
      %swap3A_133 = arith.constant 0 : i32
      %swap3A_134 = arith.index_cast %swap3A_133 : i32 to index
      %swap3A_135 = arith.index_cast %add3A_87 : i32 to index
      %swap3A_136 = arith.constant 80 : index
      %swap3A_137 = tpu.vector_load %arg8[%swap3A_134, %swap3A_135, %swap3A_136] {strides = array<i32>} : memref<2x64x128xf32, #tpu.memory_space<vmem>>, vector<1x1x16xf32>,
      %swap3A_138 = vector.shape_cast %swap3A_137 : vector<1x1x16xf32> to vector<16xf32>
      %swap3A_139 = vector.shape_cast %broadcast_in_dim3A_132 : vector<16xf32> to vector<1x1x16xf32>
      tpu.vector_store %arg8[%swap3A_134, %swap3A_135, %swap3A_136], %swap3A_139 {strides = array<i32>} : memref<2x64x128xf32, #tpu.memory_space<vmem>>, vector<1x1x16xf32>,
      %broadcast_in_dim3A_140 = arith.constant 0.000000e+00 : f32
      %broadcast_in_dim3A_141 = vector.broadcast %broadcast_in_dim3A_140 : f32 to vector<16xf32>
      %swap3A_142 = arith.constant 0 : i32
      %swap3A_143 = arith.index_cast %swap3A_142 : i32 to index
      %swap3A_144 = arith.index_cast %add3A_87 : i32 to index
      %swap3A_145 = arith.constant 96 : index
      %swap3A_146 = tpu.vector_load %arg8[%swap3A_143, %swap3A_144, %swap3A_145] {strides = array<i32>} : memref<2x64x128xf32, #tpu.memory_space<vmem>>, vector<1x1x16xf32>,
      %swap3A_147 = vector.shape_cast %swap3A_146 : vector<1x1x16xf32> to vector<16xf32>
      %swap3A_148 = vector.shape_cast %broadcast_in_dim3A_141 : vector<16xf32> to vector<1x1x16xf32>
      tpu.vector_store %arg8[%swap3A_143, %swap3A_144, %swap3A_145], %swap3A_148 {strides = array<i32>} : memref<2x64x128xf32, #tpu.memory_space<vmem>>, vector<1x1x16xf32>,
      %broadcast_in_dim3A_149 = arith.constant 0.000000e+00 : f32
      %broadcast_in_dim3A_150 = vector.broadcast %broadcast_in_dim3A_149 : f32 to vector<16xf32>
      %swap3A_151 = arith.constant 0 : i32
      %swap3A_152 = arith.index_cast %swap3A_151 : i32 to index
      %swap3A_153 = arith.index_cast %add3A_87 : i32 to index
      %swap3A_154 = arith.constant 112 : index
      %swap3A_155 = tpu.vector_load %arg8[%swap3A_152, %swap3A_153, %swap3A_154] {strides = array<i32>} : memref<2x64x128xf32, #tpu.memory_space<vmem>>, vector<1x1x16xf32>,
      %swap3A_156 = vector.shape_cast %swap3A_155 : vector<1x1x16xf32> to vector<16xf32>
      %swap3A_157 = vector.shape_cast %broadcast_in_dim3A_150 : vector<16xf32> to vector<1x1x16xf32>
      tpu.vector_store %arg8[%swap3A_152, %swap3A_153, %swap3A_154], %swap3A_157 {strides = array<i32>} : memref<2x64x128xf32, #tpu.memory_space<vmem>>, vector<1x1x16xf32>,
    }
    %scan3A_4 = arith.constant 64 : i32
    %mul3A_5 = arith.constant 624 : i32
    %mul3A_6 = arith.muli %arg1, %mul3A_5 : i32
    %add3A_7 = arith.constant 0 : i32
    %add3A_8 = arith.addi %mul3A_6, %add3A_7 : i32
    %run_scoped3A = arith.constant 0 : i32
    "tpu.region"() ({
      %run_scoped3A_83 = tpu.sem_alloc : memref<!tpu.dma_semaphore, #tpu.memory_space<semaphore_mem>>
      %dma_start3A_84 = arith.constant 0 : i32
      %dma_start3A_85 = arith.constant 0 : i32
      %dma_start3A_86 = tpu.memref_slice %arg8[%run_scoped3A, %dma_start3A_84, %dma_start3A_85] : memref<2x64x128xf32, #tpu.memory_space<vmem>> -> memref<1x64x128xf32, #tpu.memory_space<vmem>>
      %dma_start3A_87 = tpu.memref_squeeze %dma_start3A_86 : memref<1x64x128xf32, #tpu.memory_space<vmem>> -> memref<64x128xf32, #tpu.memory_space<vmem>>
      %dma_start3A_88 = arith.constant 0 : i32
      %dma_start3A_89 = tpu.memref_slice %arg9[%add3A_8, %dma_start3A_88] : memref<10016x128xf32, #tpu.memory_space<vmem_shared>> -> memref<64x128xf32, #tpu.memory_space<vmem_shared>>
      %dma_start3A_90 = arith.constant 0 : i32
      %dma_start3A_91 = tpu.memref_slice %arg9[%add3A_8, %dma_start3A_90] : memref<10016x128xf32, #tpu.memory_space<vmem_shared>> -> memref<64x128xf32, #tpu.memory_space<vmem_shared>>
      %dma_start3A_92 = arith.constant 0 : i32
      %dma_start3A_93 = arith.constant 0 : i32
      %dma_start3A_94 = tpu.memref_slice %arg8[%run_scoped3A, %dma_start3A_92, %dma_start3A_93] : memref<2x64x128xf32, #tpu.memory_space<vmem>> -> memref<1x64x128xf32, #tpu.memory_space<vmem>>
      %dma_start3A_95 = tpu.memref_squeeze %dma_start3A_94 : memref<1x64x128xf32, #tpu.memory_space<vmem>> -> memref<64x128xf32, #tpu.memory_space<vmem>>
      tpu.enqueue_dma source(%dma_start3A_95 : memref<64x128xf32, #tpu.memory_space<vmem>>) target(%dma_start3A_91 : memref<64x128xf32, #tpu.memory_space<vmem_shared>>) target_semaphore(%run_scoped3A_83 : memref<!tpu.dma_semaphore, #tpu.memory_space<semaphore_mem>>)
      %dma_wait3A = arith.constant 0 : i32
      %dma_wait3A_96 = arith.constant 0 : i32
      %dma_wait3A_97 = tpu.memref_slice %arg8[%run_scoped3A, %dma_wait3A, %dma_wait3A_96] : memref<2x64x128xf32, #tpu.memory_space<vmem>> -> memref<1x64x128xf32, #tpu.memory_space<vmem>>
      %dma_wait3A_98 = tpu.memref_squeeze %dma_wait3A_97 : memref<1x64x128xf32, #tpu.memory_space<vmem>> -> memref<64x128xf32, #tpu.memory_space<vmem>>
      %dma_wait3A_99 = arith.constant 0 : i32
      %dma_wait3A_100 = tpu.memref_slice %arg9[%add3A_8, %dma_wait3A_99] : memref<10016x128xf32, #tpu.memory_space<vmem_shared>> -> memref<64x128xf32, #tpu.memory_space<vmem_shared>>
      %dma_wait3A_101 = arith.constant 0 : i32
      %dma_wait3A_102 = tpu.memref_slice %arg9[%add3A_8, %dma_wait3A_101] : memref<10016x128xf32, #tpu.memory_space<vmem_shared>> -> memref<64x128xf32, #tpu.memory_space<vmem_shared>>
      %dma_wait3A_103 = arith.constant 0 : i32
      %dma_wait3A_104 = arith.constant 0 : i32
      %dma_wait3A_105 = tpu.memref_slice %arg8[%run_scoped3A, %dma_wait3A_103, %dma_wait3A_104] : memref<2x64x128xf32, #tpu.memory_space<vmem>> -> memref<1x64x128xf32, #tpu.memory_space<vmem>>
      %dma_wait3A_106 = tpu.memref_squeeze %dma_wait3A_105 : memref<1x64x128xf32, #tpu.memory_space<vmem>> -> memref<64x128xf32, #tpu.memory_space<vmem>>
      tpu.wait_dma2 semaphore(%run_scoped3A_83 : memref<!tpu.dma_semaphore, #tpu.memory_space<semaphore_mem>>) src(%dma_wait3A_106 : memref<64x128xf32, #tpu.memory_space<vmem>>) dst(%dma_wait3A_102 : memref<64x128xf32, #tpu.memory_space<vmem_shared>>)
      tpu.yield
    }) : () -> ()
    %mul3A_9 = arith.constant 624 : i32
    %mul3A_10 = arith.muli %arg1, %mul3A_9 : i32
    %add3A_11 = arith.constant 64 : i32
    %add3A_12 = arith.addi %mul3A_10, %add3A_11 : i32
    %run_scoped3A_13 = arith.constant 0 : i32
    "tpu.region"() ({
      %run_scoped3A_83 = tpu.sem_alloc : memref<!tpu.dma_semaphore, #tpu.memory_space<semaphore_mem>>
      %dma_start3A_84 = arith.constant 0 : i32
      %dma_start3A_85 = arith.constant 0 : i32
      %dma_start3A_86 = tpu.memref_slice %arg8[%run_scoped3A_13, %dma_start3A_84, %dma_start3A_85] : memref<2x64x128xf32, #tpu.memory_space<vmem>> -> memref<1x64x128xf32, #tpu.memory_space<vmem>>
      %dma_start3A_87 = tpu.memref_squeeze %dma_start3A_86 : memref<1x64x128xf32, #tpu.memory_space<vmem>> -> memref<64x128xf32, #tpu.memory_space<vmem>>
      %dma_start3A_88 = arith.constant 0 : i32
      %dma_start3A_89 = tpu.memref_slice %arg9[%add3A_12, %dma_start3A_88] : memref<10016x128xf32, #tpu.memory_space<vmem_shared>> -> memref<64x128xf32, #tpu.memory_space<vmem_shared>>
      %dma_start3A_90 = arith.constant 0 : i32
      %dma_start3A_91 = tpu.memref_slice %arg9[%add3A_12, %dma_start3A_90] : memref<10016x128xf32, #tpu.memory_space<vmem_shared>> -> memref<64x128xf32, #tpu.memory_space<vmem_shared>>
      %dma_start3A_92 = arith.constant 0 : i32
      %dma_start3A_93 = arith.constant 0 : i32
      %dma_start3A_94 = tpu.memref_slice %arg8[%run_scoped3A_13, %dma_start3A_92, %dma_start3A_93] : memref<2x64x128xf32, #tpu.memory_space<vmem>> -> memref<1x64x128xf32, #tpu.memory_space<vmem>>
      %dma_start3A_95 = tpu.memref_squeeze %dma_start3A_94 : memref<1x64x128xf32, #tpu.memory_space<vmem>> -> memref<64x128xf32, #tpu.memory_space<vmem>>
      tpu.enqueue_dma source(%dma_start3A_95 : memref<64x128xf32, #tpu.memory_space<vmem>>) target(%dma_start3A_91 : memref<64x128xf32, #tpu.memory_space<vmem_shared>>) target_semaphore(%run_scoped3A_83 : memref<!tpu.dma_semaphore, #tpu.memory_space<semaphore_mem>>)
      %dma_wait3A = arith.constant 0 : i32
      %dma_wait3A_96 = arith.constant 0 : i32
      %dma_wait3A_97 = tpu.memref_slice %arg8[%run_scoped3A_13, %dma_wait3A, %dma_wait3A_96] : memref<2x64x128xf32, #tpu.memory_space<vmem>> -> memref<1x64x128xf32, #tpu.memory_space<vmem>>
      %dma_wait3A_98 = tpu.memref_squeeze %dma_wait3A_97 : memref<1x64x128xf32, #tpu.memory_space<vmem>> -> memref<64x128xf32, #tpu.memory_space<vmem>>
      %dma_wait3A_99 = arith.constant 0 : i32
      %dma_wait3A_100 = tpu.memref_slice %arg9[%add3A_12, %dma_wait3A_99] : memref<10016x128xf32, #tpu.memory_space<vmem_shared>> -> memref<64x128xf32, #tpu.memory_space<vmem_shared>>
      %dma_wait3A_101 = arith.constant 0 : i32
      %dma_wait3A_102 = tpu.memref_slice %arg9[%add3A_12, %dma_wait3A_101] : memref<10016x128xf32, #tpu.memory_space<vmem_shared>> -> memref<64x128xf32, #tpu.memory_space<vmem_shared>>
      %dma_wait3A_103 = arith.constant 0 : i32
      %dma_wait3A_104 = arith.constant 0 : i32
      %dma_wait3A_105 = tpu.memref_slice %arg8[%run_scoped3A_13, %dma_wait3A_103, %dma_wait3A_104] : memref<2x64x128xf32, #tpu.memory_space<vmem>> -> memref<1x64x128xf32, #tpu.memory_space<vmem>>
      %dma_wait3A_106 = tpu.memref_squeeze %dma_wait3A_105 : memref<1x64x128xf32, #tpu.memory_space<vmem>> -> memref<64x128xf32, #tpu.memory_space<vmem>>
      tpu.wait_dma2 semaphore(%run_scoped3A_83 : memref<!tpu.dma_semaphore, #tpu.memory_space<semaphore_mem>>) src(%dma_wait3A_106 : memref<64x128xf32, #tpu.memory_space<vmem>>) dst(%dma_wait3A_102 : memref<64x128xf32, #tpu.memory_space<vmem_shared>>)
      tpu.yield
    }) : () -> ()
    %mul3A_14 = arith.constant 624 : i32
    %mul3A_15 = arith.muli %arg1, %mul3A_14 : i32
    %add3A_16 = arith.constant 128 : i32
    %add3A_17 = arith.addi %mul3A_15, %add3A_16 : i32
    %run_scoped3A_18 = arith.constant 0 : i32
    "tpu.region"() ({
      %run_scoped3A_83 = tpu.sem_alloc : memref<!tpu.dma_semaphore, #tpu.memory_space<semaphore_mem>>
      %dma_start3A_84 = arith.constant 0 : i32
      %dma_start3A_85 = arith.constant 0 : i32
      %dma_start3A_86 = tpu.memref_slice %arg8[%run_scoped3A_18, %dma_start3A_84, %dma_start3A_85] : memref<2x64x128xf32, #tpu.memory_space<vmem>> -> memref<1x64x128xf32, #tpu.memory_space<vmem>>
      %dma_start3A_87 = tpu.memref_squeeze %dma_start3A_86 : memref<1x64x128xf32, #tpu.memory_space<vmem>> -> memref<64x128xf32, #tpu.memory_space<vmem>>
      %dma_start3A_88 = arith.constant 0 : i32
      %dma_start3A_89 = tpu.memref_slice %arg9[%add3A_17, %dma_start3A_88] : memref<10016x128xf32, #tpu.memory_space<vmem_shared>> -> memref<64x128xf32, #tpu.memory_space<vmem_shared>>
      %dma_start3A_90 = arith.constant 0 : i32
      %dma_start3A_91 = tpu.memref_slice %arg9[%add3A_17, %dma_start3A_90] : memref<10016x128xf32, #tpu.memory_space<vmem_shared>> -> memref<64x128xf32, #tpu.memory_space<vmem_shared>>
      %dma_start3A_92 = arith.constant 0 : i32
      %dma_start3A_93 = arith.constant 0 : i32
      %dma_start3A_94 = tpu.memref_slice %arg8[%run_scoped3A_18, %dma_start3A_92, %dma_start3A_93] : memref<2x64x128xf32, #tpu.memory_space<vmem>> -> memref<1x64x128xf32, #tpu.memory_space<vmem>>
      %dma_start3A_95 = tpu.memref_squeeze %dma_start3A_94 : memref<1x64x128xf32, #tpu.memory_space<vmem>> -> memref<64x128xf32, #tpu.memory_space<vmem>>
      tpu.enqueue_dma source(%dma_start3A_95 : memref<64x128xf32, #tpu.memory_space<vmem>>) target(%dma_start3A_91 : memref<64x128xf32, #tpu.memory_space<vmem_shared>>) target_semaphore(%run_scoped3A_83 : memref<!tpu.dma_semaphore, #tpu.memory_space<semaphore_mem>>)
      %dma_wait3A = arith.constant 0 : i32
      %dma_wait3A_96 = arith.constant 0 : i32
      %dma_wait3A_97 = tpu.memref_slice %arg8[%run_scoped3A_18, %dma_wait3A, %dma_wait3A_96] : memref<2x64x128xf32, #tpu.memory_space<vmem>> -> memref<1x64x128xf32, #tpu.memory_space<vmem>>
      %dma_wait3A_98 = tpu.memref_squeeze %dma_wait3A_97 : memref<1x64x128xf32, #tpu.memory_space<vmem>> -> memref<64x128xf32, #tpu.memory_space<vmem>>
      %dma_wait3A_99 = arith.constant 0 : i32
      %dma_wait3A_100 = tpu.memref_slice %arg9[%add3A_17, %dma_wait3A_99] : memref<10016x128xf32, #tpu.memory_space<vmem_shared>> -> memref<64x128xf32, #tpu.memory_space<vmem_shared>>
      %dma_wait3A_101 = arith.constant 0 : i32
      %dma_wait3A_102 = tpu.memref_slice %arg9[%add3A_17, %dma_wait3A_101] : memref<10016x128xf32, #tpu.memory_space<vmem_shared>> -> memref<64x128xf32, #tpu.memory_space<vmem_shared>>
      %dma_wait3A_103 = arith.constant 0 : i32
      %dma_wait3A_104 = arith.constant 0 : i32
      %dma_wait3A_105 = tpu.memref_slice %arg8[%run_scoped3A_18, %dma_wait3A_103, %dma_wait3A_104] : memref<2x64x128xf32, #tpu.memory_space<vmem>> -> memref<1x64x128xf32, #tpu.memory_space<vmem>>
      %dma_wait3A_106 = tpu.memref_squeeze %dma_wait3A_105 : memref<1x64x128xf32, #tpu.memory_space<vmem>> -> memref<64x128xf32, #tpu.memory_space<vmem>>
      tpu.wait_dma2 semaphore(%run_scoped3A_83 : memref<!tpu.dma_semaphore, #tpu.memory_space<semaphore_mem>>) src(%dma_wait3A_106 : memref<64x128xf32, #tpu.memory_space<vmem>>) dst(%dma_wait3A_102 : memref<64x128xf32, #tpu.memory_space<vmem_shared>>)
      tpu.yield
    }) : () -> ()
    %mul3A_19 = arith.constant 624 : i32
    %mul3A_20 = arith.muli %arg1, %mul3A_19 : i32
    %add3A_21 = arith.constant 192 : i32
    %add3A_22 = arith.addi %mul3A_20, %add3A_21 : i32
    %run_scoped3A_23 = arith.constant 0 : i32
    "tpu.region"() ({
      %run_scoped3A_83 = tpu.sem_alloc : memref<!tpu.dma_semaphore, #tpu.memory_space<semaphore_mem>>
      %dma_start3A_84 = arith.constant 0 : i32
      %dma_start3A_85 = arith.constant 0 : i32
      %dma_start3A_86 = tpu.memref_slice %arg8[%run_scoped3A_23, %dma_start3A_84, %dma_start3A_85] : memref<2x64x128xf32, #tpu.memory_space<vmem>> -> memref<1x64x128xf32, #tpu.memory_space<vmem>>
      %dma_start3A_87 = tpu.memref_squeeze %dma_start3A_86 : memref<1x64x128xf32, #tpu.memory_space<vmem>> -> memref<64x128xf32, #tpu.memory_space<vmem>>
      %dma_start3A_88 = arith.constant 0 : i32
      %dma_start3A_89 = tpu.memref_slice %arg9[%add3A_22, %dma_start3A_88] : memref<10016x128xf32, #tpu.memory_space<vmem_shared>> -> memref<64x128xf32, #tpu.memory_space<vmem_shared>>
      %dma_start3A_90 = arith.constant 0 : i32
      %dma_start3A_91 = tpu.memref_slice %arg9[%add3A_22, %dma_start3A_90] : memref<10016x128xf32, #tpu.memory_space<vmem_shared>> -> memref<64x128xf32, #tpu.memory_space<vmem_shared>>
      %dma_start3A_92 = arith.constant 0 : i32
      %dma_start3A_93 = arith.constant 0 : i32
      %dma_start3A_94 = tpu.memref_slice %arg8[%run_scoped3A_23, %dma_start3A_92, %dma_start3A_93] : memref<2x64x128xf32, #tpu.memory_space<vmem>> -> memref<1x64x128xf32, #tpu.memory_space<vmem>>
      %dma_start3A_95 = tpu.memref_squeeze %dma_start3A_94 : memref<1x64x128xf32, #tpu.memory_space<vmem>> -> memref<64x128xf32, #tpu.memory_space<vmem>>
      tpu.enqueue_dma source(%dma_start3A_95 : memref<64x128xf32, #tpu.memory_space<vmem>>) target(%dma_start3A_91 : memref<64x128xf32, #tpu.memory_space<vmem_shared>>) target_semaphore(%run_scoped3A_83 : memref<!tpu.dma_semaphore, #tpu.memory_space<semaphore_mem>>)
      %dma_wait3A = arith.constant 0 : i32
      %dma_wait3A_96 = arith.constant 0 : i32
      %dma_wait3A_97 = tpu.memref_slice %arg8[%run_scoped3A_23, %dma_wait3A, %dma_wait3A_96] : memref<2x64x128xf32, #tpu.memory_space<vmem>> -> memref<1x64x128xf32, #tpu.memory_space<vmem>>
      %dma_wait3A_98 = tpu.memref_squeeze %dma_wait3A_97 : memref<1x64x128xf32, #tpu.memory_space<vmem>> -> memref<64x128xf32, #tpu.memory_space<vmem>>
      %dma_wait3A_99 = arith.constant 0 : i32
      %dma_wait3A_100 = tpu.memref_slice %arg9[%add3A_22, %dma_wait3A_99] : memref<10016x128xf32, #tpu.memory_space<vmem_shared>> -> memref<64x128xf32, #tpu.memory_space<vmem_shared>>
      %dma_wait3A_101 = arith.constant 0 : i32
      %dma_wait3A_102 = tpu.memref_slice %arg9[%add3A_22, %dma_wait3A_101] : memref<10016x128xf32, #tpu.memory_space<vmem_shared>> -> memref<64x128xf32, #tpu.memory_space<vmem_shared>>
      %dma_wait3A_103 = arith.constant 0 : i32
      %dma_wait3A_104 = arith.constant 0 : i32
      %dma_wait3A_105 = tpu.memref_slice %arg8[%run_scoped3A_23, %dma_wait3A_103, %dma_wait3A_104] : memref<2x64x128xf32, #tpu.memory_space<vmem>> -> memref<1x64x128xf32, #tpu.memory_space<vmem>>
      %dma_wait3A_106 = tpu.memref_squeeze %dma_wait3A_105 : memref<1x64x128xf32, #tpu.memory_space<vmem>> -> memref<64x128xf32, #tpu.memory_space<vmem>>
      tpu.wait_dma2 semaphore(%run_scoped3A_83 : memref<!tpu.dma_semaphore, #tpu.memory_space<semaphore_mem>>) src(%dma_wait3A_106 : memref<64x128xf32, #tpu.memory_space<vmem>>) dst(%dma_wait3A_102 : memref<64x128xf32, #tpu.memory_space<vmem_shared>>)
      tpu.yield
    }) : () -> ()
    %mul3A_24 = arith.constant 624 : i32
    %mul3A_25 = arith.muli %arg1, %mul3A_24 : i32
    %add3A_26 = arith.constant 256 : i32
    %add3A_27 = arith.addi %mul3A_25, %add3A_26 : i32
    %run_scoped3A_28 = arith.constant 0 : i32
    "tpu.region"() ({
      %run_scoped3A_83 = tpu.sem_alloc : memref<!tpu.dma_semaphore, #tpu.memory_space<semaphore_mem>>
      %dma_start3A_84 = arith.constant 0 : i32
      %dma_start3A_85 = arith.constant 0 : i32
      %dma_start3A_86 = tpu.memref_slice %arg8[%run_scoped3A_28, %dma_start3A_84, %dma_start3A_85] : memref<2x64x128xf32, #tpu.memory_space<vmem>> -> memref<1x64x128xf32, #tpu.memory_space<vmem>>
      %dma_start3A_87 = tpu.memref_squeeze %dma_start3A_86 : memref<1x64x128xf32, #tpu.memory_space<vmem>> -> memref<64x128xf32, #tpu.memory_space<vmem>>
      %dma_start3A_88 = arith.constant 0 : i32
      %dma_start3A_89 = tpu.memref_slice %arg9[%add3A_27, %dma_start3A_88] : memref<10016x128xf32, #tpu.memory_space<vmem_shared>> -> memref<64x128xf32, #tpu.memory_space<vmem_shared>>
      %dma_start3A_90 = arith.constant 0 : i32
      %dma_start3A_91 = tpu.memref_slice %arg9[%add3A_27, %dma_start3A_90] : memref<10016x128xf32, #tpu.memory_space<vmem_shared>> -> memref<64x128xf32, #tpu.memory_space<vmem_shared>>
      %dma_start3A_92 = arith.constant 0 : i32
      %dma_start3A_93 = arith.constant 0 : i32
      %dma_start3A_94 = tpu.memref_slice %arg8[%run_scoped3A_28, %dma_start3A_92, %dma_start3A_93] : memref<2x64x128xf32, #tpu.memory_space<vmem>> -> memref<1x64x128xf32, #tpu.memory_space<vmem>>
      %dma_start3A_95 = tpu.memref_squeeze %dma_start3A_94 : memref<1x64x128xf32, #tpu.memory_space<vmem>> -> memref<64x128xf32, #tpu.memory_space<vmem>>
      tpu.enqueue_dma source(%dma_start3A_95 : memref<64x128xf32, #tpu.memory_space<vmem>>) target(%dma_start3A_91 : memref<64x128xf32, #tpu.memory_space<vmem_shared>>) target_semaphore(%run_scoped3A_83 : memref<!tpu.dma_semaphore, #tpu.memory_space<semaphore_mem>>)
      %dma_wait3A = arith.constant 0 : i32
      %dma_wait3A_96 = arith.constant 0 : i32
      %dma_wait3A_97 = tpu.memref_slice %arg8[%run_scoped3A_28, %dma_wait3A, %dma_wait3A_96] : memref<2x64x128xf32, #tpu.memory_space<vmem>> -> memref<1x64x128xf32, #tpu.memory_space<vmem>>
      %dma_wait3A_98 = tpu.memref_squeeze %dma_wait3A_97 : memref<1x64x128xf32, #tpu.memory_space<vmem>> -> memref<64x128xf32, #tpu.memory_space<vmem>>
      %dma_wait3A_99 = arith.constant 0 : i32
      %dma_wait3A_100 = tpu.memref_slice %arg9[%add3A_27, %dma_wait3A_99] : memref<10016x128xf32, #tpu.memory_space<vmem_shared>> -> memref<64x128xf32, #tpu.memory_space<vmem_shared>>
      %dma_wait3A_101 = arith.constant 0 : i32
      %dma_wait3A_102 = tpu.memref_slice %arg9[%add3A_27, %dma_wait3A_101] : memref<10016x128xf32, #tpu.memory_space<vmem_shared>> -> memref<64x128xf32, #tpu.memory_space<vmem_shared>>
      %dma_wait3A_103 = arith.constant 0 : i32
      %dma_wait3A_104 = arith.constant 0 : i32
      %dma_wait3A_105 = tpu.memref_slice %arg8[%run_scoped3A_28, %dma_wait3A_103, %dma_wait3A_104] : memref<2x64x128xf32, #tpu.memory_space<vmem>> -> memref<1x64x128xf32, #tpu.memory_space<vmem>>
      %dma_wait3A_106 = tpu.memref_squeeze %dma_wait3A_105 : memref<1x64x128xf32, #tpu.memory_space<vmem>> -> memref<64x128xf32, #tpu.memory_space<vmem>>
      tpu.wait_dma2 semaphore(%run_scoped3A_83 : memref<!tpu.dma_semaphore, #tpu.memory_space<semaphore_mem>>) src(%dma_wait3A_106 : memref<64x128xf32, #tpu.memory_space<vmem>>) dst(%dma_wait3A_102 : memref<64x128xf32, #tpu.memory_space<vmem_shared>>)
      tpu.yield
    }) : () -> ()
    %mul3A_29 = arith.constant 624 : i32
    %mul3A_30 = arith.muli %arg1, %mul3A_29 : i32
    %add3A_31 = arith.constant 320 : i32
    %add3A_32 = arith.addi %mul3A_30, %add3A_31 : i32
    %run_scoped3A_33 = arith.constant 0 : i32
    "tpu.region"() ({
      %run_scoped3A_83 = tpu.sem_alloc : memref<!tpu.dma_semaphore, #tpu.memory_space<semaphore_mem>>
      %dma_start3A_84 = arith.constant 0 : i32
      %dma_start3A_85 = arith.constant 0 : i32
      %dma_start3A_86 = tpu.memref_slice %arg8[%run_scoped3A_33, %dma_start3A_84, %dma_start3A_85] : memref<2x64x128xf32, #tpu.memory_space<vmem>> -> memref<1x64x128xf32, #tpu.memory_space<vmem>>
      %dma_start3A_87 = tpu.memref_squeeze %dma_start3A_86 : memref<1x64x128xf32, #tpu.memory_space<vmem>> -> memref<64x128xf32, #tpu.memory_space<vmem>>
      %dma_start3A_88 = arith.constant 0 : i32
      %dma_start3A_89 = tpu.memref_slice %arg9[%add3A_32, %dma_start3A_88] : memref<10016x128xf32, #tpu.memory_space<vmem_shared>> -> memref<64x128xf32, #tpu.memory_space<vmem_shared>>
      %dma_start3A_90 = arith.constant 0 : i32
      %dma_start3A_91 = tpu.memref_slice %arg9[%add3A_32, %dma_start3A_90] : memref<10016x128xf32, #tpu.memory_space<vmem_shared>> -> memref<64x128xf32, #tpu.memory_space<vmem_shared>>
      %dma_start3A_92 = arith.constant 0 : i32
      %dma_start3A_93 = arith.constant 0 : i32
      %dma_start3A_94 = tpu.memref_slice %arg8[%run_scoped3A_33, %dma_start3A_92, %dma_start3A_93] : memref<2x64x128xf32, #tpu.memory_space<vmem>> -> memref<1x64x128xf32, #tpu.memory_space<vmem>>
      %dma_start3A_95 = tpu.memref_squeeze %dma_start3A_94 : memref<1x64x128xf32, #tpu.memory_space<vmem>> -> memref<64x128xf32, #tpu.memory_space<vmem>>
      tpu.enqueue_dma source(%dma_start3A_95 : memref<64x128xf32, #tpu.memory_space<vmem>>) target(%dma_start3A_91 : memref<64x128xf32, #tpu.memory_space<vmem_shared>>) target_semaphore(%run_scoped3A_83 : memref<!tpu.dma_semaphore, #tpu.memory_space<semaphore_mem>>)
      %dma_wait3A = arith.constant 0 : i32
      %dma_wait3A_96 = arith.constant 0 : i32
      %dma_wait3A_97 = tpu.memref_slice %arg8[%run_scoped3A_33, %dma_wait3A, %dma_wait3A_96] : memref<2x64x128xf32, #tpu.memory_space<vmem>> -> memref<1x64x128xf32, #tpu.memory_space<vmem>>
      %dma_wait3A_98 = tpu.memref_squeeze %dma_wait3A_97 : memref<1x64x128xf32, #tpu.memory_space<vmem>> -> memref<64x128xf32, #tpu.memory_space<vmem>>
      %dma_wait3A_99 = arith.constant 0 : i32
      %dma_wait3A_100 = tpu.memref_slice %arg9[%add3A_32, %dma_wait3A_99] : memref<10016x128xf32, #tpu.memory_space<vmem_shared>> -> memref<64x128xf32, #tpu.memory_space<vmem_shared>>
      %dma_wait3A_101 = arith.constant 0 : i32
      %dma_wait3A_102 = tpu.memref_slice %arg9[%add3A_32, %dma_wait3A_101] : memref<10016x128xf32, #tpu.memory_space<vmem_shared>> -> memref<64x128xf32, #tpu.memory_space<vmem_shared>>
      %dma_wait3A_103 = arith.constant 0 : i32
      %dma_wait3A_104 = arith.constant 0 : i32
      %dma_wait3A_105 = tpu.memref_slice %arg8[%run_scoped3A_33, %dma_wait3A_103, %dma_wait3A_104] : memref<2x64x128xf32, #tpu.memory_space<vmem>> -> memref<1x64x128xf32, #tpu.memory_space<vmem>>
      %dma_wait3A_106 = tpu.memref_squeeze %dma_wait3A_105 : memref<1x64x128xf32, #tpu.memory_space<vmem>> -> memref<64x128xf32, #tpu.memory_space<vmem>>
      tpu.wait_dma2 semaphore(%run_scoped3A_83 : memref<!tpu.dma_semaphore, #tpu.memory_space<semaphore_mem>>) src(%dma_wait3A_106 : memref<64x128xf32, #tpu.memory_space<vmem>>) dst(%dma_wait3A_102 : memref<64x128xf32, #tpu.memory_space<vmem_shared>>)
      tpu.yield
    }) : () -> ()
    %mul3A_34 = arith.constant 624 : i32
    %mul3A_35 = arith.muli %arg1, %mul3A_34 : i32
    %add3A_36 = arith.constant 384 : i32
    %add3A_37 = arith.addi %mul3A_35, %add3A_36 : i32
    %run_scoped3A_38 = arith.constant 0 : i32
    "tpu.region"() ({
      %run_scoped3A_83 = tpu.sem_alloc : memref<!tpu.dma_semaphore, #tpu.memory_space<semaphore_mem>>
      %dma_start3A_84 = arith.constant 0 : i32
      %dma_start3A_85 = arith.constant 0 : i32
      %dma_start3A_86 = tpu.memref_slice %arg8[%run_scoped3A_38, %dma_start3A_84, %dma_start3A_85] : memref<2x64x128xf32, #tpu.memory_space<vmem>> -> memref<1x64x128xf32, #tpu.memory_space<vmem>>
      %dma_start3A_87 = tpu.memref_squeeze %dma_start3A_86 : memref<1x64x128xf32, #tpu.memory_space<vmem>> -> memref<64x128xf32, #tpu.memory_space<vmem>>
      %dma_start3A_88 = arith.constant 0 : i32
      %dma_start3A_89 = tpu.memref_slice %arg9[%add3A_37, %dma_start3A_88] : memref<10016x128xf32, #tpu.memory_space<vmem_shared>> -> memref<64x128xf32, #tpu.memory_space<vmem_shared>>
      %dma_start3A_90 = arith.constant 0 : i32
      %dma_start3A_91 = tpu.memref_slice %arg9[%add3A_37, %dma_start3A_90] : memref<10016x128xf32, #tpu.memory_space<vmem_shared>> -> memref<64x128xf32, #tpu.memory_space<vmem_shared>>
      %dma_start3A_92 = arith.constant 0 : i32
      %dma_start3A_93 = arith.constant 0 : i32
      %dma_start3A_94 = tpu.memref_slice %arg8[%run_scoped3A_38, %dma_start3A_92, %dma_start3A_93] : memref<2x64x128xf32, #tpu.memory_space<vmem>> -> memref<1x64x128xf32, #tpu.memory_space<vmem>>
      %dma_start3A_95 = tpu.memref_squeeze %dma_start3A_94 : memref<1x64x128xf32, #tpu.memory_space<vmem>> -> memref<64x128xf32, #tpu.memory_space<vmem>>
      tpu.enqueue_dma source(%dma_start3A_95 : memref<64x128xf32, #tpu.memory_space<vmem>>) target(%dma_start3A_91 : memref<64x128xf32, #tpu.memory_space<vmem_shared>>) target_semaphore(%run_scoped3A_83 : memref<!tpu.dma_semaphore, #tpu.memory_space<semaphore_mem>>)
      %dma_wait3A = arith.constant 0 : i32
      %dma_wait3A_96 = arith.constant 0 : i32
      %dma_wait3A_97 = tpu.memref_slice %arg8[%run_scoped3A_38, %dma_wait3A, %dma_wait3A_96] : memref<2x64x128xf32, #tpu.memory_space<vmem>> -> memref<1x64x128xf32, #tpu.memory_space<vmem>>
      %dma_wait3A_98 = tpu.memref_squeeze %dma_wait3A_97 : memref<1x64x128xf32, #tpu.memory_space<vmem>> -> memref<64x128xf32, #tpu.memory_space<vmem>>
      %dma_wait3A_99 = arith.constant 0 : i32
      %dma_wait3A_100 = tpu.memref_slice %arg9[%add3A_37, %dma_wait3A_99] : memref<10016x128xf32, #tpu.memory_space<vmem_shared>> -> memref<64x128xf32, #tpu.memory_space<vmem_shared>>
      %dma_wait3A_101 = arith.constant 0 : i32
      %dma_wait3A_102 = tpu.memref_slice %arg9[%add3A_37, %dma_wait3A_101] : memref<10016x128xf32, #tpu.memory_space<vmem_shared>> -> memref<64x128xf32, #tpu.memory_space<vmem_shared>>
      %dma_wait3A_103 = arith.constant 0 : i32
      %dma_wait3A_104 = arith.constant 0 : i32
      %dma_wait3A_105 = tpu.memref_slice %arg8[%run_scoped3A_38, %dma_wait3A_103, %dma_wait3A_104] : memref<2x64x128xf32, #tpu.memory_space<vmem>> -> memref<1x64x128xf32, #tpu.memory_space<vmem>>
      %dma_wait3A_106 = tpu.memref_squeeze %dma_wait3A_105 : memref<1x64x128xf32, #tpu.memory_space<vmem>> -> memref<64x128xf32, #tpu.memory_space<vmem>>
      tpu.wait_dma2 semaphore(%run_scoped3A_83 : memref<!tpu.dma_semaphore, #tpu.memory_space<semaphore_mem>>) src(%dma_wait3A_106 : memref<64x128xf32, #tpu.memory_space<vmem>>) dst(%dma_wait3A_102 : memref<64x128xf32, #tpu.memory_space<vmem_shared>>)
      tpu.yield
    }) : () -> ()
    %mul3A_39 = arith.constant 624 : i32
    %mul3A_40 = arith.muli %arg1, %mul3A_39 : i32
    %add3A_41 = arith.constant 448 : i32
    %add3A_42 = arith.addi %mul3A_40, %add3A_41 : i32
    %run_scoped3A_43 = arith.constant 0 : i32
    "tpu.region"() ({
      %run_scoped3A_83 = tpu.sem_alloc : memref<!tpu.dma_semaphore, #tpu.memory_space<semaphore_mem>>
      %dma_start3A_84 = arith.constant 0 : i32
      %dma_start3A_85 = arith.constant 0 : i32
      %dma_start3A_86 = tpu.memref_slice %arg8[%run_scoped3A_43, %dma_start3A_84, %dma_start3A_85] : memref<2x64x128xf32, #tpu.memory_space<vmem>> -> memref<1x64x128xf32, #tpu.memory_space<vmem>>
      %dma_start3A_87 = tpu.memref_squeeze %dma_start3A_86 : memref<1x64x128xf32, #tpu.memory_space<vmem>> -> memref<64x128xf32, #tpu.memory_space<vmem>>
      %dma_start3A_88 = arith.constant 0 : i32
      %dma_start3A_89 = tpu.memref_slice %arg9[%add3A_42, %dma_start3A_88] : memref<10016x128xf32, #tpu.memory_space<vmem_shared>> -> memref<64x128xf32, #tpu.memory_space<vmem_shared>>
      %dma_start3A_90 = arith.constant 0 : i32
      %dma_start3A_91 = tpu.memref_slice %arg9[%add3A_42, %dma_start3A_90] : memref<10016x128xf32, #tpu.memory_space<vmem_shared>> -> memref<64x128xf32, #tpu.memory_space<vmem_shared>>
      %dma_start3A_92 = arith.constant 0 : i32
      %dma_start3A_93 = arith.constant 0 : i32
      %dma_start3A_94 = tpu.memref_slice %arg8[%run_scoped3A_43, %dma_start3A_92, %dma_start3A_93] : memref<2x64x128xf32, #tpu.memory_space<vmem>> -> memref<1x64x128xf32, #tpu.memory_space<vmem>>
      %dma_start3A_95 = tpu.memref_squeeze %dma_start3A_94 : memref<1x64x128xf32, #tpu.memory_space<vmem>> -> memref<64x128xf32, #tpu.memory_space<vmem>>
      tpu.enqueue_dma source(%dma_start3A_95 : memref<64x128xf32, #tpu.memory_space<vmem>>) target(%dma_start3A_91 : memref<64x128xf32, #tpu.memory_space<vmem_shared>>) target_semaphore(%run_scoped3A_83 : memref<!tpu.dma_semaphore, #tpu.memory_space<semaphore_mem>>)
      %dma_wait3A = arith.constant 0 : i32
      %dma_wait3A_96 = arith.constant 0 : i32
      %dma_wait3A_97 = tpu.memref_slice %arg8[%run_scoped3A_43, %dma_wait3A, %dma_wait3A_96] : memref<2x64x128xf32, #tpu.memory_space<vmem>> -> memref<1x64x128xf32, #tpu.memory_space<vmem>>
      %dma_wait3A_98 = tpu.memref_squeeze %dma_wait3A_97 : memref<1x64x128xf32, #tpu.memory_space<vmem>> -> memref<64x128xf32, #tpu.memory_space<vmem>>
      %dma_wait3A_99 = arith.constant 0 : i32
      %dma_wait3A_100 = tpu.memref_slice %arg9[%add3A_42, %dma_wait3A_99] : memref<10016x128xf32, #tpu.memory_space<vmem_shared>> -> memref<64x128xf32, #tpu.memory_space<vmem_shared>>
      %dma_wait3A_101 = arith.constant 0 : i32
      %dma_wait3A_102 = tpu.memref_slice %arg9[%add3A_42, %dma_wait3A_101] : memref<10016x128xf32, #tpu.memory_space<vmem_shared>> -> memref<64x128xf32, #tpu.memory_space<vmem_shared>>
      %dma_wait3A_103 = arith.constant 0 : i32
      %dma_wait3A_104 = arith.constant 0 : i32
      %dma_wait3A_105 = tpu.memref_slice %arg8[%run_scoped3A_43, %dma_wait3A_103, %dma_wait3A_104] : memref<2x64x128xf32, #tpu.memory_space<vmem>> -> memref<1x64x128xf32, #tpu.memory_space<vmem>>
      %dma_wait3A_106 = tpu.memref_squeeze %dma_wait3A_105 : memref<1x64x128xf32, #tpu.memory_space<vmem>> -> memref<64x128xf32, #tpu.memory_space<vmem>>
      tpu.wait_dma2 semaphore(%run_scoped3A_83 : memref<!tpu.dma_semaphore, #tpu.memory_space<semaphore_mem>>) src(%dma_wait3A_106 : memref<64x128xf32, #tpu.memory_space<vmem>>) dst(%dma_wait3A_102 : memref<64x128xf32, #tpu.memory_space<vmem_shared>>)
      tpu.yield
    }) : () -> ()
    %mul3A_44 = arith.constant 624 : i32
    %mul3A_45 = arith.muli %arg1, %mul3A_44 : i32
    %add3A_46 = arith.constant 512 : i32
    %add3A_47 = arith.addi %mul3A_45, %add3A_46 : i32
    %run_scoped3A_48 = arith.constant 0 : i32
    "tpu.region"() ({
      %run_scoped3A_83 = tpu.sem_alloc : memref<!tpu.dma_semaphore, #tpu.memory_space<semaphore_mem>>
      %dma_start3A_84 = arith.constant 0 : i32
      %dma_start3A_85 = arith.constant 0 : i32
      %dma_start3A_86 = tpu.memref_slice %arg8[%run_scoped3A_48, %dma_start3A_84, %dma_start3A_85] : memref<2x64x128xf32, #tpu.memory_space<vmem>> -> memref<1x64x128xf32, #tpu.memory_space<vmem>>
      %dma_start3A_87 = tpu.memref_squeeze %dma_start3A_86 : memref<1x64x128xf32, #tpu.memory_space<vmem>> -> memref<64x128xf32, #tpu.memory_space<vmem>>
      %dma_start3A_88 = arith.constant 0 : i32
      %dma_start3A_89 = tpu.memref_slice %arg9[%add3A_47, %dma_start3A_88] : memref<10016x128xf32, #tpu.memory_space<vmem_shared>> -> memref<64x128xf32, #tpu.memory_space<vmem_shared>>
      %dma_start3A_90 = arith.constant 0 : i32
      %dma_start3A_91 = tpu.memref_slice %arg9[%add3A_47, %dma_start3A_90] : memref<10016x128xf32, #tpu.memory_space<vmem_shared>> -> memref<64x128xf32, #tpu.memory_space<vmem_shared>>
      %dma_start3A_92 = arith.constant 0 : i32
      %dma_start3A_93 = arith.constant 0 : i32
      %dma_start3A_94 = tpu.memref_slice %arg8[%run_scoped3A_48, %dma_start3A_92, %dma_start3A_93] : memref<2x64x128xf32, #tpu.memory_space<vmem>> -> memref<1x64x128xf32, #tpu.memory_space<vmem>>
      %dma_start3A_95 = tpu.memref_squeeze %dma_start3A_94 : memref<1x64x128xf32, #tpu.memory_space<vmem>> -> memref<64x128xf32, #tpu.memory_space<vmem>>
      tpu.enqueue_dma source(%dma_start3A_95 : memref<64x128xf32, #tpu.memory_space<vmem>>) target(%dma_start3A_91 : memref<64x128xf32, #tpu.memory_space<vmem_shared>>) target_semaphore(%run_scoped3A_83 : memref<!tpu.dma_semaphore, #tpu.memory_space<semaphore_mem>>)
      %dma_wait3A = arith.constant 0 : i32
      %dma_wait3A_96 = arith.constant 0 : i32
      %dma_wait3A_97 = tpu.memref_slice %arg8[%run_scoped3A_48, %dma_wait3A, %dma_wait3A_96] : memref<2x64x128xf32, #tpu.memory_space<vmem>> -> memref<1x64x128xf32, #tpu.memory_space<vmem>>
      %dma_wait3A_98 = tpu.memref_squeeze %dma_wait3A_97 : memref<1x64x128xf32, #tpu.memory_space<vmem>> -> memref<64x128xf32, #tpu.memory_space<vmem>>
      %dma_wait3A_99 = arith.constant 0 : i32
      %dma_wait3A_100 = tpu.memref_slice %arg9[%add3A_47, %dma_wait3A_99] : memref<10016x128xf32, #tpu.memory_space<vmem_shared>> -> memref<64x128xf32, #tpu.memory_space<vmem_shared>>
      %dma_wait3A_101 = arith.constant 0 : i32
      %dma_wait3A_102 = tpu.memref_slice %arg9[%add3A_47, %dma_wait3A_101] : memref<10016x128xf32, #tpu.memory_space<vmem_shared>> -> memref<64x128xf32, #tpu.memory_space<vmem_shared>>
      %dma_wait3A_103 = arith.constant 0 : i32
      %dma_wait3A_104 = arith.constant 0 : i32
      %dma_wait3A_105 = tpu.memref_slice %arg8[%run_scoped3A_48, %dma_wait3A_103, %dma_wait3A_104] : memref<2x64x128xf32, #tpu.memory_space<vmem>> -> memref<1x64x128xf32, #tpu.memory_space<vmem>>
      %dma_wait3A_106 = tpu.memref_squeeze %dma_wait3A_105 : memref<1x64x128xf32, #tpu.memory_space<vmem>> -> memref<64x128xf32, #tpu.memory_space<vmem>>
      tpu.wait_dma2 semaphore(%run_scoped3A_83 : memref<!tpu.dma_semaphore, #tpu.memory_space<semaphore_mem>>) src(%dma_wait3A_106 : memref<64x128xf32, #tpu.memory_space<vmem>>) dst(%dma_wait3A_102 : memref<64x128xf32, #tpu.memory_space<vmem_shared>>)
      tpu.yield
    }) : () -> ()
    %mul3A_49 = arith.constant 624 : i32
    %mul3A_50 = arith.muli %arg1, %mul3A_49 : i32
    %add3A_51 = arith.constant 576 : i32
    %add3A_52 = arith.addi %mul3A_50, %add3A_51 : i32
    %run_scoped3A_53 = arith.constant 0 : i32
    "tpu.region"() ({
      %run_scoped3A_83 = tpu.sem_alloc : memref<!tpu.dma_semaphore, #tpu.memory_space<semaphore_mem>>
      %dma_start3A_84 = arith.constant 0 : i32
      %dma_start3A_85 = arith.constant 0 : i32
      %dma_start3A_86 = tpu.memref_slice %arg8[%run_scoped3A_53, %dma_start3A_84, %dma_start3A_85] : memref<2x64x128xf32, #tpu.memory_space<vmem>> -> memref<1x64x128xf32, #tpu.memory_space<vmem>>
      %dma_start3A_87 = tpu.memref_squeeze %dma_start3A_86 : memref<1x64x128xf32, #tpu.memory_space<vmem>> -> memref<64x128xf32, #tpu.memory_space<vmem>>
      %dma_start3A_88 = arith.constant 0 : i32
      %dma_start3A_89 = tpu.memref_slice %arg9[%add3A_52, %dma_start3A_88] : memref<10016x128xf32, #tpu.memory_space<vmem_shared>> -> memref<64x128xf32, #tpu.memory_space<vmem_shared>>
      %dma_start3A_90 = arith.constant 0 : i32
      %dma_start3A_91 = tpu.memref_slice %arg9[%add3A_52, %dma_start3A_90] : memref<10016x128xf32, #tpu.memory_space<vmem_shared>> -> memref<64x128xf32, #tpu.memory_space<vmem_shared>>
      %dma_start3A_92 = arith.constant 0 : i32
      %dma_start3A_93 = arith.constant 0 : i32
      %dma_start3A_94 = tpu.memref_slice %arg8[%run_scoped3A_53, %dma_start3A_92, %dma_start3A_93] : memref<2x64x128xf32, #tpu.memory_space<vmem>> -> memref<1x64x128xf32, #tpu.memory_space<vmem>>
      %dma_start3A_95 = tpu.memref_squeeze %dma_start3A_94 : memref<1x64x128xf32, #tpu.memory_space<vmem>> -> memref<64x128xf32, #tpu.memory_space<vmem>>
      tpu.enqueue_dma source(%dma_start3A_95 : memref<64x128xf32, #tpu.memory_space<vmem>>) target(%dma_start3A_91 : memref<64x128xf32, #tpu.memory_space<vmem_shared>>) target_semaphore(%run_scoped3A_83 : memref<!tpu.dma_semaphore, #tpu.memory_space<semaphore_mem>>)
      %dma_wait3A = arith.constant 0 : i32
      %dma_wait3A_96 = arith.constant 0 : i32
      %dma_wait3A_97 = tpu.memref_slice %arg8[%run_scoped3A_53, %dma_wait3A, %dma_wait3A_96] : memref<2x64x128xf32, #tpu.memory_space<vmem>> -> memref<1x64x128xf32, #tpu.memory_space<vmem>>
      %dma_wait3A_98 = tpu.memref_squeeze %dma_wait3A_97 : memref<1x64x128xf32, #tpu.memory_space<vmem>> -> memref<64x128xf32, #tpu.memory_space<vmem>>
      %dma_wait3A_99 = arith.constant 0 : i32
      %dma_wait3A_100 = tpu.memref_slice %arg9[%add3A_52, %dma_wait3A_99] : memref<10016x128xf32, #tpu.memory_space<vmem_shared>> -> memref<64x128xf32, #tpu.memory_space<vmem_shared>>
      %dma_wait3A_101 = arith.constant 0 : i32
      %dma_wait3A_102 = tpu.memref_slice %arg9[%add3A_52, %dma_wait3A_101] : memref<10016x128xf32, #tpu.memory_space<vmem_shared>> -> memref<64x128xf32, #tpu.memory_space<vmem_shared>>
      %dma_wait3A_103 = arith.constant 0 : i32
      %dma_wait3A_104 = arith.constant 0 : i32
      %dma_wait3A_105 = tpu.memref_slice %arg8[%run_scoped3A_53, %dma_wait3A_103, %dma_wait3A_104] : memref<2x64x128xf32, #tpu.memory_space<vmem>> -> memref<1x64x128xf32, #tpu.memory_space<vmem>>
      %dma_wait3A_106 = tpu.memref_squeeze %dma_wait3A_105 : memref<1x64x128xf32, #tpu.memory_space<vmem>> -> memref<64x128xf32, #tpu.memory_space<vmem>>
      tpu.wait_dma2 semaphore(%run_scoped3A_83 : memref<!tpu.dma_semaphore, #tpu.memory_space<semaphore_mem>>) src(%dma_wait3A_106 : memref<64x128xf32, #tpu.memory_space<vmem>>) dst(%dma_wait3A_102 : memref<64x128xf32, #tpu.memory_space<vmem_shared>>)
      tpu.yield
    }) : () -> ()
    %barrier3A = arith.constant 0 : index
    tpu.barrier barrier_id(%barrier3A)
    "tpu.region"() ({
      %run_scoped3A_83 = tpu.sem_alloc : memref<!tpu.dma_semaphore, #tpu.memory_space<semaphore_mem>>
      %dma_start3A_84 = arith.constant 0 : i32
      %dma_start3A_85 = tpu.memref_slice %arg3[%add3A, %dma_start3A_84] : memref<32x10368xi32, #tpu.memory_space<hbm>> -> memref<1x10368xi32, #tpu.memory_space<hbm>>
      %dma_start3A_86 = tpu.memref_squeeze %dma_start3A_85 : memref<1x10368xi32, #tpu.memory_space<hbm>> -> memref<10368xi32, #tpu.memory_space<hbm>>
      %dma_start3A_87 = arith.constant 0 : i32
      %dma_start3A_88 = tpu.memref_slice %arg3[%add3A, %dma_start3A_87] : memref<32x10368xi32, #tpu.memory_space<hbm>> -> memref<1x10368xi32, #tpu.memory_space<hbm>>
      %dma_start3A_89 = tpu.memref_squeeze %dma_start3A_88 : memref<1x10368xi32, #tpu.memory_space<hbm>> -> memref<10368xi32, #tpu.memory_space<hbm>>
      tpu.enqueue_dma source(%dma_start3A_89 : memref<10368xi32, #tpu.memory_space<hbm>>) target(%arg6 : memref<10368xi32, #tpu.memory_space<vmem>>) target_semaphore(%run_scoped3A_83 : memref<!tpu.dma_semaphore, #tpu.memory_space<semaphore_mem>>)
      %dma_wait3A = arith.constant 0 : i32
      %dma_wait3A_90 = tpu.memref_slice %arg3[%add3A, %dma_wait3A] : memref<32x10368xi32, #tpu.memory_space<hbm>> -> memref<1x10368xi32, #tpu.memory_space<hbm>>
      %dma_wait3A_91 = tpu.memref_squeeze %dma_wait3A_90 : memref<1x10368xi32, #tpu.memory_space<hbm>> -> memref<10368xi32, #tpu.memory_space<hbm>>
      %dma_wait3A_92 = arith.constant 0 : i32
      %dma_wait3A_93 = tpu.memref_slice %arg3[%add3A, %dma_wait3A_92] : memref<32x10368xi32, #tpu.memory_space<hbm>> -> memref<1x10368xi32, #tpu.memory_space<hbm>>
      %dma_wait3A_94 = tpu.memref_squeeze %dma_wait3A_93 : memref<1x10368xi32, #tpu.memory_space<hbm>> -> memref<10368xi32, #tpu.memory_space<hbm>>
      tpu.wait_dma2 semaphore(%run_scoped3A_83 : memref<!tpu.dma_semaphore, #tpu.memory_space<semaphore_mem>>) src(%dma_wait3A_94 : memref<10368xi32, #tpu.memory_space<hbm>>) dst(%arg6 : memref<10368xi32, #tpu.memory_space<vmem>>)
      tpu.yield
    }) : () -> ()
    "tpu.region"() ({
      %run_scoped3A_83 = tpu.sem_alloc : memref<!tpu.dma_semaphore, #tpu.memory_space<semaphore_mem>>
      %dma_start3A_84 = arith.constant 0 : i32
      %dma_start3A_85 = arith.constant 0 : i32
      %dma_start3A_86 = tpu.memref_slice %arg4[%add3A, %dma_start3A_84, %dma_start3A_85] : memref<32x162x64xi32, #tpu.memory_space<hbm>> -> memref<1x162x64xi32, #tpu.memory_space<hbm>>
      %dma_start3A_87 = tpu.memref_squeeze %dma_start3A_86 : memref<1x162x64xi32, #tpu.memory_space<hbm>> -> memref<162x64xi32, #tpu.memory_space<hbm>>
      %dma_start3A_88 = arith.constant 0 : i32
      %dma_start3A_89 = arith.constant 0 : i32
      %dma_start3A_90 = tpu.memref_slice %arg4[%add3A, %dma_start3A_88, %dma_start3A_89] : memref<32x162x64xi32, #tpu.memory_space<hbm>> -> memref<1x162x64xi32, #tpu.memory_space<hbm>>
      %dma_start3A_91 = tpu.memref_squeeze %dma_start3A_90 : memref<1x162x64xi32, #tpu.memory_space<hbm>> -> memref<162x64xi32, #tpu.memory_space<hbm>>
      tpu.enqueue_dma source(%dma_start3A_91 : memref<162x64xi32, #tpu.memory_space<hbm>>) target(%arg7 : memref<162x64xi32, #tpu.memory_space<vmem>>) target_semaphore(%run_scoped3A_83 : memref<!tpu.dma_semaphore, #tpu.memory_space<semaphore_mem>>)
      %dma_wait3A = arith.constant 0 : i32
      %dma_wait3A_92 = arith.constant 0 : i32
      %dma_wait3A_93 = tpu.memref_slice %arg4[%add3A, %dma_wait3A, %dma_wait3A_92] : memref<32x162x64xi32, #tpu.memory_space<hbm>> -> memref<1x162x64xi32, #tpu.memory_space<hbm>>
      %dma_wait3A_94 = tpu.memref_squeeze %dma_wait3A_93 : memref<1x162x64xi32, #tpu.memory_space<hbm>> -> memref<162x64xi32, #tpu.memory_space<hbm>>
      %dma_wait3A_95 = arith.constant 0 : i32
      %dma_wait3A_96 = arith.constant 0 : i32
      %dma_wait3A_97 = tpu.memref_slice %arg4[%add3A, %dma_wait3A_95, %dma_wait3A_96] : memref<32x162x64xi32, #tpu.memory_space<hbm>> -> memref<1x162x64xi32, #tpu.memory_space<hbm>>
      %dma_wait3A_98 = tpu.memref_squeeze %dma_wait3A_97 : memref<1x162x64xi32, #tpu.memory_space<hbm>> -> memref<162x64xi32, #tpu.memory_space<hbm>>
      tpu.wait_dma2 semaphore(%run_scoped3A_83 : memref<!tpu.dma_semaphore, #tpu.memory_space<semaphore_mem>>) src(%dma_wait3A_98 : memref<162x64xi32, #tpu.memory_space<hbm>>) dst(%arg7 : memref<162x64xi32, #tpu.memory_space<vmem>>)
      tpu.yield
    }) : () -> ()
    %dma_start3A = arith.constant 0 : i32
    %dma_start3A_54 = arith.constant 0 : i32
    %dma_start3A_55 = arith.constant 0 : i32
    %dma_start3A_56 = tpu.memref_slice %arg8[%dma_start3A, %dma_start3A_54, %dma_start3A_55] : memref<2x64x128xf32, #tpu.memory_space<vmem>> -> memref<1x64x128xf32, #tpu.memory_space<vmem>>
    %dma_start3A_57 = tpu.memref_squeeze %dma_start3A_56 : memref<1x64x128xf32, #tpu.memory_space<vmem>> -> memref<64x128xf32, #tpu.memory_space<vmem>>
    %dma_start3A_58 = arith.constant 0 : i32
    %dma_start3A_59 = tpu.memref_slice %arg6[%dma_start3A_58] : memref<10368xi32, #tpu.memory_space<vmem>> -> memref<64xi32, #tpu.memory_space<vmem>>
    %dma_start3A_60 = arith.constant 0 : i32
    %dma_start3A_61 = arith.constant 0 : i32
    %dma_start3A_62 = tpu.memref_slice %arg2[%dma_start3A_60, %dma_start3A_61] : memref<10000x128xf32, #tpu.memory_space<hbm>> -> memref<10000x128xf32, #tpu.memory_space<hbm>>
    tpu.enqueue_indirect_dma source(%dma_start3A_62 : memref<10000x128xf32, #tpu.memory_space<hbm>>) target(%dma_start3A_57 : memref<64x128xf32, #tpu.memory_space<vmem>>) offsets(%dma_start3A_59 : memref<64xi32, #tpu.memory_space<vmem>>) semaphore(%arg10 : memref<!tpu.dma_semaphore, #tpu.memory_space<semaphore_mem>>)
    %dma_start3A_63 = arith.constant 1 : i32
    %dma_start3A_64 = arith.constant 0 : i32
    %dma_start3A_65 = arith.constant 0 : i32
    %dma_start3A_66 = tpu.memref_slice %arg8[%dma_start3A_63, %dma_start3A_64, %dma_start3A_65] : memref<2x64x128xf32, #tpu.memory_space<vmem>> -> memref<1x64x128xf32, #tpu.memory_space<vmem>>
    %dma_start3A_67 = tpu.memref_squeeze %dma_start3A_66 : memref<1x64x128xf32, #tpu.memory_space<vmem>> -> memref<64x128xf32, #tpu.memory_space<vmem>>
    %dma_start3A_68 = arith.constant 64 : i32
    %dma_start3A_69 = tpu.memref_slice %arg6[%dma_start3A_68] : memref<10368xi32, #tpu.memory_space<vmem>> -> memref<64xi32, #tpu.memory_space<vmem>>
    %dma_start3A_70 = arith.constant 0 : i32
    %dma_start3A_71 = arith.constant 0 : i32
    %dma_start3A_72 = tpu.memref_slice %arg2[%dma_start3A_70, %dma_start3A_71] : memref<10000x128xf32, #tpu.memory_space<hbm>> -> memref<10000x128xf32, #tpu.memory_space<hbm>>
    tpu.enqueue_indirect_dma source(%dma_start3A_72 : memref<10000x128xf32, #tpu.memory_space<hbm>>) target(%dma_start3A_67 : memref<64x128xf32, #tpu.memory_space<vmem>>) offsets(%dma_start3A_69 : memref<64xi32, #tpu.memory_space<vmem>>) semaphore(%arg11 : memref<!tpu.dma_semaphore, #tpu.memory_space<semaphore_mem>>)
    %scan3A_73 = arith.constant 0 : i32
    %scan3A_74 = arith.constant 81 : i32
    %scan3A_75 = arith.addi %scan3A_73, %scan3A_74 : i32
    %scan3A_76 = arith.constant 1 : i32
    scf.for %scan3A_83 = %scan3A_73 to %scan3A_75 step %scan3A_76  : i32 {
      %mul3A_84 = arith.constant 2 : i32
      %mul3A_85 = arith.muli %scan3A_83, %mul3A_84 : i32
      %add3A_86 = arith.constant 0 : i32
      %add3A_87 = arith.addi %add3A_86, %mul3A_85 : i32
      %add3A_88 = arith.constant 0 : i32
      %add3A_89 = arith.addi %add3A_87, %add3A_88 : i32
      %dma_wait3A = arith.constant 0 : i32
      %dma_wait3A_90 = arith.constant 0 : i32
      %dma_wait3A_91 = arith.constant 0 : i32
      %dma_wait3A_92 = tpu.memref_slice %arg8[%dma_wait3A, %dma_wait3A_90, %dma_wait3A_91] : memref<2x64x128xf32, #tpu.memory_space<vmem>> -> memref<1x64x128xf32, #tpu.memory_space<vmem>>
      %dma_wait3A_93 = tpu.memref_squeeze %dma_wait3A_92 : memref<1x64x128xf32, #tpu.memory_space<vmem>> -> memref<64x128xf32, #tpu.memory_space<vmem>>
      %dma_wait3A_94 = arith.constant 0 : i32
      %dma_wait3A_95 = tpu.memref_slice %arg6[%dma_wait3A_94] : memref<10368xi32, #tpu.memory_space<vmem>> -> memref<64xi32, #tpu.memory_space<vmem>>
      %dma_wait3A_96 = arith.constant 0 : i32
      %dma_wait3A_97 = arith.constant 0 : i32
      %dma_wait3A_98 = tpu.memref_slice %arg2[%dma_wait3A_96, %dma_wait3A_97] : memref<10000x128xf32, #tpu.memory_space<hbm>> -> memref<10000x128xf32, #tpu.memory_space<hbm>>
      tpu.wait_indirect_dma semaphore(%arg10 : memref<!tpu.dma_semaphore, #tpu.memory_space<semaphore_mem>>) src(%dma_wait3A_98 : memref<10000x128xf32, #tpu.memory_space<hbm>>) dst(%dma_wait3A_93 : memref<64x128xf32, #tpu.memory_space<vmem>>)
      %run_scoped3A_99 = arith.constant 0 : i32
      "tpu.region"() ({
        %run_scoped3A_124 = tpu.sem_alloc : memref<!tpu.dma_semaphore, #tpu.memory_space<semaphore_mem>>
        %dma_start3A_125 = arith.constant 0 : i32
        %dma_start3A_126 = arith.constant 0 : i32
        %dma_start3A_127 = tpu.memref_slice %arg8[%run_scoped3A_99, %dma_start3A_125, %dma_start3A_126] : memref<2x64x128xf32, #tpu.memory_space<vmem>> -> memref<1x64x128xf32, #tpu.memory_space<vmem>>
        %dma_start3A_128 = tpu.memref_squeeze %dma_start3A_127 : memref<1x64x128xf32, #tpu.memory_space<vmem>> -> memref<64x128xf32, #tpu.memory_space<vmem>>
        %dma_start3A_129 = arith.constant 0 : i32
        %dma_start3A_130 = tpu.memref_slice %arg7[%add3A_89, %dma_start3A_129] : memref<162x64xi32, #tpu.memory_space<vmem>> -> memref<1x64xi32, #tpu.memory_space<vmem>>
        %dma_start3A_131 = tpu.memref_squeeze %dma_start3A_130 : memref<1x64xi32, #tpu.memory_space<vmem>> -> memref<64xi32, #tpu.memory_space<vmem>>
        %dma_start3A_132 = arith.constant 0 : i32
        %dma_start3A_133 = arith.constant 0 : i32
        %dma_start3A_134 = tpu.memref_slice %arg9[%dma_start3A_132, %dma_start3A_133] : memref<10016x128xf32, #tpu.memory_space<vmem_shared>> -> memref<10016x128xf32, #tpu.memory_space<vmem_shared>>
        tpu.enqueue_indirect_dma source(%dma_start3A_128 : memref<64x128xf32, #tpu.memory_space<vmem>>) target(%dma_start3A_134 : memref<10016x128xf32, #tpu.memory_space<vmem_shared>>) offsets(%dma_start3A_131 : memref<64xi32, #tpu.memory_space<vmem>>) semaphore(%run_scoped3A_124 : memref<!tpu.dma_semaphore, #tpu.memory_space<semaphore_mem>>) {add = true}
        %dma_wait3A_135 = arith.constant 0 : i32
        %dma_wait3A_136 = arith.constant 0 : i32
        %dma_wait3A_137 = tpu.memref_slice %arg8[%run_scoped3A_99, %dma_wait3A_135, %dma_wait3A_136] : memref<2x64x128xf32, #tpu.memory_space<vmem>> -> memref<1x64x128xf32, #tpu.memory_space<vmem>>
        %dma_wait3A_138 = tpu.memref_squeeze %dma_wait3A_137 : memref<1x64x128xf32, #tpu.memory_space<vmem>> -> memref<64x128xf32, #tpu.memory_space<vmem>>
        %dma_wait3A_139 = arith.constant 0 : i32
        %dma_wait3A_140 = tpu.memref_slice %arg7[%add3A_89, %dma_wait3A_139] : memref<162x64xi32, #tpu.memory_space<vmem>> -> memref<1x64xi32, #tpu.memory_space<vmem>>
        %dma_wait3A_141 = tpu.memref_squeeze %dma_wait3A_140 : memref<1x64xi32, #tpu.memory_space<vmem>> -> memref<64xi32, #tpu.memory_space<vmem>>
        %dma_wait3A_142 = arith.constant 0 : i32
        %dma_wait3A_143 = arith.constant 0 : i32
        %dma_wait3A_144 = tpu.memref_slice %arg9[%dma_wait3A_142, %dma_wait3A_143] : memref<10016x128xf32, #tpu.memory_space<vmem_shared>> -> memref<10016x128xf32, #tpu.memory_space<vmem_shared>>
        tpu.wait_indirect_dma semaphore(%run_scoped3A_124 : memref<!tpu.dma_semaphore, #tpu.memory_space<semaphore_mem>>) src(%dma_wait3A_138 : memref<64x128xf32, #tpu.memory_space<vmem>>) dst(%dma_wait3A_144 : memref<10016x128xf32, #tpu.memory_space<vmem_shared>>)
        tpu.yield
      }) : () -> ()
      %add3A_100 = arith.constant 2 : i32
      %add3A_101 = arith.addi %add3A_89, %add3A_100 : i32
      %lt3A = arith.constant 162 : i32
      %lt3A_102 = arith.cmpi slt, %add3A_101, %lt3A : i32
      %convert_element_type3A = arith.extui %lt3A_102 : i1 to i32
      %cond3A = arith.constant 0 : i32
      %cond3A_103 = arith.cmpi ne, %convert_element_type3A, %cond3A : i32
      scf.if %cond3A_103 {
        %add3A_124 = arith.constant 2 : i32
        %add3A_125 = arith.addi %add3A_89, %add3A_124 : i32
        %mul3A_126 = arith.constant 64 : i32
        %mul3A_127 = arith.muli %add3A_125, %mul3A_126 : i32
        %dma_start3A_128 = arith.constant 0 : i32
        %dma_start3A_129 = arith.constant 0 : i32
        %dma_start3A_130 = arith.constant 0 : i32
        %dma_start3A_131 = tpu.memref_slice %arg8[%dma_start3A_128, %dma_start3A_129, %dma_start3A_130] : memref<2x64x128xf32, #tpu.memory_space<vmem>> -> memref<1x64x128xf32, #tpu.memory_space<vmem>>
        %dma_start3A_132 = tpu.memref_squeeze %dma_start3A_131 : memref<1x64x128xf32, #tpu.memory_space<vmem>> -> memref<64x128xf32, #tpu.memory_space<vmem>>
        %dma_start3A_133 = tpu.memref_slice %arg6[%mul3A_127] : memref<10368xi32, #tpu.memory_space<vmem>> -> memref<64xi32, #tpu.memory_space<vmem>>
        %dma_start3A_134 = arith.constant 0 : i32
        %dma_start3A_135 = arith.constant 0 : i32
        %dma_start3A_136 = tpu.memref_slice %arg2[%dma_start3A_134, %dma_start3A_135] : memref<10000x128xf32, #tpu.memory_space<hbm>> -> memref<10000x128xf32, #tpu.memory_space<hbm>>
        tpu.enqueue_indirect_dma source(%dma_start3A_136 : memref<10000x128xf32, #tpu.memory_space<hbm>>) target(%dma_start3A_132 : memref<64x128xf32, #tpu.memory_space<vmem>>) offsets(%dma_start3A_133 : memref<64xi32, #tpu.memory_space<vmem>>) semaphore(%arg10 : memref<!tpu.dma_semaphore, #tpu.memory_space<semaphore_mem>>)
      } else {
      }
      %add3A_104 = arith.constant 1 : i32
      %add3A_105 = arith.addi %add3A_87, %add3A_104 : i32
      %dma_wait3A_106 = arith.constant 1 : i32
      %dma_wait3A_107 = arith.constant 0 : i32
      %dma_wait3A_108 = arith.constant 0 : i32
      %dma_wait3A_109 = tpu.memref_slice %arg8[%dma_wait3A_106, %dma_wait3A_107, %dma_wait3A_108] : memref<2x64x128xf32, #tpu.memory_space<vmem>> -> memref<1x64x128xf32, #tpu.memory_space<vmem>>
      %dma_wait3A_110 = tpu.memref_squeeze %dma_wait3A_109 : memref<1x64x128xf32, #tpu.memory_space<vmem>> -> memref<64x128xf32, #tpu.memory_space<vmem>>
      %dma_wait3A_111 = arith.constant 0 : i32
      %dma_wait3A_112 = tpu.memref_slice %arg6[%dma_wait3A_111] : memref<10368xi32, #tpu.memory_space<vmem>> -> memref<64xi32, #tpu.memory_space<vmem>>
      %dma_wait3A_113 = arith.constant 0 : i32
      %dma_wait3A_114 = arith.constant 0 : i32
      %dma_wait3A_115 = tpu.memref_slice %arg2[%dma_wait3A_113, %dma_wait3A_114] : memref<10000x128xf32, #tpu.memory_space<hbm>> -> memref<10000x128xf32, #tpu.memory_space<hbm>>
      tpu.wait_indirect_dma semaphore(%arg11 : memref<!tpu.dma_semaphore, #tpu.memory_space<semaphore_mem>>) src(%dma_wait3A_115 : memref<10000x128xf32, #tpu.memory_space<hbm>>) dst(%dma_wait3A_110 : memref<64x128xf32, #tpu.memory_space<vmem>>)
      %run_scoped3A_116 = arith.constant 1 : i32
      "tpu.region"() ({
        %run_scoped3A_124 = tpu.sem_alloc : memref<!tpu.dma_semaphore, #tpu.memory_space<semaphore_mem>>
        %dma_start3A_125 = arith.constant 0 : i32
        %dma_start3A_126 = arith.constant 0 : i32
        %dma_start3A_127 = tpu.memref_slice %arg8[%run_scoped3A_116, %dma_start3A_125, %dma_start3A_126] : memref<2x64x128xf32, #tpu.memory_space<vmem>> -> memref<1x64x128xf32, #tpu.memory_space<vmem>>
        %dma_start3A_128 = tpu.memref_squeeze %dma_start3A_127 : memref<1x64x128xf32, #tpu.memory_space<vmem>> -> memref<64x128xf32, #tpu.memory_space<vmem>>
        %dma_start3A_129 = arith.constant 0 : i32
        %dma_start3A_130 = tpu.memref_slice %arg7[%add3A_105, %dma_start3A_129] : memref<162x64xi32, #tpu.memory_space<vmem>> -> memref<1x64xi32, #tpu.memory_space<vmem>>
        %dma_start3A_131 = tpu.memref_squeeze %dma_start3A_130 : memref<1x64xi32, #tpu.memory_space<vmem>> -> memref<64xi32, #tpu.memory_space<vmem>>
        %dma_start3A_132 = arith.constant 0 : i32
        %dma_start3A_133 = arith.constant 0 : i32
        %dma_start3A_134 = tpu.memref_slice %arg9[%dma_start3A_132, %dma_start3A_133] : memref<10016x128xf32, #tpu.memory_space<vmem_shared>> -> memref<10016x128xf32, #tpu.memory_space<vmem_shared>>
        tpu.enqueue_indirect_dma source(%dma_start3A_128 : memref<64x128xf32, #tpu.memory_space<vmem>>) target(%dma_start3A_134 : memref<10016x128xf32, #tpu.memory_space<vmem_shared>>) offsets(%dma_start3A_131 : memref<64xi32, #tpu.memory_space<vmem>>) semaphore(%run_scoped3A_124 : memref<!tpu.dma_semaphore, #tpu.memory_space<semaphore_mem>>) {add = true}
        %dma_wait3A_135 = arith.constant 0 : i32
        %dma_wait3A_136 = arith.constant 0 : i32
        %dma_wait3A_137 = tpu.memref_slice %arg8[%run_scoped3A_116, %dma_wait3A_135, %dma_wait3A_136] : memref<2x64x128xf32, #tpu.memory_space<vmem>> -> memref<1x64x128xf32, #tpu.memory_space<vmem>>
        %dma_wait3A_138 = tpu.memref_squeeze %dma_wait3A_137 : memref<1x64x128xf32, #tpu.memory_space<vmem>> -> memref<64x128xf32, #tpu.memory_space<vmem>>
        %dma_wait3A_139 = arith.constant 0 : i32
        %dma_wait3A_140 = tpu.memref_slice %arg7[%add3A_105, %dma_wait3A_139] : memref<162x64xi32, #tpu.memory_space<vmem>> -> memref<1x64xi32, #tpu.memory_space<vmem>>
        %dma_wait3A_141 = tpu.memref_squeeze %dma_wait3A_140 : memref<1x64xi32, #tpu.memory_space<vmem>> -> memref<64xi32, #tpu.memory_space<vmem>>
        %dma_wait3A_142 = arith.constant 0 : i32
        %dma_wait3A_143 = arith.constant 0 : i32
        %dma_wait3A_144 = tpu.memref_slice %arg9[%dma_wait3A_142, %dma_wait3A_143] : memref<10016x128xf32, #tpu.memory_space<vmem_shared>> -> memref<10016x128xf32, #tpu.memory_space<vmem_shared>>
        tpu.wait_indirect_dma semaphore(%run_scoped3A_124 : memref<!tpu.dma_semaphore, #tpu.memory_space<semaphore_mem>>) src(%dma_wait3A_138 : memref<64x128xf32, #tpu.memory_space<vmem>>) dst(%dma_wait3A_144 : memref<10016x128xf32, #tpu.memory_space<vmem_shared>>)
        tpu.yield
      }) : () -> ()
      %add3A_117 = arith.constant 2 : i32
      %add3A_118 = arith.addi %add3A_105, %add3A_117 : i32
      %lt3A_119 = arith.constant 162 : i32
      %lt3A_120 = arith.cmpi slt, %add3A_118, %lt3A_119 : i32
      %convert_element_type3A_121 = arith.extui %lt3A_120 : i1 to i32
      %cond3A_122 = arith.constant 0 : i32
      %cond3A_123 = arith.cmpi ne, %convert_element_type3A_121, %cond3A_122 : i32
      scf.if %cond3A_123 {
        %add3A_124 = arith.constant 2 : i32
        %add3A_125 = arith.addi %add3A_105, %add3A_124 : i32
        %mul3A_126 = arith.constant 64 : i32
        %mul3A_127 = arith.muli %add3A_125, %mul3A_126 : i32
        %dma_start3A_128 = arith.constant 1 : i32
        %dma_start3A_129 = arith.constant 0 : i32
        %dma_start3A_130 = arith.constant 0 : i32
        %dma_start3A_131 = tpu.memref_slice %arg8[%dma_start3A_128, %dma_start3A_129, %dma_start3A_130] : memref<2x64x128xf32, #tpu.memory_space<vmem>> -> memref<1x64x128xf32, #tpu.memory_space<vmem>>
        %dma_start3A_132 = tpu.memref_squeeze %dma_start3A_131 : memref<1x64x128xf32, #tpu.memory_space<vmem>> -> memref<64x128xf32, #tpu.memory_space<vmem>>
        %dma_start3A_133 = tpu.memref_slice %arg6[%mul3A_127] : memref<10368xi32, #tpu.memory_space<vmem>> -> memref<64xi32, #tpu.memory_space<vmem>>
        %dma_start3A_134 = arith.constant 0 : i32
        %dma_start3A_135 = arith.constant 0 : i32
        %dma_start3A_136 = tpu.memref_slice %arg2[%dma_start3A_134, %dma_start3A_135] : memref<10000x128xf32, #tpu.memory_space<hbm>> -> memref<10000x128xf32, #tpu.memory_space<hbm>>
        tpu.enqueue_indirect_dma source(%dma_start3A_136 : memref<10000x128xf32, #tpu.memory_space<hbm>>) target(%dma_start3A_132 : memref<64x128xf32, #tpu.memory_space<vmem>>) offsets(%dma_start3A_133 : memref<64xi32, #tpu.memory_space<vmem>>) semaphore(%arg11 : memref<!tpu.dma_semaphore, #tpu.memory_space<semaphore_mem>>)
      } else {
      }
    }
    %scan3A_77 = arith.constant 81 : i32
    %barrier3A_78 = arith.constant 0 : index
    tpu.barrier barrier_id(%barrier3A_78)
    %mul3A_79 = arith.constant 624 : i32
    %mul3A_80 = arith.muli %arg1, %mul3A_79 : i32
    %mul3A_81 = arith.constant 624 : i32
    %mul3A_82 = arith.muli %arg1, %mul3A_81 : i32
    "tpu.region"() ({
      %run_scoped3A_83 = tpu.sem_alloc : memref<!tpu.dma_semaphore, #tpu.memory_space<semaphore_mem>>
      %dma_start3A_84 = arith.constant 0 : i32
      %dma_start3A_85 = tpu.memref_slice %arg5[%arg0, %mul3A_82, %dma_start3A_84] : memref<2x10000x128xf32, #tpu.memory_space<hbm>> -> memref<1x640x128xf32, #tpu.memory_space<hbm>>
      %dma_start3A_86 = tpu.memref_squeeze %dma_start3A_85 : memref<1x640x128xf32, #tpu.memory_space<hbm>> -> memref<640x128xf32, #tpu.memory_space<hbm>>
      %dma_start3A_87 = arith.constant 0 : i32
      %dma_start3A_88 = tpu.memref_slice %arg9[%mul3A_80, %dma_start3A_87] : memref<10016x128xf32, #tpu.memory_space<vmem_shared>> -> memref<640x128xf32, #tpu.memory_space<vmem_shared>>
      tpu.enqueue_dma source(%dma_start3A_88 : memref<640x128xf32, #tpu.memory_space<vmem_shared>>) target(%dma_start3A_86 : memref<640x128xf32, #tpu.memory_space<hbm>>) target_semaphore(%run_scoped3A_83 : memref<!tpu.dma_semaphore, #tpu.memory_space<semaphore_mem>>)
      %dma_wait3A = arith.constant 0 : i32
      %dma_wait3A_89 = tpu.memref_slice %arg5[%arg0, %mul3A_82, %dma_wait3A] : memref<2x10000x128xf32, #tpu.memory_space<hbm>> -> memref<1x640x128xf32, #tpu.memory_space<hbm>>
      %dma_wait3A_90 = tpu.memref_squeeze %dma_wait3A_89 : memref<1x640x128xf32, #tpu.memory_space<hbm>> -> memref<640x128xf32, #tpu.memory_space<hbm>>
      %dma_wait3A_91 = arith.constant 0 : i32
      %dma_wait3A_92 = tpu.memref_slice %arg9[%mul3A_80, %dma_wait3A_91] : memref<10016x128xf32, #tpu.memory_space<vmem_shared>> -> memref<640x128xf32, #tpu.memory_space<vmem_shared>>
      tpu.wait_dma2 semaphore(%run_scoped3A_83 : memref<!tpu.dma_semaphore, #tpu.memory_space<semaphore_mem>>) src(%dma_wait3A_92 : memref<640x128xf32, #tpu.memory_space<vmem_shared>>) dst(%dma_wait3A_90 : memref<640x128xf32, #tpu.memory_space<hbm>>)
      tpu.yield
    }) : () -> ()
    return
  }
}

module attributes {stable_mosaic.version = 14 : i64} {
  func.func @_mm1_body(%arg0: i32, %arg1: memref<1000x128xf32, #tpu.memory_space<vmem>>, %arg2: memref<128x128xf32, #tpu.memory_space<vmem>>, %arg3: memref<1000x128xf32, #tpu.memory_space<vmem>>, %arg4: memref<1000x128xf32, #tpu.memory_space<vmem>>, %arg5: memref<1000x128xf32, #tpu.memory_space<vmem>>) attributes {dimension_semantics = [#tpu.dimension_semantics<arbitrary>], iteration_bounds = array<i64: 10>, scalar_prefetch = 0 : i64, scratch_operands = 0 : i64, tpu.core_type = #tpu.core_type<tc>, window_params = [{transform_indices = @transform_0, window_bounds = array<i64: 1000, 128>}, {pipeline_mode = #tpu.pipeline_mode<synchronous>, transform_indices = @transform_1, window_bounds = array<i64: 128, 128>}, {transform_indices = @transform_2, window_bounds = array<i64: 1000, 128>}, {transform_indices = @transform_3, window_bounds = array<i64: 1000, 128>}, {transform_indices = @transform_4, window_bounds = array<i64: 1000, 128>}]} {
    %get3A = arith.constant 0 : index
    %get3A_0 = arith.constant 0 : index
    %get3A_1 = vector.load %arg3[%get3A, %get3A_0] : memref<1000x128xf32, #tpu.memory_space<vmem>>, vector<1000x1xf32>
    %get3A_2 = arith.constant 0 : index
    %get3A_3 = arith.constant 0 : index
    %get3A_4 = vector.load %arg4[%get3A_2, %get3A_3] : memref<1000x128xf32, #tpu.memory_space<vmem>>, vector<1000x1xf32>
    %add3A = arith.addf %get3A_1, %get3A_4 : vector<1000x1xf32>
    %add3A_5 = arith.constant 1.000000e+00 : f32
    %add3A_6 = vector.broadcast %add3A_5 : f32 to vector<1000x1xf32>
    %add3A_7 = arith.addf %add3A, %add3A_6 : vector<1000x1xf32>
    %rsqrt3A = math.rsqrt %add3A_7 : vector<1000x1xf32>
    %get3A_8 = arith.constant 0 : index
    %get3A_9 = arith.constant 0 : index
    %get3A_10 = vector.load %arg1[%get3A_8, %get3A_9] : memref<1000x128xf32, #tpu.memory_space<vmem>>, vector<1000x128xf32>
    %get3A_11 = arith.constant 0 : index
    %get3A_12 = arith.constant 0 : index
    %get3A_13 = vector.load %arg2[%get3A_11, %get3A_12] : memref<128x128xf32, #tpu.memory_space<vmem>>, vector<128x128xf32>
    %dot_general3A = arith.constant dense<0.000000e+00> : vector<1000x128xf32>
    %dot_general3A_14 = tpu.matmul %get3A_10, %get3A_13, %dot_general3A {dimension_numbers = #tpu.dot_dimension_numbers<[1], [0], [0], [1], [0, 0, 1, 1], [], []>, precision = #tpu.contract_precision<fp32>, transpose_lhs_hint = false} : vector<1000x128xf32>, vector<128x128xf32>, vector<1000x128xf32> -> vector<1000x128xf32>
    %mul3A = vector.broadcast %rsqrt3A : vector<1000x1xf32> to vector<1000x128xf32>
    %mul3A_15 = arith.mulf %mul3A, %dot_general3A_14 : vector<1000x128xf32>
    %swap3A = arith.constant 0 : index
    %swap3A_16 = arith.constant 0 : index
    %swap3A_17 = vector.load %arg5[%swap3A, %swap3A_16] : memref<1000x128xf32, #tpu.memory_space<vmem>>, vector<1000x128xf32>
    tpu.vector_store %arg5[%swap3A, %swap3A_16], %mul3A_15 {strides = array<i32>} : memref<1000x128xf32, #tpu.memory_space<vmem>>, vector<1000x128xf32>,
    return
  }
  func.func @transform_0(%arg0: i32) -> (i32, i32) {
    %c0_i32 = arith.constant 0 : i32
    %c0_i32_0 = arith.constant 0 : i32
    return %arg0, %c0_i32 : i32, i32
  }
  func.func @transform_1(%arg0: i32) -> (i32, i32) {
    %c0_i32 = arith.constant 0 : i32
    %c0_i32_0 = arith.constant 0 : i32
    %c0_i32_1 = arith.constant 0 : i32
    return %c0_i32, %c0_i32_0 : i32, i32
  }
  func.func @transform_2(%arg0: i32) -> (i32, i32) {
    %c0_i32 = arith.constant 0 : i32
    %c0_i32_0 = arith.constant 0 : i32
    return %arg0, %c0_i32 : i32, i32
  }
  func.func @transform_3(%arg0: i32) -> (i32, i32) {
    %c0_i32 = arith.constant 0 : i32
    %c0_i32_0 = arith.constant 0 : i32
    return %arg0, %c0_i32 : i32, i32
  }
  func.func @transform_4(%arg0: i32) -> (i32, i32) {
    %c0_i32 = arith.constant 0 : i32
    %c0_i32_0 = arith.constant 0 : i32
    return %arg0, %c0_i32 : i32, i32
  }
}

module attributes {stable_mosaic.version = 14 : i64} {
  func.func @_mid_body(%arg0: i32, %arg1: memref<1000x128xf32, #tpu.memory_space<vmem>>, %arg2: memref<1000x128xf32, #tpu.memory_space<vmem>>, %arg3: memref<1000x128xf32, #tpu.memory_space<vmem>>, %arg4: memref<1x128xf32, #tpu.memory_space<vmem>>, %arg5: memref<128x128xf32, #tpu.memory_space<vmem>>, %arg6: memref<1000x128xf32, #tpu.memory_space<vmem>>, %arg7: memref<1000x128xf32, #tpu.memory_space<vmem>>, %arg8: memref<1000x128xf32, #tpu.memory_space<vmem>>) attributes {dimension_semantics = [#tpu.dimension_semantics<arbitrary>], iteration_bounds = array<i64: 10>, scalar_prefetch = 0 : i64, scratch_operands = 0 : i64, tpu.core_type = #tpu.core_type<tc>, window_params = [{transform_indices = @transform_0, window_bounds = array<i64: 1000, 128>}, {transform_indices = @transform_1, window_bounds = array<i64: 1000, 128>}, {transform_indices = @transform_2, window_bounds = array<i64: 1000, 128>}, {pipeline_mode = #tpu.pipeline_mode<synchronous>, transform_indices = @transform_3, window_bounds = array<i64: 1, 128>}, {pipeline_mode = #tpu.pipeline_mode<synchronous>, transform_indices = @transform_4, window_bounds = array<i64: 128, 128>}, {transform_indices = @transform_5, window_bounds = array<i64: 1000, 128>}, {transform_indices = @transform_6, window_bounds = array<i64: 1000, 128>}, {transform_indices = @transform_7, window_bounds = array<i64: 1000, 128>}]} {
    %get3A = arith.constant 0 : index
    %get3A_0 = arith.constant 0 : index
    %get3A_1 = vector.load %arg6[%get3A, %get3A_0] : memref<1000x128xf32, #tpu.memory_space<vmem>>, vector<1000x1xf32>
    %get3A_2 = arith.constant 0 : index
    %get3A_3 = arith.constant 0 : index
    %get3A_4 = vector.load %arg7[%get3A_2, %get3A_3] : memref<1000x128xf32, #tpu.memory_space<vmem>>, vector<1000x1xf32>
    %add3A = arith.addf %get3A_1, %get3A_4 : vector<1000x1xf32>
    %add3A_5 = arith.constant 1.000000e+00 : f32
    %add3A_6 = vector.broadcast %add3A_5 : f32 to vector<1000x1xf32>
    %add3A_7 = arith.addf %add3A, %add3A_6 : vector<1000x1xf32>
    %rsqrt3A = math.rsqrt %add3A_7 : vector<1000x1xf32>
    %get3A_8 = arith.constant 0 : index
    %get3A_9 = arith.constant 0 : index
    %get3A_10 = vector.load %arg1[%get3A_8, %get3A_9] : memref<1000x128xf32, #tpu.memory_space<vmem>>, vector<1000x128xf32>
    %get3A_11 = arith.constant 0 : index
    %get3A_12 = arith.constant 0 : index
    %get3A_13 = vector.load %arg2[%get3A_11, %get3A_12] : memref<1000x128xf32, #tpu.memory_space<vmem>>, vector<1000x128xf32>
    %add3A_14 = arith.addf %get3A_10, %get3A_13 : vector<1000x128xf32>
    %get3A_15 = arith.constant 0 : index
    %get3A_16 = arith.constant 0 : index
    %get3A_17 = vector.load %arg3[%get3A_15, %get3A_16] : memref<1000x128xf32, #tpu.memory_space<vmem>>, vector<1000x128xf32>
    %add3A_18 = arith.addf %add3A_14, %get3A_17 : vector<1000x128xf32>
    %mul3A = vector.broadcast %rsqrt3A : vector<1000x1xf32> to vector<1000x128xf32>
    %mul3A_19 = arith.mulf %mul3A, %add3A_18 : vector<1000x128xf32>
    %get3A_20 = arith.constant 0 : index
    %get3A_21 = arith.constant 0 : index
    %get3A_22 = vector.load %arg4[%get3A_20, %get3A_21] : memref<1x128xf32, #tpu.memory_space<vmem>>, vector<1x128xf32>
    %add3A_23 = vector.broadcast %get3A_22 : vector<1x128xf32> to vector<1000x128xf32>
    %add3A_24 = arith.addf %mul3A_19, %add3A_23 : vector<1000x128xf32>
    %max3A = arith.constant 0.000000e+00 : f32
    %max3A_25 = vector.broadcast %max3A : f32 to vector<1000x128xf32>
    %max3A_26 = arith.maximumf %add3A_24, %max3A_25 : vector<1000x128xf32>
    %get3A_27 = arith.constant 0 : index
    %get3A_28 = arith.constant 0 : index
    %get3A_29 = vector.load %arg5[%get3A_27, %get3A_28] : memref<128x128xf32, #tpu.memory_space<vmem>>, vector<128x128xf32>
    %dot_general3A = arith.constant dense<0.000000e+00> : vector<1000x128xf32>
    %dot_general3A_30 = tpu.matmul %max3A_26, %get3A_29, %dot_general3A {dimension_numbers = #tpu.dot_dimension_numbers<[1], [0], [0], [1], [0, 0, 1, 1], [], []>, precision = #tpu.contract_precision<fp32>, transpose_lhs_hint = false} : vector<1000x128xf32>, vector<128x128xf32>, vector<1000x128xf32> -> vector<1000x128xf32>
    %mul3A_31 = vector.broadcast %rsqrt3A : vector<1000x1xf32> to vector<1000x128xf32>
    %mul3A_32 = arith.mulf %mul3A_31, %dot_general3A_30 : vector<1000x128xf32>
    %swap3A = arith.constant 0 : index
    %swap3A_33 = arith.constant 0 : index
    %swap3A_34 = vector.load %arg8[%swap3A, %swap3A_33] : memref<1000x128xf32, #tpu.memory_space<vmem>>, vector<1000x128xf32>
    tpu.vector_store %arg8[%swap3A, %swap3A_33], %mul3A_32 {strides = array<i32>} : memref<1000x128xf32, #tpu.memory_space<vmem>>, vector<1000x128xf32>,
    return
  }
  func.func @transform_0(%arg0: i32) -> (i32, i32) {
    %c0_i32 = arith.constant 0 : i32
    %c0_i32_0 = arith.constant 0 : i32
    return %arg0, %c0_i32 : i32, i32
  }
  func.func @transform_1(%arg0: i32) -> (i32, i32) {
    %c0_i32 = arith.constant 0 : i32
    %c0_i32_0 = arith.constant 0 : i32
    return %arg0, %c0_i32 : i32, i32
  }
  func.func @transform_2(%arg0: i32) -> (i32, i32) {
    %c0_i32 = arith.constant 0 : i32
    %c0_i32_0 = arith.constant 0 : i32
    return %arg0, %c0_i32 : i32, i32
  }
  func.func @transform_3(%arg0: i32) -> (i32, i32) {
    %c0_i32 = arith.constant 0 : i32
    %c0_i32_0 = arith.constant 0 : i32
    %c0_i32_1 = arith.constant 0 : i32
    return %c0_i32, %c0_i32_0 : i32, i32
  }
  func.func @transform_4(%arg0: i32) -> (i32, i32) {
    %c0_i32 = arith.constant 0 : i32
    %c0_i32_0 = arith.constant 0 : i32
    %c0_i32_1 = arith.constant 0 : i32
    return %c0_i32, %c0_i32_0 : i32, i32
  }
  func.func @transform_5(%arg0: i32) -> (i32, i32) {
    %c0_i32 = arith.constant 0 : i32
    %c0_i32_0 = arith.constant 0 : i32
    return %arg0, %c0_i32 : i32, i32
  }
  func.func @transform_6(%arg0: i32) -> (i32, i32) {
    %c0_i32 = arith.constant 0 : i32
    %c0_i32_0 = arith.constant 0 : i32
    return %arg0, %c0_i32 : i32, i32
  }
  func.func @transform_7(%arg0: i32) -> (i32, i32) {
    %c0_i32 = arith.constant 0 : i32
    %c0_i32_0 = arith.constant 0 : i32
    return %arg0, %c0_i32 : i32, i32
  }
}

module attributes {stable_mosaic.version = 14 : i64} {
  func.func @_final_body(%arg0: i32, %arg1: memref<1000x128xf32, #tpu.memory_space<vmem>>, %arg2: memref<1000x128xf32, #tpu.memory_space<vmem>>, %arg3: memref<1000x128xf32, #tpu.memory_space<vmem>>, %arg4: memref<1x64xf32, #tpu.memory_space<vmem>>, %arg5: memref<1000x128xf32, #tpu.memory_space<vmem>>, %arg6: memref<1000x128xf32, #tpu.memory_space<vmem>>, %arg7: memref<1000x64xf32, #tpu.memory_space<vmem>>) attributes {dimension_semantics = [#tpu.dimension_semantics<arbitrary>], iteration_bounds = array<i64: 10>, scalar_prefetch = 0 : i64, scratch_operands = 0 : i64, tpu.core_type = #tpu.core_type<tc>, window_params = [{transform_indices = @transform_0, window_bounds = array<i64: 1000, 128>}, {transform_indices = @transform_1, window_bounds = array<i64: 1000, 128>}, {transform_indices = @transform_2, window_bounds = array<i64: 1000, 128>}, {pipeline_mode = #tpu.pipeline_mode<synchronous>, transform_indices = @transform_3, window_bounds = array<i64: 1, 64>}, {transform_indices = @transform_4, window_bounds = array<i64: 1000, 128>}, {transform_indices = @transform_5, window_bounds = array<i64: 1000, 128>}, {transform_indices = @transform_6, window_bounds = array<i64: 1000, 64>}]} {
    %get3A = arith.constant 0 : index
    %get3A_0 = arith.constant 0 : index
    %get3A_1 = vector.load %arg5[%get3A, %get3A_0] : memref<1000x128xf32, #tpu.memory_space<vmem>>, vector<1000x1xf32>
    %get3A_2 = arith.constant 0 : index
    %get3A_3 = arith.constant 0 : index
    %get3A_4 = vector.load %arg6[%get3A_2, %get3A_3] : memref<1000x128xf32, #tpu.memory_space<vmem>>, vector<1000x1xf32>
    %add3A = arith.addf %get3A_1, %get3A_4 : vector<1000x1xf32>
    %add3A_5 = arith.constant 1.000000e+00 : f32
    %add3A_6 = vector.broadcast %add3A_5 : f32 to vector<1000x1xf32>
    %add3A_7 = arith.addf %add3A, %add3A_6 : vector<1000x1xf32>
    %rsqrt3A = math.rsqrt %add3A_7 : vector<1000x1xf32>
    %get3A_8 = arith.constant 0 : index
    %get3A_9 = arith.constant 0 : index
    %get3A_10 = vector.load %arg1[%get3A_8, %get3A_9] : memref<1000x128xf32, #tpu.memory_space<vmem>>, vector<1000x64xf32>
    %get3A_11 = arith.constant 0 : index
    %get3A_12 = arith.constant 0 : index
    %get3A_13 = vector.load %arg2[%get3A_11, %get3A_12] : memref<1000x128xf32, #tpu.memory_space<vmem>>, vector<1000x64xf32>
    %add3A_14 = arith.addf %get3A_10, %get3A_13 : vector<1000x64xf32>
    %get3A_15 = arith.constant 0 : index
    %get3A_16 = arith.constant 0 : index
    %get3A_17 = vector.load %arg3[%get3A_15, %get3A_16] : memref<1000x128xf32, #tpu.memory_space<vmem>>, vector<1000x64xf32>
    %add3A_18 = arith.addf %add3A_14, %get3A_17 : vector<1000x64xf32>
    %mul3A = vector.broadcast %rsqrt3A : vector<1000x1xf32> to vector<1000x64xf32>
    %mul3A_19 = arith.mulf %mul3A, %add3A_18 : vector<1000x64xf32>
    %get3A_20 = arith.constant 0 : index
    %get3A_21 = arith.constant 0 : index
    %get3A_22 = vector.load %arg4[%get3A_20, %get3A_21] : memref<1x64xf32, #tpu.memory_space<vmem>>, vector<1x64xf32>
    %add3A_23 = vector.broadcast %get3A_22 : vector<1x64xf32> to vector<1000x64xf32>
    %add3A_24 = arith.addf %mul3A_19, %add3A_23 : vector<1000x64xf32>
    %swap3A = arith.constant 0 : index
    %swap3A_25 = arith.constant 0 : index
    %swap3A_26 = vector.load %arg7[%swap3A, %swap3A_25] : memref<1000x64xf32, #tpu.memory_space<vmem>>, vector<1000x64xf32>
    tpu.vector_store %arg7[%swap3A, %swap3A_25], %add3A_24 {strides = array<i32>} : memref<1000x64xf32, #tpu.memory_space<vmem>>, vector<1000x64xf32>,
    return
  }
  func.func @transform_0(%arg0: i32) -> (i32, i32) {
    %c0_i32 = arith.constant 0 : i32
    %c0_i32_0 = arith.constant 0 : i32
    return %arg0, %c0_i32 : i32, i32
  }
  func.func @transform_1(%arg0: i32) -> (i32, i32) {
    %c0_i32 = arith.constant 0 : i32
    %c0_i32_0 = arith.constant 0 : i32
    return %arg0, %c0_i32 : i32, i32
  }
  func.func @transform_2(%arg0: i32) -> (i32, i32) {
    %c0_i32 = arith.constant 0 : i32
    %c0_i32_0 = arith.constant 0 : i32
    return %arg0, %c0_i32 : i32, i32
  }
  func.func @transform_3(%arg0: i32) -> (i32, i32) {
    %c0_i32 = arith.constant 0 : i32
    %c0_i32_0 = arith.constant 0 : i32
    %c0_i32_1 = arith.constant 0 : i32
    return %c0_i32, %c0_i32_0 : i32, i32
  }
  func.func @transform_4(%arg0: i32) -> (i32, i32) {
    %c0_i32 = arith.constant 0 : i32
    %c0_i32_0 = arith.constant 0 : i32
    return %arg0, %c0_i32 : i32, i32
  }
  func.func @transform_5(%arg0: i32) -> (i32, i32) {
    %c0_i32 = arith.constant 0 : i32
    %c0_i32_0 = arith.constant 0 : i32
    return %arg0, %c0_i32 : i32, i32
  }
  func.func @transform_6(%arg0: i32) -> (i32, i32) {
    %c0_i32 = arith.constant 0 : i32
    %c0_i32_0 = arith.constant 0 : i32
    return %arg0, %c0_i32 : i32, i32
  }
}

</mosaic_0001>

<sc_bundles>
// kernel: kernel.10.cloned.1.call-start
scs
__scs_entry_jumppad:
0x0: {  	(pc) =	sbr.rel $0x88, $3  }
0x1: {  	(tag) =	ssettag $0x0;
	lr =	simm.s32 $0x1  }
0x2: {  	[smem:$0x3F99] =	sst lr;
	_ =	strace $0xD0000000  }
0x3: {  	_ = 	snop  }
0x4: {  	_ = 	snop  }
0x5: {  	_ = 	snop  }
0x6: {  	_ = 	snop  }
0x7: {  	_ = 	snop  }
__scs_overlays_trampoline_lowered:
0x8: {  	[smem:$0x3FA8] =	sst s0  }
0x9: {  	[smem:$0x3FA9] =	sst s1  }
0xa: {  	[smem:$0x3FAA] =	sst s2  }
0xb: {  	[smem:$0x3FAB] =	sst s3  }
0xc: {  	[smem:$0x3FAC] =	sst s4  }
0xd: {  	[smem:$0x3FAD] =	sst s5  }
0xe: {  	[smem:$0x3FAE] =	sst s6  }
0xf: {  	[smem:$0x3FAF] =	sst s7  }
0x10: {  	[smem:$0x3FB0] =	sst s8  }
0x11: {  	[smem:$0x3FB1] =	sst s9;
	s0 =	simm.s32 @!p0 $0x0  }
0x12: {  	s1 =	sld [smem:$0x3F97];
	s0 =	simm.s32 @p0 $0x1  }
0x13: {  	[smem:$0x3FB2] =	sst s0;
	s0 =	simm.s32 @!p1 $0x0  }
0x14: {  	s2 =	sld [smem:$0x3F96];
	s0 =	simm.s32 @p1 $0x1  }
0x15: {  	[smem:$0x3FB3] =	sst s0;
	s0 =	simm.s32 @!p2 $0x0  }
0x16: {  	s3 =	sld [smem:$0x3FDB];
	s0 =	simm.s32 @p2 $0x1  }
0x17: {  	s4 =	simm.s32 $0x1BF5;
	[smem:$0x3FB5] =	sst s0  }
0x18: {  	s0 =	sld [smem:$0x3F98];
	_ =	swait.ge [sflag:s4], $0x0  }
0x19: {  	s7 =	sld [smem:$0x3F99]  }
0x1a: {  	s8 =	sadd.s32 $0xFFFFE003, lr  }
0x1b: {  	s9 =	sadd.s32 $0xFFFFFEF7, lr;
	s5 =	simm.s32 $0xFFFFFFFF;
	p2 =	slt.u32 s8, $0xFFFFF086  }
0x1c: {  	p1 =	slt.u32 s9, $0xF7A;
	s5 =	simm.s32 @!p2 $0x0  }
0x1d: {  	s5 =	simm.s32 @p1 $0x1;
	p0 =	seq.s32 s7, s2  }
0x1e: {  	s7 =	smul.u32 @!p0 $0xF7A, s2;
	p2 =	seq.s32 @!p0 s5, $0x0  }
0x1f: {  	s9 =	smul.u32 $0xF7A, s1;
	s8 =	simm.s32 @!p0 $0x1BF5;
	p2 =	por !p2, p0  }
0x20: {  	[sflag:s8] =	ssyncset.s32 @!p0 $0xFFFFF086;
	s6 =	sadd.s32 @!p0 s3, s7;
	s7 =	simm.s32 @!p0 $0x108  }
0x21: {  	s3 =	sadd.s32 s3, s9;
	s6 =	sadd.s32 @!p0 $0x88, s6;
	s7 =	simm.s32 @p2 $0x1082  }
0x22: {  	[simem:s7], [sflag:s8] =	dma.local @!p0 [hbm:s6], $0xF7A  }
0x23: {  	s9 =	sor.u32 $0xD0000000, s2;
	s6 =	simm.s32 $0x108;
	_ =	swait.ge @!p0 [sflag:s8], $0x0  }
0x24: {  	s3 =	sadd.s32 $0x88, s3;
	s6 =	simm.s32 @!p1 $0x1082;
	[sflag:s4] =	ssyncset.s32 $0xFFFFF086  }
0x25: {  	[simem:s6], [sflag:s4] =	dma.local [hbm:s3], $0xF7A  }
0x26: {  	[smem:$0x3F99] =	sst s1;
	(tag) =	ssettag s2;
	_ =	strace s9  }
0x27: {  	s1 =	sld [smem:$0x3FA9]  }
0x28: {  	s2 =	sld [smem:$0x3FAA]  }
0x29: {  	s4 =	sld [smem:$0x3FAC]  }
0x2a: {  	p0 =	seq.s32 s5, $0x0;
	s5 =	sld [smem:$0x3FAD]  }
0x2b: {  	s6 =	sld [smem:$0x3FAE]  }
0x2c: {  	s7 =	sld [smem:$0x3FAF]  }
0x2d: {  	s3 =	simm.s32 $0x108;
	s8 =	sld [smem:$0x3FB0]  }
0x2e: {  	s3 =	simm.s32 @!p0 $0x1082;
	s9 =	sld [smem:$0x3FB1]  }
0x2f: {  	lr =	sadd.s32 s0, s3;
	s0 =	sld [smem:$0x3FA8]  }
0x30: {  	s3 =	sld [smem:$0x3FAB]  }
0x31: {  	[smem:$0x3FB4] =	sst s10  }
0x32: {  	s10 =	sld [smem:$0x3FB2];
	_ =	sdelay $0x3  }
0x33: {  	p0 =	seq.s32 s10, $0x1;
	s10 =	sld [smem:$0x3FB4];
	_ =	sdelay $0x3  }
0x34: {  	[smem:$0x3FB4] =	sst s10  }
0x35: {  	s10 =	sld [smem:$0x3FB3];
	_ =	sdelay $0x3  }
0x36: {  	p1 =	seq.s32 s10, $0x1;
	s10 =	sld [smem:$0x3FB4];
	_ =	sdelay $0x3  }
0x37: {  	[smem:$0x3FB4] =	sst s10  }
0x38: {  	s10 =	sld [smem:$0x3FB5]  }
0x39: {  	_ = 	snop;
	(pc) =	sbr.ind lr, $3  }
0x3a: {  	_ = 	snop  }
0x3b: {  	_ = 	snop  }
0x3c: {  	p2 =	seq.s32 s10, $0x1;
	s10 =	sld [smem:$0x3FB4]  }
0x3d: {  	_ =	shalt  }
0x3e: {  	_ =	shalt  }
0x3f: {  	_ =	shalt  }
0x40: {  	_ =	shalt  }
0x41: {  	_ =	shalt  }
0x42: {  	_ =	shalt  }
0x43: {  	_ =	shalt  }
0x44: {  	_ =	shalt  }
0x45: {  	_ =	shalt  }
0x46: {  	_ =	shalt  }
0x47: {  	_ =	shalt  }
0x48: {  	_ =	shalt  }
0x49: {  	_ =	shalt  }
0x4a: {  	_ =	shalt  }
0x4b: {  	_ =	shalt  }
0x4c: {  	_ =	shalt  }
0x4d: {  	_ =	shalt  }
0x4e: {  	_ =	shalt  }
0x4f: {  	_ =	shalt  }
0x50: {  	_ =	shalt  }
0x51: {  	_ =	shalt  }
0x52: {  	_ =	shalt  }
0x53: {  	_ =	shalt  }
0x54: {  	_ =	shalt  }
0x55: {  	_ =	shalt  }
0x56: {  	_ =	shalt  }
0x57: {  	_ =	shalt  }
0x58: {  	_ =	shalt  }
0x59: {  	_ =	shalt  }
0x5a: {  	_ =	shalt  }
0x5b: {  	_ =	shalt  }
0x5c: {  	_ =	shalt  }
0x5d: {  	_ =	shalt  }
0x5e: {  	_ =	shalt  }
0x5f: {  	_ =	shalt  }
0x60: {  	_ =	shalt  }
0x61: {  	_ =	shalt  }
0x62: {  	_ =	shalt  }
0x63: {  	_ =	shalt  }
0x64: {  	_ =	shalt  }
0x65: {  	_ =	shalt  }
0x66: {  	_ =	shalt  }
0x67: {  	_ =	shalt  }
0x68: {  	_ =	shalt  }
0x69: {  	_ =	shalt  }
0x6a: {  	_ =	shalt  }
0x6b: {  	_ =	shalt  }
0x6c: {  	_ =	shalt  }
0x6d: {  	_ =	shalt  }
0x6e: {  	_ =	shalt  }
0x6f: {  	_ =	shalt  }
0x70: {  	_ =	shalt  }
0x71: {  	_ =	shalt  }
0x72: {  	_ =	shalt  }
0x73: {  	_ =	shalt  }
0x74: {  	_ =	shalt  }
0x75: {  	_ =	shalt  }
0x76: {  	_ =	shalt  }
0x77: {  	_ =	shalt  }
0x78: {  	_ =	shalt  }
0x79: {  	_ =	shalt  }
0x7a: {  	_ =	shalt  }
0x7b: {  	_ =	shalt  }
0x7c: {  	_ =	shalt  }
0x7d: {  	_ =	shalt  }
0x7e: {  	_ =	shalt  }
0x7f: {  	_ =	shalt  }
0x80: {  	_ =	shalt  }
0x81: {  	_ =	shalt  }
0x82: {  	_ =	shalt  }
0x83: {  	_ =	shalt  }
0x84: {  	_ =	shalt  }
0x85: {  	_ =	shalt  }
0x86: {  	_ =	shalt  }
0x87: {  	_ =	shalt  }
.Lfunc_end0:
.L_simem_size_0:
called_computation_lowered:
.L_overlay_start_0:
0x88: {  	s2 =	sld [smem:$0x3FD9]  }
0x89: {  	s3 =	sld [smem:$0x3FFE];
	_ =	sdelay $0x1  }
0x8a: {  	s1 =	srdreg.scid  }
0x8b: {  	s0 =	sand.u32 $0x1, s1  }
0x8c: {  	s16 =	sshll.u32 s0, $0xA;
	s2 =	sadd.s32 s3, s2  }
0x8d: {  	s2 =	sadd.s32 s2, s16  }
0x8e: {  	[smem:$0x3FC0] =	sst s2  }
0x8f: {  	_ = 	snop  }
0x90: {  	(tm) =	ssettm $0x1  }
0x91: {  	s17 =	sld [smem:$0x3FFB];
	_ =	sdelay $0x3  }
0x92: {  	_ =	strace s17  }
0x93: {  	s2 =	sld [smem:$0x3FFC];
	_ =	sdelay $0x3  }
0x94: {  	_ =	strace s2  }
0x95: {  	s2 =	sld [smem:$0x3FFD];
	_ =	sdelay $0x3  }
0x96: {  	_ =	strace s2  }
0x97: {  	_ =	strace $0x8FFFFFFF  }
0x98: {  	s18 =	sld [smem:$0x3FDB];
	_ =	sdelay $0x1  }
0x99: {  	s19 =	simm.s32 $_scs_section_size  }
0x9a: {  	s4 =	simm.s32 $_size__tile_overlayer_lowered;
	s5 =	simm.s32 $_tile_overlayer_lowered  }
0x9b: {  	s22 =	simm.s32 $0x1BFF;
	s21 =	sshll.u32 s5, $0x1;
	s2 =	sadd.s32 s19, s18  }
0x9c: {  	s6 =	simm.s32 $0x0;
	s20 =	sshll.u32 s4, $0x1;
	s4 =	sadd.s32 s21, s2  }
0x9d: {  	[timem:s6], [sflag:s22] =	dma.local [hbm:s4], s20  }
0x9e: {  	_ =	swait.ge [sflag:s22], s20  }
0x9f: {  	s3 =	ssub.s32 $0x0, s20;
	[sflag:s22] =	ssyncset.done $0x0  }
0xa0: {  	[sflag:s22] =	ssyncadd.s32 s3;
	_ =	sdelay $0x1  }
0xa1: {  	s23 =	simm.s32 $0x1B8B  }
0xa2: {  	_ =	swait.ge [sflag:s23], $0x1  }
0xa3: {  	[sflag:s23] =	ssyncset.done $0x0  }
0xa4: {  	s25 =	simm.s32 $0x1B8E;
	s24 =	sld [smem:$0x3FFE];
	[sflag:s23] =	ssyncadd.s32 $0xFFFFFFFF  }
0xa5: {  	s26 =	simm.s32 $execute0_lowered;
	[smem:$0x3FD2] =	sst s25  }
0xa6: {  	s4 =	sshll.u32 s26, $0x1;
	_ =	strace $0x80000046;
	[dreg:$0x1] =	wrdreg $0xFFFFFFFF  }
0xa7: {  	s28 =	simm.s32 $_size_execute0_lowered;
	s2 =	sadd.s32 s2, s4;
	[dreg:$0x0] =	wrdreg $0x0  }
0xa8: {  	s4 =	sshll.u32 s28, $0x1;
	[dreg:$0x2] =	wrdreg s2  }
0xa9: {  	[dreg:$0x3] =	wrdreg s4  }
0xaa: {  	[dreg:$0x4] =	wrdreg $0xC0  }
0xab: {  	_ =	task [dreg:s6], $0x5FFFF  }
0xac: {  	[dreg:$0x1] =	wrdreg $0xFFFFFFFF  }
0xad: {  	[dreg:$0x0] =	wrdreg $0x60  }
0xae: {  	[dreg:$0x2] =	wrdreg s24  }
0xaf: {  	[dreg:$0x3] =	wrdreg $0x74000  }
0xb0: {  	[dreg:$0x4] =	wrdreg $0x9  }
0xb1: {  	_ =	task.clear_ibuf [dreg:s6], $0x5FFFF;
	_ =	strace $0x90000046  }
0xb2: {  	s29 =	simm.s32 $0x9;
	_ =	strace $0x80000048  }
0xb3: {  	_ =	swait.ge [sflag:s29], $0x1  }
0xb4: {  	[sflag:s29] =	ssyncadd.s32 $0xFFFFFFFF  }
0xb5: {  	_ =	strace $0x90000048  }
0xb6: {  	_ =	sfence  }
0xb7: {  	s30 =	sld [smem:$0x0];
	_ =	sdelay $0x2  }
0xb8: {  	s31 =	sshll.u32 s1, $0xD;
	s1 =	sshrl.u32 s1, $0x2  }
0xb9: {  	s3 =	sand.u32 $0x4000, s31;
	s1 =	sadd.s32 s1, s30  }
0xba: {  	s0 =	sor.u32 s3, s0;
	s1 =	sshll.u32 s1, $0x11  }
0xbb: {  	s0 =	sor.u32 s1, s0  }
0xbc: {  	s0 =	sadd.s32 $0x8F2B, s0  }
0xbd: {  	[sflag:s0] =	ssyncadd.remote.s32 $0x1  }
0xbe: {  	_ =	sfence.sel $0xFFFF  }
0xbf: {  	[dreg:$0x0] =	wrdreg $0xFFFFFFFF;
	(pc) =	sbr.abs _section_cstart, $3  }
0xc0: {  	[dreg:$0x1] =	wrdreg $0xFFFFFFFF  }
0xc1: {  	_ =	task.clear_ibuf [dreg:s6], $0x2FFFF;
	_ =	strace $0x9FFFFFFF  }
0xc2: {  	(tm) =	ssettm $0x7FFFFFFF  }
0xc3: {  	_ =	shalt  }
tec
execute0_lowered:
.L_overlay_start_1:
0x0: {  	(tag) =	ssettag $0x1  }
0x1: {  	s4 =	rddreg [dreg:$0x0];
	s0 =	srdreg.scid  }
0x2: {  	s2 =	rddreg [dreg:$0x1];
	s1 =	stileid.u32  }
0x3: {  	s3 =	simm.s32 $0x0;
	s17 =	simm.s32 $0x1;
	s18 =	simm.s32 $0x5400  }
0x4: {  	s19 =	simm.s32 $0x40;
	s22 =	simm.s32 $0x0;
	s5 =	sand.u32 $0x1, s0  }
0x5: {  	s0 =	rddreg [dreg:$0x2];
	s6 =	sshll.u32 s1, $0x1;
	s8 =	smul.u32 $0x13800, s1  }
0x6: {  	[smem:$0x7FF] =	sst s3;
	s29 =	smul.u32 $0x4E000, s1;
	s20 =	sshll.u32 s1, $0x6  }
0x7: {  	s7 =	smul.u32 $0x138800, s5;
	s6 =	sor.u32 s5, s6;
	_ =	strace $0x80000047  }
0x8: {  	s5 =	ssub.s32 $0x2, s5;
	s20 =	sor.u32 $0x1C01, s20;
	s6 =	smul.u32 $0xA80, s6  }
0x9: {  	s30 =	sshrl.u32 s5, $0x1;
	s31 =	sshrl.u32 s29, $0x2;
	s7 =	sadd.s32 s8, s7  }
0xa: {  	s16 =	ssub.s32 s5, s30;
	s5 =	sadd.s32 s31, s2;
	s6 =	sadd.s32 s6, s4  }
0xb: {  	s7 =	sshrl.u32 s7, $0x3;
	s8 =	sadd.s32 $0x6000, s5;
	s9 =	sadd.s32 $0x8000, s5  }
0xc: {  	s10 =	sadd.s32 $0xA000, s5;
	s11 =	sadd.s32 $0xC000, s5;
	s12 =	sadd.s32 $0xE000, s5  }
0xd: {  	s13 =	sadd.s32 $0x10000, s5;
	s14 =	sadd.s32 $0x12000, s5;
	s16 =	smax.u32 s16, $0x1  }
0xe: {  	s21 =	sshrl.u32 s5, $0x3;
	s15 =	sadd.s32 s7, s4;
	s4 =	sadd.s32 $0x4000, s6  }
0xf: {  	v0 =	vimm.f32 $0.0e+00;
	v1 =	vimm.f32 $1.000000000e+00;
	s6 =	sadd.s32 $0x2000, s5;
	s7 =	sadd.s32 $0x4000, s5;
	s15 =	sadd.s32 $0x19000, s15  }
.LBB2_1:
0x10: {  	[tilespmem:s3], [sflag:$0x1] =	stream.linear.gather [hbm4b:s4+s3], $0x5100, $0x38;
	[tilespmem:$0x1AD00] =	vst v63  }
0x11: {  	_ =	swait.ge [sflag:s17], $0x5100  }
0x12: {  	[sflag:s17] =	ssyncset.done $0x0  }
0x13: {  	s23 =	simm.s32 $0x0;
	s24 =	simm.s32 $0x200;
	[sflag:s17] =	ssyncadd.s32 $0xFFFFAF00  }
.LBB2_2:
0x14: {  	p0 =	sne.s32 s24, $0x7E00;
	[tilespmem:s23+$0x5470] =	vst v0  }
0x15: {  	[tilespmem:s23+$0x5400] =	vst v0  }
0x16: {  	[tilespmem:s23+$0x5410] =	vst v0  }
.Ltmp0:
0x17: {  	[tilespmem:s23+$0x5420] =	vst v0;
	(pc) =	sbr.rel @p0 .LBB2_2-.Ltmp0, $4  }
0x18: {  	[tilespmem:s23+$0x5430] =	vst v0  }
0x19: {  	[tilespmem:s23+$0x5440] =	vst v0  }
0x1a: {  	[tilespmem:s23+$0x5450] =	vst v0  }
0x1b: {  	[tilespmem:s23+$0x5460] =	vst v0;
	s23 =	sshra.s32 s24, $0x2;
	s24 =	sadd.s32 $0x200, s24  }
0x1c: {  	[tilespmem:s23+$0x5470] =	vst v0  }
0x1d: {  	[tilespmem:s23+$0x5400] =	vst v0  }
0x1e: {  	[tilespmem:s23+$0x5410] =	vst v0  }
0x1f: {  	[tilespmem:s23+$0x5420] =	vst v0  }
0x20: {  	[tilespmem:s23+$0x5430] =	vst v0  }
0x21: {  	[tilespmem:s23+$0x5440] =	vst v0  }
0x22: {  	[tilespmem:s23+$0x5450] =	vst v0  }
0x23: {  	[tilespmem:s23+$0x5460] =	vst v0  }
0x24: {  	[spmem:s5] =	stream.linear.scatter [tilespmem:s18], [sflag:$0x1], $0x2000, $0x38;
	[tilespmem:$0x1AD00] =	vst v63  }
0x25: {  	_ =	swait.ge [sflag:s17], $0x2000  }
0x26: {  	[sflag:s17] =	ssyncset.done $0x0  }
0x27: {  	[sflag:s17] =	ssyncadd.s32 $0xFFFFE000  }
0x28: {  	[spmem:s6] =	stream.linear.scatter [tilespmem:s18], [sflag:$0x1], $0x2000, $0x38;
	[tilespmem:$0x1AD00] =	vst v63  }
0x29: {  	_ =	swait.ge [sflag:s17], $0x2000  }
0x2a: {  	[sflag:s17] =	ssyncset.done $0x0  }
0x2b: {  	[sflag:s17] =	ssyncadd.s32 $0xFFFFE000  }
0x2c: {  	[spmem:s7] =	stream.linear.scatter [tilespmem:s18], [sflag:$0x1], $0x2000, $0x38;
	[tilespmem:$0x1AD00] =	vst v63  }
0x2d: {  	_ =	swait.ge [sflag:s17], $0x2000  }
0x2e: {  	[sflag:s17] =	ssyncset.done $0x0  }
0x2f: {  	[sflag:s17] =	ssyncadd.s32 $0xFFFFE000  }
0x30: {  	[spmem:s8] =	stream.linear.scatter [tilespmem:s18], [sflag:$0x1], $0x2000, $0x38;
	[tilespmem:$0x1AD00] =	vst v63  }
0x31: {  	_ =	swait.ge [sflag:s17], $0x2000  }
0x32: {  	[sflag:s17] =	ssyncset.done $0x0  }
0x33: {  	[sflag:s17] =	ssyncadd.s32 $0xFFFFE000  }
0x34: {  	[spmem:s9] =	stream.linear.scatter [tilespmem:s18], [sflag:$0x1], $0x2000, $0x38;
	[tilespmem:$0x1AD00] =	vst v63  }
0x35: {  	_ =	swait.ge [sflag:s17], $0x2000  }
0x36: {  	[sflag:s17] =	ssyncset.done $0x0  }
0x37: {  	[sflag:s17] =	ssyncadd.s32 $0xFFFFE000  }
0x38: {  	[spmem:s10] =	stream.linear.scatter [tilespmem:s18], [sflag:$0x1], $0x2000, $0x38;
	[tilespmem:$0x1AD00] =	vst v63  }
0x39: {  	_ =	swait.ge [sflag:s17], $0x2000  }
0x3a: {  	[sflag:s17] =	ssyncset.done $0x0  }
0x3b: {  	[sflag:s17] =	ssyncadd.s32 $0xFFFFE000  }
0x3c: {  	[spmem:s11] =	stream.linear.scatter [tilespmem:s18], [sflag:$0x1], $0x2000, $0x38;
	[tilespmem:$0x1AD00] =	vst v63  }
0x3d: {  	_ =	swait.ge [sflag:s17], $0x2000  }
0x3e: {  	[sflag:s17] =	ssyncset.done $0x0  }
0x3f: {  	[sflag:s17] =	ssyncadd.s32 $0xFFFFE000  }
0x40: {  	[spmem:s12] =	stream.linear.scatter [tilespmem:s18], [sflag:$0x1], $0x2000, $0x38;
	[tilespmem:$0x1AD00] =	vst v63  }
0x41: {  	_ =	swait.ge [sflag:s17], $0x2000  }
0x42: {  	[sflag:s17] =	ssyncset.done $0x0  }
0x43: {  	[sflag:s17] =	ssyncadd.s32 $0xFFFFE000  }
0x44: {  	[spmem:s13] =	stream.linear.scatter [tilespmem:s18], [sflag:$0x1], $0x2000, $0x38;
	[tilespmem:$0x1AD00] =	vst v63  }
0x45: {  	_ =	swait.ge [sflag:s17], $0x2000  }
0x46: {  	[sflag:s17] =	ssyncset.done $0x0  }
0x47: {  	[sflag:s17] =	ssyncadd.s32 $0xFFFFE000  }
0x48: {  	[spmem:s14] =	stream.linear.scatter [tilespmem:s18], [sflag:$0x1], $0x2000, $0x38;
	[tilespmem:$0x1AD00] =	vst v63  }
0x49: {  	_ =	swait.ge [sflag:s17], $0x2000  }
0x4a: {  	[sflag:s17] =	ssyncset.done $0x0  }
0x4b: {  	s23 =	simm.s32 $0x0;
	s24 =	simm.s32 $0x200;
	[sflag:s17] =	ssyncadd.s32 $0xFFFFE000  }
.LBB2_4:
0x4c: {  	p0 =	sne.s32 s24, $0x7E00;
	[tilespmem:s23+$0x5470] =	vst v1  }
0x4d: {  	[tilespmem:s23+$0x5400] =	vst v1  }
0x4e: {  	[tilespmem:s23+$0x5410] =	vst v1  }
.Ltmp1:
0x4f: {  	[tilespmem:s23+$0x5420] =	vst v1;
	(pc) =	sbr.rel @p0 .LBB2_4-.Ltmp1, $4  }
0x50: {  	[tilespmem:s23+$0x5430] =	vst v1  }
0x51: {  	[tilespmem:s23+$0x5440] =	vst v1  }
0x52: {  	[tilespmem:s23+$0x5450] =	vst v1  }
0x53: {  	[tilespmem:s23+$0x5460] =	vst v1;
	s23 =	sshra.s32 s24, $0x2;
	s24 =	sadd.s32 $0x200, s24  }
0x54: {  	[tilespmem:s23+$0x5470] =	vst v1  }
0x55: {  	[tilespmem:s23+$0x5400] =	vst v1  }
0x56: {  	[tilespmem:s23+$0x5410] =	vst v1  }
0x57: {  	[tilespmem:s23+$0x5420] =	vst v1  }
0x58: {  	[tilespmem:s23+$0x5430] =	vst v1  }
0x59: {  	[tilespmem:s23+$0x5440] =	vst v1  }
0x5a: {  	[tilespmem:s23+$0x5450] =	vst v1  }
0x5b: {  	[tilespmem:s23+$0x5460] =	vst v1  }
0x5c: {  	s31 =	simm.s32 $0x0;
	[bflag:$0x0] =	sbarrier.arrive $0xFFFF  }
0x5d: {  	[spmem:s2] =	stream.indirect.scatter.add.f32 [tilespmem:s18], [sflag:$0x1], $0x80, s31, s19, $0xb8;
	[tilespmem:$0x1AD00] =	vst v63  }
0x5e: {  	_ =	swait.ge [sflag:s17], $0x2000  }
0x5f: {  	s23 =	simm.s32 $0x200;
	[sflag:s17] =	ssyncset.done $0x0  }
.LBB2_6:
0x60: {  	s24 =	sshra.s32 s23, $0x2;
	[sflag:s17] =	ssyncadd.s32 $0xFFFFE000;
	p0 =	sne.s32 s23, $0x14200  }
0x61: {  	[spmem:s2] =	stream.indirect.scatter.add.f32 [tilespmem:s18], [sflag:$0x1], $0x80, s24, s19, $0xb8;
	[tilespmem:$0x1AD00] =	vst v63  }
.Ltmp2:
0x62: {  	_ = 	snop;
	(pc) =	sbr.rel @p0 .LBB2_6-.Ltmp2, $4  }
0x63: {  	_ = 	snop  }
0x64: {  	s23 =	sadd.s32 $0x200, s23  }
0x65: {  	_ =	swait.ge [sflag:s17], $0x2000  }
0x66: {  	[sflag:s17] =	ssyncset.done $0x0  }
0x67: {  	s22 =	sadd.s32 $0x1, s22  }
0x68: {  	[sflag:s17] =	ssyncadd.s32 $0xFFFFE000;
	p0 =	sne.s32 s22, s16  }
.Ltmp3:
0x69: {  	[bflag:$0x0] =	sbarrier.arrive $0xFFFF;
	(pc) =	sbr.rel @p0 .LBB2_1-.Ltmp3, $4  }
0x6a: {  	[hbm:s15], [sflag:s20] =	dma.local [spmem:s21], $0x2800  }
0x6b: {  	_ =	swait.ge [sflag:s17], $0x2800  }
0x6c: {  	[sflag:s17] =	ssyncset.done $0x0  }
0x6d: {  	[sflag:s17] =	ssyncadd.s32 $0xFFFFD800  }
0x6e: {  	_ =	sfence.sel $0x180000  }
0x6f: {  	[bflag:$0x0] =	sbarrier.arrive $0xFFFF  }
0x70: {  	p0 =	sne.s32 s1, $0x0;
	_ =	strace $0x90000047  }
0x71: {  	s0 =	sadd.s32 @!p0 $0x100000, s0;
	[bflag:$0x2] =	sbarrier.arrive $0xFFFF  }
0x72: {  	[sflag:s0] =	ssyncadd.tile.s32 @!p0 $0x1;
	_ =	shalt  }
.Lfunc_end2:
_tile_overlayer_lowered:
.L_overlay_start_2:
0x73: {  	(tag) =	ssettag $0x2  }
0x74: {  	s0 =	rddreg [dreg:$0x0];
	s2 =	stileid.u32  }
0x75: {  	s1 =	rddreg [dreg:$0x1];
	p0 =	sne.s32 s2, $0x0  }
0x76: {  	s3 =	rddreg [dreg:$0x2];
	[bflag:$0x3] =	sbarrier.arrive $0xFFFF;
	s2 =	simm.s32 @!p0 $0x1C01  }
0x77: {  	[timem:s3], [sflag:s2] =	dma.local @!p0 [hbm:s0], s1  }
0x78: {  	s0 =	simm.s32 @!p0 $0x1  }
0x79: {  	_ =	swait.ge @!p0 [sflag:s0], s1  }
0x7a: {  	s1 =	ssub.s32 @!p0 $0x0, s1;
	[sflag:s0] =	ssyncset.done @!p0 $0x0  }
0x7b: {  	[sflag:s0] =	ssyncadd.s32 @!p0 s1  }
0x7c: {  	[bflag:$0x3] =	sbarrier.arrive $0xFFFF  }
0x7d: {  	_ =	shalt  }

// kernel: kernel.13.cloned.1.call-start
scs
__scs_entry_jumppad:
0x0: {  	(pc) =	sbr.rel $0x88, $3  }
0x1: {  	(tag) =	ssettag $0x0;
	lr =	simm.s32 $0x1  }
0x2: {  	[smem:$0x3F99] =	sst lr;
	_ =	strace $0xD0000000  }
0x3: {  	_ = 	snop  }
0x4: {  	_ = 	snop  }
0x5: {  	_ = 	snop  }
0x6: {  	_ = 	snop  }
0x7: {  	_ = 	snop  }
__scs_overlays_trampoline_lowered:
0x8: {  	[smem:$0x3FA8] =	sst s0  }
0x9: {  	[smem:$0x3FA9] =	sst s1  }
0xa: {  	[smem:$0x3FAA] =	sst s2  }
0xb: {  	[smem:$0x3FAB] =	sst s3  }
0xc: {  	[smem:$0x3FAC] =	sst s4  }
0xd: {  	[smem:$0x3FAD] =	sst s5  }
0xe: {  	[smem:$0x3FAE] =	sst s6  }
0xf: {  	[smem:$0x3FAF] =	sst s7  }
0x10: {  	[smem:$0x3FB0] =	sst s8  }
0x11: {  	[smem:$0x3FB1] =	sst s9;
	s0 =	simm.s32 @!p0 $0x0  }
0x12: {  	s1 =	sld [smem:$0x3F97];
	s0 =	simm.s32 @p0 $0x1  }
0x13: {  	[smem:$0x3FB2] =	sst s0;
	s0 =	simm.s32 @!p1 $0x0  }
0x14: {  	s2 =	sld [smem:$0x3F96];
	s0 =	simm.s32 @p1 $0x1  }
0x15: {  	[smem:$0x3FB3] =	sst s0;
	s0 =	simm.s32 @!p2 $0x0  }
0x16: {  	s3 =	sld [smem:$0x3FDB];
	s0 =	simm.s32 @p2 $0x1  }
0x17: {  	s4 =	simm.s32 $0x1BF5;
	[smem:$0x3FB5] =	sst s0  }
0x18: {  	s0 =	sld [smem:$0x3F98];
	_ =	swait.ge [sflag:s4], $0x0  }
0x19: {  	s7 =	sld [smem:$0x3F99]  }
0x1a: {  	s8 =	sadd.s32 $0xFFFFE003, lr  }
0x1b: {  	s9 =	sadd.s32 $0xFFFFFEF7, lr;
	s5 =	simm.s32 $0xFFFFFFFF;
	p2 =	slt.u32 s8, $0xFFFFF086  }
0x1c: {  	p1 =	slt.u32 s9, $0xF7A;
	s5 =	simm.s32 @!p2 $0x0  }
0x1d: {  	s5 =	simm.s32 @p1 $0x1;
	p0 =	seq.s32 s7, s2  }
0x1e: {  	s7 =	smul.u32 @!p0 $0xF7A, s2;
	p2 =	seq.s32 @!p0 s5, $0x0  }
0x1f: {  	s9 =	smul.u32 $0xF7A, s1;
	s8 =	simm.s32 @!p0 $0x1BF5;
	p2 =	por !p2, p0  }
0x20: {  	[sflag:s8] =	ssyncset.s32 @!p0 $0xFFFFF086;
	s6 =	sadd.s32 @!p0 s3, s7;
	s7 =	simm.s32 @!p0 $0x108  }
0x21: {  	s3 =	sadd.s32 s3, s9;
	s6 =	sadd.s32 @!p0 $0x88, s6;
	s7 =	simm.s32 @p2 $0x1082  }
0x22: {  	[simem:s7], [sflag:s8] =	dma.local @!p0 [hbm:s6], $0xF7A  }
0x23: {  	s9 =	sor.u32 $0xD0000000, s2;
	s6 =	simm.s32 $0x108;
	_ =	swait.ge @!p0 [sflag:s8], $0x0  }
0x24: {  	s3 =	sadd.s32 $0x88, s3;
	s6 =	simm.s32 @!p1 $0x1082;
	[sflag:s4] =	ssyncset.s32 $0xFFFFF086  }
0x25: {  	[simem:s6], [sflag:s4] =	dma.local [hbm:s3], $0xF7A  }
0x26: {  	[smem:$0x3F99] =	sst s1;
	(tag) =	ssettag s2;
	_ =	strace s9  }
0x27: {  	s1 =	sld [smem:$0x3FA9]  }
0x28: {  	s2 =	sld [smem:$0x3FAA]  }
0x29: {  	s4 =	sld [smem:$0x3FAC]  }
0x2a: {  	p0 =	seq.s32 s5, $0x0;
	s5 =	sld [smem:$0x3FAD]  }
0x2b: {  	s6 =	sld [smem:$0x3FAE]  }
0x2c: {  	s7 =	sld [smem:$0x3FAF]  }
0x2d: {  	s3 =	simm.s32 $0x108;
	s8 =	sld [smem:$0x3FB0]  }
0x2e: {  	s3 =	simm.s32 @!p0 $0x1082;
	s9 =	sld [smem:$0x3FB1]  }
0x2f: {  	lr =	sadd.s32 s0, s3;
	s0 =	sld [smem:$0x3FA8]  }
0x30: {  	s3 =	sld [smem:$0x3FAB]  }
0x31: {  	[smem:$0x3FB4] =	sst s10  }
0x32: {  	s10 =	sld [smem:$0x3FB2];
	_ =	sdelay $0x3  }
0x33: {  	p0 =	seq.s32 s10, $0x1;
	s10 =	sld [smem:$0x3FB4];
	_ =	sdelay $0x3  }
0x34: {  	[smem:$0x3FB4] =	sst s10  }
0x35: {  	s10 =	sld [smem:$0x3FB3];
	_ =	sdelay $0x3  }
0x36: {  	p1 =	seq.s32 s10, $0x1;
	s10 =	sld [smem:$0x3FB4];
	_ =	sdelay $0x3  }
0x37: {  	[smem:$0x3FB4] =	sst s10  }
0x38: {  	s10 =	sld [smem:$0x3FB5]  }
0x39: {  	_ = 	snop;
	(pc) =	sbr.ind lr, $3  }
0x3a: {  	_ = 	snop  }
0x3b: {  	_ = 	snop  }
0x3c: {  	p2 =	seq.s32 s10, $0x1;
	s10 =	sld [smem:$0x3FB4]  }
0x3d: {  	_ =	shalt  }
0x3e: {  	_ =	shalt  }
0x3f: {  	_ =	shalt  }
0x40: {  	_ =	shalt  }
0x41: {  	_ =	shalt  }
0x42: {  	_ =	shalt  }
0x43: {  	_ =	shalt  }
0x44: {  	_ =	shalt  }
0x45: {  	_ =	shalt  }
0x46: {  	_ =	shalt  }
0x47: {  	_ =	shalt  }
0x48: {  	_ =	shalt  }
0x49: {  	_ =	shalt  }
0x4a: {  	_ =	shalt  }
0x4b: {  	_ =	shalt  }
0x4c: {  	_ =	shalt  }
0x4d: {  	_ =	shalt  }
0x4e: {  	_ =	shalt  }
0x4f: {  	_ =	shalt  }
0x50: {  	_ =	shalt  }
0x51: {  	_ =	shalt  }
0x52: {  	_ =	shalt  }
0x53: {  	_ =	shalt  }
0x54: {  	_ =	shalt  }
0x55: {  	_ =	shalt  }
0x56: {  	_ =	shalt  }
0x57: {  	_ =	shalt  }
0x58: {  	_ =	shalt  }
0x59: {  	_ =	shalt  }
0x5a: {  	_ =	shalt  }
0x5b: {  	_ =	shalt  }
0x5c: {  	_ =	shalt  }
0x5d: {  	_ =	shalt  }
0x5e: {  	_ =	shalt  }
0x5f: {  	_ =	shalt  }
0x60: {  	_ =	shalt  }
0x61: {  	_ =	shalt  }
0x62: {  	_ =	shalt  }
0x63: {  	_ =	shalt  }
0x64: {  	_ =	shalt  }
0x65: {  	_ =	shalt  }
0x66: {  	_ =	shalt  }
0x67: {  	_ =	shalt  }
0x68: {  	_ =	shalt  }
0x69: {  	_ =	shalt  }
0x6a: {  	_ =	shalt  }
0x6b: {  	_ =	shalt  }
0x6c: {  	_ =	shalt  }
0x6d: {  	_ =	shalt  }
0x6e: {  	_ =	shalt  }
0x6f: {  	_ =	shalt  }
0x70: {  	_ =	shalt  }
0x71: {  	_ =	shalt  }
0x72: {  	_ =	shalt  }
0x73: {  	_ =	shalt  }
0x74: {  	_ =	shalt  }
0x75: {  	_ =	shalt  }
0x76: {  	_ =	shalt  }
0x77: {  	_ =	shalt  }
0x78: {  	_ =	shalt  }
0x79: {  	_ =	shalt  }
0x7a: {  	_ =	shalt  }
0x7b: {  	_ =	shalt  }
0x7c: {  	_ =	shalt  }
0x7d: {  	_ =	shalt  }
0x7e: {  	_ =	shalt  }
0x7f: {  	_ =	shalt  }
0x80: {  	_ =	shalt  }
0x81: {  	_ =	shalt  }
0x82: {  	_ =	shalt  }
0x83: {  	_ =	shalt  }
0x84: {  	_ =	shalt  }
0x85: {  	_ =	shalt  }
0x86: {  	_ =	shalt  }
0x87: {  	_ =	shalt  }
.Lfunc_end0:
.L_simem_size_0:
called_computation.1_lowered:
.L_overlay_start_0:
0x88: {  	s2 =	sld [smem:$0x3FD9]  }
0x89: {  	s3 =	sld [smem:$0x3FFE];
	_ =	sdelay $0x1  }
0x8a: {  	s1 =	srdreg.scid  }
0x8b: {  	s0 =	sand.u32 $0x1, s1  }
0x8c: {  	s17 =	sshll.u32 s0, $0xA;
	s2 =	sadd.s32 s3, s2  }
0x8d: {  	s2 =	sadd.s32 s2, s17  }
0x8e: {  	[smem:$0x3FC0] =	sst s2  }
0x8f: {  	_ = 	snop  }
0x90: {  	s2 =	sld [smem:$0x3FD0];
	(tm) =	ssettm $0x1  }
0x91: {  	s18 =	sld [smem:$0x3FFB];
	_ =	sdelay $0x3  }
0x92: {  	_ =	strace s18  }
0x93: {  	s3 =	sld [smem:$0x3FFC];
	_ =	sdelay $0x3  }
0x94: {  	_ =	strace s3  }
0x95: {  	s3 =	sld [smem:$0x3FFD];
	_ =	sdelay $0x3  }
0x96: {  	_ =	strace s3  }
0x97: {  	_ =	strace $0x8FFFFFFF  }
0x98: {  	s19 =	sld [smem:$0x3FDB];
	_ =	sdelay $0x1  }
0x99: {  	s4 =	simm.s32 $_scs_section_size  }
0x9a: {  	s5 =	simm.s32 $_size__tile_overlayer_lowered;
	s6 =	simm.s32 $_tile_overlayer_lowered  }
0x9b: {  	s22 =	simm.s32 $0x1BFF;
	s21 =	sshll.u32 s6, $0x1;
	s3 =	sadd.s32 s4, s19  }
0x9c: {  	s7 =	simm.s32 $0x0;
	s20 =	sshll.u32 s5, $0x1;
	s5 =	sadd.s32 s21, s3  }
0x9d: {  	[timem:s7], [sflag:s22] =	dma.local [hbm:s5], s20  }
0x9e: {  	_ =	swait.ge [sflag:s22], s20  }
0x9f: {  	s4 =	ssub.s32 $0x0, s20;
	[sflag:s22] =	ssyncset.done $0x0  }
0xa0: {  	[sflag:s22] =	ssyncadd.s32 s4;
	_ =	sdelay $0x1  }
0xa1: {  	s23 =	simm.s32 $0x1B8B  }
0xa2: {  	_ =	swait.ge [sflag:s23], $0x1  }
0xa3: {  	[sflag:s23] =	ssyncset.done $0x0  }
0xa4: {  	s25 =	simm.s32 $0x1B8E;
	s24 =	sld [smem:$0x3FFE];
	[sflag:s23] =	ssyncadd.s32 $0xFFFFFFFF  }
0xa5: {  	s26 =	simm.s32 $execute0_lowered;
	[smem:$0x3FD2] =	sst s25  }
0xa6: {  	s5 =	sshll.u32 s26, $0x1;
	_ =	strace $0x80000049;
	[dreg:$0x1] =	wrdreg $0xFFFFFFFF  }
0xa7: {  	s28 =	simm.s32 $_size_execute0_lowered;
	s3 =	sadd.s32 s3, s5;
	[dreg:$0x0] =	wrdreg $0x0  }
0xa8: {  	s5 =	sshll.u32 s28, $0x1;
	[dreg:$0x2] =	wrdreg s3  }
0xa9: {  	[dreg:$0x3] =	wrdreg s5  }
0xaa: {  	[dreg:$0x4] =	wrdreg $0xC0  }
0xab: {  	_ =	task [dreg:s7], $0x5FFFF  }
0xac: {  	[dreg:$0x1] =	wrdreg $0xFFFFFFFF  }
0xad: {  	[dreg:$0x0] =	wrdreg $0x60  }
0xae: {  	[dreg:$0x2] =	wrdreg s24  }
0xaf: {  	[dreg:$0x3] =	wrdreg s2  }
0xb0: {  	[dreg:$0x4] =	wrdreg $0xBC800  }
0xb1: {  	[dreg:$0x5] =	wrdreg $0x9  }
0xb2: {  	_ =	task.clear_ibuf [dreg:s7], $0x6FFFF;
	_ =	strace $0x90000049  }
0xb3: {  	s29 =	simm.s32 $0x9;
	_ =	strace $0x8000004B  }
0xb4: {  	_ =	swait.ge [sflag:s29], $0x1  }
0xb5: {  	[sflag:s29] =	ssyncadd.s32 $0xFFFFFFFF  }
0xb6: {  	_ =	strace $0x9000004B  }
0xb7: {  	_ =	sfence  }
0xb8: {  	s30 =	sld [smem:$0x0];
	_ =	sdelay $0x2  }
0xb9: {  	s31 =	sshll.u32 s1, $0xD;
	s1 =	sshrl.u32 s1, $0x2  }
0xba: {  	s3 =	sand.u32 $0x4000, s31;
	s1 =	sadd.s32 s1, s30  }
0xbb: {  	s0 =	sor.u32 s3, s0;
	s1 =	sshll.u32 s1, $0x11  }
0xbc: {  	s0 =	sor.u32 s1, s0  }
0xbd: {  	s0 =	sadd.s32 $0x8F2B, s0  }
0xbe: {  	[sflag:s0] =	ssyncadd.remote.s32 $0x1  }
0xbf: {  	_ =	sfence.sel $0xFFFF  }
0xc0: {  	[dreg:$0x0] =	wrdreg $0xFFFFFFFF;
	(pc) =	sbr.abs _section_cstart, $3  }
0xc1: {  	[dreg:$0x1] =	wrdreg $0xFFFFFFFF  }
0xc2: {  	_ =	task.clear_ibuf [dreg:s7], $0x2FFFF;
	_ =	strace $0x9FFFFFFF  }
0xc3: {  	(tm) =	ssettm $0x7FFFFFFF  }
tec
execute0_lowered:
.L_overlay_start_1:
0x0: {  	(tag) =	ssettag $0x1  }
0x1: {  	s0 =	srdreg.scid;
	s1 =	rddreg [dreg:$0x0]  }
0x2: {  	s10 =	stileid.u32;
	s15 =	rddreg [dreg:$0x1];
	s3 =	simm.s32 $0x0  }
0x3: {  	s19 =	simm.s32 $0x7C80;
	s20 =	simm.s32 $0x3;
	s23 =	simm.s32 $0x2880  }
0x4: {  	s24 =	simm.s32 $0x40;
	s28 =	simm.s32 $0x2;
	s29 =	simm.s32 $0x7880  }
0x5: {  	s30 =	simm.s32 $0x7900;
	s0 =	sand.u32 $0x1, s0;
	s7 =	smul.u32 $0x13800, s10  }
0x6: {  	s2 =	sshll.u32 s10, $0x1;
	[smem:$0x7FF] =	sst s3;
	s8 =	smul.u32 $0x4E000, s10  }
0x7: {  	s4 =	sadd.s32 $0x67400, s1;
	s10 =	sshrl.u32 s10, $0x2;
	s6 =	smul.u32 $0x138800, s0  }
0x8: {  	s9 =	sor.u32 s0, s2;
	s2 =	rddreg [dreg:$0x2];
	s13 =	smul.u32 $0x14400, s10  }
0x9: {  	_ =	strace $0x8000004A;
	s0 =	ssub.s32 $0x2, s0;
	s5 =	smul.u32 $0xA80, s9  }
0xa: {  	s26 =	sshrl.u32 s0, $0x1;
	s31 =	sshrl.u32 s8, $0x2;
	s11 =	sshll.u32 s9, $0x7  }
0xb: {  	s25 =	sadd.s32 s7, s6;
	s0 =	ssub.s32 s0, s26;
	s14 =	sand.u32 $0x380, s11  }
0xc: {  	s26 =	simm.s32 $0x1;
	s16 =	sadd.s32 s5, s1;
	s5 =	sshrl.u32 s25, $0x3  }
0xd: {  	s17 =	sor.u32 s13, s14;
	s18 =	smax.u32 s0, $0x1;
	s25 =	simm.s32 $0x9C80  }
0xe: {  	s1 =	sadd.s32 s5, s1;
	s5 =	sadd.s32 s31, s2;
	s17 =	sshrl.u32 s17, $0x3  }
0xf: {  	s16 =	sadd.s32 $0x4000, s16;
	s6 =	sadd.s32 $0x2000, s5;
	s7 =	sadd.s32 $0x4000, s5  }
0x10: {  	s8 =	sadd.s32 $0x6000, s5;
	s9 =	sadd.s32 $0x8000, s5;
	s10 =	sadd.s32 $0xA000, s5  }
0x11: {  	s11 =	sadd.s32 $0xC000, s5;
	s12 =	sadd.s32 $0xE000, s5;
	s13 =	sadd.s32 $0x10000, s5  }
0x12: {  	v0 =	vimm.f32 $0.0e+00;
	s14 =	sadd.s32 $0x12000, s5;
	s15 =	sadd.s32 s15, s17;
	s17 =	sadd.s32 $0x8E600, s1  }
.LBB2_1:
0x13: {  	s0 =	simm.s32 $0x0;
	s1 =	simm.s32 $0x200  }
.LBB2_2:
0x14: {  	p0 =	sne.s32 s1, $0x7E00;
	[tilespmem:s0+$0x7CF0] =	vst v0  }
0x15: {  	[tilespmem:s0+$0x7C80] =	vst v0  }
0x16: {  	[tilespmem:s0+$0x7C90] =	vst v0  }
.Ltmp0:
0x17: {  	[tilespmem:s0+$0x7CA0] =	vst v0;
	(pc) =	sbr.rel @p0 .LBB2_2-.Ltmp0, $4  }
0x18: {  	[tilespmem:s0+$0x7CB0] =	vst v0  }
0x19: {  	[tilespmem:s0+$0x7CC0] =	vst v0  }
0x1a: {  	[tilespmem:s0+$0x7CD0] =	vst v0  }
0x1b: {  	[tilespmem:s0+$0x7CE0] =	vst v0;
	s0 =	sshra.s32 s1, $0x2;
	s1 =	sadd.s32 $0x200, s1  }
0x1c: {  	[tilespmem:s0+$0x7CF0] =	vst v0  }
0x1d: {  	[tilespmem:s0+$0x7C80] =	vst v0  }
0x1e: {  	[tilespmem:s0+$0x7C90] =	vst v0  }
0x1f: {  	[tilespmem:s0+$0x7CA0] =	vst v0  }
0x20: {  	[tilespmem:s0+$0x7CB0] =	vst v0  }
0x21: {  	[tilespmem:s0+$0x7CC0] =	vst v0  }
0x22: {  	[tilespmem:s0+$0x7CD0] =	vst v0  }
0x23: {  	[tilespmem:s0+$0x7CE0] =	vst v0  }
0x24: {  	[spmem:s5] =	stream.linear.scatter [tilespmem:s19], [sflag:$0x3], $0x2000, $0x38;
	[tilespmem:$0x1F580] =	vst v63  }
0x25: {  	_ =	swait.ge [sflag:s20], $0x2000  }
0x26: {  	[sflag:s20] =	ssyncset.done $0x0  }
0x27: {  	[sflag:s20] =	ssyncadd.s32 $0xFFFFE000  }
0x28: {  	[spmem:s6] =	stream.linear.scatter [tilespmem:s19], [sflag:$0x3], $0x2000, $0x38;
	[tilespmem:$0x1F580] =	vst v63  }
0x29: {  	_ =	swait.ge [sflag:s20], $0x2000  }
0x2a: {  	[sflag:s20] =	ssyncset.done $0x0  }
0x2b: {  	[sflag:s20] =	ssyncadd.s32 $0xFFFFE000  }
0x2c: {  	[spmem:s7] =	stream.linear.scatter [tilespmem:s19], [sflag:$0x3], $0x2000, $0x38;
	[tilespmem:$0x1F580] =	vst v63  }
0x2d: {  	_ =	swait.ge [sflag:s20], $0x2000  }
0x2e: {  	[sflag:s20] =	ssyncset.done $0x0  }
0x2f: {  	[sflag:s20] =	ssyncadd.s32 $0xFFFFE000  }
0x30: {  	[spmem:s8] =	stream.linear.scatter [tilespmem:s19], [sflag:$0x3], $0x2000, $0x38;
	[tilespmem:$0x1F580] =	vst v63  }
0x31: {  	_ =	swait.ge [sflag:s20], $0x2000  }
0x32: {  	[sflag:s20] =	ssyncset.done $0x0  }
0x33: {  	[sflag:s20] =	ssyncadd.s32 $0xFFFFE000  }
0x34: {  	[spmem:s9] =	stream.linear.scatter [tilespmem:s19], [sflag:$0x3], $0x2000, $0x38;
	[tilespmem:$0x1F580] =	vst v63  }
0x35: {  	_ =	swait.ge [sflag:s20], $0x2000  }
0x36: {  	[sflag:s20] =	ssyncset.done $0x0  }
0x37: {  	[sflag:s20] =	ssyncadd.s32 $0xFFFFE000  }
0x38: {  	[spmem:s10] =	stream.linear.scatter [tilespmem:s19], [sflag:$0x3], $0x2000, $0x38;
	[tilespmem:$0x1F580] =	vst v63  }
0x39: {  	_ =	swait.ge [sflag:s20], $0x2000  }
0x3a: {  	[sflag:s20] =	ssyncset.done $0x0  }
0x3b: {  	[sflag:s20] =	ssyncadd.s32 $0xFFFFE000  }
0x3c: {  	[spmem:s11] =	stream.linear.scatter [tilespmem:s19], [sflag:$0x3], $0x2000, $0x38;
	[tilespmem:$0x1F580] =	vst v63  }
0x3d: {  	_ =	swait.ge [sflag:s20], $0x2000  }
0x3e: {  	[sflag:s20] =	ssyncset.done $0x0  }
0x3f: {  	[sflag:s20] =	ssyncadd.s32 $0xFFFFE000  }
0x40: {  	[spmem:s12] =	stream.linear.scatter [tilespmem:s19], [sflag:$0x3], $0x2000, $0x38;
	[tilespmem:$0x1F580] =	vst v63  }
0x41: {  	_ =	swait.ge [sflag:s20], $0x2000  }
0x42: {  	[sflag:s20] =	ssyncset.done $0x0  }
0x43: {  	[sflag:s20] =	ssyncadd.s32 $0xFFFFE000  }
0x44: {  	[spmem:s13] =	stream.linear.scatter [tilespmem:s19], [sflag:$0x3], $0x2000, $0x38;
	[tilespmem:$0x1F580] =	vst v63  }
0x45: {  	_ =	swait.ge [sflag:s20], $0x2000  }
0x46: {  	[sflag:s20] =	ssyncset.done $0x0  }
0x47: {  	[sflag:s20] =	ssyncadd.s32 $0xFFFFE000  }
0x48: {  	[spmem:s14] =	stream.linear.scatter [tilespmem:s19], [sflag:$0x3], $0x2000, $0x38;
	[tilespmem:$0x1F580] =	vst v63  }
0x49: {  	_ =	swait.ge [sflag:s20], $0x2000  }
0x4a: {  	[sflag:s20] =	ssyncset.done $0x0  }
0x4b: {  	s22 =	simm.s32 $0x0;
	[sflag:s20] =	ssyncadd.s32 $0xFFFFE000  }
0x4c: {  	s1 =	simm.s32 $0x80;
	s21 =	simm.s32 $0x400;
	[bflag:$0x0] =	sbarrier.arrive $0xFFFF  }
0x4d: {  	[tilespmem:s22], [sflag:$0x3] =	stream.strided.gather [hbm4b:s15+s1], $0x2880, s21, s1, $0x38;
	[tilespmem:$0x1F580] =	vst v63  }
0x4e: {  	_ =	swait.ge [sflag:s20], $0x2880  }
0x4f: {  	[sflag:s20] =	ssyncset.done $0x0  }
0x50: {  	[sflag:s20] =	ssyncadd.s32 $0xFFFFD780  }
0x51: {  	[tilespmem:s23], [sflag:$0x3] =	stream.linear.gather [hbm4b:s16+s22], $0x5100, $0x38;
	[tilespmem:$0x1F580] =	vst v63  }
0x52: {  	_ =	swait.ge [sflag:s20], $0x5100  }
0x53: {  	[sflag:s20] =	ssyncset.done $0x0  }
0x54: {  	[sflag:s20] =	ssyncadd.s32 $0xFFFFAF00  }
0x55: {  	[tilespmem:s19], [sflag:$0x1] =	stream.indirect.gather [hbm4b:s4+s24], $0x80, s22, s24, $0xb8;
	[tilespmem:$0x1F580] =	vst v63  }
0x56: {  	_ = 	snop  }
0x57: {  	[tilespmem:s25], [sflag:$0x2] =	stream.indirect.gather [hbm4b:s4+s24], $0x80, s24, s24, $0xb8;
	[tilespmem:$0x1F580] =	vst v63  }
0x58: {  	_ =	swait.ge [sflag:s26], $0x2000  }
0x59: {  	[sflag:s26] =	ssyncset.done $0x0  }
0x5a: {  	s1 =	simm.s32 $0x2880;
	[sflag:s26] =	ssyncadd.s32 $0xFFFFE000  }
0x5b: {  	[spmem:s2] =	stream.indirect.scatter.add.f32 [tilespmem:s19], [sflag:$0x3], $0x80, s1, s24, $0xb8;
	[tilespmem:$0x1F580] =	vst v63  }
0x5c: {  	_ =	swait.ge [sflag:s20], $0x2000  }
0x5d: {  	[sflag:s20] =	ssyncset.done $0x0  }
0x5e: {  	s21 =	simm.s32 $0x80;
	[sflag:s20] =	ssyncadd.s32 $0xFFFFE000  }
0x5f: {  	[tilespmem:s19], [sflag:$0x1] =	stream.indirect.gather [hbm4b:s4+s24], $0x80, s21, s24, $0xb8;
	[tilespmem:$0x1F580] =	vst v63  }
0x60: {  	_ =	swait.ge [sflag:s28], $0x2000  }
0x61: {  	[sflag:s28] =	ssyncset.done $0x0  }
0x62: {  	s22 =	simm.s32 $0x2900;
	[sflag:s28] =	ssyncadd.s32 $0xFFFFE000  }
0x63: {  	[spmem:s2] =	stream.indirect.scatter.add.f32 [tilespmem:s25], [sflag:$0x3], $0x80, s22, s24, $0xb8;
	[tilespmem:$0x1F580] =	vst v63  }
0x64: {  	_ =	swait.ge [sflag:s20], $0x2000  }
0x65: {  	s31 =	simm.s32 $0xC0;
	[sflag:s20] =	ssyncset.done $0x0  }
0x66: {  	s0 =	simm.s32 $0x140;
	s1 =	simm.s32 $0x400;
	[sflag:s20] =	ssyncadd.s32 $0xFFFFE000  }
.LBB2_4:
0x67: {  	[tilespmem:s25], [sflag:$0x2] =	stream.indirect.gather [hbm4b:s4+s24], $0x80, s31, s24, $0xb8;
	[tilespmem:$0x1F580] =	vst v63  }
0x68: {  	s21 =	smov.u32 s1;
	s31 =	smov.u32 s0  }
0x69: {  	p0 =	sne.s32 s1, $0x13C00;
	s1 =	sadd.s32 $0x400, s1;
	_ =	swait.ge [sflag:s26], $0x2000  }
0x6a: {  	s21 =	sshra.s32 s21, $0x2;
	[sflag:s26] =	ssyncset.done $0x0  }
0x6b: {  	s22 =	sadd.s32 $0x2880, s21;
	[sflag:s26] =	ssyncadd.s32 $0xFFFFE000  }
0x6c: {  	[spmem:s2] =	stream.indirect.scatter.add.f32 [tilespmem:s19], [sflag:$0x3], $0x80, s22, s24, $0xb8;
	[tilespmem:$0x1F580] =	vst v63  }
0x6d: {  	_ =	swait.ge [sflag:s20], $0x2000  }
0x6e: {  	[sflag:s20] =	ssyncset.done $0x0  }
0x6f: {  	s22 =	sadd.s32 $0xFFFFFFC0, s0;
	[sflag:s20] =	ssyncadd.s32 $0xFFFFE000  }
0x70: {  	[tilespmem:s19], [sflag:$0x1] =	stream.indirect.gather [hbm4b:s4+s24], $0x80, s22, s24, $0xb8;
	[tilespmem:$0x1F580] =	vst v63  }
0x71: {  	_ =	swait.ge [sflag:s28], $0x2000  }
0x72: {  	[sflag:s28] =	ssyncset.done $0x0  }
.Ltmp1:
0x73: {  	s21 =	sadd.s32 $0x2900, s21;
	[sflag:s28] =	ssyncadd.s32 $0xFFFFE000;
	(pc) =	sbr.rel @p0 .LBB2_4-.Ltmp1, $4  }
0x74: {  	[spmem:s2] =	stream.indirect.scatter.add.f32 [tilespmem:s25], [sflag:$0x3], $0x80, s21, s24, $0xb8;
	[tilespmem:$0x1F580] =	vst v63  }
0x75: {  	_ =	swait.ge [sflag:s20], $0x2000  }
0x76: {  	[sflag:s20] =	ssyncset.done $0x0  }
0x77: {  	s0 =	sadd.s32 $0x80, s0;
	[sflag:s20] =	ssyncadd.s32 $0xFFFFE000  }
0x78: {  	[tilespmem:s25], [sflag:$0x2] =	stream.indirect.gather [hbm4b:s4+s24], $0x80, s31, s24, $0xb8;
	[tilespmem:$0x1F580] =	vst v63  }
0x79: {  	_ =	swait.ge [sflag:s26], $0x2000  }
0x7a: {  	[sflag:s26] =	ssyncset.done $0x0  }
0x7b: {  	[sflag:s26] =	ssyncadd.s32 $0xFFFFE000  }
0x7c: {  	[spmem:s2] =	stream.indirect.scatter.add.f32 [tilespmem:s19], [sflag:$0x3], $0x80, s29, s24, $0xb8;
	[tilespmem:$0x1F580] =	vst v63  }
0x7d: {  	_ =	swait.ge [sflag:s20], $0x2000  }
0x7e: {  	[sflag:s20] =	ssyncset.done $0x0  }
0x7f: {  	[sflag:s20] =	ssyncadd.s32 $0xFFFFE000  }
0x80: {  	_ =	swait.ge [sflag:s28], $0x2000  }
0x81: {  	[sflag:s28] =	ssyncset.done $0x0  }
0x82: {  	[sflag:s28] =	ssyncadd.s32 $0xFFFFE000  }
0x83: {  	[spmem:s2] =	stream.indirect.scatter.add.f32 [tilespmem:s25], [sflag:$0x3], $0x80, s30, s24, $0xb8;
	[tilespmem:$0x1F580] =	vst v63  }
0x84: {  	s0 =	stileid.u32;
	_ =	swait.ge [sflag:s20], $0x2000  }
0x85: {  	s1 =	sshrl.u32 s5, $0x3;
	s3 =	sadd.s32 $0x1, s3;
	[sflag:s20] =	ssyncset.done $0x0  }
0x86: {  	s0 =	sshll.u32 s0, $0x6;
	p0 =	sne.s32 s3, s18;
	[sflag:s20] =	ssyncadd.s32 $0xFFFFE000  }
.Ltmp2:
0x87: {  	s0 =	sor.u32 $0x1C03, s0;
	[bflag:$0x0] =	sbarrier.arrive $0xFFFF;
	(pc) =	sbr.rel @p0 .LBB2_1-.Ltmp2, $4  }
0x88: {  	[hbm:s17], [sflag:s0] =	dma.local [spmem:s1], $0x2800  }
0x89: {  	_ =	swait.ge [sflag:s20], $0x2800  }
0x8a: {  	[sflag:s20] =	ssyncset.done $0x0  }
0x8b: {  	[sflag:s20] =	ssyncadd.s32 $0xFFFFD800  }
0x8c: {  	_ =	sfence.sel $0x180000  }
0x8d: {  	[bflag:$0x0] =	sbarrier.arrive $0xFFFF  }
0x8e: {  	_ =	strace $0x9000004A  }
0x8f: {  	s0 =	stileid.u32;
	[bflag:$0x2] =	sbarrier.arrive $0xFFFF  }
0x90: {  	p0 =	sne.s32 s0, $0x0;
	s0 =	rddreg [dreg:$0x3]  }
0x91: {  	s0 =	sadd.s32 @!p0 $0x100000, s0  }
0x92: {  	[sflag:s0] =	ssyncadd.tile.s32 @!p0 $0x1;
	_ =	shalt  }
.Lfunc_end2:
_tile_overlayer_lowered:
.L_overlay_start_2:
0x93: {  	(tag) =	ssettag $0x2  }
0x94: {  	s0 =	rddreg [dreg:$0x0];
	s2 =	stileid.u32  }
0x95: {  	s1 =	rddreg [dreg:$0x1];
	p0 =	sne.s32 s2, $0x0  }
0x96: {  	s3 =	rddreg [dreg:$0x2];
	[bflag:$0x3] =	sbarrier.arrive $0xFFFF;
	s2 =	simm.s32 @!p0 $0x1C03  }
0x97: {  	[timem:s3], [sflag:s2] =	dma.local @!p0 [hbm:s0], s1  }
0x98: {  	s0 =	simm.s32 @!p0 $0x3  }
0x99: {  	_ =	swait.ge @!p0 [sflag:s0], s1  }
0x9a: {  	s1 =	ssub.s32 @!p0 $0x0, s1;
	[sflag:s0] =	ssyncset.done @!p0 $0x0  }
0x9b: {  	[sflag:s0] =	ssyncadd.s32 @!p0 s1  }
0x9c: {  	[bflag:$0x3] =	sbarrier.arrive $0xFFFF  }
0x9d: {  	_ =	shalt  }

// kernel: kernel.16.cloned.1.call-start
scs
__scs_entry_jumppad:
0x0: {  	(pc) =	sbr.rel $0x88, $3  }
0x1: {  	(tag) =	ssettag $0x0;
	lr =	simm.s32 $0x1  }
0x2: {  	[smem:$0x3F99] =	sst lr;
	_ =	strace $0xD0000000  }
0x3: {  	_ = 	snop  }
0x4: {  	_ = 	snop  }
0x5: {  	_ = 	snop  }
0x6: {  	_ = 	snop  }
0x7: {  	_ = 	snop  }
__scs_overlays_trampoline_lowered:
0x8: {  	[smem:$0x3FA8] =	sst s0  }
0x9: {  	[smem:$0x3FA9] =	sst s1  }
0xa: {  	[smem:$0x3FAA] =	sst s2  }
0xb: {  	[smem:$0x3FAB] =	sst s3  }
0xc: {  	[smem:$0x3FAC] =	sst s4  }
0xd: {  	[smem:$0x3FAD] =	sst s5  }
0xe: {  	[smem:$0x3FAE] =	sst s6  }
0xf: {  	[smem:$0x3FAF] =	sst s7  }
0x10: {  	[smem:$0x3FB0] =	sst s8  }
0x11: {  	[smem:$0x3FB1] =	sst s9;
	s0 =	simm.s32 @!p0 $0x0  }
0x12: {  	s1 =	sld [smem:$0x3F97];
	s0 =	simm.s32 @p0 $0x1  }
0x13: {  	[smem:$0x3FB2] =	sst s0;
	s0 =	simm.s32 @!p1 $0x0  }
0x14: {  	s2 =	sld [smem:$0x3F96];
	s0 =	simm.s32 @p1 $0x1  }
0x15: {  	[smem:$0x3FB3] =	sst s0;
	s0 =	simm.s32 @!p2 $0x0  }
0x16: {  	s3 =	sld [smem:$0x3FDB];
	s0 =	simm.s32 @p2 $0x1  }
0x17: {  	s4 =	simm.s32 $0x1BF5;
	[smem:$0x3FB5] =	sst s0  }
0x18: {  	s0 =	sld [smem:$0x3F98];
	_ =	swait.ge [sflag:s4], $0x0  }
0x19: {  	s7 =	sld [smem:$0x3F99]  }
0x1a: {  	s8 =	sadd.s32 $0xFFFFE003, lr  }
0x1b: {  	s9 =	sadd.s32 $0xFFFFFEF7, lr;
	s5 =	simm.s32 $0xFFFFFFFF;
	p2 =	slt.u32 s8, $0xFFFFF086  }
0x1c: {  	p1 =	slt.u32 s9, $0xF7A;
	s5 =	simm.s32 @!p2 $0x0  }
0x1d: {  	s5 =	simm.s32 @p1 $0x1;
	p0 =	seq.s32 s7, s2  }
0x1e: {  	s7 =	smul.u32 @!p0 $0xF7A, s2;
	p2 =	seq.s32 @!p0 s5, $0x0  }
0x1f: {  	s9 =	smul.u32 $0xF7A, s1;
	s8 =	simm.s32 @!p0 $0x1BF5;
	p2 =	por !p2, p0  }
0x20: {  	[sflag:s8] =	ssyncset.s32 @!p0 $0xFFFFF086;
	s6 =	sadd.s32 @!p0 s3, s7;
	s7 =	simm.s32 @!p0 $0x108  }
0x21: {  	s3 =	sadd.s32 s3, s9;
	s6 =	sadd.s32 @!p0 $0x88, s6;
	s7 =	simm.s32 @p2 $0x1082  }
0x22: {  	[simem:s7], [sflag:s8] =	dma.local @!p0 [hbm:s6], $0xF7A  }
0x23: {  	s9 =	sor.u32 $0xD0000000, s2;
	s6 =	simm.s32 $0x108;
	_ =	swait.ge @!p0 [sflag:s8], $0x0  }
0x24: {  	s3 =	sadd.s32 $0x88, s3;
	s6 =	simm.s32 @!p1 $0x1082;
	[sflag:s4] =	ssyncset.s32 $0xFFFFF086  }
0x25: {  	[simem:s6], [sflag:s4] =	dma.local [hbm:s3], $0xF7A  }
0x26: {  	[smem:$0x3F99] =	sst s1;
	(tag) =	ssettag s2;
	_ =	strace s9  }
0x27: {  	s1 =	sld [smem:$0x3FA9]  }
0x28: {  	s2 =	sld [smem:$0x3FAA]  }
0x29: {  	s4 =	sld [smem:$0x3FAC]  }
0x2a: {  	p0 =	seq.s32 s5, $0x0;
	s5 =	sld [smem:$0x3FAD]  }
0x2b: {  	s6 =	sld [smem:$0x3FAE]  }
0x2c: {  	s7 =	sld [smem:$0x3FAF]  }
0x2d: {  	s3 =	simm.s32 $0x108;
	s8 =	sld [smem:$0x3FB0]  }
0x2e: {  	s3 =	simm.s32 @!p0 $0x1082;
	s9 =	sld [smem:$0x3FB1]  }
0x2f: {  	lr =	sadd.s32 s0, s3;
	s0 =	sld [smem:$0x3FA8]  }
0x30: {  	s3 =	sld [smem:$0x3FAB]  }
0x31: {  	[smem:$0x3FB4] =	sst s10  }
0x32: {  	s10 =	sld [smem:$0x3FB2];
	_ =	sdelay $0x3  }
0x33: {  	p0 =	seq.s32 s10, $0x1;
	s10 =	sld [smem:$0x3FB4];
	_ =	sdelay $0x3  }
0x34: {  	[smem:$0x3FB4] =	sst s10  }
0x35: {  	s10 =	sld [smem:$0x3FB3];
	_ =	sdelay $0x3  }
0x36: {  	p1 =	seq.s32 s10, $0x1;
	s10 =	sld [smem:$0x3FB4];
	_ =	sdelay $0x3  }
0x37: {  	[smem:$0x3FB4] =	sst s10  }
0x38: {  	s10 =	sld [smem:$0x3FB5]  }
0x39: {  	_ = 	snop;
	(pc) =	sbr.ind lr, $3  }
0x3a: {  	_ = 	snop  }
0x3b: {  	_ = 	snop  }
0x3c: {  	p2 =	seq.s32 s10, $0x1;
	s10 =	sld [smem:$0x3FB4]  }
0x3d: {  	_ =	shalt  }
0x3e: {  	_ =	shalt  }
0x3f: {  	_ =	shalt  }
0x40: {  	_ =	shalt  }
0x41: {  	_ =	shalt  }
0x42: {  	_ =	shalt  }
0x43: {  	_ =	shalt  }
0x44: {  	_ =	shalt  }
0x45: {  	_ =	shalt  }
0x46: {  	_ =	shalt  }
0x47: {  	_ =	shalt  }
0x48: {  	_ =	shalt  }
0x49: {  	_ =	shalt  }
0x4a: {  	_ =	shalt  }
0x4b: {  	_ =	shalt  }
0x4c: {  	_ =	shalt  }
0x4d: {  	_ =	shalt  }
0x4e: {  	_ =	shalt  }
0x4f: {  	_ =	shalt  }
0x50: {  	_ =	shalt  }
0x51: {  	_ =	shalt  }
0x52: {  	_ =	shalt  }
0x53: {  	_ =	shalt  }
0x54: {  	_ =	shalt  }
0x55: {  	_ =	shalt  }
0x56: {  	_ =	shalt  }
0x57: {  	_ =	shalt  }
0x58: {  	_ =	shalt  }
0x59: {  	_ =	shalt  }
0x5a: {  	_ =	shalt  }
0x5b: {  	_ =	shalt  }
0x5c: {  	_ =	shalt  }
0x5d: {  	_ =	shalt  }
0x5e: {  	_ =	shalt  }
0x5f: {  	_ =	shalt  }
0x60: {  	_ =	shalt  }
0x61: {  	_ =	shalt  }
0x62: {  	_ =	shalt  }
0x63: {  	_ =	shalt  }
0x64: {  	_ =	shalt  }
0x65: {  	_ =	shalt  }
0x66: {  	_ =	shalt  }
0x67: {  	_ =	shalt  }
0x68: {  	_ =	shalt  }
0x69: {  	_ =	shalt  }
0x6a: {  	_ =	shalt  }
0x6b: {  	_ =	shalt  }
0x6c: {  	_ =	shalt  }
0x6d: {  	_ =	shalt  }
0x6e: {  	_ =	shalt  }
0x6f: {  	_ =	shalt  }
0x70: {  	_ =	shalt  }
0x71: {  	_ =	shalt  }
0x72: {  	_ =	shalt  }
0x73: {  	_ =	shalt  }
0x74: {  	_ =	shalt  }
0x75: {  	_ =	shalt  }
0x76: {  	_ =	shalt  }
0x77: {  	_ =	shalt  }
0x78: {  	_ =	shalt  }
0x79: {  	_ =	shalt  }
0x7a: {  	_ =	shalt  }
0x7b: {  	_ =	shalt  }
0x7c: {  	_ =	shalt  }
0x7d: {  	_ =	shalt  }
0x7e: {  	_ =	shalt  }
0x7f: {  	_ =	shalt  }
0x80: {  	_ =	shalt  }
0x81: {  	_ =	shalt  }
0x82: {  	_ =	shalt  }
0x83: {  	_ =	shalt  }
0x84: {  	_ =	shalt  }
0x85: {  	_ =	shalt  }
0x86: {  	_ =	shalt  }
0x87: {  	_ =	shalt  }
.Lfunc_end0:
.L_simem_size_0:
called_computation.2_lowered:
.L_overlay_start_0:
0x88: {  	s2 =	sld [smem:$0x3FD9]  }
0x89: {  	s3 =	sld [smem:$0x3FFE];
	_ =	sdelay $0x1  }
0x8a: {  	s1 =	srdreg.scid  }
0x8b: {  	s0 =	sand.u32 $0x1, s1  }
0x8c: {  	s17 =	sshll.u32 s0, $0xA;
	s2 =	sadd.s32 s3, s2  }
0x8d: {  	s2 =	sadd.s32 s2, s17  }
0x8e: {  	[smem:$0x3FC0] =	sst s2  }
0x8f: {  	_ = 	snop  }
0x90: {  	s2 =	sld [smem:$0x3FD0];
	(tm) =	ssettm $0x1  }
0x91: {  	s18 =	sld [smem:$0x3FFB];
	_ =	sdelay $0x3  }
0x92: {  	_ =	strace s18  }
0x93: {  	s3 =	sld [smem:$0x3FFC];
	_ =	sdelay $0x3  }
0x94: {  	_ =	strace s3  }
0x95: {  	s3 =	sld [smem:$0x3FFD];
	_ =	sdelay $0x3  }
0x96: {  	_ =	strace s3  }
0x97: {  	_ =	strace $0x8FFFFFFF  }
0x98: {  	s19 =	sld [smem:$0x3FDB];
	_ =	sdelay $0x1  }
0x99: {  	s4 =	simm.s32 $_scs_section_size  }
0x9a: {  	s5 =	simm.s32 $_size__tile_overlayer_lowered;
	s6 =	simm.s32 $_tile_overlayer_lowered  }
0x9b: {  	s22 =	simm.s32 $0x1BFF;
	s21 =	sshll.u32 s6, $0x1;
	s3 =	sadd.s32 s4, s19  }
0x9c: {  	s7 =	simm.s32 $0x0;
	s20 =	sshll.u32 s5, $0x1;
	s5 =	sadd.s32 s21, s3  }
0x9d: {  	[timem:s7], [sflag:s22] =	dma.local [hbm:s5], s20  }
0x9e: {  	_ =	swait.ge [sflag:s22], s20  }
0x9f: {  	s4 =	ssub.s32 $0x0, s20;
	[sflag:s22] =	ssyncset.done $0x0  }
0xa0: {  	[sflag:s22] =	ssyncadd.s32 s4;
	_ =	sdelay $0x1  }
0xa1: {  	s23 =	simm.s32 $0x1B8B  }
0xa2: {  	_ =	swait.ge [sflag:s23], $0x1  }
0xa3: {  	[sflag:s23] =	ssyncset.done $0x0  }
0xa4: {  	s25 =	simm.s32 $0x1B8E;
	s24 =	sld [smem:$0x3FFE];
	[sflag:s23] =	ssyncadd.s32 $0xFFFFFFFF  }
0xa5: {  	s26 =	simm.s32 $execute0_lowered;
	[smem:$0x3FD2] =	sst s25  }
0xa6: {  	s5 =	sshll.u32 s26, $0x1;
	_ =	strace $0x8000004C;
	[dreg:$0x1] =	wrdreg $0xFFFFFFFF  }
0xa7: {  	s28 =	simm.s32 $_size_execute0_lowered;
	s3 =	sadd.s32 s3, s5;
	[dreg:$0x0] =	wrdreg $0x0  }
0xa8: {  	s5 =	sshll.u32 s28, $0x1;
	[dreg:$0x2] =	wrdreg s3  }
0xa9: {  	[dreg:$0x3] =	wrdreg s5  }
0xaa: {  	[dreg:$0x4] =	wrdreg $0xC0  }
0xab: {  	_ =	task [dreg:s7], $0x5FFFF  }
0xac: {  	[dreg:$0x1] =	wrdreg $0xFFFFFFFF  }
0xad: {  	[dreg:$0x0] =	wrdreg $0x60  }
0xae: {  	[dreg:$0x2] =	wrdreg s24  }
0xaf: {  	[dreg:$0x3] =	wrdreg s2  }
0xb0: {  	[dreg:$0x4] =	wrdreg $0xBC800  }
0xb1: {  	[dreg:$0x5] =	wrdreg $0x9  }
0xb2: {  	_ =	task.clear_ibuf [dreg:s7], $0x6FFFF;
	_ =	strace $0x9000004C  }
0xb3: {  	s29 =	simm.s32 $0x9;
	_ =	strace $0x8000004E  }
0xb4: {  	_ =	swait.ge [sflag:s29], $0x1  }
0xb5: {  	[sflag:s29] =	ssyncadd.s32 $0xFFFFFFFF  }
0xb6: {  	_ =	strace $0x9000004E  }
0xb7: {  	_ =	sfence  }
0xb8: {  	s30 =	sld [smem:$0x0];
	_ =	sdelay $0x2  }
0xb9: {  	s31 =	sshll.u32 s1, $0xD;
	s1 =	sshrl.u32 s1, $0x2  }
0xba: {  	s3 =	sand.u32 $0x4000, s31;
	s1 =	sadd.s32 s1, s30  }
0xbb: {  	s0 =	sor.u32 s3, s0;
	s1 =	sshll.u32 s1, $0x11  }
0xbc: {  	s0 =	sor.u32 s1, s0  }
0xbd: {  	s0 =	sadd.s32 $0x8F2B, s0  }
0xbe: {  	[sflag:s0] =	ssyncadd.remote.s32 $0x1  }
0xbf: {  	_ =	sfence.sel $0xFFFF  }
0xc0: {  	[dreg:$0x0] =	wrdreg $0xFFFFFFFF;
	(pc) =	sbr.abs _section_cstart, $3  }
0xc1: {  	[dreg:$0x1] =	wrdreg $0xFFFFFFFF  }
0xc2: {  	_ =	task.clear_ibuf [dreg:s7], $0x2FFFF;
	_ =	strace $0x9FFFFFFF  }
0xc3: {  	(tm) =	ssettm $0x7FFFFFFF  }
tec
execute0_lowered:
.L_overlay_start_1:
0x0: {  	(tag) =	ssettag $0x1  }
0x1: {  	s0 =	srdreg.scid;
	s1 =	rddreg [dreg:$0x0]  }
0x2: {  	s10 =	stileid.u32;
	s15 =	rddreg [dreg:$0x1];
	s3 =	simm.s32 $0x0  }
0x3: {  	s19 =	simm.s32 $0x7C80;
	s20 =	simm.s32 $0x3;
	s23 =	simm.s32 $0x2880  }
0x4: {  	s24 =	simm.s32 $0x40;
	s28 =	simm.s32 $0x2;
	s29 =	simm.s32 $0x7880  }
0x5: {  	s30 =	simm.s32 $0x7900;
	s0 =	sand.u32 $0x1, s0;
	s7 =	smul.u32 $0x13800, s10  }
0x6: {  	s2 =	sshll.u32 s10, $0x1;
	[smem:$0x7FF] =	sst s3;
	s8 =	smul.u32 $0x4E000, s10  }
0x7: {  	s4 =	sadd.s32 $0x67400, s1;
	s10 =	sshrl.u32 s10, $0x2;
	s6 =	smul.u32 $0x138800, s0  }
0x8: {  	s9 =	sor.u32 s0, s2;
	s2 =	rddreg [dreg:$0x2];
	s13 =	smul.u32 $0x14400, s10  }
0x9: {  	_ =	strace $0x8000004D;
	s0 =	ssub.s32 $0x2, s0;
	s5 =	smul.u32 $0xA80, s9  }
0xa: {  	s26 =	sshrl.u32 s0, $0x1;
	s31 =	sshrl.u32 s8, $0x2;
	s11 =	sshll.u32 s9, $0x7  }
0xb: {  	s25 =	sadd.s32 s7, s6;
	s0 =	ssub.s32 s0, s26;
	s14 =	sand.u32 $0x380, s11  }
0xc: {  	s26 =	simm.s32 $0x1;
	s16 =	sadd.s32 s5, s1;
	s5 =	sshrl.u32 s25, $0x3  }
0xd: {  	s17 =	sor.u32 s13, s14;
	s18 =	smax.u32 s0, $0x1;
	s25 =	simm.s32 $0x9C80  }
0xe: {  	s1 =	sadd.s32 s5, s1;
	s5 =	sadd.s32 s31, s2;
	s17 =	sshrl.u32 s17, $0x3  }
0xf: {  	s16 =	sadd.s32 $0x4000, s16;
	s6 =	sadd.s32 $0x2000, s5;
	s7 =	sadd.s32 $0x4000, s5  }
0x10: {  	s8 =	sadd.s32 $0x6000, s5;
	s9 =	sadd.s32 $0x8000, s5;
	s10 =	sadd.s32 $0xA000, s5  }
0x11: {  	s11 =	sadd.s32 $0xC000, s5;
	s12 =	sadd.s32 $0xE000, s5;
	s13 =	sadd.s32 $0x10000, s5  }
0x12: {  	v0 =	vimm.f32 $0.0e+00;
	s14 =	sadd.s32 $0x12000, s5;
	s15 =	sadd.s32 s15, s17;
	s17 =	sadd.s32 $0x8E600, s1  }
.LBB2_1:
0x13: {  	s0 =	simm.s32 $0x0;
	s1 =	simm.s32 $0x200  }
.LBB2_2:
0x14: {  	p0 =	sne.s32 s1, $0x7E00;
	[tilespmem:s0+$0x7CF0] =	vst v0  }
0x15: {  	[tilespmem:s0+$0x7C80] =	vst v0  }
0x16: {  	[tilespmem:s0+$0x7C90] =	vst v0  }
.Ltmp0:
0x17: {  	[tilespmem:s0+$0x7CA0] =	vst v0;
	(pc) =	sbr.rel @p0 .LBB2_2-.Ltmp0, $4  }
0x18: {  	[tilespmem:s0+$0x7CB0] =	vst v0  }
0x19: {  	[tilespmem:s0+$0x7CC0] =	vst v0  }
0x1a: {  	[tilespmem:s0+$0x7CD0] =	vst v0  }
0x1b: {  	[tilespmem:s0+$0x7CE0] =	vst v0;
	s0 =	sshra.s32 s1, $0x2;
	s1 =	sadd.s32 $0x200, s1  }
0x1c: {  	[tilespmem:s0+$0x7CF0] =	vst v0  }
0x1d: {  	[tilespmem:s0+$0x7C80] =	vst v0  }
0x1e: {  	[tilespmem:s0+$0x7C90] =	vst v0  }
0x1f: {  	[tilespmem:s0+$0x7CA0] =	vst v0  }
0x20: {  	[tilespmem:s0+$0x7CB0] =	vst v0  }
0x21: {  	[tilespmem:s0+$0x7CC0] =	vst v0  }
0x22: {  	[tilespmem:s0+$0x7CD0] =	vst v0  }
0x23: {  	[tilespmem:s0+$0x7CE0] =	vst v0  }
0x24: {  	[spmem:s5] =	stream.linear.scatter [tilespmem:s19], [sflag:$0x3], $0x2000, $0x38;
	[tilespmem:$0x1F580] =	vst v63  }
0x25: {  	_ =	swait.ge [sflag:s20], $0x2000  }
0x26: {  	[sflag:s20] =	ssyncset.done $0x0  }
0x27: {  	[sflag:s20] =	ssyncadd.s32 $0xFFFFE000  }
0x28: {  	[spmem:s6] =	stream.linear.scatter [tilespmem:s19], [sflag:$0x3], $0x2000, $0x38;
	[tilespmem:$0x1F580] =	vst v63  }
0x29: {  	_ =	swait.ge [sflag:s20], $0x2000  }
0x2a: {  	[sflag:s20] =	ssyncset.done $0x0  }
0x2b: {  	[sflag:s20] =	ssyncadd.s32 $0xFFFFE000  }
0x2c: {  	[spmem:s7] =	stream.linear.scatter [tilespmem:s19], [sflag:$0x3], $0x2000, $0x38;
	[tilespmem:$0x1F580] =	vst v63  }
0x2d: {  	_ =	swait.ge [sflag:s20], $0x2000  }
0x2e: {  	[sflag:s20] =	ssyncset.done $0x0  }
0x2f: {  	[sflag:s20] =	ssyncadd.s32 $0xFFFFE000  }
0x30: {  	[spmem:s8] =	stream.linear.scatter [tilespmem:s19], [sflag:$0x3], $0x2000, $0x38;
	[tilespmem:$0x1F580] =	vst v63  }
0x31: {  	_ =	swait.ge [sflag:s20], $0x2000  }
0x32: {  	[sflag:s20] =	ssyncset.done $0x0  }
0x33: {  	[sflag:s20] =	ssyncadd.s32 $0xFFFFE000  }
0x34: {  	[spmem:s9] =	stream.linear.scatter [tilespmem:s19], [sflag:$0x3], $0x2000, $0x38;
	[tilespmem:$0x1F580] =	vst v63  }
0x35: {  	_ =	swait.ge [sflag:s20], $0x2000  }
0x36: {  	[sflag:s20] =	ssyncset.done $0x0  }
0x37: {  	[sflag:s20] =	ssyncadd.s32 $0xFFFFE000  }
0x38: {  	[spmem:s10] =	stream.linear.scatter [tilespmem:s19], [sflag:$0x3], $0x2000, $0x38;
	[tilespmem:$0x1F580] =	vst v63  }
0x39: {  	_ =	swait.ge [sflag:s20], $0x2000  }
0x3a: {  	[sflag:s20] =	ssyncset.done $0x0  }
0x3b: {  	[sflag:s20] =	ssyncadd.s32 $0xFFFFE000  }
0x3c: {  	[spmem:s11] =	stream.linear.scatter [tilespmem:s19], [sflag:$0x3], $0x2000, $0x38;
	[tilespmem:$0x1F580] =	vst v63  }
0x3d: {  	_ =	swait.ge [sflag:s20], $0x2000  }
0x3e: {  	[sflag:s20] =	ssyncset.done $0x0  }
0x3f: {  	[sflag:s20] =	ssyncadd.s32 $0xFFFFE000  }
0x40: {  	[spmem:s12] =	stream.linear.scatter [tilespmem:s19], [sflag:$0x3], $0x2000, $0x38;
	[tilespmem:$0x1F580] =	vst v63  }
0x41: {  	_ =	swait.ge [sflag:s20], $0x2000  }
0x42: {  	[sflag:s20] =	ssyncset.done $0x0  }
0x43: {  	[sflag:s20] =	ssyncadd.s32 $0xFFFFE000  }
0x44: {  	[spmem:s13] =	stream.linear.scatter [tilespmem:s19], [sflag:$0x3], $0x2000, $0x38;
	[tilespmem:$0x1F580] =	vst v63  }
0x45: {  	_ =	swait.ge [sflag:s20], $0x2000  }
0x46: {  	[sflag:s20] =	ssyncset.done $0x0  }
0x47: {  	[sflag:s20] =	ssyncadd.s32 $0xFFFFE000  }
0x48: {  	[spmem:s14] =	stream.linear.scatter [tilespmem:s19], [sflag:$0x3], $0x2000, $0x38;
	[tilespmem:$0x1F580] =	vst v63  }
0x49: {  	_ =	swait.ge [sflag:s20], $0x2000  }
0x4a: {  	[sflag:s20] =	ssyncset.done $0x0  }
0x4b: {  	s22 =	simm.s32 $0x0;
	[sflag:s20] =	ssyncadd.s32 $0xFFFFE000  }
0x4c: {  	s1 =	simm.s32 $0x80;
	s21 =	simm.s32 $0x400;
	[bflag:$0x0] =	sbarrier.arrive $0xFFFF  }
0x4d: {  	[tilespmem:s22], [sflag:$0x3] =	stream.strided.gather [hbm4b:s15+s1], $0x2880, s21, s1, $0x38;
	[tilespmem:$0x1F580] =	vst v63  }
0x4e: {  	_ =	swait.ge [sflag:s20], $0x2880  }
0x4f: {  	[sflag:s20] =	ssyncset.done $0x0  }
0x50: {  	[sflag:s20] =	ssyncadd.s32 $0xFFFFD780  }
0x51: {  	[tilespmem:s23], [sflag:$0x3] =	stream.linear.gather [hbm4b:s16+s22], $0x5100, $0x38;
	[tilespmem:$0x1F580] =	vst v63  }
0x52: {  	_ =	swait.ge [sflag:s20], $0x5100  }
0x53: {  	[sflag:s20] =	ssyncset.done $0x0  }
0x54: {  	[sflag:s20] =	ssyncadd.s32 $0xFFFFAF00  }
0x55: {  	[tilespmem:s19], [sflag:$0x1] =	stream.indirect.gather [hbm4b:s4+s24], $0x80, s22, s24, $0xb8;
	[tilespmem:$0x1F580] =	vst v63  }
0x56: {  	_ = 	snop  }
0x57: {  	[tilespmem:s25], [sflag:$0x2] =	stream.indirect.gather [hbm4b:s4+s24], $0x80, s24, s24, $0xb8;
	[tilespmem:$0x1F580] =	vst v63  }
0x58: {  	_ =	swait.ge [sflag:s26], $0x2000  }
0x59: {  	[sflag:s26] =	ssyncset.done $0x0  }
0x5a: {  	s1 =	simm.s32 $0x2880;
	[sflag:s26] =	ssyncadd.s32 $0xFFFFE000  }
0x5b: {  	[spmem:s2] =	stream.indirect.scatter.add.f32 [tilespmem:s19], [sflag:$0x3], $0x80, s1, s24, $0xb8;
	[tilespmem:$0x1F580] =	vst v63  }
0x5c: {  	_ =	swait.ge [sflag:s20], $0x2000  }
0x5d: {  	[sflag:s20] =	ssyncset.done $0x0  }
0x5e: {  	s21 =	simm.s32 $0x80;
	[sflag:s20] =	ssyncadd.s32 $0xFFFFE000  }
0x5f: {  	[tilespmem:s19], [sflag:$0x1] =	stream.indirect.gather [hbm4b:s4+s24], $0x80, s21, s24, $0xb8;
	[tilespmem:$0x1F580] =	vst v63  }
0x60: {  	_ =	swait.ge [sflag:s28], $0x2000  }
0x61: {  	[sflag:s28] =	ssyncset.done $0x0  }
0x62: {  	s22 =	simm.s32 $0x2900;
	[sflag:s28] =	ssyncadd.s32 $0xFFFFE000  }
0x63: {  	[spmem:s2] =	stream.indirect.scatter.add.f32 [tilespmem:s25], [sflag:$0x3], $0x80, s22, s24, $0xb8;
	[tilespmem:$0x1F580] =	vst v63  }
0x64: {  	_ =	swait.ge [sflag:s20], $0x2000  }
0x65: {  	s31 =	simm.s32 $0xC0;
	[sflag:s20] =	ssyncset.done $0x0  }
0x66: {  	s0 =	simm.s32 $0x140;
	s1 =	simm.s32 $0x400;
	[sflag:s20] =	ssyncadd.s32 $0xFFFFE000  }
.LBB2_4:
0x67: {  	[tilespmem:s25], [sflag:$0x2] =	stream.indirect.gather [hbm4b:s4+s24], $0x80, s31, s24, $0xb8;
	[tilespmem:$0x1F580] =	vst v63  }
0x68: {  	s21 =	smov.u32 s1;
	s31 =	smov.u32 s0  }
0x69: {  	p0 =	sne.s32 s1, $0x13C00;
	s1 =	sadd.s32 $0x400, s1;
	_ =	swait.ge [sflag:s26], $0x2000  }
0x6a: {  	s21 =	sshra.s32 s21, $0x2;
	[sflag:s26] =	ssyncset.done $0x0  }
0x6b: {  	s22 =	sadd.s32 $0x2880, s21;
	[sflag:s26] =	ssyncadd.s32 $0xFFFFE000  }
0x6c: {  	[spmem:s2] =	stream.indirect.scatter.add.f32 [tilespmem:s19], [sflag:$0x3], $0x80, s22, s24, $0xb8;
	[tilespmem:$0x1F580] =	vst v63  }
0x6d: {  	_ =	swait.ge [sflag:s20], $0x2000  }
0x6e: {  	[sflag:s20] =	ssyncset.done $0x0  }
0x6f: {  	s22 =	sadd.s32 $0xFFFFFFC0, s0;
	[sflag:s20] =	ssyncadd.s32 $0xFFFFE000  }
0x70: {  	[tilespmem:s19], [sflag:$0x1] =	stream.indirect.gather [hbm4b:s4+s24], $0x80, s22, s24, $0xb8;
	[tilespmem:$0x1F580] =	vst v63  }
0x71: {  	_ =	swait.ge [sflag:s28], $0x2000  }
0x72: {  	[sflag:s28] =	ssyncset.done $0x0  }
.Ltmp1:
0x73: {  	s21 =	sadd.s32 $0x2900, s21;
	[sflag:s28] =	ssyncadd.s32 $0xFFFFE000;
	(pc) =	sbr.rel @p0 .LBB2_4-.Ltmp1, $4  }
0x74: {  	[spmem:s2] =	stream.indirect.scatter.add.f32 [tilespmem:s25], [sflag:$0x3], $0x80, s21, s24, $0xb8;
	[tilespmem:$0x1F580] =	vst v63  }
0x75: {  	_ =	swait.ge [sflag:s20], $0x2000  }
0x76: {  	[sflag:s20] =	ssyncset.done $0x0  }
0x77: {  	s0 =	sadd.s32 $0x80, s0;
	[sflag:s20] =	ssyncadd.s32 $0xFFFFE000  }
0x78: {  	[tilespmem:s25], [sflag:$0x2] =	stream.indirect.gather [hbm4b:s4+s24], $0x80, s31, s24, $0xb8;
	[tilespmem:$0x1F580] =	vst v63  }
0x79: {  	_ =	swait.ge [sflag:s26], $0x2000  }
0x7a: {  	[sflag:s26] =	ssyncset.done $0x0  }
0x7b: {  	[sflag:s26] =	ssyncadd.s32 $0xFFFFE000  }
0x7c: {  	[spmem:s2] =	stream.indirect.scatter.add.f32 [tilespmem:s19], [sflag:$0x3], $0x80, s29, s24, $0xb8;
	[tilespmem:$0x1F580] =	vst v63  }
0x7d: {  	_ =	swait.ge [sflag:s20], $0x2000  }
0x7e: {  	[sflag:s20] =	ssyncset.done $0x0  }
0x7f: {  	[sflag:s20] =	ssyncadd.s32 $0xFFFFE000  }
0x80: {  	_ =	swait.ge [sflag:s28], $0x2000  }
0x81: {  	[sflag:s28] =	ssyncset.done $0x0  }
0x82: {  	[sflag:s28] =	ssyncadd.s32 $0xFFFFE000  }
0x83: {  	[spmem:s2] =	stream.indirect.scatter.add.f32 [tilespmem:s25], [sflag:$0x3], $0x80, s30, s24, $0xb8;
	[tilespmem:$0x1F580] =	vst v63  }
0x84: {  	s0 =	stileid.u32;
	_ =	swait.ge [sflag:s20], $0x2000  }
0x85: {  	s1 =	sshrl.u32 s5, $0x3;
	s3 =	sadd.s32 $0x1, s3;
	[sflag:s20] =	ssyncset.done $0x0  }
0x86: {  	s0 =	sshll.u32 s0, $0x6;
	p0 =	sne.s32 s3, s18;
	[sflag:s20] =	ssyncadd.s32 $0xFFFFE000  }
.Ltmp2:
0x87: {  	s0 =	sor.u32 $0x1C03, s0;
	[bflag:$0x0] =	sbarrier.arrive $0xFFFF;
	(pc) =	sbr.rel @p0 .LBB2_1-.Ltmp2, $4  }
0x88: {  	[hbm:s17], [sflag:s0] =	dma.local [spmem:s1], $0x2800  }
0x89: {  	_ =	swait.ge [sflag:s20], $0x2800  }
0x8a: {  	[sflag:s20] =	ssyncset.done $0x0  }
0x8b: {  	[sflag:s20] =	ssyncadd.s32 $0xFFFFD800  }
0x8c: {  	_ =	sfence.sel $0x180000  }
0x8d: {  	[bflag:$0x0] =	sbarrier.arrive $0xFFFF  }
0x8e: {  	_ =	strace $0x9000004D  }
0x8f: {  	s0 =	stileid.u32;
	[bflag:$0x2] =	sbarrier.arrive $0xFFFF  }
0x90: {  	p0 =	sne.s32 s0, $0x0;
	s0 =	rddreg [dreg:$0x3]  }
0x91: {  	s0 =	sadd.s32 @!p0 $0x100000, s0  }
0x92: {  	[sflag:s0] =	ssyncadd.tile.s32 @!p0 $0x1;
	_ =	shalt  }
.Lfunc_end2:
_tile_overlayer_lowered:
.L_overlay_start_2:
0x93: {  	(tag) =	ssettag $0x2  }
0x94: {  	s0 =	rddreg [dreg:$0x0];
	s2 =	stileid.u32  }
0x95: {  	s1 =	rddreg [dreg:$0x1];
	p0 =	sne.s32 s2, $0x0  }
0x96: {  	s3 =	rddreg [dreg:$0x2];
	[bflag:$0x3] =	sbarrier.arrive $0xFFFF;
	s2 =	simm.s32 @!p0 $0x1C03  }
0x97: {  	[timem:s3], [sflag:s2] =	dma.local @!p0 [hbm:s0], s1  }
0x98: {  	s0 =	simm.s32 @!p0 $0x3  }
0x99: {  	_ =	swait.ge @!p0 [sflag:s0], s1  }
0x9a: {  	s1 =	ssub.s32 @!p0 $0x0, s1;
	[sflag:s0] =	ssyncset.done @!p0 $0x0  }
0x9b: {  	[sflag:s0] =	ssyncadd.s32 @!p0 s1  }
0x9c: {  	[bflag:$0x3] =	sbarrier.arrive $0xFFFF  }
0x9d: {  	_ =	shalt  }

// kernel: kernel.19.cloned.1.call-start
scs
__scs_entry_jumppad:
0x0: {  	(pc) =	sbr.rel $0x88, $3  }
0x1: {  	(tag) =	ssettag $0x0;
	lr =	simm.s32 $0x1  }
0x2: {  	[smem:$0x3F99] =	sst lr;
	_ =	strace $0xD0000000  }
0x3: {  	_ = 	snop  }
0x4: {  	_ = 	snop  }
0x5: {  	_ = 	snop  }
0x6: {  	_ = 	snop  }
0x7: {  	_ = 	snop  }
__scs_overlays_trampoline_lowered:
0x8: {  	[smem:$0x3FA8] =	sst s0  }
0x9: {  	[smem:$0x3FA9] =	sst s1  }
0xa: {  	[smem:$0x3FAA] =	sst s2  }
0xb: {  	[smem:$0x3FAB] =	sst s3  }
0xc: {  	[smem:$0x3FAC] =	sst s4  }
0xd: {  	[smem:$0x3FAD] =	sst s5  }
0xe: {  	[smem:$0x3FAE] =	sst s6  }
0xf: {  	[smem:$0x3FAF] =	sst s7  }
0x10: {  	[smem:$0x3FB0] =	sst s8  }
0x11: {  	[smem:$0x3FB1] =	sst s9;
	s0 =	simm.s32 @!p0 $0x0  }
0x12: {  	s1 =	sld [smem:$0x3F97];
	s0 =	simm.s32 @p0 $0x1  }
0x13: {  	[smem:$0x3FB2] =	sst s0;
	s0 =	simm.s32 @!p1 $0x0  }
0x14: {  	s2 =	sld [smem:$0x3F96];
	s0 =	simm.s32 @p1 $0x1  }
0x15: {  	[smem:$0x3FB3] =	sst s0;
	s0 =	simm.s32 @!p2 $0x0  }
0x16: {  	s3 =	sld [smem:$0x3FDB];
	s0 =	simm.s32 @p2 $0x1  }
0x17: {  	s4 =	simm.s32 $0x1BF5;
	[smem:$0x3FB5] =	sst s0  }
0x18: {  	s0 =	sld [smem:$0x3F98];
	_ =	swait.ge [sflag:s4], $0x0  }
0x19: {  	s7 =	sld [smem:$0x3F99]  }
0x1a: {  	s8 =	sadd.s32 $0xFFFFE003, lr  }
0x1b: {  	s9 =	sadd.s32 $0xFFFFFEF7, lr;
	s5 =	simm.s32 $0xFFFFFFFF;
	p2 =	slt.u32 s8, $0xFFFFF086  }
0x1c: {  	p1 =	slt.u32 s9, $0xF7A;
	s5 =	simm.s32 @!p2 $0x0  }
0x1d: {  	s5 =	simm.s32 @p1 $0x1;
	p0 =	seq.s32 s7, s2  }
0x1e: {  	s7 =	smul.u32 @!p0 $0xF7A, s2;
	p2 =	seq.s32 @!p0 s5, $0x0  }
0x1f: {  	s9 =	smul.u32 $0xF7A, s1;
	s8 =	simm.s32 @!p0 $0x1BF5;
	p2 =	por !p2, p0  }
0x20: {  	[sflag:s8] =	ssyncset.s32 @!p0 $0xFFFFF086;
	s6 =	sadd.s32 @!p0 s3, s7;
	s7 =	simm.s32 @!p0 $0x108  }
0x21: {  	s3 =	sadd.s32 s3, s9;
	s6 =	sadd.s32 @!p0 $0x88, s6;
	s7 =	simm.s32 @p2 $0x1082  }
0x22: {  	[simem:s7], [sflag:s8] =	dma.local @!p0 [hbm:s6], $0xF7A  }
0x23: {  	s9 =	sor.u32 $0xD0000000, s2;
	s6 =	simm.s32 $0x108;
	_ =	swait.ge @!p0 [sflag:s8], $0x0  }
0x24: {  	s3 =	sadd.s32 $0x88, s3;
	s6 =	simm.s32 @!p1 $0x1082;
	[sflag:s4] =	ssyncset.s32 $0xFFFFF086  }
0x25: {  	[simem:s6], [sflag:s4] =	dma.local [hbm:s3], $0xF7A  }
0x26: {  	[smem:$0x3F99] =	sst s1;
	(tag) =	ssettag s2;
	_ =	strace s9  }
0x27: {  	s1 =	sld [smem:$0x3FA9]  }
0x28: {  	s2 =	sld [smem:$0x3FAA]  }
0x29: {  	s4 =	sld [smem:$0x3FAC]  }
0x2a: {  	p0 =	seq.s32 s5, $0x0;
	s5 =	sld [smem:$0x3FAD]  }
0x2b: {  	s6 =	sld [smem:$0x3FAE]  }
0x2c: {  	s7 =	sld [smem:$0x3FAF]  }
0x2d: {  	s3 =	simm.s32 $0x108;
	s8 =	sld [smem:$0x3FB0]  }
0x2e: {  	s3 =	simm.s32 @!p0 $0x1082;
	s9 =	sld [smem:$0x3FB1]  }
0x2f: {  	lr =	sadd.s32 s0, s3;
	s0 =	sld [smem:$0x3FA8]  }
0x30: {  	s3 =	sld [smem:$0x3FAB]  }
0x31: {  	[smem:$0x3FB4] =	sst s10  }
0x32: {  	s10 =	sld [smem:$0x3FB2];
	_ =	sdelay $0x3  }
0x33: {  	p0 =	seq.s32 s10, $0x1;
	s10 =	sld [smem:$0x3FB4];
	_ =	sdelay $0x3  }
0x34: {  	[smem:$0x3FB4] =	sst s10  }
0x35: {  	s10 =	sld [smem:$0x3FB3];
	_ =	sdelay $0x3  }
0x36: {  	p1 =	seq.s32 s10, $0x1;
	s10 =	sld [smem:$0x3FB4];
	_ =	sdelay $0x3  }
0x37: {  	[smem:$0x3FB4] =	sst s10  }
0x38: {  	s10 =	sld [smem:$0x3FB5]  }
0x39: {  	_ = 	snop;
	(pc) =	sbr.ind lr, $3  }
0x3a: {  	_ = 	snop  }
0x3b: {  	_ = 	snop  }
0x3c: {  	p2 =	seq.s32 s10, $0x1;
	s10 =	sld [smem:$0x3FB4]  }
0x3d: {  	_ =	shalt  }
0x3e: {  	_ =	shalt  }
0x3f: {  	_ =	shalt  }
0x40: {  	_ =	shalt  }
0x41: {  	_ =	shalt  }
0x42: {  	_ =	shalt  }
0x43: {  	_ =	shalt  }
0x44: {  	_ =	shalt  }
0x45: {  	_ =	shalt  }
0x46: {  	_ =	shalt  }
0x47: {  	_ =	shalt  }
0x48: {  	_ =	shalt  }
0x49: {  	_ =	shalt  }
0x4a: {  	_ =	shalt  }
0x4b: {  	_ =	shalt  }
0x4c: {  	_ =	shalt  }
0x4d: {  	_ =	shalt  }
0x4e: {  	_ =	shalt  }
0x4f: {  	_ =	shalt  }
0x50: {  	_ =	shalt  }
0x51: {  	_ =	shalt  }
0x52: {  	_ =	shalt  }
0x53: {  	_ =	shalt  }
0x54: {  	_ =	shalt  }
0x55: {  	_ =	shalt  }
0x56: {  	_ =	shalt  }
0x57: {  	_ =	shalt  }
0x58: {  	_ =	shalt  }
0x59: {  	_ =	shalt  }
0x5a: {  	_ =	shalt  }
0x5b: {  	_ =	shalt  }
0x5c: {  	_ =	shalt  }
0x5d: {  	_ =	shalt  }
0x5e: {  	_ =	shalt  }
0x5f: {  	_ =	shalt  }
0x60: {  	_ =	shalt  }
0x61: {  	_ =	shalt  }
0x62: {  	_ =	shalt  }
0x63: {  	_ =	shalt  }
0x64: {  	_ =	shalt  }
0x65: {  	_ =	shalt  }
0x66: {  	_ =	shalt  }
0x67: {  	_ =	shalt  }
0x68: {  	_ =	shalt  }
0x69: {  	_ =	shalt  }
0x6a: {  	_ =	shalt  }
0x6b: {  	_ =	shalt  }
0x6c: {  	_ =	shalt  }
0x6d: {  	_ =	shalt  }
0x6e: {  	_ =	shalt  }
0x6f: {  	_ =	shalt  }
0x70: {  	_ =	shalt  }
0x71: {  	_ =	shalt  }
0x72: {  	_ =	shalt  }
0x73: {  	_ =	shalt  }
0x74: {  	_ =	shalt  }
0x75: {  	_ =	shalt  }
0x76: {  	_ =	shalt  }
0x77: {  	_ =	shalt  }
0x78: {  	_ =	shalt  }
0x79: {  	_ =	shalt  }
0x7a: {  	_ =	shalt  }
0x7b: {  	_ =	shalt  }
0x7c: {  	_ =	shalt  }
0x7d: {  	_ =	shalt  }
0x7e: {  	_ =	shalt  }
0x7f: {  	_ =	shalt  }
0x80: {  	_ =	shalt  }
0x81: {  	_ =	shalt  }
0x82: {  	_ =	shalt  }
0x83: {  	_ =	shalt  }
0x84: {  	_ =	shalt  }
0x85: {  	_ =	shalt  }
0x86: {  	_ =	shalt  }
0x87: {  	_ =	shalt  }
.Lfunc_end0:
.L_simem_size_0:
called_computation.3_lowered:
.L_overlay_start_0:
0x88: {  	s2 =	sld [smem:$0x3FD9]  }
0x89: {  	s3 =	sld [smem:$0x3FFE];
	_ =	sdelay $0x1  }
0x8a: {  	s1 =	srdreg.scid  }
0x8b: {  	s0 =	sand.u32 $0x1, s1  }
0x8c: {  	s17 =	sshll.u32 s0, $0xA;
	s2 =	sadd.s32 s3, s2  }
0x8d: {  	s2 =	sadd.s32 s2, s17  }
0x8e: {  	[smem:$0x3FC0] =	sst s2  }
0x8f: {  	_ = 	snop  }
0x90: {  	s2 =	sld [smem:$0x3FD0];
	(tm) =	ssettm $0x1  }
0x91: {  	s18 =	sld [smem:$0x3FFB];
	_ =	sdelay $0x3  }
0x92: {  	_ =	strace s18  }
0x93: {  	s3 =	sld [smem:$0x3FFC];
	_ =	sdelay $0x3  }
0x94: {  	_ =	strace s3  }
0x95: {  	s3 =	sld [smem:$0x3FFD];
	_ =	sdelay $0x3  }
0x96: {  	_ =	strace s3  }
0x97: {  	_ =	strace $0x8FFFFFFF  }
0x98: {  	s19 =	sld [smem:$0x3FDB];
	_ =	sdelay $0x1  }
0x99: {  	s4 =	simm.s32 $_scs_section_size  }
0x9a: {  	s5 =	simm.s32 $_size__tile_overlayer_lowered;
	s6 =	simm.s32 $_tile_overlayer_lowered  }
0x9b: {  	s22 =	simm.s32 $0x1BFF;
	s21 =	sshll.u32 s6, $0x1;
	s3 =	sadd.s32 s4, s19  }
0x9c: {  	s7 =	simm.s32 $0x0;
	s20 =	sshll.u32 s5, $0x1;
	s5 =	sadd.s32 s21, s3  }
0x9d: {  	[timem:s7], [sflag:s22] =	dma.local [hbm:s5], s20  }
0x9e: {  	_ =	swait.ge [sflag:s22], s20  }
0x9f: {  	s4 =	ssub.s32 $0x0, s20;
	[sflag:s22] =	ssyncset.done $0x0  }
0xa0: {  	[sflag:s22] =	ssyncadd.s32 s4;
	_ =	sdelay $0x1  }
0xa1: {  	s23 =	simm.s32 $0x1B8B  }
0xa2: {  	_ =	swait.ge [sflag:s23], $0x1  }
0xa3: {  	[sflag:s23] =	ssyncset.done $0x0  }
0xa4: {  	s25 =	simm.s32 $0x1B8E;
	s24 =	sld [smem:$0x3FFE];
	[sflag:s23] =	ssyncadd.s32 $0xFFFFFFFF  }
0xa5: {  	s26 =	simm.s32 $execute0_lowered;
	[smem:$0x3FD2] =	sst s25  }
0xa6: {  	s5 =	sshll.u32 s26, $0x1;
	_ =	strace $0x8000004F;
	[dreg:$0x1] =	wrdreg $0xFFFFFFFF  }
0xa7: {  	s28 =	simm.s32 $_size_execute0_lowered;
	s3 =	sadd.s32 s3, s5;
	[dreg:$0x0] =	wrdreg $0x0  }
0xa8: {  	s5 =	sshll.u32 s28, $0x1;
	[dreg:$0x2] =	wrdreg s3  }
0xa9: {  	[dreg:$0x3] =	wrdreg s5  }
0xaa: {  	[dreg:$0x4] =	wrdreg $0xC0  }
0xab: {  	_ =	task [dreg:s7], $0x5FFFF  }
0xac: {  	[dreg:$0x1] =	wrdreg $0xFFFFFFFF  }
0xad: {  	[dreg:$0x0] =	wrdreg $0x60  }
0xae: {  	[dreg:$0x2] =	wrdreg s24  }
0xaf: {  	[dreg:$0x3] =	wrdreg s2  }
0xb0: {  	[dreg:$0x4] =	wrdreg $0xBC800  }
0xb1: {  	[dreg:$0x5] =	wrdreg $0x9  }
0xb2: {  	_ =	task.clear_ibuf [dreg:s7], $0x6FFFF;
	_ =	strace $0x9000004F  }
0xb3: {  	s29 =	simm.s32 $0x9;
	_ =	strace $0x80000051  }
0xb4: {  	_ =	swait.ge [sflag:s29], $0x1  }
0xb5: {  	[sflag:s29] =	ssyncadd.s32 $0xFFFFFFFF  }
0xb6: {  	_ =	strace $0x90000051  }
0xb7: {  	_ =	sfence  }
0xb8: {  	s30 =	sld [smem:$0x0];
	_ =	sdelay $0x2  }
0xb9: {  	s31 =	sshll.u32 s1, $0xD;
	s1 =	sshrl.u32 s1, $0x2  }
0xba: {  	s3 =	sand.u32 $0x4000, s31;
	s1 =	sadd.s32 s1, s30  }
0xbb: {  	s0 =	sor.u32 s3, s0;
	s1 =	sshll.u32 s1, $0x11  }
0xbc: {  	s0 =	sor.u32 s1, s0  }
0xbd: {  	s0 =	sadd.s32 $0x8F2B, s0  }
0xbe: {  	[sflag:s0] =	ssyncadd.remote.s32 $0x1  }
0xbf: {  	_ =	sfence.sel $0xFFFF  }
0xc0: {  	[dreg:$0x0] =	wrdreg $0xFFFFFFFF;
	(pc) =	sbr.abs _section_cstart, $3  }
0xc1: {  	[dreg:$0x1] =	wrdreg $0xFFFFFFFF  }
0xc2: {  	_ =	task.clear_ibuf [dreg:s7], $0x2FFFF;
	_ =	strace $0x9FFFFFFF  }
0xc3: {  	(tm) =	ssettm $0x7FFFFFFF  }
tec
execute0_lowered:
.L_overlay_start_1:
0x0: {  	(tag) =	ssettag $0x1  }
0x1: {  	s0 =	srdreg.scid;
	s1 =	rddreg [dreg:$0x0]  }
0x2: {  	s10 =	stileid.u32;
	s15 =	rddreg [dreg:$0x1];
	s3 =	simm.s32 $0x0  }
0x3: {  	s19 =	simm.s32 $0x7C80;
	s20 =	simm.s32 $0x3;
	s23 =	simm.s32 $0x2880  }
0x4: {  	s24 =	simm.s32 $0x40;
	s28 =	simm.s32 $0x2;
	s29 =	simm.s32 $0x7880  }
0x5: {  	s30 =	simm.s32 $0x7900;
	s0 =	sand.u32 $0x1, s0;
	s7 =	smul.u32 $0x13800, s10  }
0x6: {  	s2 =	sshll.u32 s10, $0x1;
	[smem:$0x7FF] =	sst s3;
	s8 =	smul.u32 $0x4E000, s10  }
0x7: {  	s4 =	sadd.s32 $0x67400, s1;
	s10 =	sshrl.u32 s10, $0x2;
	s6 =	smul.u32 $0x138800, s0  }
0x8: {  	s9 =	sor.u32 s0, s2;
	s2 =	rddreg [dreg:$0x2];
	s13 =	smul.u32 $0x14400, s10  }
0x9: {  	_ =	strace $0x80000050;
	s0 =	ssub.s32 $0x2, s0;
	s5 =	smul.u32 $0xA80, s9  }
0xa: {  	s26 =	sshrl.u32 s0, $0x1;
	s31 =	sshrl.u32 s8, $0x2;
	s11 =	sshll.u32 s9, $0x7  }
0xb: {  	s25 =	sadd.s32 s7, s6;
	s0 =	ssub.s32 s0, s26;
	s14 =	sand.u32 $0x380, s11  }
0xc: {  	s26 =	simm.s32 $0x1;
	s16 =	sadd.s32 s5, s1;
	s5 =	sshrl.u32 s25, $0x3  }
0xd: {  	s17 =	sor.u32 s13, s14;
	s18 =	smax.u32 s0, $0x1;
	s25 =	simm.s32 $0x9C80  }
0xe: {  	s1 =	sadd.s32 s5, s1;
	s5 =	sadd.s32 s31, s2;
	s17 =	sshrl.u32 s17, $0x3  }
0xf: {  	s16 =	sadd.s32 $0x4000, s16;
	s6 =	sadd.s32 $0x2000, s5;
	s7 =	sadd.s32 $0x4000, s5  }
0x10: {  	s8 =	sadd.s32 $0x6000, s5;
	s9 =	sadd.s32 $0x8000, s5;
	s10 =	sadd.s32 $0xA000, s5  }
0x11: {  	s11 =	sadd.s32 $0xC000, s5;
	s12 =	sadd.s32 $0xE000, s5;
	s13 =	sadd.s32 $0x10000, s5  }
0x12: {  	v0 =	vimm.f32 $0.0e+00;
	s14 =	sadd.s32 $0x12000, s5;
	s15 =	sadd.s32 s15, s17;
	s17 =	sadd.s32 $0x8E600, s1  }
.LBB2_1:
0x13: {  	s0 =	simm.s32 $0x0;
	s1 =	simm.s32 $0x200  }
.LBB2_2:
0x14: {  	p0 =	sne.s32 s1, $0x7E00;
	[tilespmem:s0+$0x7CF0] =	vst v0  }
0x15: {  	[tilespmem:s0+$0x7C80] =	vst v0  }
0x16: {  	[tilespmem:s0+$0x7C90] =	vst v0  }
.Ltmp0:
0x17: {  	[tilespmem:s0+$0x7CA0] =	vst v0;
	(pc) =	sbr.rel @p0 .LBB2_2-.Ltmp0, $4  }
0x18: {  	[tilespmem:s0+$0x7CB0] =	vst v0  }
0x19: {  	[tilespmem:s0+$0x7CC0] =	vst v0  }
0x1a: {  	[tilespmem:s0+$0x7CD0] =	vst v0  }
0x1b: {  	[tilespmem:s0+$0x7CE0] =	vst v0;
	s0 =	sshra.s32 s1, $0x2;
	s1 =	sadd.s32 $0x200, s1  }
0x1c: {  	[tilespmem:s0+$0x7CF0] =	vst v0  }
0x1d: {  	[tilespmem:s0+$0x7C80] =	vst v0  }
0x1e: {  	[tilespmem:s0+$0x7C90] =	vst v0  }
0x1f: {  	[tilespmem:s0+$0x7CA0] =	vst v0  }
0x20: {  	[tilespmem:s0+$0x7CB0] =	vst v0  }
0x21: {  	[tilespmem:s0+$0x7CC0] =	vst v0  }
0x22: {  	[tilespmem:s0+$0x7CD0] =	vst v0  }
0x23: {  	[tilespmem:s0+$0x7CE0] =	vst v0  }
0x24: {  	[spmem:s5] =	stream.linear.scatter [tilespmem:s19], [sflag:$0x3], $0x2000, $0x38;
	[tilespmem:$0x1F580] =	vst v63  }
0x25: {  	_ =	swait.ge [sflag:s20], $0x2000  }
0x26: {  	[sflag:s20] =	ssyncset.done $0x0  }
0x27: {  	[sflag:s20] =	ssyncadd.s32 $0xFFFFE000  }
0x28: {  	[spmem:s6] =	stream.linear.scatter [tilespmem:s19], [sflag:$0x3], $0x2000, $0x38;
	[tilespmem:$0x1F580] =	vst v63  }
0x29: {  	_ =	swait.ge [sflag:s20], $0x2000  }
0x2a: {  	[sflag:s20] =	ssyncset.done $0x0  }
0x2b: {  	[sflag:s20] =	ssyncadd.s32 $0xFFFFE000  }
0x2c: {  	[spmem:s7] =	stream.linear.scatter [tilespmem:s19], [sflag:$0x3], $0x2000, $0x38;
	[tilespmem:$0x1F580] =	vst v63  }
0x2d: {  	_ =	swait.ge [sflag:s20], $0x2000  }
0x2e: {  	[sflag:s20] =	ssyncset.done $0x0  }
0x2f: {  	[sflag:s20] =	ssyncadd.s32 $0xFFFFE000  }
0x30: {  	[spmem:s8] =	stream.linear.scatter [tilespmem:s19], [sflag:$0x3], $0x2000, $0x38;
	[tilespmem:$0x1F580] =	vst v63  }
0x31: {  	_ =	swait.ge [sflag:s20], $0x2000  }
0x32: {  	[sflag:s20] =	ssyncset.done $0x0  }
0x33: {  	[sflag:s20] =	ssyncadd.s32 $0xFFFFE000  }
0x34: {  	[spmem:s9] =	stream.linear.scatter [tilespmem:s19], [sflag:$0x3], $0x2000, $0x38;
	[tilespmem:$0x1F580] =	vst v63  }
0x35: {  	_ =	swait.ge [sflag:s20], $0x2000  }
0x36: {  	[sflag:s20] =	ssyncset.done $0x0  }
0x37: {  	[sflag:s20] =	ssyncadd.s32 $0xFFFFE000  }
0x38: {  	[spmem:s10] =	stream.linear.scatter [tilespmem:s19], [sflag:$0x3], $0x2000, $0x38;
	[tilespmem:$0x1F580] =	vst v63  }
0x39: {  	_ =	swait.ge [sflag:s20], $0x2000  }
0x3a: {  	[sflag:s20] =	ssyncset.done $0x0  }
0x3b: {  	[sflag:s20] =	ssyncadd.s32 $0xFFFFE000  }
0x3c: {  	[spmem:s11] =	stream.linear.scatter [tilespmem:s19], [sflag:$0x3], $0x2000, $0x38;
	[tilespmem:$0x1F580] =	vst v63  }
0x3d: {  	_ =	swait.ge [sflag:s20], $0x2000  }
0x3e: {  	[sflag:s20] =	ssyncset.done $0x0  }
0x3f: {  	[sflag:s20] =	ssyncadd.s32 $0xFFFFE000  }
0x40: {  	[spmem:s12] =	stream.linear.scatter [tilespmem:s19], [sflag:$0x3], $0x2000, $0x38;
	[tilespmem:$0x1F580] =	vst v63  }
0x41: {  	_ =	swait.ge [sflag:s20], $0x2000  }
0x42: {  	[sflag:s20] =	ssyncset.done $0x0  }
0x43: {  	[sflag:s20] =	ssyncadd.s32 $0xFFFFE000  }
0x44: {  	[spmem:s13] =	stream.linear.scatter [tilespmem:s19], [sflag:$0x3], $0x2000, $0x38;
	[tilespmem:$0x1F580] =	vst v63  }
0x45: {  	_ =	swait.ge [sflag:s20], $0x2000  }
0x46: {  	[sflag:s20] =	ssyncset.done $0x0  }
0x47: {  	[sflag:s20] =	ssyncadd.s32 $0xFFFFE000  }
0x48: {  	[spmem:s14] =	stream.linear.scatter [tilespmem:s19], [sflag:$0x3], $0x2000, $0x38;
	[tilespmem:$0x1F580] =	vst v63  }
0x49: {  	_ =	swait.ge [sflag:s20], $0x2000  }
0x4a: {  	[sflag:s20] =	ssyncset.done $0x0  }
0x4b: {  	s22 =	simm.s32 $0x0;
	[sflag:s20] =	ssyncadd.s32 $0xFFFFE000  }
0x4c: {  	s1 =	simm.s32 $0x80;
	s21 =	simm.s32 $0x400;
	[bflag:$0x0] =	sbarrier.arrive $0xFFFF  }
0x4d: {  	[tilespmem:s22], [sflag:$0x3] =	stream.strided.gather [hbm4b:s15+s1], $0x2880, s21, s1, $0x38;
	[tilespmem:$0x1F580] =	vst v63  }
0x4e: {  	_ =	swait.ge [sflag:s20], $0x2880  }
0x4f: {  	[sflag:s20] =	ssyncset.done $0x0  }
0x50: {  	[sflag:s20] =	ssyncadd.s32 $0xFFFFD780  }
0x51: {  	[tilespmem:s23], [sflag:$0x3] =	stream.linear.gather [hbm4b:s16+s22], $0x5100, $0x38;
	[tilespmem:$0x1F580] =	vst v63  }
0x52: {  	_ =	swait.ge [sflag:s20], $0x5100  }
0x53: {  	[sflag:s20] =	ssyncset.done $0x0  }
0x54: {  	[sflag:s20] =	ssyncadd.s32 $0xFFFFAF00  }
0x55: {  	[tilespmem:s19], [sflag:$0x1] =	stream.indirect.gather [hbm4b:s4+s24], $0x80, s22, s24, $0xb8;
	[tilespmem:$0x1F580] =	vst v63  }
0x56: {  	_ = 	snop  }
0x57: {  	[tilespmem:s25], [sflag:$0x2] =	stream.indirect.gather [hbm4b:s4+s24], $0x80, s24, s24, $0xb8;
	[tilespmem:$0x1F580] =	vst v63  }
0x58: {  	_ =	swait.ge [sflag:s26], $0x2000  }
0x59: {  	[sflag:s26] =	ssyncset.done $0x0  }
0x5a: {  	s1 =	simm.s32 $0x2880;
	[sflag:s26] =	ssyncadd.s32 $0xFFFFE000  }
0x5b: {  	[spmem:s2] =	stream.indirect.scatter.add.f32 [tilespmem:s19], [sflag:$0x3], $0x80, s1, s24, $0xb8;
	[tilespmem:$0x1F580] =	vst v63  }
0x5c: {  	_ =	swait.ge [sflag:s20], $0x2000  }
0x5d: {  	[sflag:s20] =	ssyncset.done $0x0  }
0x5e: {  	s21 =	simm.s32 $0x80;
	[sflag:s20] =	ssyncadd.s32 $0xFFFFE000  }
0x5f: {  	[tilespmem:s19], [sflag:$0x1] =	stream.indirect.gather [hbm4b:s4+s24], $0x80, s21, s24, $0xb8;
	[tilespmem:$0x1F580] =	vst v63  }
0x60: {  	_ =	swait.ge [sflag:s28], $0x2000  }
0x61: {  	[sflag:s28] =	ssyncset.done $0x0  }
0x62: {  	s22 =	simm.s32 $0x2900;
	[sflag:s28] =	ssyncadd.s32 $0xFFFFE000  }
0x63: {  	[spmem:s2] =	stream.indirect.scatter.add.f32 [tilespmem:s25], [sflag:$0x3], $0x80, s22, s24, $0xb8;
	[tilespmem:$0x1F580] =	vst v63  }
0x64: {  	_ =	swait.ge [sflag:s20], $0x2000  }
0x65: {  	s31 =	simm.s32 $0xC0;
	[sflag:s20] =	ssyncset.done $0x0  }
0x66: {  	s0 =	simm.s32 $0x140;
	s1 =	simm.s32 $0x400;
	[sflag:s20] =	ssyncadd.s32 $0xFFFFE000  }
.LBB2_4:
0x67: {  	[tilespmem:s25], [sflag:$0x2] =	stream.indirect.gather [hbm4b:s4+s24], $0x80, s31, s24, $0xb8;
	[tilespmem:$0x1F580] =	vst v63  }
0x68: {  	s21 =	smov.u32 s1;
	s31 =	smov.u32 s0  }
0x69: {  	p0 =	sne.s32 s1, $0x13C00;
	s1 =	sadd.s32 $0x400, s1;
	_ =	swait.ge [sflag:s26], $0x2000  }
0x6a: {  	s21 =	sshra.s32 s21, $0x2;
	[sflag:s26] =	ssyncset.done $0x0  }
0x6b: {  	s22 =	sadd.s32 $0x2880, s21;
	[sflag:s26] =	ssyncadd.s32 $0xFFFFE000  }
0x6c: {  	[spmem:s2] =	stream.indirect.scatter.add.f32 [tilespmem:s19], [sflag:$0x3], $0x80, s22, s24, $0xb8;
	[tilespmem:$0x1F580] =	vst v63  }
0x6d: {  	_ =	swait.ge [sflag:s20], $0x2000  }
0x6e: {  	[sflag:s20] =	ssyncset.done $0x0  }
0x6f: {  	s22 =	sadd.s32 $0xFFFFFFC0, s0;
	[sflag:s20] =	ssyncadd.s32 $0xFFFFE000  }
0x70: {  	[tilespmem:s19], [sflag:$0x1] =	stream.indirect.gather [hbm4b:s4+s24], $0x80, s22, s24, $0xb8;
	[tilespmem:$0x1F580] =	vst v63  }
0x71: {  	_ =	swait.ge [sflag:s28], $0x2000  }
0x72: {  	[sflag:s28] =	ssyncset.done $0x0  }
.Ltmp1:
0x73: {  	s21 =	sadd.s32 $0x2900, s21;
	[sflag:s28] =	ssyncadd.s32 $0xFFFFE000;
	(pc) =	sbr.rel @p0 .LBB2_4-.Ltmp1, $4  }
0x74: {  	[spmem:s2] =	stream.indirect.scatter.add.f32 [tilespmem:s25], [sflag:$0x3], $0x80, s21, s24, $0xb8;
	[tilespmem:$0x1F580] =	vst v63  }
0x75: {  	_ =	swait.ge [sflag:s20], $0x2000  }
0x76: {  	[sflag:s20] =	ssyncset.done $0x0  }
0x77: {  	s0 =	sadd.s32 $0x80, s0;
	[sflag:s20] =	ssyncadd.s32 $0xFFFFE000  }
0x78: {  	[tilespmem:s25], [sflag:$0x2] =	stream.indirect.gather [hbm4b:s4+s24], $0x80, s31, s24, $0xb8;
	[tilespmem:$0x1F580] =	vst v63  }
0x79: {  	_ =	swait.ge [sflag:s26], $0x2000  }
0x7a: {  	[sflag:s26] =	ssyncset.done $0x0  }
0x7b: {  	[sflag:s26] =	ssyncadd.s32 $0xFFFFE000  }
0x7c: {  	[spmem:s2] =	stream.indirect.scatter.add.f32 [tilespmem:s19], [sflag:$0x3], $0x80, s29, s24, $0xb8;
	[tilespmem:$0x1F580] =	vst v63  }
0x7d: {  	_ =	swait.ge [sflag:s20], $0x2000  }
0x7e: {  	[sflag:s20] =	ssyncset.done $0x0  }
0x7f: {  	[sflag:s20] =	ssyncadd.s32 $0xFFFFE000  }
0x80: {  	_ =	swait.ge [sflag:s28], $0x2000  }
0x81: {  	[sflag:s28] =	ssyncset.done $0x0  }
0x82: {  	[sflag:s28] =	ssyncadd.s32 $0xFFFFE000  }
0x83: {  	[spmem:s2] =	stream.indirect.scatter.add.f32 [tilespmem:s25], [sflag:$0x3], $0x80, s30, s24, $0xb8;
	[tilespmem:$0x1F580] =	vst v63  }
0x84: {  	s0 =	stileid.u32;
	_ =	swait.ge [sflag:s20], $0x2000  }
0x85: {  	s1 =	sshrl.u32 s5, $0x3;
	s3 =	sadd.s32 $0x1, s3;
	[sflag:s20] =	ssyncset.done $0x0  }
0x86: {  	s0 =	sshll.u32 s0, $0x6;
	p0 =	sne.s32 s3, s18;
	[sflag:s20] =	ssyncadd.s32 $0xFFFFE000  }
.Ltmp2:
0x87: {  	s0 =	sor.u32 $0x1C03, s0;
	[bflag:$0x0] =	sbarrier.arrive $0xFFFF;
	(pc) =	sbr.rel @p0 .LBB2_1-.Ltmp2, $4  }
0x88: {  	[hbm:s17], [sflag:s0] =	dma.local [spmem:s1], $0x2800  }
0x89: {  	_ =	swait.ge [sflag:s20], $0x2800  }
0x8a: {  	[sflag:s20] =	ssyncset.done $0x0  }
0x8b: {  	[sflag:s20] =	ssyncadd.s32 $0xFFFFD800  }
0x8c: {  	_ =	sfence.sel $0x180000  }
0x8d: {  	[bflag:$0x0] =	sbarrier.arrive $0xFFFF  }
0x8e: {  	_ =	strace $0x90000050  }
0x8f: {  	s0 =	stileid.u32;
	[bflag:$0x2] =	sbarrier.arrive $0xFFFF  }
0x90: {  	p0 =	sne.s32 s0, $0x0;
	s0 =	rddreg [dreg:$0x3]  }
0x91: {  	s0 =	sadd.s32 @!p0 $0x100000, s0  }
0x92: {  	[sflag:s0] =	ssyncadd.tile.s32 @!p0 $0x1;
	_ =	shalt  }
.Lfunc_end2:
_tile_overlayer_lowered:
.L_overlay_start_2:
0x93: {  	(tag) =	ssettag $0x2  }
0x94: {  	s0 =	rddreg [dreg:$0x0];
	s2 =	stileid.u32  }
0x95: {  	s1 =	rddreg [dreg:$0x1];
	p0 =	sne.s32 s2, $0x0  }
0x96: {  	s3 =	rddreg [dreg:$0x2];
	[bflag:$0x3] =	sbarrier.arrive $0xFFFF;
	s2 =	simm.s32 @!p0 $0x1C03  }
0x97: {  	[timem:s3], [sflag:s2] =	dma.local @!p0 [hbm:s0], s1  }
0x98: {  	s0 =	simm.s32 @!p0 $0x3  }
0x99: {  	_ =	swait.ge @!p0 [sflag:s0], s1  }
0x9a: {  	s1 =	ssub.s32 @!p0 $0x0, s1;
	[sflag:s0] =	ssyncset.done @!p0 $0x0  }
0x9b: {  	[sflag:s0] =	ssyncadd.s32 @!p0 s1  }
0x9c: {  	[bflag:$0x3] =	sbarrier.arrive $0xFFFF  }
0x9d: {  	_ =	shalt  }

</sc_bundles>
